<compile_context>
chip_gen: v7x
topology: tpu7x:2x2x1
jax: 0.10.2.dev20260603
libtpu: 0.0.44.dev20260713+nightly
codegen_flags: <defaults>
</compile_context>

<pallas_src>
import functools

import jax
import jax.numpy as jnp
from jax import lax
from jax.experimental import pallas as pl
from jax.experimental.pallas import tpu as pltpu
from jax.experimental.pallas import tpu_sc as plsc

B = 16384
F = 26
V = 100000
D = 32
NUM = 13
EPS = 1e-5

ROWS = B * F
NW = 32
RPW = ROWS // NW
CHUNK = 128
KCH = 13
OUTER = RPW // (KCH * CHUNK)
NC = 2


NVT = V // 128
VTAIL = V - NVT * 128
NDU = NVT // 4
NUNITS = F * NDU
UPW = 160


def _sc_pack(tt, tail):
    mesh = plsc.VectorSubcoreMesh(core_axis_name="c", subcore_axis_name="s")

    @functools.partial(
        pl.kernel,
        mesh=mesh,
        out_type=jax.ShapeDtypeStruct((F * V // 4, 128), jnp.float32),
        compiler_params=pltpu.CompilerParams(use_tc_tiling_on_sc=True,
                                             needs_layout_passes=False),
        scratch_types=[
            pltpu.VMEM((2, D, 512), jnp.float32),
            pltpu.VMEM((2, D, 512), jnp.float32),
            pltpu.SemaphoreType.DMA,
            pltpu.SemaphoreType.DMA,
            pltpu.SemaphoreType.DMA,
            pltpu.SemaphoreType.DMA,
        ],
    )
    def pk(tt_hbm, tail_hbm, p_hbm, s_v, d_v, lsem0, lsem1, ssem0, ssem1):
        lsem = (lsem0, lsem1)
        ssem = (ssem0, ssem1)
        wid = lax.axis_index("s") * NC + lax.axis_index("c")
        iota = lax.iota(jnp.int32, 16)
        five = iota * 5
        dvs = [iota + db for db in (0, 16)]

        def unit(i):
            u = jnp.minimum(wid + i * NW, NUNITS - 1)
            return u // NDU, u % NDU

        def load(i, b):
            f, ut = unit(i)
            pltpu.async_copy(tt_hbm.at[f, :, pl.ds(ut * 512, 512)],
                             s_v.at[b], lsem[b])

        def wait_load(b):
            pltpu.make_async_copy(tt_hbm.at[0, :, pl.ds(0, 512)],
                                  s_v.at[b], lsem[b]).wait()

        def shuffle(b, both):
            for dv in dvs:
                @plsc.parallel_loop(0, 128, unroll=8)
                def jloop(j0, dv=dv):
                    jv = (five + j0) & 127
                    kv = jv >> 2
                    lv = ((jv & 3) << 5) + dv
                    x0 = plsc.load_gather(s_v.at[b], [dv, jv])
                    plsc.store_scatter(d_v.at[b], [kv, lv], x0)
                    if both:
                        for h in (128, 256, 384):
                            xh = plsc.load_gather(s_v.at[b], [dv, jv + h])
                            plsc.store_scatter(d_v.at[b], [kv, lv + h], xh)

        def store(i, b):
            f, ut = unit(i)
            prow = f * (V // 4) + ut * 128
            for h in range(4):
                pltpu.async_copy(d_v.at[b, :, pl.ds(h * 128, 128)],
                                 p_hbm.at[pl.ds(prow + h * 32, 32)], ssem[b])

        def wait_store(b):
            for _ in range(4):
                pltpu.make_async_copy(d_v.at[b, :, pl.ds(0, 128)],
                                      p_hbm.at[pl.ds(0, 32)],
                                      ssem[b]).wait()

        load(0, 0)
        load(1, 1)

        def body(g, carry):
            for b in (0, 1):
                i = 2 * g + b
                wait_load(b)

                @pl.when(g > 0)
                def _(b=b):
                    wait_store(b)

                shuffle(b, True)
                store(i, b)

                @pl.when(i + 2 < UPW)
                def _(i=i, b=b):
                    load(i + 2, b)
            return carry

        lax.fori_loop(0, UPW // 2, body, 0)
        wait_store(0)
        wait_store(1)

        @pl.when(wid < F)
        def _():
            pltpu.sync_copy(tt_hbm.at[wid, :, pl.ds((NVT - 1) * 128, 128)],
                            s_v.at[0, :, pl.ds(0, 128)])
            shuffle(0, False)
            pltpu.sync_copy(d_v.at[0, :, pl.ds(0, 128)],
                            p_hbm.at[pl.ds(wid * (V // 4) + (NVT - 1) * 32,
                                           32)])
            pltpu.sync_copy(tail_hbm.at[pl.ds(wid * 8, 8)],
                            s_v.at[0, pl.ds(0, 8), pl.ds(0, 128)])
            pltpu.sync_copy(s_v.at[0, pl.ds(0, 8), pl.ds(0, 128)],
                            p_hbm.at[pl.ds(wid * (V // 4) + NVT * 32, 8)])

    return pk(tt, tail)


def _sc_gather(tables2d, idx2d):
    mesh = plsc.VectorSubcoreMesh(core_axis_name="c", subcore_axis_name="s")

    @functools.partial(
        pl.kernel,
        mesh=mesh,
        out_type=jax.ShapeDtypeStruct((ROWS, D), jnp.float32),
        compiler_params=pltpu.CompilerParams(use_tc_tiling_on_sc=False),
        scratch_types=[
            pltpu.VMEM((RPW // CHUNK, CHUNK), jnp.int32),
            pltpu.VMEM((KCH * CHUNK, D), jnp.float32),
            pltpu.SemaphoreType.DMA,
        ],
    )
    def gk(tab_hbm, idx_hbm, out_hbm, idx_v, rows_v, sem):
        wid = lax.axis_index("s") * NC + lax.axis_index("c")
        row0 = wid * (RPW // CHUNK)
        pltpu.sync_copy(idx_hbm.at[pl.ds(row0, RPW // CHUNK)], idx_v)

        def outer(it, carry):
            copies = []
            for j in range(KCH):
                copies.append(pltpu.async_copy(
                    tab_hbm.at[idx_v.at[it * KCH + j]],
                    rows_v.at[pl.ds(j * CHUNK, CHUNK)],
                    sem))
            for cp in copies:
                cp.wait()
            base = wid * RPW + it * (KCH * CHUNK)
            pltpu.sync_copy(rows_v, out_hbm.at[pl.ds(base, KCH * CHUNK)])
            return carry

        lax.fori_loop(0, OUTER, outer, 0)

    return gk(tables2d, idx2d)


def _num_bn_coeffs(x_num, g, b):
    def body(xn_ref, g_ref, b_ref, a_ref, c_ref):
        x = xn_ref[...]
        mu = jnp.mean(x, axis=0, keepdims=True)
        var = jnp.mean((x - mu) * (x - mu), axis=0, keepdims=True)
        a = g_ref[...] * lax.rsqrt(var + EPS)
        a_ref[...] = a
        c_ref[...] = b_ref[...] - mu * a

    return pl.pallas_call(
        body,
        out_shape=[jax.ShapeDtypeStruct((1, NUM), jnp.float32),
                   jax.ShapeDtypeStruct((1, NUM), jnp.float32)],
    )(x_num, g.reshape(1, NUM), b.reshape(1, NUM))


_TB = 1024


def _layer1(emb, x_num, a_n, c_n, w1a, w1b, b1):
    def body(e_ref, xn_ref, an_ref, cn_ref, wa_ref, wb_ref, b_ref,
             h_ref, st_ref):
        i = pl.program_id(0)
        xn = xn_ref[...] * an_ref[...] + cn_ref[...]
        h = jnp.dot(e_ref[...], wa_ref[...],
                    preferred_element_type=jnp.float32)
        h = h + jnp.dot(xn, wb_ref[...], preferred_element_type=jnp.float32)
        h = jnp.maximum(h + b_ref[...], 0.0)
        h_ref[...] = h
        st = jnp.concatenate([jnp.sum(h, axis=0, keepdims=True),
                              jnp.sum(h * h, axis=0, keepdims=True)], axis=0)

        @pl.when(i == 0)
        def _():
            st_ref[...] = st

        @pl.when(i > 0)
        def _():
            st_ref[...] = st_ref[...] + st

    dout = w1a.shape[1]
    return pl.pallas_call(
        body,
        grid=(B // _TB,),
        in_specs=[
            pl.BlockSpec((_TB, F * D), lambda i: (i, 0)),
            pl.BlockSpec((_TB, NUM), lambda i: (i, 0)),
            pl.BlockSpec((1, NUM), lambda i: (0, 0)),
            pl.BlockSpec((1, NUM), lambda i: (0, 0)),
            pl.BlockSpec((F * D, dout), lambda i: (0, 0)),
            pl.BlockSpec((NUM, dout), lambda i: (0, 0)),
            pl.BlockSpec((1, dout), lambda i: (0, 0)),
        ],
        out_specs=[
            pl.BlockSpec((_TB, dout), lambda i: (i, 0)),
            pl.BlockSpec((2, dout), lambda i: (0, 0)),
        ],
        out_shape=[jax.ShapeDtypeStruct((B, dout), jnp.float32),
                   jax.ShapeDtypeStruct((2, dout), jnp.float32)],
    )(emb, x_num, a_n, c_n, w1a, w1b, b1)


def _mid_layer(h_prev, a, c, w, b):
    def body(hp_ref, a_ref, c_ref, w_ref, b_ref, h_ref, st_ref):
        i = pl.program_id(0)
        x = hp_ref[...] * a_ref[...] + c_ref[...]
        h = jnp.dot(x, w_ref[...], preferred_element_type=jnp.float32)
        h = jnp.maximum(h + b_ref[...], 0.0)
        h_ref[...] = h
        st = jnp.concatenate([jnp.sum(h, axis=0, keepdims=True),
                              jnp.sum(h * h, axis=0, keepdims=True)], axis=0)

        @pl.when(i == 0)
        def _():
            st_ref[...] = st

        @pl.when(i > 0)
        def _():
            st_ref[...] = st_ref[...] + st

    din, dout = w.shape
    return pl.pallas_call(
        body,
        grid=(B // _TB,),
        in_specs=[
            pl.BlockSpec((_TB, din), lambda i: (i, 0)),
            pl.BlockSpec((1, din), lambda i: (0, 0)),
            pl.BlockSpec((1, din), lambda i: (0, 0)),
            pl.BlockSpec((din, dout), lambda i: (0, 0)),
            pl.BlockSpec((1, dout), lambda i: (0, 0)),
        ],
        out_specs=[
            pl.BlockSpec((_TB, dout), lambda i: (i, 0)),
            pl.BlockSpec((2, dout), lambda i: (0, 0)),
        ],
        out_shape=[jax.ShapeDtypeStruct((B, dout), jnp.float32),
                   jax.ShapeDtypeStruct((2, dout), jnp.float32)],
    )(h_prev, a, c, w, b)


def _final_layer(h_prev, a, c, w, b):
    def body(hp_ref, a_ref, c_ref, w_ref, b_ref, o_ref):
        x = hp_ref[...] * a_ref[...] + c_ref[...]
        o_ref[...] = jnp.dot(x, w_ref[...],
                             preferred_element_type=jnp.float32) + b_ref[...]

    din, dout = w.shape
    return pl.pallas_call(
        body,
        grid=(B // _TB,),
        in_specs=[
            pl.BlockSpec((_TB, din), lambda i: (i, 0)),
            pl.BlockSpec((1, din), lambda i: (0, 0)),
            pl.BlockSpec((1, din), lambda i: (0, 0)),
            pl.BlockSpec((din, dout), lambda i: (0, 0)),
            pl.BlockSpec((1, dout), lambda i: (0, 0)),
        ],
        out_specs=pl.BlockSpec((_TB, dout), lambda i: (i, 0)),
        out_shape=jax.ShapeDtypeStruct((B, dout), jnp.float32),
    )(h_prev, a, c, w, b)


def _bn_coeffs(stats, g, be):
    s, s2 = stats[0:1], stats[1:2]
    mu = s / B
    var = s2 / B - mu * mu
    a = g.reshape(1, -1) * lax.rsqrt(var + EPS)
    c = be.reshape(1, -1) - mu * a
    return a, c


def kernel(x_categorical, x_numerical, tables, bn_num_g, bn_num_b,
           W1, b1, g1, be1, W2, b2, g2, be2, W3, b3, g3, be3, W4, b4):
    offs = (jnp.arange(F, dtype=jnp.int32) * V)[None, :]
    flat_idx = (x_categorical.astype(jnp.int32) + offs).reshape(ROWS // CHUNK,
                                                                CHUNK)
    tt = jnp.transpose(tables, (0, 2, 1))
    tail = tables[:, NVT * 128:, :].reshape(F * 8, 128)
    tables2d = _sc_pack(tt, tail).reshape(F * V, D)

    emb = _sc_gather(tables2d, flat_idx).reshape(B, F * D)

    a_n, c_n = _num_bn_coeffs(x_numerical, bn_num_g, bn_num_b)

    w1a, w1b = W1[:F * D], W1[F * D:]
    h1, st1 = _layer1(emb, x_numerical, a_n, c_n, w1a, w1b, b1.reshape(1, -1))
    a1, c1 = _bn_coeffs(st1, g1, be1)
    h2, st2 = _mid_layer(h1, a1, c1, W2, b2.reshape(1, -1))
    a2, c2 = _bn_coeffs(st2, g2, be2)
    h3, st3 = _mid_layer(h2, a2, c2, W3, b3.reshape(1, -1))
    a3, c3 = _bn_coeffs(st3, g3, be3)
    return _final_layer(h3, a3, c3, W4, b4.reshape(1, -1))

# --- scband reference (transcript-rebuilt; emitter-appended) ---
"""Pipeline reference for scband-model-72267119723205 (READ-ONLY COPY).

The authoritative reference and input builder live on the scoring server;
editing this copy changes nothing except your own understanding.
"""

import jax, jax.numpy as jnp
import numpy as np

B = 16384
F = 26
V = 100000
D = 32
NUM = 13
LAYERS = [512, 256, 128]
OUT = 2


def _bn(x, g, b, eps=1e-5):
    mu = jnp.mean(x, axis=0, keepdims=True)
    var = jnp.var(x, axis=0, keepdims=True)
    return (x - mu) / jnp.sqrt(var + eps) * g + b


def setup_inputs(seed: int = 0):
    key = jax.random.key(seed)
    ks = jax.random.split(key, 16)
    inp = {}
    inp['x_categorical'] = jax.random.randint(ks[0], (B, F), 0, V)
    inp['x_numerical'] = jax.random.normal(ks[1], (B, NUM), dtype=jnp.float32)
    inp['tables'] = jax.random.normal(ks[2], (F, V, D), dtype=jnp.float32) * 0.05
    inp['bn_num_g'] = jnp.ones((NUM,), jnp.float32)
    inp['bn_num_b'] = jnp.zeros((NUM,), jnp.float32)
    dims = [F * D + NUM] + LAYERS
    for i in range(3):
        inp['W%d' % (i + 1)] = jax.random.normal(ks[3 + i], (dims[i], dims[i + 1]), jnp.float32) / np.sqrt(dims[i])
        inp['b%d' % (i + 1)] = jnp.zeros((dims[i + 1],), jnp.float32)
        inp['g%d' % (i + 1)] = jnp.ones((dims[i + 1],), jnp.float32)
        inp['be%d' % (i + 1)] = jnp.zeros((dims[i + 1],), jnp.float32)
    inp['W4'] = jax.random.normal(ks[10], (LAYERS[-1], OUT), jnp.float32) / np.sqrt(LAYERS[-1])
    inp['b4'] = jnp.zeros((OUT,), jnp.float32)
    return inp


def reference(x_categorical, x_numerical, tables, bn_num_g, bn_num_b, W1, b1, g1, be1, W2, b2, g2, be2, W3, b3, g3, be3, W4, b4):
    # per-field embedding lookup: tables[i][x_categorical[:, i]] for each field i, then concat
    embs = tables[jnp.arange(F)[None, :], x_categorical]  # [B, F, D] gather
    x = embs.reshape(x_categorical.shape[0], F * D)
    # dropout is identity (deterministic reference)
    xn = _bn(x_numerical, bn_num_g, bn_num_b)
    x = jnp.concatenate([x, xn], axis=1)
    for (W, b, g, be) in ((W1, b1, g1, be1), (W2, b2, g2, be2), (W3, b3, g3, be3)):
        x = jax.nn.relu(x @ W + b)
        x = _bn(x, g, be)
    return x @ W4 + b4

if __name__ == "__main__":
    import jax
    _d = setup_inputs()
    print(jax.jit(kernel)(*tuple(_d.values())))

</pallas_src>

<mosaic_0001>
#map = affine_map<(d0, d1) -> (0, 0)>
module attributes {stable_mosaic.version = 14 : i64} {
  func.func @gk(%arg0: i32, %arg1: i32, %arg2: memref<2600000x32xf32, #tpu.memory_space<hbm>>, %arg3: memref<3328x128xi32, #tpu.memory_space<hbm>>, %arg4: memref<425984x32xf32, #tpu.memory_space<hbm>>, %arg5: memref<104x128xi32, #tpu.memory_space<vmem>>, %arg6: memref<1664x32xf32, #tpu.memory_space<vmem>>, %arg7: memref<!tpu.dma_semaphore, #tpu.memory_space<semaphore_mem>>) attributes {dimension_semantics = [#tpu.dimension_semantics<core_parallel>, #tpu.dimension_semantics<subcore_parallel>], iteration_bounds = array<i64: 2, 16>, scalar_prefetch = 0 : i64, scratch_operands = 3 : i64, tpu.core_type = #tpu.core_type<sc_vector_subcore>, window_params = [{transform_indices = #map}, {transform_indices = #map}, {transform_indices = #map}]} {
    %mul3A = arith.constant 2 : i32
    %mul3A_0 = arith.muli %arg1, %mul3A : i32
    %add3A = arith.addi %mul3A_0, %arg0 : i32
    %mul3A_1 = arith.constant 104 : i32
    %mul3A_2 = arith.muli %add3A, %mul3A_1 : i32
    "tpu.region"() ({
      %run_scoped3A = tpu.sem_alloc : memref<!tpu.dma_semaphore, #tpu.memory_space<semaphore_mem>>
      %dma_start3A = arith.constant 0 : i32
      %dma_start3A_8 = tpu.memref_slice %arg3[%mul3A_2, %dma_start3A] : memref<3328x128xi32, #tpu.memory_space<hbm>> -> memref<104x128xi32, #tpu.memory_space<hbm>>
      %dma_start3A_9 = arith.constant 0 : i32
      %dma_start3A_10 = tpu.memref_slice %arg3[%mul3A_2, %dma_start3A_9] : memref<3328x128xi32, #tpu.memory_space<hbm>> -> memref<104x128xi32, #tpu.memory_space<hbm>>
      tpu.enqueue_dma source(%dma_start3A_10 : memref<104x128xi32, #tpu.memory_space<hbm>>) target(%arg5 : memref<104x128xi32, #tpu.memory_space<vmem>>) target_semaphore(%run_scoped3A : memref<!tpu.dma_semaphore, #tpu.memory_space<semaphore_mem>>)
      %dma_wait3A = arith.constant 0 : i32
      %dma_wait3A_11 = tpu.memref_slice %arg3[%mul3A_2, %dma_wait3A] : memref<3328x128xi32, #tpu.memory_space<hbm>> -> memref<104x128xi32, #tpu.memory_space<hbm>>
      %dma_wait3A_12 = arith.constant 0 : i32
      %dma_wait3A_13 = tpu.memref_slice %arg3[%mul3A_2, %dma_wait3A_12] : memref<3328x128xi32, #tpu.memory_space<hbm>> -> memref<104x128xi32, #tpu.memory_space<hbm>>
      tpu.wait_dma2 semaphore(%run_scoped3A : memref<!tpu.dma_semaphore, #tpu.memory_space<semaphore_mem>>) src(%dma_wait3A_13 : memref<104x128xi32, #tpu.memory_space<hbm>>) dst(%arg5 : memref<104x128xi32, #tpu.memory_space<vmem>>)
      tpu.yield
    }) : () -> ()
    %scan3A = arith.constant 0 : i32
    %scan3A_3 = arith.constant 0 : i32
    %scan3A_4 = arith.constant 8 : i32
    %scan3A_5 = arith.addi %scan3A_3, %scan3A_4 : i32
    %scan3A_6 = arith.constant 1 : i32
    scf.for %scan3A_8 = %scan3A_3 to %scan3A_5 step %scan3A_6  : i32 {
      %mul3A_9 = arith.constant 13 : i32
      %mul3A_10 = arith.muli %scan3A_8, %mul3A_9 : i32
      %add3A_11 = arith.constant 0 : i32
      %add3A_12 = arith.addi %mul3A_10, %add3A_11 : i32
      %dma_start3A = arith.constant 0 : i32
      %dma_start3A_13 = arith.constant 0 : i32
      %dma_start3A_14 = tpu.memref_slice %arg6[%dma_start3A, %dma_start3A_13] : memref<1664x32xf32, #tpu.memory_space<vmem>> -> memref<128x32xf32, #tpu.memory_space<vmem>>
      %dma_start3A_15 = arith.constant 0 : i32
      %dma_start3A_16 = tpu.memref_slice %arg5[%add3A_12, %dma_start3A_15] : memref<104x128xi32, #tpu.memory_space<vmem>> -> memref<1x128xi32, #tpu.memory_space<vmem>>
      %dma_start3A_17 = tpu.memref_squeeze %dma_start3A_16 : memref<1x128xi32, #tpu.memory_space<vmem>> -> memref<128xi32, #tpu.memory_space<vmem>>
      %dma_start3A_18 = arith.constant 0 : i32
      %dma_start3A_19 = arith.constant 0 : i32
      %dma_start3A_20 = tpu.memref_slice %arg2[%dma_start3A_18, %dma_start3A_19] : memref<2600000x32xf32, #tpu.memory_space<hbm>> -> memref<2600000x32xf32, #tpu.memory_space<hbm>>
      tpu.enqueue_indirect_dma source(%dma_start3A_20 : memref<2600000x32xf32, #tpu.memory_space<hbm>>) target(%dma_start3A_14 : memref<128x32xf32, #tpu.memory_space<vmem>>) offsets(%dma_start3A_17 : memref<128xi32, #tpu.memory_space<vmem>>) semaphore(%arg7 : memref<!tpu.dma_semaphore, #tpu.memory_space<semaphore_mem>>)
      %mul3A_21 = arith.constant 13 : i32
      %mul3A_22 = arith.muli %scan3A_8, %mul3A_21 : i32
      %add3A_23 = arith.constant 1 : i32
      %add3A_24 = arith.addi %mul3A_22, %add3A_23 : i32
      %dma_start3A_25 = arith.constant 128 : i32
      %dma_start3A_26 = arith.constant 0 : i32
      %dma_start3A_27 = tpu.memref_slice %arg6[%dma_start3A_25, %dma_start3A_26] : memref<1664x32xf32, #tpu.memory_space<vmem>> -> memref<128x32xf32, #tpu.memory_space<vmem>>
      %dma_start3A_28 = arith.constant 0 : i32
      %dma_start3A_29 = tpu.memref_slice %arg5[%add3A_24, %dma_start3A_28] : memref<104x128xi32, #tpu.memory_space<vmem>> -> memref<1x128xi32, #tpu.memory_space<vmem>>
      %dma_start3A_30 = tpu.memref_squeeze %dma_start3A_29 : memref<1x128xi32, #tpu.memory_space<vmem>> -> memref<128xi32, #tpu.memory_space<vmem>>
      %dma_start3A_31 = arith.constant 0 : i32
      %dma_start3A_32 = arith.constant 0 : i32
      %dma_start3A_33 = tpu.memref_slice %arg2[%dma_start3A_31, %dma_start3A_32] : memref<2600000x32xf32, #tpu.memory_space<hbm>> -> memref<2600000x32xf32, #tpu.memory_space<hbm>>
      tpu.enqueue_indirect_dma source(%dma_start3A_33 : memref<2600000x32xf32, #tpu.memory_space<hbm>>) target(%dma_start3A_27 : memref<128x32xf32, #tpu.memory_space<vmem>>) offsets(%dma_start3A_30 : memref<128xi32, #tpu.memory_space<vmem>>) semaphore(%arg7 : memref<!tpu.dma_semaphore, #tpu.memory_space<semaphore_mem>>)
      %mul3A_34 = arith.constant 13 : i32
      %mul3A_35 = arith.muli %scan3A_8, %mul3A_34 : i32
      %add3A_36 = arith.constant 2 : i32
      %add3A_37 = arith.addi %mul3A_35, %add3A_36 : i32
      %dma_start3A_38 = arith.constant 256 : i32
      %dma_start3A_39 = arith.constant 0 : i32
      %dma_start3A_40 = tpu.memref_slice %arg6[%dma_start3A_38, %dma_start3A_39] : memref<1664x32xf32, #tpu.memory_space<vmem>> -> memref<128x32xf32, #tpu.memory_space<vmem>>
      %dma_start3A_41 = arith.constant 0 : i32
      %dma_start3A_42 = tpu.memref_slice %arg5[%add3A_37, %dma_start3A_41] : memref<104x128xi32, #tpu.memory_space<vmem>> -> memref<1x128xi32, #tpu.memory_space<vmem>>
      %dma_start3A_43 = tpu.memref_squeeze %dma_start3A_42 : memref<1x128xi32, #tpu.memory_space<vmem>> -> memref<128xi32, #tpu.memory_space<vmem>>
      %dma_start3A_44 = arith.constant 0 : i32
      %dma_start3A_45 = arith.constant 0 : i32
      %dma_start3A_46 = tpu.memref_slice %arg2[%dma_start3A_44, %dma_start3A_45] : memref<2600000x32xf32, #tpu.memory_space<hbm>> -> memref<2600000x32xf32, #tpu.memory_space<hbm>>
      tpu.enqueue_indirect_dma source(%dma_start3A_46 : memref<2600000x32xf32, #tpu.memory_space<hbm>>) target(%dma_start3A_40 : memref<128x32xf32, #tpu.memory_space<vmem>>) offsets(%dma_start3A_43 : memref<128xi32, #tpu.memory_space<vmem>>) semaphore(%arg7 : memref<!tpu.dma_semaphore, #tpu.memory_space<semaphore_mem>>)
      %mul3A_47 = arith.constant 13 : i32
      %mul3A_48 = arith.muli %scan3A_8, %mul3A_47 : i32
      %add3A_49 = arith.constant 3 : i32
      %add3A_50 = arith.addi %mul3A_48, %add3A_49 : i32
      %dma_start3A_51 = arith.constant 384 : i32
      %dma_start3A_52 = arith.constant 0 : i32
      %dma_start3A_53 = tpu.memref_slice %arg6[%dma_start3A_51, %dma_start3A_52] : memref<1664x32xf32, #tpu.memory_space<vmem>> -> memref<128x32xf32, #tpu.memory_space<vmem>>
      %dma_start3A_54 = arith.constant 0 : i32
      %dma_start3A_55 = tpu.memref_slice %arg5[%add3A_50, %dma_start3A_54] : memref<104x128xi32, #tpu.memory_space<vmem>> -> memref<1x128xi32, #tpu.memory_space<vmem>>
      %dma_start3A_56 = tpu.memref_squeeze %dma_start3A_55 : memref<1x128xi32, #tpu.memory_space<vmem>> -> memref<128xi32, #tpu.memory_space<vmem>>
      %dma_start3A_57 = arith.constant 0 : i32
      %dma_start3A_58 = arith.constant 0 : i32
      %dma_start3A_59 = tpu.memref_slice %arg2[%dma_start3A_57, %dma_start3A_58] : memref<2600000x32xf32, #tpu.memory_space<hbm>> -> memref<2600000x32xf32, #tpu.memory_space<hbm>>
      tpu.enqueue_indirect_dma source(%dma_start3A_59 : memref<2600000x32xf32, #tpu.memory_space<hbm>>) target(%dma_start3A_53 : memref<128x32xf32, #tpu.memory_space<vmem>>) offsets(%dma_start3A_56 : memref<128xi32, #tpu.memory_space<vmem>>) semaphore(%arg7 : memref<!tpu.dma_semaphore, #tpu.memory_space<semaphore_mem>>)
      %mul3A_60 = arith.constant 13 : i32
      %mul3A_61 = arith.muli %scan3A_8, %mul3A_60 : i32
      %add3A_62 = arith.constant 4 : i32
      %add3A_63 = arith.addi %mul3A_61, %add3A_62 : i32
      %dma_start3A_64 = arith.constant 512 : i32
      %dma_start3A_65 = arith.constant 0 : i32
      %dma_start3A_66 = tpu.memref_slice %arg6[%dma_start3A_64, %dma_start3A_65] : memref<1664x32xf32, #tpu.memory_space<vmem>> -> memref<128x32xf32, #tpu.memory_space<vmem>>
      %dma_start3A_67 = arith.constant 0 : i32
      %dma_start3A_68 = tpu.memref_slice %arg5[%add3A_63, %dma_start3A_67] : memref<104x128xi32, #tpu.memory_space<vmem>> -> memref<1x128xi32, #tpu.memory_space<vmem>>
      %dma_start3A_69 = tpu.memref_squeeze %dma_start3A_68 : memref<1x128xi32, #tpu.memory_space<vmem>> -> memref<128xi32, #tpu.memory_space<vmem>>
      %dma_start3A_70 = arith.constant 0 : i32
      %dma_start3A_71 = arith.constant 0 : i32
      %dma_start3A_72 = tpu.memref_slice %arg2[%dma_start3A_70, %dma_start3A_71] : memref<2600000x32xf32, #tpu.memory_space<hbm>> -> memref<2600000x32xf32, #tpu.memory_space<hbm>>
      tpu.enqueue_indirect_dma source(%dma_start3A_72 : memref<2600000x32xf32, #tpu.memory_space<hbm>>) target(%dma_start3A_66 : memref<128x32xf32, #tpu.memory_space<vmem>>) offsets(%dma_start3A_69 : memref<128xi32, #tpu.memory_space<vmem>>) semaphore(%arg7 : memref<!tpu.dma_semaphore, #tpu.memory_space<semaphore_mem>>)
      %mul3A_73 = arith.constant 13 : i32
      %mul3A_74 = arith.muli %scan3A_8, %mul3A_73 : i32
      %add3A_75 = arith.constant 5 : i32
      %add3A_76 = arith.addi %mul3A_74, %add3A_75 : i32
      %dma_start3A_77 = arith.constant 640 : i32
      %dma_start3A_78 = arith.constant 0 : i32
      %dma_start3A_79 = tpu.memref_slice %arg6[%dma_start3A_77, %dma_start3A_78] : memref<1664x32xf32, #tpu.memory_space<vmem>> -> memref<128x32xf32, #tpu.memory_space<vmem>>
      %dma_start3A_80 = arith.constant 0 : i32
      %dma_start3A_81 = tpu.memref_slice %arg5[%add3A_76, %dma_start3A_80] : memref<104x128xi32, #tpu.memory_space<vmem>> -> memref<1x128xi32, #tpu.memory_space<vmem>>
      %dma_start3A_82 = tpu.memref_squeeze %dma_start3A_81 : memref<1x128xi32, #tpu.memory_space<vmem>> -> memref<128xi32, #tpu.memory_space<vmem>>
      %dma_start3A_83 = arith.constant 0 : i32
      %dma_start3A_84 = arith.constant 0 : i32
      %dma_start3A_85 = tpu.memref_slice %arg2[%dma_start3A_83, %dma_start3A_84] : memref<2600000x32xf32, #tpu.memory_space<hbm>> -> memref<2600000x32xf32, #tpu.memory_space<hbm>>
      tpu.enqueue_indirect_dma source(%dma_start3A_85 : memref<2600000x32xf32, #tpu.memory_space<hbm>>) target(%dma_start3A_79 : memref<128x32xf32, #tpu.memory_space<vmem>>) offsets(%dma_start3A_82 : memref<128xi32, #tpu.memory_space<vmem>>) semaphore(%arg7 : memref<!tpu.dma_semaphore, #tpu.memory_space<semaphore_mem>>)
      %mul3A_86 = arith.constant 13 : i32
      %mul3A_87 = arith.muli %scan3A_8, %mul3A_86 : i32
      %add3A_88 = arith.constant 6 : i32
      %add3A_89 = arith.addi %mul3A_87, %add3A_88 : i32
      %dma_start3A_90 = arith.constant 768 : i32
      %dma_start3A_91 = arith.constant 0 : i32
      %dma_start3A_92 = tpu.memref_slice %arg6[%dma_start3A_90, %dma_start3A_91] : memref<1664x32xf32, #tpu.memory_space<vmem>> -> memref<128x32xf32, #tpu.memory_space<vmem>>
      %dma_start3A_93 = arith.constant 0 : i32
      %dma_start3A_94 = tpu.memref_slice %arg5[%add3A_89, %dma_start3A_93] : memref<104x128xi32, #tpu.memory_space<vmem>> -> memref<1x128xi32, #tpu.memory_space<vmem>>
      %dma_start3A_95 = tpu.memref_squeeze %dma_start3A_94 : memref<1x128xi32, #tpu.memory_space<vmem>> -> memref<128xi32, #tpu.memory_space<vmem>>
      %dma_start3A_96 = arith.constant 0 : i32
      %dma_start3A_97 = arith.constant 0 : i32
      %dma_start3A_98 = tpu.memref_slice %arg2[%dma_start3A_96, %dma_start3A_97] : memref<2600000x32xf32, #tpu.memory_space<hbm>> -> memref<2600000x32xf32, #tpu.memory_space<hbm>>
      tpu.enqueue_indirect_dma source(%dma_start3A_98 : memref<2600000x32xf32, #tpu.memory_space<hbm>>) target(%dma_start3A_92 : memref<128x32xf32, #tpu.memory_space<vmem>>) offsets(%dma_start3A_95 : memref<128xi32, #tpu.memory_space<vmem>>) semaphore(%arg7 : memref<!tpu.dma_semaphore, #tpu.memory_space<semaphore_mem>>)
      %mul3A_99 = arith.constant 13 : i32
      %mul3A_100 = arith.muli %scan3A_8, %mul3A_99 : i32
      %add3A_101 = arith.constant 7 : i32
      %add3A_102 = arith.addi %mul3A_100, %add3A_101 : i32
      %dma_start3A_103 = arith.constant 896 : i32
      %dma_start3A_104 = arith.constant 0 : i32
      %dma_start3A_105 = tpu.memref_slice %arg6[%dma_start3A_103, %dma_start3A_104] : memref<1664x32xf32, #tpu.memory_space<vmem>> -> memref<128x32xf32, #tpu.memory_space<vmem>>
      %dma_start3A_106 = arith.constant 0 : i32
      %dma_start3A_107 = tpu.memref_slice %arg5[%add3A_102, %dma_start3A_106] : memref<104x128xi32, #tpu.memory_space<vmem>> -> memref<1x128xi32, #tpu.memory_space<vmem>>
      %dma_start3A_108 = tpu.memref_squeeze %dma_start3A_107 : memref<1x128xi32, #tpu.memory_space<vmem>> -> memref<128xi32, #tpu.memory_space<vmem>>
      %dma_start3A_109 = arith.constant 0 : i32
      %dma_start3A_110 = arith.constant 0 : i32
      %dma_start3A_111 = tpu.memref_slice %arg2[%dma_start3A_109, %dma_start3A_110] : memref<2600000x32xf32, #tpu.memory_space<hbm>> -> memref<2600000x32xf32, #tpu.memory_space<hbm>>
      tpu.enqueue_indirect_dma source(%dma_start3A_111 : memref<2600000x32xf32, #tpu.memory_space<hbm>>) target(%dma_start3A_105 : memref<128x32xf32, #tpu.memory_space<vmem>>) offsets(%dma_start3A_108 : memref<128xi32, #tpu.memory_space<vmem>>) semaphore(%arg7 : memref<!tpu.dma_semaphore, #tpu.memory_space<semaphore_mem>>)
      %mul3A_112 = arith.constant 13 : i32
      %mul3A_113 = arith.muli %scan3A_8, %mul3A_112 : i32
      %add3A_114 = arith.constant 8 : i32
      %add3A_115 = arith.addi %mul3A_113, %add3A_114 : i32
      %dma_start3A_116 = arith.constant 1024 : i32
      %dma_start3A_117 = arith.constant 0 : i32
      %dma_start3A_118 = tpu.memref_slice %arg6[%dma_start3A_116, %dma_start3A_117] : memref<1664x32xf32, #tpu.memory_space<vmem>> -> memref<128x32xf32, #tpu.memory_space<vmem>>
      %dma_start3A_119 = arith.constant 0 : i32
      %dma_start3A_120 = tpu.memref_slice %arg5[%add3A_115, %dma_start3A_119] : memref<104x128xi32, #tpu.memory_space<vmem>> -> memref<1x128xi32, #tpu.memory_space<vmem>>
      %dma_start3A_121 = tpu.memref_squeeze %dma_start3A_120 : memref<1x128xi32, #tpu.memory_space<vmem>> -> memref<128xi32, #tpu.memory_space<vmem>>
      %dma_start3A_122 = arith.constant 0 : i32
      %dma_start3A_123 = arith.constant 0 : i32
      %dma_start3A_124 = tpu.memref_slice %arg2[%dma_start3A_122, %dma_start3A_123] : memref<2600000x32xf32, #tpu.memory_space<hbm>> -> memref<2600000x32xf32, #tpu.memory_space<hbm>>
      tpu.enqueue_indirect_dma source(%dma_start3A_124 : memref<2600000x32xf32, #tpu.memory_space<hbm>>) target(%dma_start3A_118 : memref<128x32xf32, #tpu.memory_space<vmem>>) offsets(%dma_start3A_121 : memref<128xi32, #tpu.memory_space<vmem>>) semaphore(%arg7 : memref<!tpu.dma_semaphore, #tpu.memory_space<semaphore_mem>>)
      %mul3A_125 = arith.constant 13 : i32
      %mul3A_126 = arith.muli %scan3A_8, %mul3A_125 : i32
      %add3A_127 = arith.constant 9 : i32
      %add3A_128 = arith.addi %mul3A_126, %add3A_127 : i32
      %dma_start3A_129 = arith.constant 1152 : i32
      %dma_start3A_130 = arith.constant 0 : i32
      %dma_start3A_131 = tpu.memref_slice %arg6[%dma_start3A_129, %dma_start3A_130] : memref<1664x32xf32, #tpu.memory_space<vmem>> -> memref<128x32xf32, #tpu.memory_space<vmem>>
      %dma_start3A_132 = arith.constant 0 : i32
      %dma_start3A_133 = tpu.memref_slice %arg5[%add3A_128, %dma_start3A_132] : memref<104x128xi32, #tpu.memory_space<vmem>> -> memref<1x128xi32, #tpu.memory_space<vmem>>
      %dma_start3A_134 = tpu.memref_squeeze %dma_start3A_133 : memref<1x128xi32, #tpu.memory_space<vmem>> -> memref<128xi32, #tpu.memory_space<vmem>>
      %dma_start3A_135 = arith.constant 0 : i32
      %dma_start3A_136 = arith.constant 0 : i32
      %dma_start3A_137 = tpu.memref_slice %arg2[%dma_start3A_135, %dma_start3A_136] : memref<2600000x32xf32, #tpu.memory_space<hbm>> -> memref<2600000x32xf32, #tpu.memory_space<hbm>>
      tpu.enqueue_indirect_dma source(%dma_start3A_137 : memref<2600000x32xf32, #tpu.memory_space<hbm>>) target(%dma_start3A_131 : memref<128x32xf32, #tpu.memory_space<vmem>>) offsets(%dma_start3A_134 : memref<128xi32, #tpu.memory_space<vmem>>) semaphore(%arg7 : memref<!tpu.dma_semaphore, #tpu.memory_space<semaphore_mem>>)
      %mul3A_138 = arith.constant 13 : i32
      %mul3A_139 = arith.muli %scan3A_8, %mul3A_138 : i32
      %add3A_140 = arith.constant 10 : i32
      %add3A_141 = arith.addi %mul3A_139, %add3A_140 : i32
      %dma_start3A_142 = arith.constant 1280 : i32
      %dma_start3A_143 = arith.constant 0 : i32
      %dma_start3A_144 = tpu.memref_slice %arg6[%dma_start3A_142, %dma_start3A_143] : memref<1664x32xf32, #tpu.memory_space<vmem>> -> memref<128x32xf32, #tpu.memory_space<vmem>>
      %dma_start3A_145 = arith.constant 0 : i32
      %dma_start3A_146 = tpu.memref_slice %arg5[%add3A_141, %dma_start3A_145] : memref<104x128xi32, #tpu.memory_space<vmem>> -> memref<1x128xi32, #tpu.memory_space<vmem>>
      %dma_start3A_147 = tpu.memref_squeeze %dma_start3A_146 : memref<1x128xi32, #tpu.memory_space<vmem>> -> memref<128xi32, #tpu.memory_space<vmem>>
      %dma_start3A_148 = arith.constant 0 : i32
      %dma_start3A_149 = arith.constant 0 : i32
      %dma_start3A_150 = tpu.memref_slice %arg2[%dma_start3A_148, %dma_start3A_149] : memref<2600000x32xf32, #tpu.memory_space<hbm>> -> memref<2600000x32xf32, #tpu.memory_space<hbm>>
      tpu.enqueue_indirect_dma source(%dma_start3A_150 : memref<2600000x32xf32, #tpu.memory_space<hbm>>) target(%dma_start3A_144 : memref<128x32xf32, #tpu.memory_space<vmem>>) offsets(%dma_start3A_147 : memref<128xi32, #tpu.memory_space<vmem>>) semaphore(%arg7 : memref<!tpu.dma_semaphore, #tpu.memory_space<semaphore_mem>>)
      %mul3A_151 = arith.constant 13 : i32
      %mul3A_152 = arith.muli %scan3A_8, %mul3A_151 : i32
      %add3A_153 = arith.constant 11 : i32
      %add3A_154 = arith.addi %mul3A_152, %add3A_153 : i32
      %dma_start3A_155 = arith.constant 1408 : i32
      %dma_start3A_156 = arith.constant 0 : i32
      %dma_start3A_157 = tpu.memref_slice %arg6[%dma_start3A_155, %dma_start3A_156] : memref<1664x32xf32, #tpu.memory_space<vmem>> -> memref<128x32xf32, #tpu.memory_space<vmem>>
      %dma_start3A_158 = arith.constant 0 : i32
      %dma_start3A_159 = tpu.memref_slice %arg5[%add3A_154, %dma_start3A_158] : memref<104x128xi32, #tpu.memory_space<vmem>> -> memref<1x128xi32, #tpu.memory_space<vmem>>
      %dma_start3A_160 = tpu.memref_squeeze %dma_start3A_159 : memref<1x128xi32, #tpu.memory_space<vmem>> -> memref<128xi32, #tpu.memory_space<vmem>>
      %dma_start3A_161 = arith.constant 0 : i32
      %dma_start3A_162 = arith.constant 0 : i32
      %dma_start3A_163 = tpu.memref_slice %arg2[%dma_start3A_161, %dma_start3A_162] : memref<2600000x32xf32, #tpu.memory_space<hbm>> -> memref<2600000x32xf32, #tpu.memory_space<hbm>>
      tpu.enqueue_indirect_dma source(%dma_start3A_163 : memref<2600000x32xf32, #tpu.memory_space<hbm>>) target(%dma_start3A_157 : memref<128x32xf32, #tpu.memory_space<vmem>>) offsets(%dma_start3A_160 : memref<128xi32, #tpu.memory_space<vmem>>) semaphore(%arg7 : memref<!tpu.dma_semaphore, #tpu.memory_space<semaphore_mem>>)
      %mul3A_164 = arith.constant 13 : i32
      %mul3A_165 = arith.muli %scan3A_8, %mul3A_164 : i32
      %add3A_166 = arith.constant 12 : i32
      %add3A_167 = arith.addi %mul3A_165, %add3A_166 : i32
      %dma_start3A_168 = arith.constant 1536 : i32
      %dma_start3A_169 = arith.constant 0 : i32
      %dma_start3A_170 = tpu.memref_slice %arg6[%dma_start3A_168, %dma_start3A_169] : memref<1664x32xf32, #tpu.memory_space<vmem>> -> memref<128x32xf32, #tpu.memory_space<vmem>>
      %dma_start3A_171 = arith.constant 0 : i32
      %dma_start3A_172 = tpu.memref_slice %arg5[%add3A_167, %dma_start3A_171] : memref<104x128xi32, #tpu.memory_space<vmem>> -> memref<1x128xi32, #tpu.memory_space<vmem>>
      %dma_start3A_173 = tpu.memref_squeeze %dma_start3A_172 : memref<1x128xi32, #tpu.memory_space<vmem>> -> memref<128xi32, #tpu.memory_space<vmem>>
      %dma_start3A_174 = arith.constant 0 : i32
      %dma_start3A_175 = arith.constant 0 : i32
      %dma_start3A_176 = tpu.memref_slice %arg2[%dma_start3A_174, %dma_start3A_175] : memref<2600000x32xf32, #tpu.memory_space<hbm>> -> memref<2600000x32xf32, #tpu.memory_space<hbm>>
      tpu.enqueue_indirect_dma source(%dma_start3A_176 : memref<2600000x32xf32, #tpu.memory_space<hbm>>) target(%dma_start3A_170 : memref<128x32xf32, #tpu.memory_space<vmem>>) offsets(%dma_start3A_173 : memref<128xi32, #tpu.memory_space<vmem>>) semaphore(%arg7 : memref<!tpu.dma_semaphore, #tpu.memory_space<semaphore_mem>>)
      %dma_wait3A = arith.constant 0 : i32
      %dma_wait3A_177 = arith.constant 0 : i32
      %dma_wait3A_178 = tpu.memref_slice %arg6[%dma_wait3A, %dma_wait3A_177] : memref<1664x32xf32, #tpu.memory_space<vmem>> -> memref<128x32xf32, #tpu.memory_space<vmem>>
      %dma_wait3A_179 = arith.constant 0 : i32
      %dma_wait3A_180 = tpu.memref_slice %arg5[%add3A_12, %dma_wait3A_179] : memref<104x128xi32, #tpu.memory_space<vmem>> -> memref<1x128xi32, #tpu.memory_space<vmem>>
      %dma_wait3A_181 = tpu.memref_squeeze %dma_wait3A_180 : memref<1x128xi32, #tpu.memory_space<vmem>> -> memref<128xi32, #tpu.memory_space<vmem>>
      %dma_wait3A_182 = arith.constant 0 : i32
      %dma_wait3A_183 = arith.constant 0 : i32
      %dma_wait3A_184 = tpu.memref_slice %arg2[%dma_wait3A_182, %dma_wait3A_183] : memref<2600000x32xf32, #tpu.memory_space<hbm>> -> memref<2600000x32xf32, #tpu.memory_space<hbm>>
      tpu.wait_indirect_dma semaphore(%arg7 : memref<!tpu.dma_semaphore, #tpu.memory_space<semaphore_mem>>) src(%dma_wait3A_184 : memref<2600000x32xf32, #tpu.memory_space<hbm>>) dst(%dma_wait3A_178 : memref<128x32xf32, #tpu.memory_space<vmem>>)
      %dma_wait3A_185 = arith.constant 128 : i32
      %dma_wait3A_186 = arith.constant 0 : i32
      %dma_wait3A_187 = tpu.memref_slice %arg6[%dma_wait3A_185, %dma_wait3A_186] : memref<1664x32xf32, #tpu.memory_space<vmem>> -> memref<128x32xf32, #tpu.memory_space<vmem>>
      %dma_wait3A_188 = arith.constant 0 : i32
      %dma_wait3A_189 = tpu.memref_slice %arg5[%add3A_24, %dma_wait3A_188] : memref<104x128xi32, #tpu.memory_space<vmem>> -> memref<1x128xi32, #tpu.memory_space<vmem>>
      %dma_wait3A_190 = tpu.memref_squeeze %dma_wait3A_189 : memref<1x128xi32, #tpu.memory_space<vmem>> -> memref<128xi32, #tpu.memory_space<vmem>>
      %dma_wait3A_191 = arith.constant 0 : i32
      %dma_wait3A_192 = arith.constant 0 : i32
      %dma_wait3A_193 = tpu.memref_slice %arg2[%dma_wait3A_191, %dma_wait3A_192] : memref<2600000x32xf32, #tpu.memory_space<hbm>> -> memref<2600000x32xf32, #tpu.memory_space<hbm>>
      tpu.wait_indirect_dma semaphore(%arg7 : memref<!tpu.dma_semaphore, #tpu.memory_space<semaphore_mem>>) src(%dma_wait3A_193 : memref<2600000x32xf32, #tpu.memory_space<hbm>>) dst(%dma_wait3A_187 : memref<128x32xf32, #tpu.memory_space<vmem>>)
      %dma_wait3A_194 = arith.constant 256 : i32
      %dma_wait3A_195 = arith.constant 0 : i32
      %dma_wait3A_196 = tpu.memref_slice %arg6[%dma_wait3A_194, %dma_wait3A_195] : memref<1664x32xf32, #tpu.memory_space<vmem>> -> memref<128x32xf32, #tpu.memory_space<vmem>>
      %dma_wait3A_197 = arith.constant 0 : i32
      %dma_wait3A_198 = tpu.memref_slice %arg5[%add3A_37, %dma_wait3A_197] : memref<104x128xi32, #tpu.memory_space<vmem>> -> memref<1x128xi32, #tpu.memory_space<vmem>>
      %dma_wait3A_199 = tpu.memref_squeeze %dma_wait3A_198 : memref<1x128xi32, #tpu.memory_space<vmem>> -> memref<128xi32, #tpu.memory_space<vmem>>
      %dma_wait3A_200 = arith.constant 0 : i32
      %dma_wait3A_201 = arith.constant 0 : i32
      %dma_wait3A_202 = tpu.memref_slice %arg2[%dma_wait3A_200, %dma_wait3A_201] : memref<2600000x32xf32, #tpu.memory_space<hbm>> -> memref<2600000x32xf32, #tpu.memory_space<hbm>>
      tpu.wait_indirect_dma semaphore(%arg7 : memref<!tpu.dma_semaphore, #tpu.memory_space<semaphore_mem>>) src(%dma_wait3A_202 : memref<2600000x32xf32, #tpu.memory_space<hbm>>) dst(%dma_wait3A_196 : memref<128x32xf32, #tpu.memory_space<vmem>>)
      %dma_wait3A_203 = arith.constant 384 : i32
      %dma_wait3A_204 = arith.constant 0 : i32
      %dma_wait3A_205 = tpu.memref_slice %arg6[%dma_wait3A_203, %dma_wait3A_204] : memref<1664x32xf32, #tpu.memory_space<vmem>> -> memref<128x32xf32, #tpu.memory_space<vmem>>
      %dma_wait3A_206 = arith.constant 0 : i32
      %dma_wait3A_207 = tpu.memref_slice %arg5[%add3A_50, %dma_wait3A_206] : memref<104x128xi32, #tpu.memory_space<vmem>> -> memref<1x128xi32, #tpu.memory_space<vmem>>
      %dma_wait3A_208 = tpu.memref_squeeze %dma_wait3A_207 : memref<1x128xi32, #tpu.memory_space<vmem>> -> memref<128xi32, #tpu.memory_space<vmem>>
      %dma_wait3A_209 = arith.constant 0 : i32
      %dma_wait3A_210 = arith.constant 0 : i32
      %dma_wait3A_211 = tpu.memref_slice %arg2[%dma_wait3A_209, %dma_wait3A_210] : memref<2600000x32xf32, #tpu.memory_space<hbm>> -> memref<2600000x32xf32, #tpu.memory_space<hbm>>
      tpu.wait_indirect_dma semaphore(%arg7 : memref<!tpu.dma_semaphore, #tpu.memory_space<semaphore_mem>>) src(%dma_wait3A_211 : memref<2600000x32xf32, #tpu.memory_space<hbm>>) dst(%dma_wait3A_205 : memref<128x32xf32, #tpu.memory_space<vmem>>)
      %dma_wait3A_212 = arith.constant 512 : i32
      %dma_wait3A_213 = arith.constant 0 : i32
      %dma_wait3A_214 = tpu.memref_slice %arg6[%dma_wait3A_212, %dma_wait3A_213] : memref<1664x32xf32, #tpu.memory_space<vmem>> -> memref<128x32xf32, #tpu.memory_space<vmem>>
      %dma_wait3A_215 = arith.constant 0 : i32
      %dma_wait3A_216 = tpu.memref_slice %arg5[%add3A_63, %dma_wait3A_215] : memref<104x128xi32, #tpu.memory_space<vmem>> -> memref<1x128xi32, #tpu.memory_space<vmem>>
      %dma_wait3A_217 = tpu.memref_squeeze %dma_wait3A_216 : memref<1x128xi32, #tpu.memory_space<vmem>> -> memref<128xi32, #tpu.memory_space<vmem>>
      %dma_wait3A_218 = arith.constant 0 : i32
      %dma_wait3A_219 = arith.constant 0 : i32
      %dma_wait3A_220 = tpu.memref_slice %arg2[%dma_wait3A_218, %dma_wait3A_219] : memref<2600000x32xf32, #tpu.memory_space<hbm>> -> memref<2600000x32xf32, #tpu.memory_space<hbm>>
      tpu.wait_indirect_dma semaphore(%arg7 : memref<!tpu.dma_semaphore, #tpu.memory_space<semaphore_mem>>) src(%dma_wait3A_220 : memref<2600000x32xf32, #tpu.memory_space<hbm>>) dst(%dma_wait3A_214 : memref<128x32xf32, #tpu.memory_space<vmem>>)
      %dma_wait3A_221 = arith.constant 640 : i32
      %dma_wait3A_222 = arith.constant 0 : i32
      %dma_wait3A_223 = tpu.memref_slice %arg6[%dma_wait3A_221, %dma_wait3A_222] : memref<1664x32xf32, #tpu.memory_space<vmem>> -> memref<128x32xf32, #tpu.memory_space<vmem>>
      %dma_wait3A_224 = arith.constant 0 : i32
      %dma_wait3A_225 = tpu.memref_slice %arg5[%add3A_76, %dma_wait3A_224] : memref<104x128xi32, #tpu.memory_space<vmem>> -> memref<1x128xi32, #tpu.memory_space<vmem>>
      %dma_wait3A_226 = tpu.memref_squeeze %dma_wait3A_225 : memref<1x128xi32, #tpu.memory_space<vmem>> -> memref<128xi32, #tpu.memory_space<vmem>>
      %dma_wait3A_227 = arith.constant 0 : i32
      %dma_wait3A_228 = arith.constant 0 : i32
      %dma_wait3A_229 = tpu.memref_slice %arg2[%dma_wait3A_227, %dma_wait3A_228] : memref<2600000x32xf32, #tpu.memory_space<hbm>> -> memref<2600000x32xf32, #tpu.memory_space<hbm>>
      tpu.wait_indirect_dma semaphore(%arg7 : memref<!tpu.dma_semaphore, #tpu.memory_space<semaphore_mem>>) src(%dma_wait3A_229 : memref<2600000x32xf32, #tpu.memory_space<hbm>>) dst(%dma_wait3A_223 : memref<128x32xf32, #tpu.memory_space<vmem>>)
      %dma_wait3A_230 = arith.constant 768 : i32
      %dma_wait3A_231 = arith.constant 0 : i32
      %dma_wait3A_232 = tpu.memref_slice %arg6[%dma_wait3A_230, %dma_wait3A_231] : memref<1664x32xf32, #tpu.memory_space<vmem>> -> memref<128x32xf32, #tpu.memory_space<vmem>>
      %dma_wait3A_233 = arith.constant 0 : i32
      %dma_wait3A_234 = tpu.memref_slice %arg5[%add3A_89, %dma_wait3A_233] : memref<104x128xi32, #tpu.memory_space<vmem>> -> memref<1x128xi32, #tpu.memory_space<vmem>>
      %dma_wait3A_235 = tpu.memref_squeeze %dma_wait3A_234 : memref<1x128xi32, #tpu.memory_space<vmem>> -> memref<128xi32, #tpu.memory_space<vmem>>
      %dma_wait3A_236 = arith.constant 0 : i32
      %dma_wait3A_237 = arith.constant 0 : i32
      %dma_wait3A_238 = tpu.memref_slice %arg2[%dma_wait3A_236, %dma_wait3A_237] : memref<2600000x32xf32, #tpu.memory_space<hbm>> -> memref<2600000x32xf32, #tpu.memory_space<hbm>>
      tpu.wait_indirect_dma semaphore(%arg7 : memref<!tpu.dma_semaphore, #tpu.memory_space<semaphore_mem>>) src(%dma_wait3A_238 : memref<2600000x32xf32, #tpu.memory_space<hbm>>) dst(%dma_wait3A_232 : memref<128x32xf32, #tpu.memory_space<vmem>>)
      %dma_wait3A_239 = arith.constant 896 : i32
      %dma_wait3A_240 = arith.constant 0 : i32
      %dma_wait3A_241 = tpu.memref_slice %arg6[%dma_wait3A_239, %dma_wait3A_240] : memref<1664x32xf32, #tpu.memory_space<vmem>> -> memref<128x32xf32, #tpu.memory_space<vmem>>
      %dma_wait3A_242 = arith.constant 0 : i32
      %dma_wait3A_243 = tpu.memref_slice %arg5[%add3A_102, %dma_wait3A_242] : memref<104x128xi32, #tpu.memory_space<vmem>> -> memref<1x128xi32, #tpu.memory_space<vmem>>
      %dma_wait3A_244 = tpu.memref_squeeze %dma_wait3A_243 : memref<1x128xi32, #tpu.memory_space<vmem>> -> memref<128xi32, #tpu.memory_space<vmem>>
      %dma_wait3A_245 = arith.constant 0 : i32
      %dma_wait3A_246 = arith.constant 0 : i32
      %dma_wait3A_247 = tpu.memref_slice %arg2[%dma_wait3A_245, %dma_wait3A_246] : memref<2600000x32xf32, #tpu.memory_space<hbm>> -> memref<2600000x32xf32, #tpu.memory_space<hbm>>
      tpu.wait_indirect_dma semaphore(%arg7 : memref<!tpu.dma_semaphore, #tpu.memory_space<semaphore_mem>>) src(%dma_wait3A_247 : memref<2600000x32xf32, #tpu.memory_space<hbm>>) dst(%dma_wait3A_241 : memref<128x32xf32, #tpu.memory_space<vmem>>)
      %dma_wait3A_248 = arith.constant 1024 : i32
      %dma_wait3A_249 = arith.constant 0 : i32
      %dma_wait3A_250 = tpu.memref_slice %arg6[%dma_wait3A_248, %dma_wait3A_249] : memref<1664x32xf32, #tpu.memory_space<vmem>> -> memref<128x32xf32, #tpu.memory_space<vmem>>
      %dma_wait3A_251 = arith.constant 0 : i32
      %dma_wait3A_252 = tpu.memref_slice %arg5[%add3A_115, %dma_wait3A_251] : memref<104x128xi32, #tpu.memory_space<vmem>> -> memref<1x128xi32, #tpu.memory_space<vmem>>
      %dma_wait3A_253 = tpu.memref_squeeze %dma_wait3A_252 : memref<1x128xi32, #tpu.memory_space<vmem>> -> memref<128xi32, #tpu.memory_space<vmem>>
      %dma_wait3A_254 = arith.constant 0 : i32
      %dma_wait3A_255 = arith.constant 0 : i32
      %dma_wait3A_256 = tpu.memref_slice %arg2[%dma_wait3A_254, %dma_wait3A_255] : memref<2600000x32xf32, #tpu.memory_space<hbm>> -> memref<2600000x32xf32, #tpu.memory_space<hbm>>
      tpu.wait_indirect_dma semaphore(%arg7 : memref<!tpu.dma_semaphore, #tpu.memory_space<semaphore_mem>>) src(%dma_wait3A_256 : memref<2600000x32xf32, #tpu.memory_space<hbm>>) dst(%dma_wait3A_250 : memref<128x32xf32, #tpu.memory_space<vmem>>)
      %dma_wait3A_257 = arith.constant 1152 : i32
      %dma_wait3A_258 = arith.constant 0 : i32
      %dma_wait3A_259 = tpu.memref_slice %arg6[%dma_wait3A_257, %dma_wait3A_258] : memref<1664x32xf32, #tpu.memory_space<vmem>> -> memref<128x32xf32, #tpu.memory_space<vmem>>
      %dma_wait3A_260 = arith.constant 0 : i32
      %dma_wait3A_261 = tpu.memref_slice %arg5[%add3A_128, %dma_wait3A_260] : memref<104x128xi32, #tpu.memory_space<vmem>> -> memref<1x128xi32, #tpu.memory_space<vmem>>
      %dma_wait3A_262 = tpu.memref_squeeze %dma_wait3A_261 : memref<1x128xi32, #tpu.memory_space<vmem>> -> memref<128xi32, #tpu.memory_space<vmem>>
      %dma_wait3A_263 = arith.constant 0 : i32
      %dma_wait3A_264 = arith.constant 0 : i32
      %dma_wait3A_265 = tpu.memref_slice %arg2[%dma_wait3A_263, %dma_wait3A_264] : memref<2600000x32xf32, #tpu.memory_space<hbm>> -> memref<2600000x32xf32, #tpu.memory_space<hbm>>
      tpu.wait_indirect_dma semaphore(%arg7 : memref<!tpu.dma_semaphore, #tpu.memory_space<semaphore_mem>>) src(%dma_wait3A_265 : memref<2600000x32xf32, #tpu.memory_space<hbm>>) dst(%dma_wait3A_259 : memref<128x32xf32, #tpu.memory_space<vmem>>)
      %dma_wait3A_266 = arith.constant 1280 : i32
      %dma_wait3A_267 = arith.constant 0 : i32
      %dma_wait3A_268 = tpu.memref_slice %arg6[%dma_wait3A_266, %dma_wait3A_267] : memref<1664x32xf32, #tpu.memory_space<vmem>> -> memref<128x32xf32, #tpu.memory_space<vmem>>
      %dma_wait3A_269 = arith.constant 0 : i32
      %dma_wait3A_270 = tpu.memref_slice %arg5[%add3A_141, %dma_wait3A_269] : memref<104x128xi32, #tpu.memory_space<vmem>> -> memref<1x128xi32, #tpu.memory_space<vmem>>
      %dma_wait3A_271 = tpu.memref_squeeze %dma_wait3A_270 : memref<1x128xi32, #tpu.memory_space<vmem>> -> memref<128xi32, #tpu.memory_space<vmem>>
      %dma_wait3A_272 = arith.constant 0 : i32
      %dma_wait3A_273 = arith.constant 0 : i32
      %dma_wait3A_274 = tpu.memref_slice %arg2[%dma_wait3A_272, %dma_wait3A_273] : memref<2600000x32xf32, #tpu.memory_space<hbm>> -> memref<2600000x32xf32, #tpu.memory_space<hbm>>
      tpu.wait_indirect_dma semaphore(%arg7 : memref<!tpu.dma_semaphore, #tpu.memory_space<semaphore_mem>>) src(%dma_wait3A_274 : memref<2600000x32xf32, #tpu.memory_space<hbm>>) dst(%dma_wait3A_268 : memref<128x32xf32, #tpu.memory_space<vmem>>)
      %dma_wait3A_275 = arith.constant 1408 : i32
      %dma_wait3A_276 = arith.constant 0 : i32
      %dma_wait3A_277 = tpu.memref_slice %arg6[%dma_wait3A_275, %dma_wait3A_276] : memref<1664x32xf32, #tpu.memory_space<vmem>> -> memref<128x32xf32, #tpu.memory_space<vmem>>
      %dma_wait3A_278 = arith.constant 0 : i32
      %dma_wait3A_279 = tpu.memref_slice %arg5[%add3A_154, %dma_wait3A_278] : memref<104x128xi32, #tpu.memory_space<vmem>> -> memref<1x128xi32, #tpu.memory_space<vmem>>
      %dma_wait3A_280 = tpu.memref_squeeze %dma_wait3A_279 : memref<1x128xi32, #tpu.memory_space<vmem>> -> memref<128xi32, #tpu.memory_space<vmem>>
      %dma_wait3A_281 = arith.constant 0 : i32
      %dma_wait3A_282 = arith.constant 0 : i32
      %dma_wait3A_283 = tpu.memref_slice %arg2[%dma_wait3A_281, %dma_wait3A_282] : memref<2600000x32xf32, #tpu.memory_space<hbm>> -> memref<2600000x32xf32, #tpu.memory_space<hbm>>
      tpu.wait_indirect_dma semaphore(%arg7 : memref<!tpu.dma_semaphore, #tpu.memory_space<semaphore_mem>>) src(%dma_wait3A_283 : memref<2600000x32xf32, #tpu.memory_space<hbm>>) dst(%dma_wait3A_277 : memref<128x32xf32, #tpu.memory_space<vmem>>)
      %dma_wait3A_284 = arith.constant 1536 : i32
      %dma_wait3A_285 = arith.constant 0 : i32
      %dma_wait3A_286 = tpu.memref_slice %arg6[%dma_wait3A_284, %dma_wait3A_285] : memref<1664x32xf32, #tpu.memory_space<vmem>> -> memref<128x32xf32, #tpu.memory_space<vmem>>
      %dma_wait3A_287 = arith.constant 0 : i32
      %dma_wait3A_288 = tpu.memref_slice %arg5[%add3A_167, %dma_wait3A_287] : memref<104x128xi32, #tpu.memory_space<vmem>> -> memref<1x128xi32, #tpu.memory_space<vmem>>
      %dma_wait3A_289 = tpu.memref_squeeze %dma_wait3A_288 : memref<1x128xi32, #tpu.memory_space<vmem>> -> memref<128xi32, #tpu.memory_space<vmem>>
      %dma_wait3A_290 = arith.constant 0 : i32
      %dma_wait3A_291 = arith.constant 0 : i32
      %dma_wait3A_292 = tpu.memref_slice %arg2[%dma_wait3A_290, %dma_wait3A_291] : memref<2600000x32xf32, #tpu.memory_space<hbm>> -> memref<2600000x32xf32, #tpu.memory_space<hbm>>
      tpu.wait_indirect_dma semaphore(%arg7 : memref<!tpu.dma_semaphore, #tpu.memory_space<semaphore_mem>>) src(%dma_wait3A_292 : memref<2600000x32xf32, #tpu.memory_space<hbm>>) dst(%dma_wait3A_286 : memref<128x32xf32, #tpu.memory_space<vmem>>)
      %mul3A_293 = arith.constant 13312 : i32
      %mul3A_294 = arith.muli %add3A, %mul3A_293 : i32
      %mul3A_295 = arith.constant 1664 : i32
      %mul3A_296 = arith.muli %scan3A_8, %mul3A_295 : i32
      %add3A_297 = arith.addi %mul3A_294, %mul3A_296 : i32
      "tpu.region"() ({
        %run_scoped3A = tpu.sem_alloc : memref<!tpu.dma_semaphore, #tpu.memory_space<semaphore_mem>>
        %dma_start3A_298 = arith.constant 0 : i32
        %dma_start3A_299 = tpu.memref_slice %arg4[%add3A_297, %dma_start3A_298] : memref<425984x32xf32, #tpu.memory_space<hbm>> -> memref<1664x32xf32, #tpu.memory_space<hbm>>
        %dma_start3A_300 = arith.constant 0 : i32
        %dma_start3A_301 = tpu.memref_slice %arg4[%add3A_297, %dma_start3A_300] : memref<425984x32xf32, #tpu.memory_space<hbm>> -> memref<1664x32xf32, #tpu.memory_space<hbm>>
        tpu.enqueue_dma source(%arg6 : memref<1664x32xf32, #tpu.memory_space<vmem>>) target(%dma_start3A_301 : memref<1664x32xf32, #tpu.memory_space<hbm>>) target_semaphore(%run_scoped3A : memref<!tpu.dma_semaphore, #tpu.memory_space<semaphore_mem>>)
        %dma_wait3A_302 = arith.constant 0 : i32
        %dma_wait3A_303 = tpu.memref_slice %arg4[%add3A_297, %dma_wait3A_302] : memref<425984x32xf32, #tpu.memory_space<hbm>> -> memref<1664x32xf32, #tpu.memory_space<hbm>>
        %dma_wait3A_304 = arith.constant 0 : i32
        %dma_wait3A_305 = tpu.memref_slice %arg4[%add3A_297, %dma_wait3A_304] : memref<425984x32xf32, #tpu.memory_space<hbm>> -> memref<1664x32xf32, #tpu.memory_space<hbm>>
        tpu.wait_dma2 semaphore(%run_scoped3A : memref<!tpu.dma_semaphore, #tpu.memory_space<semaphore_mem>>) src(%arg6 : memref<1664x32xf32, #tpu.memory_space<vmem>>) dst(%dma_wait3A_305 : memref<1664x32xf32, #tpu.memory_space<hbm>>)
        tpu.yield
      }) : () -> ()
    }
    %scan3A_7 = arith.constant 8 : i32
    return
  }
}

#map = affine_map<(d0, d1) -> (0, 0, 0)>
#map1 = affine_map<(d0, d1) -> (0, 0)>
module attributes {stable_mosaic.version = 14 : i64} {
  func.func @pk(%arg0: i32, %arg1: i32, %arg2: memref<26x32x100000xf32, #tpu.memory_space<hbm>>, %arg3: memref<208x128xf32, #tpu.memory_space<hbm>>, %arg4: memref<650000x128xf32, #tpu.memory_space<hbm>>, %arg5: memref<2x32x512xf32, #tpu.memory_space<vmem>>, %arg6: memref<2x32x512xf32, #tpu.memory_space<vmem>>, %arg7: memref<!tpu.dma_semaphore, #tpu.memory_space<semaphore_mem>>, %arg8: memref<!tpu.dma_semaphore, #tpu.memory_space<semaphore_mem>>, %arg9: memref<!tpu.dma_semaphore, #tpu.memory_space<semaphore_mem>>, %arg10: memref<!tpu.dma_semaphore, #tpu.memory_space<semaphore_mem>>) attributes {dimension_semantics = [#tpu.dimension_semantics<core_parallel>, #tpu.dimension_semantics<subcore_parallel>], iteration_bounds = array<i64: 2, 16>, scalar_prefetch = 0 : i64, scratch_operands = 6 : i64, tpu.core_type = #tpu.core_type<sc_vector_subcore>, window_params = [{transform_indices = #map}, {transform_indices = #map1}, {transform_indices = #map1}]} {
    %mul3A = arith.constant 2 : i32
    %mul3A_0 = arith.muli %arg1, %mul3A : i32
    %add3A = arith.addi %mul3A_0, %arg0 : i32
    %iota3A = tpu.iota {dimensions = array<i32: 0>} : vector<16xi32>
    %mul3A_1 = arith.constant 5 : i32
    %mul3A_2 = vector.broadcast %mul3A_1 : i32 to vector<16xi32>
    %mul3A_3 = arith.muli %iota3A, %mul3A_2 : vector<16xi32>
    %add3A_4 = arith.constant 0 : i32
    %add3A_5 = vector.broadcast %add3A_4 : i32 to vector<16xi32>
    %add3A_6 = arith.addi %iota3A, %add3A_5 : vector<16xi32>
    %add3A_7 = arith.constant 16 : i32
    %add3A_8 = vector.broadcast %add3A_7 : i32 to vector<16xi32>
    %add3A_9 = arith.addi %iota3A, %add3A_8 : vector<16xi32>
    %add3A_10 = arith.constant 0 : i32
    %add3A_11 = arith.addi %add3A, %add3A_10 : i32
    %min3A = arith.constant 5069 : i32
    %min3A_12 = arith.minsi %add3A_11, %min3A : i32
    %jit3A = arith.constant 195 : i32
    %div3A = arith.divsi %min3A_12, %jit3A : i32
    %sign3A = arith.constant 0 : i32
    %sign3A_13 = arith.cmpi sgt, %min3A_12, %sign3A : i32
    %sign3A_14 = arith.extui %sign3A_13 : i1 to i32
    %sign3A_15 = arith.constant 0 : i32
    %sign3A_16 = arith.cmpi slt, %min3A_12, %sign3A_15 : i32
    %sign3A_17 = arith.extui %sign3A_16 : i1 to i32
    %sign3A_18 = arith.subi %sign3A_14, %sign3A_17 : i32
    %sign3A_19 = arith.constant 0 : i32
    %sign3A_20 = arith.cmpi sgt, %jit3A, %sign3A_19 : i32
    %sign3A_21 = arith.extui %sign3A_20 : i1 to i32
    %sign3A_22 = arith.constant 0 : i32
    %sign3A_23 = arith.cmpi slt, %jit3A, %sign3A_22 : i32
    %sign3A_24 = arith.extui %sign3A_23 : i1 to i32
    %sign3A_25 = arith.subi %sign3A_21, %sign3A_24 : i32
    %ne3A = arith.cmpi ne, %sign3A_18, %sign3A_25 : i32
    %rem3A = arith.remsi %min3A_12, %jit3A : i32
    %ne3A_26 = arith.constant 0 : i32
    %ne3A_27 = arith.cmpi ne, %rem3A, %ne3A_26 : i32
    %and3A = arith.andi %ne3A, %ne3A_27 : i1
    %sub3A = arith.constant 1 : i32
    %sub3A_28 = arith.subi %div3A, %sub3A : i32
    %select_n3A = arith.select %and3A, %sub3A_28, %div3A : i32
    %jit3A_29 = arith.constant 195 : i32
    %eq3A = arith.constant 0 : i32
    %eq3A_30 = arith.cmpi eq, %jit3A_29, %eq3A : i32
    %jit3A_31 = arith.constant 1 : i32
    %select_n3A_32 = arith.select %eq3A_30, %jit3A_31, %jit3A_29 : i32
    %rem3A_33 = arith.remsi %min3A_12, %select_n3A_32 : i32
    %ne3A_34 = arith.constant 0 : i32
    %ne3A_35 = arith.cmpi ne, %rem3A_33, %ne3A_34 : i32
    %lt3A = arith.constant 0 : i32
    %lt3A_36 = arith.cmpi slt, %rem3A_33, %lt3A : i32
    %lt3A_37 = arith.constant 0 : i32
    %lt3A_38 = arith.cmpi slt, %select_n3A_32, %lt3A_37 : i32
    %ne3A_39 = arith.xori %lt3A_36, %lt3A_38 : i1
    %and3A_40 = arith.andi %ne3A_39, %ne3A_35 : i1
    %add3A_41 = arith.addi %rem3A_33, %select_n3A_32 : i32
    %select_n3A_42 = arith.select %and3A_40, %add3A_41, %rem3A_33 : i32
    %mul3A_43 = arith.constant 512 : i32
    %mul3A_44 = arith.muli %select_n3A_42, %mul3A_43 : i32
    %dma_start3A = arith.constant 0 : i32
    %dma_start3A_45 = arith.constant 0 : i32
    %dma_start3A_46 = arith.constant 0 : i32
    %dma_start3A_47 = tpu.memref_slice %arg5[%dma_start3A, %dma_start3A_45, %dma_start3A_46] : memref<2x32x512xf32, #tpu.memory_space<vmem>> -> memref<1x32x512xf32, #tpu.memory_space<vmem>>
    %dma_start3A_48 = tpu.memref_squeeze %dma_start3A_47 : memref<1x32x512xf32, #tpu.memory_space<vmem>> -> memref<32x512xf32, #tpu.memory_space<vmem>>
    %dma_start3A_49 = arith.constant 0 : i32
    %dma_start3A_50 = tpu.memref_slice %arg2[%select_n3A, %dma_start3A_49, %mul3A_44] : memref<26x32x100000xf32, #tpu.memory_space<hbm>> -> memref<1x32x512xf32, #tpu.memory_space<hbm>>
    %dma_start3A_51 = tpu.memref_squeeze %dma_start3A_50 : memref<1x32x512xf32, #tpu.memory_space<hbm>> -> memref<32x512xf32, #tpu.memory_space<hbm>>
    %dma_start3A_52 = arith.constant 0 : i32
    %dma_start3A_53 = arith.constant 0 : i32
    %dma_start3A_54 = tpu.memref_slice %arg5[%dma_start3A, %dma_start3A_52, %dma_start3A_53] : memref<2x32x512xf32, #tpu.memory_space<vmem>> -> memref<1x32x512xf32, #tpu.memory_space<vmem>>
    %dma_start3A_55 = tpu.memref_squeeze %dma_start3A_54 : memref<1x32x512xf32, #tpu.memory_space<vmem>> -> memref<32x512xf32, #tpu.memory_space<vmem>>
    %dma_start3A_56 = arith.constant 0 : i32
    %dma_start3A_57 = tpu.memref_slice %arg2[%select_n3A, %dma_start3A_56, %mul3A_44] : memref<26x32x100000xf32, #tpu.memory_space<hbm>> -> memref<1x32x512xf32, #tpu.memory_space<hbm>>
    %dma_start3A_58 = tpu.memref_squeeze %dma_start3A_57 : memref<1x32x512xf32, #tpu.memory_space<hbm>> -> memref<32x512xf32, #tpu.memory_space<hbm>>
    tpu.enqueue_dma source(%dma_start3A_58 : memref<32x512xf32, #tpu.memory_space<hbm>>) target(%dma_start3A_55 : memref<32x512xf32, #tpu.memory_space<vmem>>) target_semaphore(%arg7 : memref<!tpu.dma_semaphore, #tpu.memory_space<semaphore_mem>>)
    %add3A_59 = arith.constant 32 : i32
    %add3A_60 = arith.addi %add3A, %add3A_59 : i32
    %min3A_61 = arith.constant 5069 : i32
    %min3A_62 = arith.minsi %add3A_60, %min3A_61 : i32
    %jit3A_63 = arith.constant 195 : i32
    %div3A_64 = arith.divsi %min3A_62, %jit3A_63 : i32
    %sign3A_65 = arith.constant 0 : i32
    %sign3A_66 = arith.cmpi sgt, %min3A_62, %sign3A_65 : i32
    %sign3A_67 = arith.extui %sign3A_66 : i1 to i32
    %sign3A_68 = arith.constant 0 : i32
    %sign3A_69 = arith.cmpi slt, %min3A_62, %sign3A_68 : i32
    %sign3A_70 = arith.extui %sign3A_69 : i1 to i32
    %sign3A_71 = arith.subi %sign3A_67, %sign3A_70 : i32
    %sign3A_72 = arith.constant 0 : i32
    %sign3A_73 = arith.cmpi sgt, %jit3A_63, %sign3A_72 : i32
    %sign3A_74 = arith.extui %sign3A_73 : i1 to i32
    %sign3A_75 = arith.constant 0 : i32
    %sign3A_76 = arith.cmpi slt, %jit3A_63, %sign3A_75 : i32
    %sign3A_77 = arith.extui %sign3A_76 : i1 to i32
    %sign3A_78 = arith.subi %sign3A_74, %sign3A_77 : i32
    %ne3A_79 = arith.cmpi ne, %sign3A_71, %sign3A_78 : i32
    %rem3A_80 = arith.remsi %min3A_62, %jit3A_63 : i32
    %ne3A_81 = arith.constant 0 : i32
    %ne3A_82 = arith.cmpi ne, %rem3A_80, %ne3A_81 : i32
    %and3A_83 = arith.andi %ne3A_79, %ne3A_82 : i1
    %sub3A_84 = arith.constant 1 : i32
    %sub3A_85 = arith.subi %div3A_64, %sub3A_84 : i32
    %select_n3A_86 = arith.select %and3A_83, %sub3A_85, %div3A_64 : i32
    %jit3A_87 = arith.constant 195 : i32
    %eq3A_88 = arith.constant 0 : i32
    %eq3A_89 = arith.cmpi eq, %jit3A_87, %eq3A_88 : i32
    %jit3A_90 = arith.constant 1 : i32
    %select_n3A_91 = arith.select %eq3A_89, %jit3A_90, %jit3A_87 : i32
    %rem3A_92 = arith.remsi %min3A_62, %select_n3A_91 : i32
    %ne3A_93 = arith.constant 0 : i32
    %ne3A_94 = arith.cmpi ne, %rem3A_92, %ne3A_93 : i32
    %lt3A_95 = arith.constant 0 : i32
    %lt3A_96 = arith.cmpi slt, %rem3A_92, %lt3A_95 : i32
    %lt3A_97 = arith.constant 0 : i32
    %lt3A_98 = arith.cmpi slt, %select_n3A_91, %lt3A_97 : i32
    %ne3A_99 = arith.xori %lt3A_96, %lt3A_98 : i1
    %and3A_100 = arith.andi %ne3A_99, %ne3A_94 : i1
    %add3A_101 = arith.addi %rem3A_92, %select_n3A_91 : i32
    %select_n3A_102 = arith.select %and3A_100, %add3A_101, %rem3A_92 : i32
    %mul3A_103 = arith.constant 512 : i32
    %mul3A_104 = arith.muli %select_n3A_102, %mul3A_103 : i32
    %dma_start3A_105 = arith.constant 1 : i32
    %dma_start3A_106 = arith.constant 0 : i32
    %dma_start3A_107 = arith.constant 0 : i32
    %dma_start3A_108 = tpu.memref_slice %arg5[%dma_start3A_105, %dma_start3A_106, %dma_start3A_107] : memref<2x32x512xf32, #tpu.memory_space<vmem>> -> memref<1x32x512xf32, #tpu.memory_space<vmem>>
    %dma_start3A_109 = tpu.memref_squeeze %dma_start3A_108 : memref<1x32x512xf32, #tpu.memory_space<vmem>> -> memref<32x512xf32, #tpu.memory_space<vmem>>
    %dma_start3A_110 = arith.constant 0 : i32
    %dma_start3A_111 = tpu.memref_slice %arg2[%select_n3A_86, %dma_start3A_110, %mul3A_104] : memref<26x32x100000xf32, #tpu.memory_space<hbm>> -> memref<1x32x512xf32, #tpu.memory_space<hbm>>
    %dma_start3A_112 = tpu.memref_squeeze %dma_start3A_111 : memref<1x32x512xf32, #tpu.memory_space<hbm>> -> memref<32x512xf32, #tpu.memory_space<hbm>>
    %dma_start3A_113 = arith.constant 0 : i32
    %dma_start3A_114 = arith.constant 0 : i32
    %dma_start3A_115 = tpu.memref_slice %arg5[%dma_start3A_105, %dma_start3A_113, %dma_start3A_114] : memref<2x32x512xf32, #tpu.memory_space<vmem>> -> memref<1x32x512xf32, #tpu.memory_space<vmem>>
    %dma_start3A_116 = tpu.memref_squeeze %dma_start3A_115 : memref<1x32x512xf32, #tpu.memory_space<vmem>> -> memref<32x512xf32, #tpu.memory_space<vmem>>
    %dma_start3A_117 = arith.constant 0 : i32
    %dma_start3A_118 = tpu.memref_slice %arg2[%select_n3A_86, %dma_start3A_117, %mul3A_104] : memref<26x32x100000xf32, #tpu.memory_space<hbm>> -> memref<1x32x512xf32, #tpu.memory_space<hbm>>
    %dma_start3A_119 = tpu.memref_squeeze %dma_start3A_118 : memref<1x32x512xf32, #tpu.memory_space<hbm>> -> memref<32x512xf32, #tpu.memory_space<hbm>>
    tpu.enqueue_dma source(%dma_start3A_119 : memref<32x512xf32, #tpu.memory_space<hbm>>) target(%dma_start3A_116 : memref<32x512xf32, #tpu.memory_space<vmem>>) target_semaphore(%arg8 : memref<!tpu.dma_semaphore, #tpu.memory_space<semaphore_mem>>)
    %scan3A = arith.constant 0 : i32
    %scan3A_120 = arith.constant 0 : i32
    %scan3A_121 = arith.constant 80 : i32
    %scan3A_122 = arith.addi %scan3A_120, %scan3A_121 : i32
    %scan3A_123 = arith.constant 1 : i32
    scf.for %scan3A_247 = %scan3A_120 to %scan3A_122 step %scan3A_123  : i32 {
      %mul3A_248 = arith.constant 2 : i32
      %mul3A_249 = arith.muli %mul3A_248, %scan3A_247 : i32
      %add3A_250 = arith.constant 0 : i32
      %add3A_251 = arith.addi %mul3A_249, %add3A_250 : i32
      %dma_wait3A_252 = arith.constant 0 : i32
      %dma_wait3A_253 = arith.constant 0 : i32
      %dma_wait3A_254 = arith.constant 0 : i32
      %dma_wait3A_255 = arith.constant 0 : i32
      %dma_wait3A_256 = tpu.memref_slice %arg5[%dma_wait3A_253, %dma_wait3A_254, %dma_wait3A_255] : memref<2x32x512xf32, #tpu.memory_space<vmem>> -> memref<1x32x512xf32, #tpu.memory_space<vmem>>
      %dma_wait3A_257 = tpu.memref_squeeze %dma_wait3A_256 : memref<1x32x512xf32, #tpu.memory_space<vmem>> -> memref<32x512xf32, #tpu.memory_space<vmem>>
      %dma_wait3A_258 = arith.constant 0 : i32
      %dma_wait3A_259 = arith.constant 0 : i32
      %dma_wait3A_260 = tpu.memref_slice %arg2[%dma_wait3A_252, %dma_wait3A_258, %dma_wait3A_259] : memref<26x32x100000xf32, #tpu.memory_space<hbm>> -> memref<1x32x512xf32, #tpu.memory_space<hbm>>
      %dma_wait3A_261 = tpu.memref_squeeze %dma_wait3A_260 : memref<1x32x512xf32, #tpu.memory_space<hbm>> -> memref<32x512xf32, #tpu.memory_space<hbm>>
      %dma_wait3A_262 = arith.constant 0 : i32
      %dma_wait3A_263 = arith.constant 0 : i32
      %dma_wait3A_264 = tpu.memref_slice %arg5[%dma_wait3A_253, %dma_wait3A_262, %dma_wait3A_263] : memref<2x32x512xf32, #tpu.memory_space<vmem>> -> memref<1x32x512xf32, #tpu.memory_space<vmem>>
      %dma_wait3A_265 = tpu.memref_squeeze %dma_wait3A_264 : memref<1x32x512xf32, #tpu.memory_space<vmem>> -> memref<32x512xf32, #tpu.memory_space<vmem>>
      %dma_wait3A_266 = arith.constant 0 : i32
      %dma_wait3A_267 = arith.constant 0 : i32
      %dma_wait3A_268 = tpu.memref_slice %arg2[%dma_wait3A_252, %dma_wait3A_266, %dma_wait3A_267] : memref<26x32x100000xf32, #tpu.memory_space<hbm>> -> memref<1x32x512xf32, #tpu.memory_space<hbm>>
      %dma_wait3A_269 = tpu.memref_squeeze %dma_wait3A_268 : memref<1x32x512xf32, #tpu.memory_space<hbm>> -> memref<32x512xf32, #tpu.memory_space<hbm>>
      tpu.wait_dma2 semaphore(%arg7 : memref<!tpu.dma_semaphore, #tpu.memory_space<semaphore_mem>>) src(%dma_wait3A_269 : memref<32x512xf32, #tpu.memory_space<hbm>>) dst(%dma_wait3A_265 : memref<32x512xf32, #tpu.memory_space<vmem>>)
      %gt3A = arith.constant 0 : i32
      %gt3A_270 = arith.cmpi sgt, %scan3A_247, %gt3A : i32
      %convert_element_type3A_271 = arith.extui %gt3A_270 : i1 to i32
      %cond3A_272 = arith.constant 0 : i32
      %cond3A_273 = arith.cmpi ne, %convert_element_type3A_271, %cond3A_272 : i32
      scf.if %cond3A_273 {
        %dma_wait3A_546 = arith.constant 0 : i32
        %dma_wait3A_547 = arith.constant 0 : i32
        %dma_wait3A_548 = arith.constant 0 : i32
        %dma_wait3A_549 = tpu.memref_slice %arg6[%dma_wait3A_546, %dma_wait3A_547, %dma_wait3A_548] : memref<2x32x512xf32, #tpu.memory_space<vmem>> -> memref<1x32x128xf32, #tpu.memory_space<vmem>>
        %dma_wait3A_550 = tpu.memref_squeeze %dma_wait3A_549 : memref<1x32x128xf32, #tpu.memory_space<vmem>> -> memref<32x128xf32, #tpu.memory_space<vmem>>
        %dma_wait3A_551 = arith.constant 0 : i32
        %dma_wait3A_552 = arith.constant 0 : i32
        %dma_wait3A_553 = tpu.memref_slice %arg4[%dma_wait3A_551, %dma_wait3A_552] : memref<650000x128xf32, #tpu.memory_space<hbm>> -> memref<32x128xf32, #tpu.memory_space<hbm>>
        %dma_wait3A_554 = arith.constant 0 : i32
        %dma_wait3A_555 = arith.constant 0 : i32
        %dma_wait3A_556 = tpu.memref_slice %arg4[%dma_wait3A_554, %dma_wait3A_555] : memref<650000x128xf32, #tpu.memory_space<hbm>> -> memref<32x128xf32, #tpu.memory_space<hbm>>
        %dma_wait3A_557 = arith.constant 0 : i32
        %dma_wait3A_558 = arith.constant 0 : i32
        %dma_wait3A_559 = tpu.memref_slice %arg6[%dma_wait3A_546, %dma_wait3A_557, %dma_wait3A_558] : memref<2x32x512xf32, #tpu.memory_space<vmem>> -> memref<1x32x128xf32, #tpu.memory_space<vmem>>
        %dma_wait3A_560 = tpu.memref_squeeze %dma_wait3A_559 : memref<1x32x128xf32, #tpu.memory_space<vmem>> -> memref<32x128xf32, #tpu.memory_space<vmem>>
        tpu.wait_dma2 semaphore(%arg9 : memref<!tpu.dma_semaphore, #tpu.memory_space<semaphore_mem>>) src(%dma_wait3A_560 : memref<32x128xf32, #tpu.memory_space<vmem>>) dst(%dma_wait3A_556 : memref<32x128xf32, #tpu.memory_space<hbm>>)
        %dma_wait3A_561 = arith.constant 0 : i32
        %dma_wait3A_562 = arith.constant 0 : i32
        %dma_wait3A_563 = arith.constant 0 : i32
        %dma_wait3A_564 = tpu.memref_slice %arg6[%dma_wait3A_561, %dma_wait3A_562, %dma_wait3A_563] : memref<2x32x512xf32, #tpu.memory_space<vmem>> -> memref<1x32x128xf32, #tpu.memory_space<vmem>>
        %dma_wait3A_565 = tpu.memref_squeeze %dma_wait3A_564 : memref<1x32x128xf32, #tpu.memory_space<vmem>> -> memref<32x128xf32, #tpu.memory_space<vmem>>
        %dma_wait3A_566 = arith.constant 0 : i32
        %dma_wait3A_567 = arith.constant 0 : i32
        %dma_wait3A_568 = tpu.memref_slice %arg4[%dma_wait3A_566, %dma_wait3A_567] : memref<650000x128xf32, #tpu.memory_space<hbm>> -> memref<32x128xf32, #tpu.memory_space<hbm>>
        %dma_wait3A_569 = arith.constant 0 : i32
        %dma_wait3A_570 = arith.constant 0 : i32
        %dma_wait3A_571 = tpu.memref_slice %arg4[%dma_wait3A_569, %dma_wait3A_570] : memref<650000x128xf32, #tpu.memory_space<hbm>> -> memref<32x128xf32, #tpu.memory_space<hbm>>
        %dma_wait3A_572 = arith.constant 0 : i32
        %dma_wait3A_573 = arith.constant 0 : i32
        %dma_wait3A_574 = tpu.memref_slice %arg6[%dma_wait3A_561, %dma_wait3A_572, %dma_wait3A_573] : memref<2x32x512xf32, #tpu.memory_space<vmem>> -> memref<1x32x128xf32, #tpu.memory_space<vmem>>
        %dma_wait3A_575 = tpu.memref_squeeze %dma_wait3A_574 : memref<1x32x128xf32, #tpu.memory_space<vmem>> -> memref<32x128xf32, #tpu.memory_space<vmem>>
        tpu.wait_dma2 semaphore(%arg9 : memref<!tpu.dma_semaphore, #tpu.memory_space<semaphore_mem>>) src(%dma_wait3A_575 : memref<32x128xf32, #tpu.memory_space<vmem>>) dst(%dma_wait3A_571 : memref<32x128xf32, #tpu.memory_space<hbm>>)
        %dma_wait3A_576 = arith.constant 0 : i32
        %dma_wait3A_577 = arith.constant 0 : i32
        %dma_wait3A_578 = arith.constant 0 : i32
        %dma_wait3A_579 = tpu.memref_slice %arg6[%dma_wait3A_576, %dma_wait3A_577, %dma_wait3A_578] : memref<2x32x512xf32, #tpu.memory_space<vmem>> -> memref<1x32x128xf32, #tpu.memory_space<vmem>>
        %dma_wait3A_580 = tpu.memref_squeeze %dma_wait3A_579 : memref<1x32x128xf32, #tpu.memory_space<vmem>> -> memref<32x128xf32, #tpu.memory_space<vmem>>
        %dma_wait3A_581 = arith.constant 0 : i32
        %dma_wait3A_582 = arith.constant 0 : i32
        %dma_wait3A_583 = tpu.memref_slice %arg4[%dma_wait3A_581, %dma_wait3A_582] : memref<650000x128xf32, #tpu.memory_space<hbm>> -> memref<32x128xf32, #tpu.memory_space<hbm>>
        %dma_wait3A_584 = arith.constant 0 : i32
        %dma_wait3A_585 = arith.constant 0 : i32
        %dma_wait3A_586 = tpu.memref_slice %arg4[%dma_wait3A_584, %dma_wait3A_585] : memref<650000x128xf32, #tpu.memory_space<hbm>> -> memref<32x128xf32, #tpu.memory_space<hbm>>
        %dma_wait3A_587 = arith.constant 0 : i32
        %dma_wait3A_588 = arith.constant 0 : i32
        %dma_wait3A_589 = tpu.memref_slice %arg6[%dma_wait3A_576, %dma_wait3A_587, %dma_wait3A_588] : memref<2x32x512xf32, #tpu.memory_space<vmem>> -> memref<1x32x128xf32, #tpu.memory_space<vmem>>
        %dma_wait3A_590 = tpu.memref_squeeze %dma_wait3A_589 : memref<1x32x128xf32, #tpu.memory_space<vmem>> -> memref<32x128xf32, #tpu.memory_space<vmem>>
        tpu.wait_dma2 semaphore(%arg9 : memref<!tpu.dma_semaphore, #tpu.memory_space<semaphore_mem>>) src(%dma_wait3A_590 : memref<32x128xf32, #tpu.memory_space<vmem>>) dst(%dma_wait3A_586 : memref<32x128xf32, #tpu.memory_space<hbm>>)
        %dma_wait3A_591 = arith.constant 0 : i32
        %dma_wait3A_592 = arith.constant 0 : i32
        %dma_wait3A_593 = arith.constant 0 : i32
        %dma_wait3A_594 = tpu.memref_slice %arg6[%dma_wait3A_591, %dma_wait3A_592, %dma_wait3A_593] : memref<2x32x512xf32, #tpu.memory_space<vmem>> -> memref<1x32x128xf32, #tpu.memory_space<vmem>>
        %dma_wait3A_595 = tpu.memref_squeeze %dma_wait3A_594 : memref<1x32x128xf32, #tpu.memory_space<vmem>> -> memref<32x128xf32, #tpu.memory_space<vmem>>
        %dma_wait3A_596 = arith.constant 0 : i32
        %dma_wait3A_597 = arith.constant 0 : i32
        %dma_wait3A_598 = tpu.memref_slice %arg4[%dma_wait3A_596, %dma_wait3A_597] : memref<650000x128xf32, #tpu.memory_space<hbm>> -> memref<32x128xf32, #tpu.memory_space<hbm>>
        %dma_wait3A_599 = arith.constant 0 : i32
        %dma_wait3A_600 = arith.constant 0 : i32
        %dma_wait3A_601 = tpu.memref_slice %arg4[%dma_wait3A_599, %dma_wait3A_600] : memref<650000x128xf32, #tpu.memory_space<hbm>> -> memref<32x128xf32, #tpu.memory_space<hbm>>
        %dma_wait3A_602 = arith.constant 0 : i32
        %dma_wait3A_603 = arith.constant 0 : i32
        %dma_wait3A_604 = tpu.memref_slice %arg6[%dma_wait3A_591, %dma_wait3A_602, %dma_wait3A_603] : memref<2x32x512xf32, #tpu.memory_space<vmem>> -> memref<1x32x128xf32, #tpu.memory_space<vmem>>
        %dma_wait3A_605 = tpu.memref_squeeze %dma_wait3A_604 : memref<1x32x128xf32, #tpu.memory_space<vmem>> -> memref<32x128xf32, #tpu.memory_space<vmem>>
        tpu.wait_dma2 semaphore(%arg9 : memref<!tpu.dma_semaphore, #tpu.memory_space<semaphore_mem>>) src(%dma_wait3A_605 : memref<32x128xf32, #tpu.memory_space<vmem>>) dst(%dma_wait3A_601 : memref<32x128xf32, #tpu.memory_space<hbm>>)
      } else {
      }
      %parallel_loop3A = arith.constant 0 : i32
      %parallel_loop3A_274 = arith.constant 128 : i32
      %parallel_loop3A_275 = arith.constant 1 : i32
      scf.for %parallel_loop3A_546 = %parallel_loop3A to %parallel_loop3A_274 step %parallel_loop3A_275  : i32 {
        %parallel_loop3A_547 = vector.broadcast %parallel_loop3A_546 : i32 to vector<16xi32>
        %parallel_loop3A_548 = arith.addi %mul3A_3, %parallel_loop3A_547 : vector<16xi32>
        %parallel_loop3A_549 = arith.constant 127 : i32
        %parallel_loop3A_550 = vector.broadcast %parallel_loop3A_549 : i32 to vector<16xi32>
        %parallel_loop3A_551 = arith.andi %parallel_loop3A_548, %parallel_loop3A_550 : vector<16xi32>
        %parallel_loop3A_552 = arith.constant 2 : i32
        %parallel_loop3A_553 = vector.broadcast %parallel_loop3A_552 : i32 to vector<16xi32>
        %parallel_loop3A_554 = arith.shrsi %parallel_loop3A_551, %parallel_loop3A_553 : vector<16xi32>
        %parallel_loop3A_555 = arith.constant 3 : i32
        %parallel_loop3A_556 = vector.broadcast %parallel_loop3A_555 : i32 to vector<16xi32>
        %parallel_loop3A_557 = arith.andi %parallel_loop3A_551, %parallel_loop3A_556 : vector<16xi32>
        %parallel_loop3A_558 = arith.constant 5 : i32
        %parallel_loop3A_559 = vector.broadcast %parallel_loop3A_558 : i32 to vector<16xi32>
        %parallel_loop3A_560 = arith.shli %parallel_loop3A_557, %parallel_loop3A_559 : vector<16xi32>
        %parallel_loop3A_561 = arith.addi %parallel_loop3A_560, %add3A_6 : vector<16xi32>
        %parallel_loop3A_562 = arith.constant 0 : i32
        %parallel_loop3A_563 = arith.constant 0 : i32
        %parallel_loop3A_564 = arith.constant 0 : i32
        %parallel_loop3A_565 = tpu.memref_slice %arg5[%parallel_loop3A_562, %parallel_loop3A_563, %parallel_loop3A_564] : memref<2x32x512xf32, #tpu.memory_space<vmem>> -> memref<1x32x512xf32, #tpu.memory_space<vmem>>
        %parallel_loop3A_566 = tpu.memref_squeeze %parallel_loop3A_565 : memref<1x32x512xf32, #tpu.memory_space<vmem>> -> memref<32x512xf32, #tpu.memory_space<vmem>>
        %parallel_loop3A_567 = tpu.vector_load_idx %parallel_loop3A_566[%add3A_6, %parallel_loop3A_551] : memref<32x512xf32, #tpu.memory_space<vmem>>[vector<16xi32>, vector<16xi32>], vector<16xf32>,
        %parallel_loop3A_568 = arith.constant 0 : i32
        %parallel_loop3A_569 = arith.constant 0 : i32
        %parallel_loop3A_570 = arith.constant 0 : i32
        %parallel_loop3A_571 = tpu.memref_slice %arg6[%parallel_loop3A_568, %parallel_loop3A_569, %parallel_loop3A_570] : memref<2x32x512xf32, #tpu.memory_space<vmem>> -> memref<1x32x512xf32, #tpu.memory_space<vmem>>
        %parallel_loop3A_572 = tpu.memref_squeeze %parallel_loop3A_571 : memref<1x32x512xf32, #tpu.memory_space<vmem>> -> memref<32x512xf32, #tpu.memory_space<vmem>>
        tpu.vector_store_idx %parallel_loop3A_572[%parallel_loop3A_554, %parallel_loop3A_561], %parallel_loop3A_567 : memref<32x512xf32, #tpu.memory_space<vmem>>[vector<16xi32>, vector<16xi32>], vector<16xf32>,
        %parallel_loop3A_573 = arith.constant 128 : i32
        %parallel_loop3A_574 = vector.broadcast %parallel_loop3A_573 : i32 to vector<16xi32>
        %parallel_loop3A_575 = arith.addi %parallel_loop3A_551, %parallel_loop3A_574 : vector<16xi32>
        %parallel_loop3A_576 = arith.constant 0 : i32
        %parallel_loop3A_577 = arith.constant 0 : i32
        %parallel_loop3A_578 = arith.constant 0 : i32
        %parallel_loop3A_579 = tpu.memref_slice %arg5[%parallel_loop3A_576, %parallel_loop3A_577, %parallel_loop3A_578] : memref<2x32x512xf32, #tpu.memory_space<vmem>> -> memref<1x32x512xf32, #tpu.memory_space<vmem>>
        %parallel_loop3A_580 = tpu.memref_squeeze %parallel_loop3A_579 : memref<1x32x512xf32, #tpu.memory_space<vmem>> -> memref<32x512xf32, #tpu.memory_space<vmem>>
        %parallel_loop3A_581 = tpu.vector_load_idx %parallel_loop3A_580[%add3A_6, %parallel_loop3A_575] : memref<32x512xf32, #tpu.memory_space<vmem>>[vector<16xi32>, vector<16xi32>], vector<16xf32>,
        %parallel_loop3A_582 = arith.constant 128 : i32
        %parallel_loop3A_583 = vector.broadcast %parallel_loop3A_582 : i32 to vector<16xi32>
        %parallel_loop3A_584 = arith.addi %parallel_loop3A_561, %parallel_loop3A_583 : vector<16xi32>
        %parallel_loop3A_585 = arith.constant 0 : i32
        %parallel_loop3A_586 = arith.constant 0 : i32
        %parallel_loop3A_587 = arith.constant 0 : i32
        %parallel_loop3A_588 = tpu.memref_slice %arg6[%parallel_loop3A_585, %parallel_loop3A_586, %parallel_loop3A_587] : memref<2x32x512xf32, #tpu.memory_space<vmem>> -> memref<1x32x512xf32, #tpu.memory_space<vmem>>
        %parallel_loop3A_589 = tpu.memref_squeeze %parallel_loop3A_588 : memref<1x32x512xf32, #tpu.memory_space<vmem>> -> memref<32x512xf32, #tpu.memory_space<vmem>>
        tpu.vector_store_idx %parallel_loop3A_589[%parallel_loop3A_554, %parallel_loop3A_584], %parallel_loop3A_581 : memref<32x512xf32, #tpu.memory_space<vmem>>[vector<16xi32>, vector<16xi32>], vector<16xf32>,
        %parallel_loop3A_590 = arith.constant 256 : i32
        %parallel_loop3A_591 = vector.broadcast %parallel_loop3A_590 : i32 to vector<16xi32>
        %parallel_loop3A_592 = arith.addi %parallel_loop3A_551, %parallel_loop3A_591 : vector<16xi32>
        %parallel_loop3A_593 = arith.constant 0 : i32
        %parallel_loop3A_594 = arith.constant 0 : i32
        %parallel_loop3A_595 = arith.constant 0 : i32
        %parallel_loop3A_596 = tpu.memref_slice %arg5[%parallel_loop3A_593, %parallel_loop3A_594, %parallel_loop3A_595] : memref<2x32x512xf32, #tpu.memory_space<vmem>> -> memref<1x32x512xf32, #tpu.memory_space<vmem>>
        %parallel_loop3A_597 = tpu.memref_squeeze %parallel_loop3A_596 : memref<1x32x512xf32, #tpu.memory_space<vmem>> -> memref<32x512xf32, #tpu.memory_space<vmem>>
        %parallel_loop3A_598 = tpu.vector_load_idx %parallel_loop3A_597[%add3A_6, %parallel_loop3A_592] : memref<32x512xf32, #tpu.memory_space<vmem>>[vector<16xi32>, vector<16xi32>], vector<16xf32>,
        %parallel_loop3A_599 = arith.constant 256 : i32
        %parallel_loop3A_600 = vector.broadcast %parallel_loop3A_599 : i32 to vector<16xi32>
        %parallel_loop3A_601 = arith.addi %parallel_loop3A_561, %parallel_loop3A_600 : vector<16xi32>
        %parallel_loop3A_602 = arith.constant 0 : i32
        %parallel_loop3A_603 = arith.constant 0 : i32
        %parallel_loop3A_604 = arith.constant 0 : i32
        %parallel_loop3A_605 = tpu.memref_slice %arg6[%parallel_loop3A_602, %parallel_loop3A_603, %parallel_loop3A_604] : memref<2x32x512xf32, #tpu.memory_space<vmem>> -> memref<1x32x512xf32, #tpu.memory_space<vmem>>
        %parallel_loop3A_606 = tpu.memref_squeeze %parallel_loop3A_605 : memref<1x32x512xf32, #tpu.memory_space<vmem>> -> memref<32x512xf32, #tpu.memory_space<vmem>>
        tpu.vector_store_idx %parallel_loop3A_606[%parallel_loop3A_554, %parallel_loop3A_601], %parallel_loop3A_598 : memref<32x512xf32, #tpu.memory_space<vmem>>[vector<16xi32>, vector<16xi32>], vector<16xf32>,
        %parallel_loop3A_607 = arith.constant 384 : i32
        %parallel_loop3A_608 = vector.broadcast %parallel_loop3A_607 : i32 to vector<16xi32>
        %parallel_loop3A_609 = arith.addi %parallel_loop3A_551, %parallel_loop3A_608 : vector<16xi32>
        %parallel_loop3A_610 = arith.constant 0 : i32
        %parallel_loop3A_611 = arith.constant 0 : i32
        %parallel_loop3A_612 = arith.constant 0 : i32
        %parallel_loop3A_613 = tpu.memref_slice %arg5[%parallel_loop3A_610, %parallel_loop3A_611, %parallel_loop3A_612] : memref<2x32x512xf32, #tpu.memory_space<vmem>> -> memref<1x32x512xf32, #tpu.memory_space<vmem>>
        %parallel_loop3A_614 = tpu.memref_squeeze %parallel_loop3A_613 : memref<1x32x512xf32, #tpu.memory_space<vmem>> -> memref<32x512xf32, #tpu.memory_space<vmem>>
        %parallel_loop3A_615 = tpu.vector_load_idx %parallel_loop3A_614[%add3A_6, %parallel_loop3A_609] : memref<32x512xf32, #tpu.memory_space<vmem>>[vector<16xi32>, vector<16xi32>], vector<16xf32>,
        %parallel_loop3A_616 = arith.constant 384 : i32
        %parallel_loop3A_617 = vector.broadcast %parallel_loop3A_616 : i32 to vector<16xi32>
        %parallel_loop3A_618 = arith.addi %parallel_loop3A_561, %parallel_loop3A_617 : vector<16xi32>
        %parallel_loop3A_619 = arith.constant 0 : i32
        %parallel_loop3A_620 = arith.constant 0 : i32
        %parallel_loop3A_621 = arith.constant 0 : i32
        %parallel_loop3A_622 = tpu.memref_slice %arg6[%parallel_loop3A_619, %parallel_loop3A_620, %parallel_loop3A_621] : memref<2x32x512xf32, #tpu.memory_space<vmem>> -> memref<1x32x512xf32, #tpu.memory_space<vmem>>
        %parallel_loop3A_623 = tpu.memref_squeeze %parallel_loop3A_622 : memref<1x32x512xf32, #tpu.memory_space<vmem>> -> memref<32x512xf32, #tpu.memory_space<vmem>>
        tpu.vector_store_idx %parallel_loop3A_623[%parallel_loop3A_554, %parallel_loop3A_618], %parallel_loop3A_615 : memref<32x512xf32, #tpu.memory_space<vmem>>[vector<16xi32>, vector<16xi32>], vector<16xf32>,
      } {sc.loop_unroll_factor = 8 : i64, sc.parallel_access}
      %parallel_loop3A_276 = arith.constant 0 : i32
      %parallel_loop3A_277 = arith.constant 128 : i32
      %parallel_loop3A_278 = arith.constant 1 : i32
      scf.for %parallel_loop3A_546 = %parallel_loop3A_276 to %parallel_loop3A_277 step %parallel_loop3A_278  : i32 {
        %parallel_loop3A_547 = vector.broadcast %parallel_loop3A_546 : i32 to vector<16xi32>
        %parallel_loop3A_548 = arith.addi %mul3A_3, %parallel_loop3A_547 : vector<16xi32>
        %parallel_loop3A_549 = arith.constant 127 : i32
        %parallel_loop3A_550 = vector.broadcast %parallel_loop3A_549 : i32 to vector<16xi32>
        %parallel_loop3A_551 = arith.andi %parallel_loop3A_548, %parallel_loop3A_550 : vector<16xi32>
        %parallel_loop3A_552 = arith.constant 2 : i32
        %parallel_loop3A_553 = vector.broadcast %parallel_loop3A_552 : i32 to vector<16xi32>
        %parallel_loop3A_554 = arith.shrsi %parallel_loop3A_551, %parallel_loop3A_553 : vector<16xi32>
        %parallel_loop3A_555 = arith.constant 3 : i32
        %parallel_loop3A_556 = vector.broadcast %parallel_loop3A_555 : i32 to vector<16xi32>
        %parallel_loop3A_557 = arith.andi %parallel_loop3A_551, %parallel_loop3A_556 : vector<16xi32>
        %parallel_loop3A_558 = arith.constant 5 : i32
        %parallel_loop3A_559 = vector.broadcast %parallel_loop3A_558 : i32 to vector<16xi32>
        %parallel_loop3A_560 = arith.shli %parallel_loop3A_557, %parallel_loop3A_559 : vector<16xi32>
        %parallel_loop3A_561 = arith.addi %parallel_loop3A_560, %add3A_9 : vector<16xi32>
        %parallel_loop3A_562 = arith.constant 0 : i32
        %parallel_loop3A_563 = arith.constant 0 : i32
        %parallel_loop3A_564 = arith.constant 0 : i32
        %parallel_loop3A_565 = tpu.memref_slice %arg5[%parallel_loop3A_562, %parallel_loop3A_563, %parallel_loop3A_564] : memref<2x32x512xf32, #tpu.memory_space<vmem>> -> memref<1x32x512xf32, #tpu.memory_space<vmem>>
        %parallel_loop3A_566 = tpu.memref_squeeze %parallel_loop3A_565 : memref<1x32x512xf32, #tpu.memory_space<vmem>> -> memref<32x512xf32, #tpu.memory_space<vmem>>
        %parallel_loop3A_567 = tpu.vector_load_idx %parallel_loop3A_566[%add3A_9, %parallel_loop3A_551] : memref<32x512xf32, #tpu.memory_space<vmem>>[vector<16xi32>, vector<16xi32>], vector<16xf32>,
        %parallel_loop3A_568 = arith.constant 0 : i32
        %parallel_loop3A_569 = arith.constant 0 : i32
        %parallel_loop3A_570 = arith.constant 0 : i32
        %parallel_loop3A_571 = tpu.memref_slice %arg6[%parallel_loop3A_568, %parallel_loop3A_569, %parallel_loop3A_570] : memref<2x32x512xf32, #tpu.memory_space<vmem>> -> memref<1x32x512xf32, #tpu.memory_space<vmem>>
        %parallel_loop3A_572 = tpu.memref_squeeze %parallel_loop3A_571 : memref<1x32x512xf32, #tpu.memory_space<vmem>> -> memref<32x512xf32, #tpu.memory_space<vmem>>
        tpu.vector_store_idx %parallel_loop3A_572[%parallel_loop3A_554, %parallel_loop3A_561], %parallel_loop3A_567 : memref<32x512xf32, #tpu.memory_space<vmem>>[vector<16xi32>, vector<16xi32>], vector<16xf32>,
        %parallel_loop3A_573 = arith.constant 128 : i32
        %parallel_loop3A_574 = vector.broadcast %parallel_loop3A_573 : i32 to vector<16xi32>
        %parallel_loop3A_575 = arith.addi %parallel_loop3A_551, %parallel_loop3A_574 : vector<16xi32>
        %parallel_loop3A_576 = arith.constant 0 : i32
        %parallel_loop3A_577 = arith.constant 0 : i32
        %parallel_loop3A_578 = arith.constant 0 : i32
        %parallel_loop3A_579 = tpu.memref_slice %arg5[%parallel_loop3A_576, %parallel_loop3A_577, %parallel_loop3A_578] : memref<2x32x512xf32, #tpu.memory_space<vmem>> -> memref<1x32x512xf32, #tpu.memory_space<vmem>>
        %parallel_loop3A_580 = tpu.memref_squeeze %parallel_loop3A_579 : memref<1x32x512xf32, #tpu.memory_space<vmem>> -> memref<32x512xf32, #tpu.memory_space<vmem>>
        %parallel_loop3A_581 = tpu.vector_load_idx %parallel_loop3A_580[%add3A_9, %parallel_loop3A_575] : memref<32x512xf32, #tpu.memory_space<vmem>>[vector<16xi32>, vector<16xi32>], vector<16xf32>,
        %parallel_loop3A_582 = arith.constant 128 : i32
        %parallel_loop3A_583 = vector.broadcast %parallel_loop3A_582 : i32 to vector<16xi32>
        %parallel_loop3A_584 = arith.addi %parallel_loop3A_561, %parallel_loop3A_583 : vector<16xi32>
        %parallel_loop3A_585 = arith.constant 0 : i32
        %parallel_loop3A_586 = arith.constant 0 : i32
        %parallel_loop3A_587 = arith.constant 0 : i32
        %parallel_loop3A_588 = tpu.memref_slice %arg6[%parallel_loop3A_585, %parallel_loop3A_586, %parallel_loop3A_587] : memref<2x32x512xf32, #tpu.memory_space<vmem>> -> memref<1x32x512xf32, #tpu.memory_space<vmem>>
        %parallel_loop3A_589 = tpu.memref_squeeze %parallel_loop3A_588 : memref<1x32x512xf32, #tpu.memory_space<vmem>> -> memref<32x512xf32, #tpu.memory_space<vmem>>
        tpu.vector_store_idx %parallel_loop3A_589[%parallel_loop3A_554, %parallel_loop3A_584], %parallel_loop3A_581 : memref<32x512xf32, #tpu.memory_space<vmem>>[vector<16xi32>, vector<16xi32>], vector<16xf32>,
        %parallel_loop3A_590 = arith.constant 256 : i32
        %parallel_loop3A_591 = vector.broadcast %parallel_loop3A_590 : i32 to vector<16xi32>
        %parallel_loop3A_592 = arith.addi %parallel_loop3A_551, %parallel_loop3A_591 : vector<16xi32>
        %parallel_loop3A_593 = arith.constant 0 : i32
        %parallel_loop3A_594 = arith.constant 0 : i32
        %parallel_loop3A_595 = arith.constant 0 : i32
        %parallel_loop3A_596 = tpu.memref_slice %arg5[%parallel_loop3A_593, %parallel_loop3A_594, %parallel_loop3A_595] : memref<2x32x512xf32, #tpu.memory_space<vmem>> -> memref<1x32x512xf32, #tpu.memory_space<vmem>>
        %parallel_loop3A_597 = tpu.memref_squeeze %parallel_loop3A_596 : memref<1x32x512xf32, #tpu.memory_space<vmem>> -> memref<32x512xf32, #tpu.memory_space<vmem>>
        %parallel_loop3A_598 = tpu.vector_load_idx %parallel_loop3A_597[%add3A_9, %parallel_loop3A_592] : memref<32x512xf32, #tpu.memory_space<vmem>>[vector<16xi32>, vector<16xi32>], vector<16xf32>,
        %parallel_loop3A_599 = arith.constant 256 : i32
        %parallel_loop3A_600 = vector.broadcast %parallel_loop3A_599 : i32 to vector<16xi32>
        %parallel_loop3A_601 = arith.addi %parallel_loop3A_561, %parallel_loop3A_600 : vector<16xi32>
        %parallel_loop3A_602 = arith.constant 0 : i32
        %parallel_loop3A_603 = arith.constant 0 : i32
        %parallel_loop3A_604 = arith.constant 0 : i32
        %parallel_loop3A_605 = tpu.memref_slice %arg6[%parallel_loop3A_602, %parallel_loop3A_603, %parallel_loop3A_604] : memref<2x32x512xf32, #tpu.memory_space<vmem>> -> memref<1x32x512xf32, #tpu.memory_space<vmem>>
        %parallel_loop3A_606 = tpu.memref_squeeze %parallel_loop3A_605 : memref<1x32x512xf32, #tpu.memory_space<vmem>> -> memref<32x512xf32, #tpu.memory_space<vmem>>
        tpu.vector_store_idx %parallel_loop3A_606[%parallel_loop3A_554, %parallel_loop3A_601], %parallel_loop3A_598 : memref<32x512xf32, #tpu.memory_space<vmem>>[vector<16xi32>, vector<16xi32>], vector<16xf32>,
        %parallel_loop3A_607 = arith.constant 384 : i32
        %parallel_loop3A_608 = vector.broadcast %parallel_loop3A_607 : i32 to vector<16xi32>
        %parallel_loop3A_609 = arith.addi %parallel_loop3A_551, %parallel_loop3A_608 : vector<16xi32>
        %parallel_loop3A_610 = arith.constant 0 : i32
        %parallel_loop3A_611 = arith.constant 0 : i32
        %parallel_loop3A_612 = arith.constant 0 : i32
        %parallel_loop3A_613 = tpu.memref_slice %arg5[%parallel_loop3A_610, %parallel_loop3A_611, %parallel_loop3A_612] : memref<2x32x512xf32, #tpu.memory_space<vmem>> -> memref<1x32x512xf32, #tpu.memory_space<vmem>>
        %parallel_loop3A_614 = tpu.memref_squeeze %parallel_loop3A_613 : memref<1x32x512xf32, #tpu.memory_space<vmem>> -> memref<32x512xf32, #tpu.memory_space<vmem>>
        %parallel_loop3A_615 = tpu.vector_load_idx %parallel_loop3A_614[%add3A_9, %parallel_loop3A_609] : memref<32x512xf32, #tpu.memory_space<vmem>>[vector<16xi32>, vector<16xi32>], vector<16xf32>,
        %parallel_loop3A_616 = arith.constant 384 : i32
        %parallel_loop3A_617 = vector.broadcast %parallel_loop3A_616 : i32 to vector<16xi32>
        %parallel_loop3A_618 = arith.addi %parallel_loop3A_561, %parallel_loop3A_617 : vector<16xi32>
        %parallel_loop3A_619 = arith.constant 0 : i32
        %parallel_loop3A_620 = arith.constant 0 : i32
        %parallel_loop3A_621 = arith.constant 0 : i32
        %parallel_loop3A_622 = tpu.memref_slice %arg6[%parallel_loop3A_619, %parallel_loop3A_620, %parallel_loop3A_621] : memref<2x32x512xf32, #tpu.memory_space<vmem>> -> memref<1x32x512xf32, #tpu.memory_space<vmem>>
        %parallel_loop3A_623 = tpu.memref_squeeze %parallel_loop3A_622 : memref<1x32x512xf32, #tpu.memory_space<vmem>> -> memref<32x512xf32, #tpu.memory_space<vmem>>
        tpu.vector_store_idx %parallel_loop3A_623[%parallel_loop3A_554, %parallel_loop3A_618], %parallel_loop3A_615 : memref<32x512xf32, #tpu.memory_space<vmem>>[vector<16xi32>, vector<16xi32>], vector<16xf32>,
      } {sc.loop_unroll_factor = 8 : i64, sc.parallel_access}
      %mul3A_279 = arith.constant 32 : i32
      %mul3A_280 = arith.muli %add3A_251, %mul3A_279 : i32
      %add3A_281 = arith.addi %add3A, %mul3A_280 : i32
      %min3A_282 = arith.constant 5069 : i32
      %min3A_283 = arith.minsi %add3A_281, %min3A_282 : i32
      %jit3A_284 = arith.constant 195 : i32
      %div3A_285 = arith.divsi %min3A_283, %jit3A_284 : i32
      %sign3A_286 = arith.constant 0 : i32
      %sign3A_287 = arith.cmpi sgt, %min3A_283, %sign3A_286 : i32
      %sign3A_288 = arith.extui %sign3A_287 : i1 to i32
      %sign3A_289 = arith.constant 0 : i32
      %sign3A_290 = arith.cmpi slt, %min3A_283, %sign3A_289 : i32
      %sign3A_291 = arith.extui %sign3A_290 : i1 to i32
      %sign3A_292 = arith.subi %sign3A_288, %sign3A_291 : i32
      %sign3A_293 = arith.constant 0 : i32
      %sign3A_294 = arith.cmpi sgt, %jit3A_284, %sign3A_293 : i32
      %sign3A_295 = arith.extui %sign3A_294 : i1 to i32
      %sign3A_296 = arith.constant 0 : i32
      %sign3A_297 = arith.cmpi slt, %jit3A_284, %sign3A_296 : i32
      %sign3A_298 = arith.extui %sign3A_297 : i1 to i32
      %sign3A_299 = arith.subi %sign3A_295, %sign3A_298 : i32
      %ne3A_300 = arith.cmpi ne, %sign3A_292, %sign3A_299 : i32
      %rem3A_301 = arith.remsi %min3A_283, %jit3A_284 : i32
      %ne3A_302 = arith.constant 0 : i32
      %ne3A_303 = arith.cmpi ne, %rem3A_301, %ne3A_302 : i32
      %and3A_304 = arith.andi %ne3A_300, %ne3A_303 : i1
      %sub3A_305 = arith.constant 1 : i32
      %sub3A_306 = arith.subi %div3A_285, %sub3A_305 : i32
      %select_n3A_307 = arith.select %and3A_304, %sub3A_306, %div3A_285 : i32
      %jit3A_308 = arith.constant 195 : i32
      %eq3A_309 = arith.constant 0 : i32
      %eq3A_310 = arith.cmpi eq, %jit3A_308, %eq3A_309 : i32
      %jit3A_311 = arith.constant 1 : i32
      %select_n3A_312 = arith.select %eq3A_310, %jit3A_311, %jit3A_308 : i32
      %rem3A_313 = arith.remsi %min3A_283, %select_n3A_312 : i32
      %ne3A_314 = arith.constant 0 : i32
      %ne3A_315 = arith.cmpi ne, %rem3A_313, %ne3A_314 : i32
      %lt3A_316 = arith.constant 0 : i32
      %lt3A_317 = arith.cmpi slt, %rem3A_313, %lt3A_316 : i32
      %lt3A_318 = arith.constant 0 : i32
      %lt3A_319 = arith.cmpi slt, %select_n3A_312, %lt3A_318 : i32
      %ne3A_320 = arith.xori %lt3A_317, %lt3A_319 : i1
      %and3A_321 = arith.andi %ne3A_320, %ne3A_315 : i1
      %add3A_322 = arith.addi %rem3A_313, %select_n3A_312 : i32
      %select_n3A_323 = arith.select %and3A_321, %add3A_322, %rem3A_313 : i32
      %mul3A_324 = arith.constant 25000 : i32
      %mul3A_325 = arith.muli %select_n3A_307, %mul3A_324 : i32
      %mul3A_326 = arith.constant 128 : i32
      %mul3A_327 = arith.muli %select_n3A_323, %mul3A_326 : i32
      %add3A_328 = arith.addi %mul3A_325, %mul3A_327 : i32
      %add3A_329 = arith.constant 0 : i32
      %add3A_330 = arith.addi %add3A_328, %add3A_329 : i32
      %dma_start3A_331 = arith.constant 0 : i32
      %dma_start3A_332 = arith.constant 0 : i32
      %dma_start3A_333 = arith.constant 0 : i32
      %dma_start3A_334 = tpu.memref_slice %arg6[%dma_start3A_331, %dma_start3A_332, %dma_start3A_333] : memref<2x32x512xf32, #tpu.memory_space<vmem>> -> memref<1x32x128xf32, #tpu.memory_space<vmem>>
      %dma_start3A_335 = tpu.memref_squeeze %dma_start3A_334 : memref<1x32x128xf32, #tpu.memory_space<vmem>> -> memref<32x128xf32, #tpu.memory_space<vmem>>
      %dma_start3A_336 = arith.constant 0 : i32
      %dma_start3A_337 = tpu.memref_slice %arg4[%add3A_330, %dma_start3A_336] : memref<650000x128xf32, #tpu.memory_space<hbm>> -> memref<32x128xf32, #tpu.memory_space<hbm>>
      %dma_start3A_338 = arith.constant 0 : i32
      %dma_start3A_339 = tpu.memref_slice %arg4[%add3A_330, %dma_start3A_338] : memref<650000x128xf32, #tpu.memory_space<hbm>> -> memref<32x128xf32, #tpu.memory_space<hbm>>
      %dma_start3A_340 = arith.constant 0 : i32
      %dma_start3A_341 = arith.constant 0 : i32
      %dma_start3A_342 = tpu.memref_slice %arg6[%dma_start3A_331, %dma_start3A_340, %dma_start3A_341] : memref<2x32x512xf32, #tpu.memory_space<vmem>> -> memref<1x32x128xf32, #tpu.memory_space<vmem>>
      %dma_start3A_343 = tpu.memref_squeeze %dma_start3A_342 : memref<1x32x128xf32, #tpu.memory_space<vmem>> -> memref<32x128xf32, #tpu.memory_space<vmem>>
      tpu.enqueue_dma source(%dma_start3A_343 : memref<32x128xf32, #tpu.memory_space<vmem>>) target(%dma_start3A_339 : memref<32x128xf32, #tpu.memory_space<hbm>>) target_semaphore(%arg9 : memref<!tpu.dma_semaphore, #tpu.memory_space<semaphore_mem>>)
      %add3A_344 = arith.constant 32 : i32
      %add3A_345 = arith.addi %add3A_328, %add3A_344 : i32
      %dma_start3A_346 = arith.constant 0 : i32
      %dma_start3A_347 = arith.constant 0 : i32
      %dma_start3A_348 = arith.constant 128 : i32
      %dma_start3A_349 = tpu.memref_slice %arg6[%dma_start3A_346, %dma_start3A_347, %dma_start3A_348] : memref<2x32x512xf32, #tpu.memory_space<vmem>> -> memref<1x32x128xf32, #tpu.memory_space<vmem>>
      %dma_start3A_350 = tpu.memref_squeeze %dma_start3A_349 : memref<1x32x128xf32, #tpu.memory_space<vmem>> -> memref<32x128xf32, #tpu.memory_space<vmem>>
      %dma_start3A_351 = arith.constant 0 : i32
      %dma_start3A_352 = tpu.memref_slice %arg4[%add3A_345, %dma_start3A_351] : memref<650000x128xf32, #tpu.memory_space<hbm>> -> memref<32x128xf32, #tpu.memory_space<hbm>>
      %dma_start3A_353 = arith.constant 0 : i32
      %dma_start3A_354 = tpu.memref_slice %arg4[%add3A_345, %dma_start3A_353] : memref<650000x128xf32, #tpu.memory_space<hbm>> -> memref<32x128xf32, #tpu.memory_space<hbm>>
      %dma_start3A_355 = arith.constant 0 : i32
      %dma_start3A_356 = arith.constant 128 : i32
      %dma_start3A_357 = tpu.memref_slice %arg6[%dma_start3A_346, %dma_start3A_355, %dma_start3A_356] : memref<2x32x512xf32, #tpu.memory_space<vmem>> -> memref<1x32x128xf32, #tpu.memory_space<vmem>>
      %dma_start3A_358 = tpu.memref_squeeze %dma_start3A_357 : memref<1x32x128xf32, #tpu.memory_space<vmem>> -> memref<32x128xf32, #tpu.memory_space<vmem>>
      tpu.enqueue_dma source(%dma_start3A_358 : memref<32x128xf32, #tpu.memory_space<vmem>>) target(%dma_start3A_354 : memref<32x128xf32, #tpu.memory_space<hbm>>) target_semaphore(%arg9 : memref<!tpu.dma_semaphore, #tpu.memory_space<semaphore_mem>>)
      %add3A_359 = arith.constant 64 : i32
      %add3A_360 = arith.addi %add3A_328, %add3A_359 : i32
      %dma_start3A_361 = arith.constant 0 : i32
      %dma_start3A_362 = arith.constant 0 : i32
      %dma_start3A_363 = arith.constant 256 : i32
      %dma_start3A_364 = tpu.memref_slice %arg6[%dma_start3A_361, %dma_start3A_362, %dma_start3A_363] : memref<2x32x512xf32, #tpu.memory_space<vmem>> -> memref<1x32x128xf32, #tpu.memory_space<vmem>>
      %dma_start3A_365 = tpu.memref_squeeze %dma_start3A_364 : memref<1x32x128xf32, #tpu.memory_space<vmem>> -> memref<32x128xf32, #tpu.memory_space<vmem>>
      %dma_start3A_366 = arith.constant 0 : i32
      %dma_start3A_367 = tpu.memref_slice %arg4[%add3A_360, %dma_start3A_366] : memref<650000x128xf32, #tpu.memory_space<hbm>> -> memref<32x128xf32, #tpu.memory_space<hbm>>
      %dma_start3A_368 = arith.constant 0 : i32
      %dma_start3A_369 = tpu.memref_slice %arg4[%add3A_360, %dma_start3A_368] : memref<650000x128xf32, #tpu.memory_space<hbm>> -> memref<32x128xf32, #tpu.memory_space<hbm>>
      %dma_start3A_370 = arith.constant 0 : i32
      %dma_start3A_371 = arith.constant 256 : i32
      %dma_start3A_372 = tpu.memref_slice %arg6[%dma_start3A_361, %dma_start3A_370, %dma_start3A_371] : memref<2x32x512xf32, #tpu.memory_space<vmem>> -> memref<1x32x128xf32, #tpu.memory_space<vmem>>
      %dma_start3A_373 = tpu.memref_squeeze %dma_start3A_372 : memref<1x32x128xf32, #tpu.memory_space<vmem>> -> memref<32x128xf32, #tpu.memory_space<vmem>>
      tpu.enqueue_dma source(%dma_start3A_373 : memref<32x128xf32, #tpu.memory_space<vmem>>) target(%dma_start3A_369 : memref<32x128xf32, #tpu.memory_space<hbm>>) target_semaphore(%arg9 : memref<!tpu.dma_semaphore, #tpu.memory_space<semaphore_mem>>)
      %add3A_374 = arith.constant 96 : i32
      %add3A_375 = arith.addi %add3A_328, %add3A_374 : i32
      %dma_start3A_376 = arith.constant 0 : i32
      %dma_start3A_377 = arith.constant 0 : i32
      %dma_start3A_378 = arith.constant 384 : i32
      %dma_start3A_379 = tpu.memref_slice %arg6[%dma_start3A_376, %dma_start3A_377, %dma_start3A_378] : memref<2x32x512xf32, #tpu.memory_space<vmem>> -> memref<1x32x128xf32, #tpu.memory_space<vmem>>
      %dma_start3A_380 = tpu.memref_squeeze %dma_start3A_379 : memref<1x32x128xf32, #tpu.memory_space<vmem>> -> memref<32x128xf32, #tpu.memory_space<vmem>>
      %dma_start3A_381 = arith.constant 0 : i32
      %dma_start3A_382 = tpu.memref_slice %arg4[%add3A_375, %dma_start3A_381] : memref<650000x128xf32, #tpu.memory_space<hbm>> -> memref<32x128xf32, #tpu.memory_space<hbm>>
      %dma_start3A_383 = arith.constant 0 : i32
      %dma_start3A_384 = tpu.memref_slice %arg4[%add3A_375, %dma_start3A_383] : memref<650000x128xf32, #tpu.memory_space<hbm>> -> memref<32x128xf32, #tpu.memory_space<hbm>>
      %dma_start3A_385 = arith.constant 0 : i32
      %dma_start3A_386 = arith.constant 384 : i32
      %dma_start3A_387 = tpu.memref_slice %arg6[%dma_start3A_376, %dma_start3A_385, %dma_start3A_386] : memref<2x32x512xf32, #tpu.memory_space<vmem>> -> memref<1x32x128xf32, #tpu.memory_space<vmem>>
      %dma_start3A_388 = tpu.memref_squeeze %dma_start3A_387 : memref<1x32x128xf32, #tpu.memory_space<vmem>> -> memref<32x128xf32, #tpu.memory_space<vmem>>
      tpu.enqueue_dma source(%dma_start3A_388 : memref<32x128xf32, #tpu.memory_space<vmem>>) target(%dma_start3A_384 : memref<32x128xf32, #tpu.memory_space<hbm>>) target_semaphore(%arg9 : memref<!tpu.dma_semaphore, #tpu.memory_space<semaphore_mem>>)
      %add3A_389 = arith.constant 2 : i32
      %add3A_390 = arith.addi %add3A_251, %add3A_389 : i32
      %lt3A_391 = arith.constant 160 : i32
      %lt3A_392 = arith.cmpi slt, %add3A_390, %lt3A_391 : i32
      %convert_element_type3A_393 = arith.extui %lt3A_392 : i1 to i32
      %cond3A_394 = arith.constant 0 : i32
      %cond3A_395 = arith.cmpi ne, %convert_element_type3A_393, %cond3A_394 : i32
      scf.if %cond3A_395 {
        %add3A_546 = arith.constant 2 : i32
        %add3A_547 = arith.addi %add3A_251, %add3A_546 : i32
        %mul3A_548 = arith.constant 32 : i32
        %mul3A_549 = arith.muli %add3A_547, %mul3A_548 : i32
        %add3A_550 = arith.addi %add3A, %mul3A_549 : i32
        %min3A_551 = arith.constant 5069 : i32
        %min3A_552 = arith.minsi %add3A_550, %min3A_551 : i32
        %jit3A_553 = arith.constant 195 : i32
        %div3A_554 = arith.divsi %min3A_552, %jit3A_553 : i32
        %sign3A_555 = arith.constant 0 : i32
        %sign3A_556 = arith.cmpi sgt, %min3A_552, %sign3A_555 : i32
        %sign3A_557 = arith.extui %sign3A_556 : i1 to i32
        %sign3A_558 = arith.constant 0 : i32
        %sign3A_559 = arith.cmpi slt, %min3A_552, %sign3A_558 : i32
        %sign3A_560 = arith.extui %sign3A_559 : i1 to i32
        %sign3A_561 = arith.subi %sign3A_557, %sign3A_560 : i32
        %sign3A_562 = arith.constant 0 : i32
        %sign3A_563 = arith.cmpi sgt, %jit3A_553, %sign3A_562 : i32
        %sign3A_564 = arith.extui %sign3A_563 : i1 to i32
        %sign3A_565 = arith.constant 0 : i32
        %sign3A_566 = arith.cmpi slt, %jit3A_553, %sign3A_565 : i32
        %sign3A_567 = arith.extui %sign3A_566 : i1 to i32
        %sign3A_568 = arith.subi %sign3A_564, %sign3A_567 : i32
        %ne3A_569 = arith.cmpi ne, %sign3A_561, %sign3A_568 : i32
        %rem3A_570 = arith.remsi %min3A_552, %jit3A_553 : i32
        %ne3A_571 = arith.constant 0 : i32
        %ne3A_572 = arith.cmpi ne, %rem3A_570, %ne3A_571 : i32
        %and3A_573 = arith.andi %ne3A_569, %ne3A_572 : i1
        %sub3A_574 = arith.constant 1 : i32
        %sub3A_575 = arith.subi %div3A_554, %sub3A_574 : i32
        %select_n3A_576 = arith.select %and3A_573, %sub3A_575, %div3A_554 : i32
        %jit3A_577 = arith.constant 195 : i32
        %eq3A_578 = arith.constant 0 : i32
        %eq3A_579 = arith.cmpi eq, %jit3A_577, %eq3A_578 : i32
        %jit3A_580 = arith.constant 1 : i32
        %select_n3A_581 = arith.select %eq3A_579, %jit3A_580, %jit3A_577 : i32
        %rem3A_582 = arith.remsi %min3A_552, %select_n3A_581 : i32
        %ne3A_583 = arith.constant 0 : i32
        %ne3A_584 = arith.cmpi ne, %rem3A_582, %ne3A_583 : i32
        %lt3A_585 = arith.constant 0 : i32
        %lt3A_586 = arith.cmpi slt, %rem3A_582, %lt3A_585 : i32
        %lt3A_587 = arith.constant 0 : i32
        %lt3A_588 = arith.cmpi slt, %select_n3A_581, %lt3A_587 : i32
        %ne3A_589 = arith.xori %lt3A_586, %lt3A_588 : i1
        %and3A_590 = arith.andi %ne3A_589, %ne3A_584 : i1
        %add3A_591 = arith.addi %rem3A_582, %select_n3A_581 : i32
        %select_n3A_592 = arith.select %and3A_590, %add3A_591, %rem3A_582 : i32
        %mul3A_593 = arith.constant 512 : i32
        %mul3A_594 = arith.muli %select_n3A_592, %mul3A_593 : i32
        %dma_start3A_595 = arith.constant 0 : i32
        %dma_start3A_596 = arith.constant 0 : i32
        %dma_start3A_597 = arith.constant 0 : i32
        %dma_start3A_598 = tpu.memref_slice %arg5[%dma_start3A_595, %dma_start3A_596, %dma_start3A_597] : memref<2x32x512xf32, #tpu.memory_space<vmem>> -> memref<1x32x512xf32, #tpu.memory_space<vmem>>
        %dma_start3A_599 = tpu.memref_squeeze %dma_start3A_598 : memref<1x32x512xf32, #tpu.memory_space<vmem>> -> memref<32x512xf32, #tpu.memory_space<vmem>>
        %dma_start3A_600 = arith.constant 0 : i32
        %dma_start3A_601 = tpu.memref_slice %arg2[%select_n3A_576, %dma_start3A_600, %mul3A_594] : memref<26x32x100000xf32, #tpu.memory_space<hbm>> -> memref<1x32x512xf32, #tpu.memory_space<hbm>>
        %dma_start3A_602 = tpu.memref_squeeze %dma_start3A_601 : memref<1x32x512xf32, #tpu.memory_space<hbm>> -> memref<32x512xf32, #tpu.memory_space<hbm>>
        %dma_start3A_603 = arith.constant 0 : i32
        %dma_start3A_604 = arith.constant 0 : i32
        %dma_start3A_605 = tpu.memref_slice %arg5[%dma_start3A_595, %dma_start3A_603, %dma_start3A_604] : memref<2x32x512xf32, #tpu.memory_space<vmem>> -> memref<1x32x512xf32, #tpu.memory_space<vmem>>
        %dma_start3A_606 = tpu.memref_squeeze %dma_start3A_605 : memref<1x32x512xf32, #tpu.memory_space<vmem>> -> memref<32x512xf32, #tpu.memory_space<vmem>>
        %dma_start3A_607 = arith.constant 0 : i32
        %dma_start3A_608 = tpu.memref_slice %arg2[%select_n3A_576, %dma_start3A_607, %mul3A_594] : memref<26x32x100000xf32, #tpu.memory_space<hbm>> -> memref<1x32x512xf32, #tpu.memory_space<hbm>>
        %dma_start3A_609 = tpu.memref_squeeze %dma_start3A_608 : memref<1x32x512xf32, #tpu.memory_space<hbm>> -> memref<32x512xf32, #tpu.memory_space<hbm>>
        tpu.enqueue_dma source(%dma_start3A_609 : memref<32x512xf32, #tpu.memory_space<hbm>>) target(%dma_start3A_606 : memref<32x512xf32, #tpu.memory_space<vmem>>) target_semaphore(%arg7 : memref<!tpu.dma_semaphore, #tpu.memory_space<semaphore_mem>>)
      } else {
      }
      %mul3A_396 = arith.constant 2 : i32
      %mul3A_397 = arith.muli %mul3A_396, %scan3A_247 : i32
      %add3A_398 = arith.constant 1 : i32
      %add3A_399 = arith.addi %mul3A_397, %add3A_398 : i32
      %dma_wait3A_400 = arith.constant 0 : i32
      %dma_wait3A_401 = arith.constant 1 : i32
      %dma_wait3A_402 = arith.constant 0 : i32
      %dma_wait3A_403 = arith.constant 0 : i32
      %dma_wait3A_404 = tpu.memref_slice %arg5[%dma_wait3A_401, %dma_wait3A_402, %dma_wait3A_403] : memref<2x32x512xf32, #tpu.memory_space<vmem>> -> memref<1x32x512xf32, #tpu.memory_space<vmem>>
      %dma_wait3A_405 = tpu.memref_squeeze %dma_wait3A_404 : memref<1x32x512xf32, #tpu.memory_space<vmem>> -> memref<32x512xf32, #tpu.memory_space<vmem>>
      %dma_wait3A_406 = arith.constant 0 : i32
      %dma_wait3A_407 = arith.constant 0 : i32
      %dma_wait3A_408 = tpu.memref_slice %arg2[%dma_wait3A_400, %dma_wait3A_406, %dma_wait3A_407] : memref<26x32x100000xf32, #tpu.memory_space<hbm>> -> memref<1x32x512xf32, #tpu.memory_space<hbm>>
      %dma_wait3A_409 = tpu.memref_squeeze %dma_wait3A_408 : memref<1x32x512xf32, #tpu.memory_space<hbm>> -> memref<32x512xf32, #tpu.memory_space<hbm>>
      %dma_wait3A_410 = arith.constant 0 : i32
      %dma_wait3A_411 = arith.constant 0 : i32
      %dma_wait3A_412 = tpu.memref_slice %arg5[%dma_wait3A_401, %dma_wait3A_410, %dma_wait3A_411] : memref<2x32x512xf32, #tpu.memory_space<vmem>> -> memref<1x32x512xf32, #tpu.memory_space<vmem>>
      %dma_wait3A_413 = tpu.memref_squeeze %dma_wait3A_412 : memref<1x32x512xf32, #tpu.memory_space<vmem>> -> memref<32x512xf32, #tpu.memory_space<vmem>>
      %dma_wait3A_414 = arith.constant 0 : i32
      %dma_wait3A_415 = arith.constant 0 : i32
      %dma_wait3A_416 = tpu.memref_slice %arg2[%dma_wait3A_400, %dma_wait3A_414, %dma_wait3A_415] : memref<26x32x100000xf32, #tpu.memory_space<hbm>> -> memref<1x32x512xf32, #tpu.memory_space<hbm>>
      %dma_wait3A_417 = tpu.memref_squeeze %dma_wait3A_416 : memref<1x32x512xf32, #tpu.memory_space<hbm>> -> memref<32x512xf32, #tpu.memory_space<hbm>>
      tpu.wait_dma2 semaphore(%arg8 : memref<!tpu.dma_semaphore, #tpu.memory_space<semaphore_mem>>) src(%dma_wait3A_417 : memref<32x512xf32, #tpu.memory_space<hbm>>) dst(%dma_wait3A_413 : memref<32x512xf32, #tpu.memory_space<vmem>>)
      %gt3A_418 = arith.constant 0 : i32
      %gt3A_419 = arith.cmpi sgt, %scan3A_247, %gt3A_418 : i32
      %convert_element_type3A_420 = arith.extui %gt3A_419 : i1 to i32
      %cond3A_421 = arith.constant 0 : i32
      %cond3A_422 = arith.cmpi ne, %convert_element_type3A_420, %cond3A_421 : i32
      scf.if %cond3A_422 {
        %dma_wait3A_546 = arith.constant 1 : i32
        %dma_wait3A_547 = arith.constant 0 : i32
        %dma_wait3A_548 = arith.constant 0 : i32
        %dma_wait3A_549 = tpu.memref_slice %arg6[%dma_wait3A_546, %dma_wait3A_547, %dma_wait3A_548] : memref<2x32x512xf32, #tpu.memory_space<vmem>> -> memref<1x32x128xf32, #tpu.memory_space<vmem>>
        %dma_wait3A_550 = tpu.memref_squeeze %dma_wait3A_549 : memref<1x32x128xf32, #tpu.memory_space<vmem>> -> memref<32x128xf32, #tpu.memory_space<vmem>>
        %dma_wait3A_551 = arith.constant 0 : i32
        %dma_wait3A_552 = arith.constant 0 : i32
        %dma_wait3A_553 = tpu.memref_slice %arg4[%dma_wait3A_551, %dma_wait3A_552] : memref<650000x128xf32, #tpu.memory_space<hbm>> -> memref<32x128xf32, #tpu.memory_space<hbm>>
        %dma_wait3A_554 = arith.constant 0 : i32
        %dma_wait3A_555 = arith.constant 0 : i32
        %dma_wait3A_556 = tpu.memref_slice %arg4[%dma_wait3A_554, %dma_wait3A_555] : memref<650000x128xf32, #tpu.memory_space<hbm>> -> memref<32x128xf32, #tpu.memory_space<hbm>>
        %dma_wait3A_557 = arith.constant 0 : i32
        %dma_wait3A_558 = arith.constant 0 : i32
        %dma_wait3A_559 = tpu.memref_slice %arg6[%dma_wait3A_546, %dma_wait3A_557, %dma_wait3A_558] : memref<2x32x512xf32, #tpu.memory_space<vmem>> -> memref<1x32x128xf32, #tpu.memory_space<vmem>>
        %dma_wait3A_560 = tpu.memref_squeeze %dma_wait3A_559 : memref<1x32x128xf32, #tpu.memory_space<vmem>> -> memref<32x128xf32, #tpu.memory_space<vmem>>
        tpu.wait_dma2 semaphore(%arg10 : memref<!tpu.dma_semaphore, #tpu.memory_space<semaphore_mem>>) src(%dma_wait3A_560 : memref<32x128xf32, #tpu.memory_space<vmem>>) dst(%dma_wait3A_556 : memref<32x128xf32, #tpu.memory_space<hbm>>)
        %dma_wait3A_561 = arith.constant 1 : i32
        %dma_wait3A_562 = arith.constant 0 : i32
        %dma_wait3A_563 = arith.constant 0 : i32
        %dma_wait3A_564 = tpu.memref_slice %arg6[%dma_wait3A_561, %dma_wait3A_562, %dma_wait3A_563] : memref<2x32x512xf32, #tpu.memory_space<vmem>> -> memref<1x32x128xf32, #tpu.memory_space<vmem>>
        %dma_wait3A_565 = tpu.memref_squeeze %dma_wait3A_564 : memref<1x32x128xf32, #tpu.memory_space<vmem>> -> memref<32x128xf32, #tpu.memory_space<vmem>>
        %dma_wait3A_566 = arith.constant 0 : i32
        %dma_wait3A_567 = arith.constant 0 : i32
        %dma_wait3A_568 = tpu.memref_slice %arg4[%dma_wait3A_566, %dma_wait3A_567] : memref<650000x128xf32, #tpu.memory_space<hbm>> -> memref<32x128xf32, #tpu.memory_space<hbm>>
        %dma_wait3A_569 = arith.constant 0 : i32
        %dma_wait3A_570 = arith.constant 0 : i32
        %dma_wait3A_571 = tpu.memref_slice %arg4[%dma_wait3A_569, %dma_wait3A_570] : memref<650000x128xf32, #tpu.memory_space<hbm>> -> memref<32x128xf32, #tpu.memory_space<hbm>>
        %dma_wait3A_572 = arith.constant 0 : i32
        %dma_wait3A_573 = arith.constant 0 : i32
        %dma_wait3A_574 = tpu.memref_slice %arg6[%dma_wait3A_561, %dma_wait3A_572, %dma_wait3A_573] : memref<2x32x512xf32, #tpu.memory_space<vmem>> -> memref<1x32x128xf32, #tpu.memory_space<vmem>>
        %dma_wait3A_575 = tpu.memref_squeeze %dma_wait3A_574 : memref<1x32x128xf32, #tpu.memory_space<vmem>> -> memref<32x128xf32, #tpu.memory_space<vmem>>
        tpu.wait_dma2 semaphore(%arg10 : memref<!tpu.dma_semaphore, #tpu.memory_space<semaphore_mem>>) src(%dma_wait3A_575 : memref<32x128xf32, #tpu.memory_space<vmem>>) dst(%dma_wait3A_571 : memref<32x128xf32, #tpu.memory_space<hbm>>)
        %dma_wait3A_576 = arith.constant 1 : i32
        %dma_wait3A_577 = arith.constant 0 : i32
        %dma_wait3A_578 = arith.constant 0 : i32
        %dma_wait3A_579 = tpu.memref_slice %arg6[%dma_wait3A_576, %dma_wait3A_577, %dma_wait3A_578] : memref<2x32x512xf32, #tpu.memory_space<vmem>> -> memref<1x32x128xf32, #tpu.memory_space<vmem>>
        %dma_wait3A_580 = tpu.memref_squeeze %dma_wait3A_579 : memref<1x32x128xf32, #tpu.memory_space<vmem>> -> memref<32x128xf32, #tpu.memory_space<vmem>>
        %dma_wait3A_581 = arith.constant 0 : i32
        %dma_wait3A_582 = arith.constant 0 : i32
        %dma_wait3A_583 = tpu.memref_slice %arg4[%dma_wait3A_581, %dma_wait3A_582] : memref<650000x128xf32, #tpu.memory_space<hbm>> -> memref<32x128xf32, #tpu.memory_space<hbm>>
        %dma_wait3A_584 = arith.constant 0 : i32
        %dma_wait3A_585 = arith.constant 0 : i32
        %dma_wait3A_586 = tpu.memref_slice %arg4[%dma_wait3A_584, %dma_wait3A_585] : memref<650000x128xf32, #tpu.memory_space<hbm>> -> memref<32x128xf32, #tpu.memory_space<hbm>>
        %dma_wait3A_587 = arith.constant 0 : i32
        %dma_wait3A_588 = arith.constant 0 : i32
        %dma_wait3A_589 = tpu.memref_slice %arg6[%dma_wait3A_576, %dma_wait3A_587, %dma_wait3A_588] : memref<2x32x512xf32, #tpu.memory_space<vmem>> -> memref<1x32x128xf32, #tpu.memory_space<vmem>>
        %dma_wait3A_590 = tpu.memref_squeeze %dma_wait3A_589 : memref<1x32x128xf32, #tpu.memory_space<vmem>> -> memref<32x128xf32, #tpu.memory_space<vmem>>
        tpu.wait_dma2 semaphore(%arg10 : memref<!tpu.dma_semaphore, #tpu.memory_space<semaphore_mem>>) src(%dma_wait3A_590 : memref<32x128xf32, #tpu.memory_space<vmem>>) dst(%dma_wait3A_586 : memref<32x128xf32, #tpu.memory_space<hbm>>)
        %dma_wait3A_591 = arith.constant 1 : i32
        %dma_wait3A_592 = arith.constant 0 : i32
        %dma_wait3A_593 = arith.constant 0 : i32
        %dma_wait3A_594 = tpu.memref_slice %arg6[%dma_wait3A_591, %dma_wait3A_592, %dma_wait3A_593] : memref<2x32x512xf32, #tpu.memory_space<vmem>> -> memref<1x32x128xf32, #tpu.memory_space<vmem>>
        %dma_wait3A_595 = tpu.memref_squeeze %dma_wait3A_594 : memref<1x32x128xf32, #tpu.memory_space<vmem>> -> memref<32x128xf32, #tpu.memory_space<vmem>>
        %dma_wait3A_596 = arith.constant 0 : i32
        %dma_wait3A_597 = arith.constant 0 : i32
        %dma_wait3A_598 = tpu.memref_slice %arg4[%dma_wait3A_596, %dma_wait3A_597] : memref<650000x128xf32, #tpu.memory_space<hbm>> -> memref<32x128xf32, #tpu.memory_space<hbm>>
        %dma_wait3A_599 = arith.constant 0 : i32
        %dma_wait3A_600 = arith.constant 0 : i32
        %dma_wait3A_601 = tpu.memref_slice %arg4[%dma_wait3A_599, %dma_wait3A_600] : memref<650000x128xf32, #tpu.memory_space<hbm>> -> memref<32x128xf32, #tpu.memory_space<hbm>>
        %dma_wait3A_602 = arith.constant 0 : i32
        %dma_wait3A_603 = arith.constant 0 : i32
        %dma_wait3A_604 = tpu.memref_slice %arg6[%dma_wait3A_591, %dma_wait3A_602, %dma_wait3A_603] : memref<2x32x512xf32, #tpu.memory_space<vmem>> -> memref<1x32x128xf32, #tpu.memory_space<vmem>>
        %dma_wait3A_605 = tpu.memref_squeeze %dma_wait3A_604 : memref<1x32x128xf32, #tpu.memory_space<vmem>> -> memref<32x128xf32, #tpu.memory_space<vmem>>
        tpu.wait_dma2 semaphore(%arg10 : memref<!tpu.dma_semaphore, #tpu.memory_space<semaphore_mem>>) src(%dma_wait3A_605 : memref<32x128xf32, #tpu.memory_space<vmem>>) dst(%dma_wait3A_601 : memref<32x128xf32, #tpu.memory_space<hbm>>)
      } else {
      }
      %parallel_loop3A_423 = arith.constant 0 : i32
      %parallel_loop3A_424 = arith.constant 128 : i32
      %parallel_loop3A_425 = arith.constant 1 : i32
      scf.for %parallel_loop3A_546 = %parallel_loop3A_423 to %parallel_loop3A_424 step %parallel_loop3A_425  : i32 {
        %parallel_loop3A_547 = vector.broadcast %parallel_loop3A_546 : i32 to vector<16xi32>
        %parallel_loop3A_548 = arith.addi %mul3A_3, %parallel_loop3A_547 : vector<16xi32>
        %parallel_loop3A_549 = arith.constant 127 : i32
        %parallel_loop3A_550 = vector.broadcast %parallel_loop3A_549 : i32 to vector<16xi32>
        %parallel_loop3A_551 = arith.andi %parallel_loop3A_548, %parallel_loop3A_550 : vector<16xi32>
        %parallel_loop3A_552 = arith.constant 2 : i32
        %parallel_loop3A_553 = vector.broadcast %parallel_loop3A_552 : i32 to vector<16xi32>
        %parallel_loop3A_554 = arith.shrsi %parallel_loop3A_551, %parallel_loop3A_553 : vector<16xi32>
        %parallel_loop3A_555 = arith.constant 3 : i32
        %parallel_loop3A_556 = vector.broadcast %parallel_loop3A_555 : i32 to vector<16xi32>
        %parallel_loop3A_557 = arith.andi %parallel_loop3A_551, %parallel_loop3A_556 : vector<16xi32>
        %parallel_loop3A_558 = arith.constant 5 : i32
        %parallel_loop3A_559 = vector.broadcast %parallel_loop3A_558 : i32 to vector<16xi32>
        %parallel_loop3A_560 = arith.shli %parallel_loop3A_557, %parallel_loop3A_559 : vector<16xi32>
        %parallel_loop3A_561 = arith.addi %parallel_loop3A_560, %add3A_6 : vector<16xi32>
        %parallel_loop3A_562 = arith.constant 1 : i32
        %parallel_loop3A_563 = arith.constant 0 : i32
        %parallel_loop3A_564 = arith.constant 0 : i32
        %parallel_loop3A_565 = tpu.memref_slice %arg5[%parallel_loop3A_562, %parallel_loop3A_563, %parallel_loop3A_564] : memref<2x32x512xf32, #tpu.memory_space<vmem>> -> memref<1x32x512xf32, #tpu.memory_space<vmem>>
        %parallel_loop3A_566 = tpu.memref_squeeze %parallel_loop3A_565 : memref<1x32x512xf32, #tpu.memory_space<vmem>> -> memref<32x512xf32, #tpu.memory_space<vmem>>
        %parallel_loop3A_567 = tpu.vector_load_idx %parallel_loop3A_566[%add3A_6, %parallel_loop3A_551] : memref<32x512xf32, #tpu.memory_space<vmem>>[vector<16xi32>, vector<16xi32>], vector<16xf32>,
        %parallel_loop3A_568 = arith.constant 1 : i32
        %parallel_loop3A_569 = arith.constant 0 : i32
        %parallel_loop3A_570 = arith.constant 0 : i32
        %parallel_loop3A_571 = tpu.memref_slice %arg6[%parallel_loop3A_568, %parallel_loop3A_569, %parallel_loop3A_570] : memref<2x32x512xf32, #tpu.memory_space<vmem>> -> memref<1x32x512xf32, #tpu.memory_space<vmem>>
        %parallel_loop3A_572 = tpu.memref_squeeze %parallel_loop3A_571 : memref<1x32x512xf32, #tpu.memory_space<vmem>> -> memref<32x512xf32, #tpu.memory_space<vmem>>
        tpu.vector_store_idx %parallel_loop3A_572[%parallel_loop3A_554, %parallel_loop3A_561], %parallel_loop3A_567 : memref<32x512xf32, #tpu.memory_space<vmem>>[vector<16xi32>, vector<16xi32>], vector<16xf32>,
        %parallel_loop3A_573 = arith.constant 128 : i32
        %parallel_loop3A_574 = vector.broadcast %parallel_loop3A_573 : i32 to vector<16xi32>
        %parallel_loop3A_575 = arith.addi %parallel_loop3A_551, %parallel_loop3A_574 : vector<16xi32>
        %parallel_loop3A_576 = arith.constant 1 : i32
        %parallel_loop3A_577 = arith.constant 0 : i32
        %parallel_loop3A_578 = arith.constant 0 : i32
        %parallel_loop3A_579 = tpu.memref_slice %arg5[%parallel_loop3A_576, %parallel_loop3A_577, %parallel_loop3A_578] : memref<2x32x512xf32, #tpu.memory_space<vmem>> -> memref<1x32x512xf32, #tpu.memory_space<vmem>>
        %parallel_loop3A_580 = tpu.memref_squeeze %parallel_loop3A_579 : memref<1x32x512xf32, #tpu.memory_space<vmem>> -> memref<32x512xf32, #tpu.memory_space<vmem>>
        %parallel_loop3A_581 = tpu.vector_load_idx %parallel_loop3A_580[%add3A_6, %parallel_loop3A_575] : memref<32x512xf32, #tpu.memory_space<vmem>>[vector<16xi32>, vector<16xi32>], vector<16xf32>,
        %parallel_loop3A_582 = arith.constant 128 : i32
        %parallel_loop3A_583 = vector.broadcast %parallel_loop3A_582 : i32 to vector<16xi32>
        %parallel_loop3A_584 = arith.addi %parallel_loop3A_561, %parallel_loop3A_583 : vector<16xi32>
        %parallel_loop3A_585 = arith.constant 1 : i32
        %parallel_loop3A_586 = arith.constant 0 : i32
        %parallel_loop3A_587 = arith.constant 0 : i32
        %parallel_loop3A_588 = tpu.memref_slice %arg6[%parallel_loop3A_585, %parallel_loop3A_586, %parallel_loop3A_587] : memref<2x32x512xf32, #tpu.memory_space<vmem>> -> memref<1x32x512xf32, #tpu.memory_space<vmem>>
        %parallel_loop3A_589 = tpu.memref_squeeze %parallel_loop3A_588 : memref<1x32x512xf32, #tpu.memory_space<vmem>> -> memref<32x512xf32, #tpu.memory_space<vmem>>
        tpu.vector_store_idx %parallel_loop3A_589[%parallel_loop3A_554, %parallel_loop3A_584], %parallel_loop3A_581 : memref<32x512xf32, #tpu.memory_space<vmem>>[vector<16xi32>, vector<16xi32>], vector<16xf32>,
        %parallel_loop3A_590 = arith.constant 256 : i32
        %parallel_loop3A_591 = vector.broadcast %parallel_loop3A_590 : i32 to vector<16xi32>
        %parallel_loop3A_592 = arith.addi %parallel_loop3A_551, %parallel_loop3A_591 : vector<16xi32>
        %parallel_loop3A_593 = arith.constant 1 : i32
        %parallel_loop3A_594 = arith.constant 0 : i32
        %parallel_loop3A_595 = arith.constant 0 : i32
        %parallel_loop3A_596 = tpu.memref_slice %arg5[%parallel_loop3A_593, %parallel_loop3A_594, %parallel_loop3A_595] : memref<2x32x512xf32, #tpu.memory_space<vmem>> -> memref<1x32x512xf32, #tpu.memory_space<vmem>>
        %parallel_loop3A_597 = tpu.memref_squeeze %parallel_loop3A_596 : memref<1x32x512xf32, #tpu.memory_space<vmem>> -> memref<32x512xf32, #tpu.memory_space<vmem>>
        %parallel_loop3A_598 = tpu.vector_load_idx %parallel_loop3A_597[%add3A_6, %parallel_loop3A_592] : memref<32x512xf32, #tpu.memory_space<vmem>>[vector<16xi32>, vector<16xi32>], vector<16xf32>,
        %parallel_loop3A_599 = arith.constant 256 : i32
        %parallel_loop3A_600 = vector.broadcast %parallel_loop3A_599 : i32 to vector<16xi32>
        %parallel_loop3A_601 = arith.addi %parallel_loop3A_561, %parallel_loop3A_600 : vector<16xi32>
        %parallel_loop3A_602 = arith.constant 1 : i32
        %parallel_loop3A_603 = arith.constant 0 : i32
        %parallel_loop3A_604 = arith.constant 0 : i32
        %parallel_loop3A_605 = tpu.memref_slice %arg6[%parallel_loop3A_602, %parallel_loop3A_603, %parallel_loop3A_604] : memref<2x32x512xf32, #tpu.memory_space<vmem>> -> memref<1x32x512xf32, #tpu.memory_space<vmem>>
        %parallel_loop3A_606 = tpu.memref_squeeze %parallel_loop3A_605 : memref<1x32x512xf32, #tpu.memory_space<vmem>> -> memref<32x512xf32, #tpu.memory_space<vmem>>
        tpu.vector_store_idx %parallel_loop3A_606[%parallel_loop3A_554, %parallel_loop3A_601], %parallel_loop3A_598 : memref<32x512xf32, #tpu.memory_space<vmem>>[vector<16xi32>, vector<16xi32>], vector<16xf32>,
        %parallel_loop3A_607 = arith.constant 384 : i32
        %parallel_loop3A_608 = vector.broadcast %parallel_loop3A_607 : i32 to vector<16xi32>
        %parallel_loop3A_609 = arith.addi %parallel_loop3A_551, %parallel_loop3A_608 : vector<16xi32>
        %parallel_loop3A_610 = arith.constant 1 : i32
        %parallel_loop3A_611 = arith.constant 0 : i32
        %parallel_loop3A_612 = arith.constant 0 : i32
        %parallel_loop3A_613 = tpu.memref_slice %arg5[%parallel_loop3A_610, %parallel_loop3A_611, %parallel_loop3A_612] : memref<2x32x512xf32, #tpu.memory_space<vmem>> -> memref<1x32x512xf32, #tpu.memory_space<vmem>>
        %parallel_loop3A_614 = tpu.memref_squeeze %parallel_loop3A_613 : memref<1x32x512xf32, #tpu.memory_space<vmem>> -> memref<32x512xf32, #tpu.memory_space<vmem>>
        %parallel_loop3A_615 = tpu.vector_load_idx %parallel_loop3A_614[%add3A_6, %parallel_loop3A_609] : memref<32x512xf32, #tpu.memory_space<vmem>>[vector<16xi32>, vector<16xi32>], vector<16xf32>,
        %parallel_loop3A_616 = arith.constant 384 : i32
        %parallel_loop3A_617 = vector.broadcast %parallel_loop3A_616 : i32 to vector<16xi32>
        %parallel_loop3A_618 = arith.addi %parallel_loop3A_561, %parallel_loop3A_617 : vector<16xi32>
        %parallel_loop3A_619 = arith.constant 1 : i32
        %parallel_loop3A_620 = arith.constant 0 : i32
        %parallel_loop3A_621 = arith.constant 0 : i32
        %parallel_loop3A_622 = tpu.memref_slice %arg6[%parallel_loop3A_619, %parallel_loop3A_620, %parallel_loop3A_621] : memref<2x32x512xf32, #tpu.memory_space<vmem>> -> memref<1x32x512xf32, #tpu.memory_space<vmem>>
        %parallel_loop3A_623 = tpu.memref_squeeze %parallel_loop3A_622 : memref<1x32x512xf32, #tpu.memory_space<vmem>> -> memref<32x512xf32, #tpu.memory_space<vmem>>
        tpu.vector_store_idx %parallel_loop3A_623[%parallel_loop3A_554, %parallel_loop3A_618], %parallel_loop3A_615 : memref<32x512xf32, #tpu.memory_space<vmem>>[vector<16xi32>, vector<16xi32>], vector<16xf32>,
      } {sc.loop_unroll_factor = 8 : i64, sc.parallel_access}
      %parallel_loop3A_426 = arith.constant 0 : i32
      %parallel_loop3A_427 = arith.constant 128 : i32
      %parallel_loop3A_428 = arith.constant 1 : i32
      scf.for %parallel_loop3A_546 = %parallel_loop3A_426 to %parallel_loop3A_427 step %parallel_loop3A_428  : i32 {
        %parallel_loop3A_547 = vector.broadcast %parallel_loop3A_546 : i32 to vector<16xi32>
        %parallel_loop3A_548 = arith.addi %mul3A_3, %parallel_loop3A_547 : vector<16xi32>
        %parallel_loop3A_549 = arith.constant 127 : i32
        %parallel_loop3A_550 = vector.broadcast %parallel_loop3A_549 : i32 to vector<16xi32>
        %parallel_loop3A_551 = arith.andi %parallel_loop3A_548, %parallel_loop3A_550 : vector<16xi32>
        %parallel_loop3A_552 = arith.constant 2 : i32
        %parallel_loop3A_553 = vector.broadcast %parallel_loop3A_552 : i32 to vector<16xi32>
        %parallel_loop3A_554 = arith.shrsi %parallel_loop3A_551, %parallel_loop3A_553 : vector<16xi32>
        %parallel_loop3A_555 = arith.constant 3 : i32
        %parallel_loop3A_556 = vector.broadcast %parallel_loop3A_555 : i32 to vector<16xi32>
        %parallel_loop3A_557 = arith.andi %parallel_loop3A_551, %parallel_loop3A_556 : vector<16xi32>
        %parallel_loop3A_558 = arith.constant 5 : i32
        %parallel_loop3A_559 = vector.broadcast %parallel_loop3A_558 : i32 to vector<16xi32>
        %parallel_loop3A_560 = arith.shli %parallel_loop3A_557, %parallel_loop3A_559 : vector<16xi32>
        %parallel_loop3A_561 = arith.addi %parallel_loop3A_560, %add3A_9 : vector<16xi32>
        %parallel_loop3A_562 = arith.constant 1 : i32
        %parallel_loop3A_563 = arith.constant 0 : i32
        %parallel_loop3A_564 = arith.constant 0 : i32
        %parallel_loop3A_565 = tpu.memref_slice %arg5[%parallel_loop3A_562, %parallel_loop3A_563, %parallel_loop3A_564] : memref<2x32x512xf32, #tpu.memory_space<vmem>> -> memref<1x32x512xf32, #tpu.memory_space<vmem>>
        %parallel_loop3A_566 = tpu.memref_squeeze %parallel_loop3A_565 : memref<1x32x512xf32, #tpu.memory_space<vmem>> -> memref<32x512xf32, #tpu.memory_space<vmem>>
        %parallel_loop3A_567 = tpu.vector_load_idx %parallel_loop3A_566[%add3A_9, %parallel_loop3A_551] : memref<32x512xf32, #tpu.memory_space<vmem>>[vector<16xi32>, vector<16xi32>], vector<16xf32>,
        %parallel_loop3A_568 = arith.constant 1 : i32
        %parallel_loop3A_569 = arith.constant 0 : i32
        %parallel_loop3A_570 = arith.constant 0 : i32
        %parallel_loop3A_571 = tpu.memref_slice %arg6[%parallel_loop3A_568, %parallel_loop3A_569, %parallel_loop3A_570] : memref<2x32x512xf32, #tpu.memory_space<vmem>> -> memref<1x32x512xf32, #tpu.memory_space<vmem>>
        %parallel_loop3A_572 = tpu.memref_squeeze %parallel_loop3A_571 : memref<1x32x512xf32, #tpu.memory_space<vmem>> -> memref<32x512xf32, #tpu.memory_space<vmem>>
        tpu.vector_store_idx %parallel_loop3A_572[%parallel_loop3A_554, %parallel_loop3A_561], %parallel_loop3A_567 : memref<32x512xf32, #tpu.memory_space<vmem>>[vector<16xi32>, vector<16xi32>], vector<16xf32>,
        %parallel_loop3A_573 = arith.constant 128 : i32
        %parallel_loop3A_574 = vector.broadcast %parallel_loop3A_573 : i32 to vector<16xi32>
        %parallel_loop3A_575 = arith.addi %parallel_loop3A_551, %parallel_loop3A_574 : vector<16xi32>
        %parallel_loop3A_576 = arith.constant 1 : i32
        %parallel_loop3A_577 = arith.constant 0 : i32
        %parallel_loop3A_578 = arith.constant 0 : i32
        %parallel_loop3A_579 = tpu.memref_slice %arg5[%parallel_loop3A_576, %parallel_loop3A_577, %parallel_loop3A_578] : memref<2x32x512xf32, #tpu.memory_space<vmem>> -> memref<1x32x512xf32, #tpu.memory_space<vmem>>
        %parallel_loop3A_580 = tpu.memref_squeeze %parallel_loop3A_579 : memref<1x32x512xf32, #tpu.memory_space<vmem>> -> memref<32x512xf32, #tpu.memory_space<vmem>>
        %parallel_loop3A_581 = tpu.vector_load_idx %parallel_loop3A_580[%add3A_9, %parallel_loop3A_575] : memref<32x512xf32, #tpu.memory_space<vmem>>[vector<16xi32>, vector<16xi32>], vector<16xf32>,
        %parallel_loop3A_582 = arith.constant 128 : i32
        %parallel_loop3A_583 = vector.broadcast %parallel_loop3A_582 : i32 to vector<16xi32>
        %parallel_loop3A_584 = arith.addi %parallel_loop3A_561, %parallel_loop3A_583 : vector<16xi32>
        %parallel_loop3A_585 = arith.constant 1 : i32
        %parallel_loop3A_586 = arith.constant 0 : i32
        %parallel_loop3A_587 = arith.constant 0 : i32
        %parallel_loop3A_588 = tpu.memref_slice %arg6[%parallel_loop3A_585, %parallel_loop3A_586, %parallel_loop3A_587] : memref<2x32x512xf32, #tpu.memory_space<vmem>> -> memref<1x32x512xf32, #tpu.memory_space<vmem>>
        %parallel_loop3A_589 = tpu.memref_squeeze %parallel_loop3A_588 : memref<1x32x512xf32, #tpu.memory_space<vmem>> -> memref<32x512xf32, #tpu.memory_space<vmem>>
        tpu.vector_store_idx %parallel_loop3A_589[%parallel_loop3A_554, %parallel_loop3A_584], %parallel_loop3A_581 : memref<32x512xf32, #tpu.memory_space<vmem>>[vector<16xi32>, vector<16xi32>], vector<16xf32>,
        %parallel_loop3A_590 = arith.constant 256 : i32
        %parallel_loop3A_591 = vector.broadcast %parallel_loop3A_590 : i32 to vector<16xi32>
        %parallel_loop3A_592 = arith.addi %parallel_loop3A_551, %parallel_loop3A_591 : vector<16xi32>
        %parallel_loop3A_593 = arith.constant 1 : i32
        %parallel_loop3A_594 = arith.constant 0 : i32
        %parallel_loop3A_595 = arith.constant 0 : i32
        %parallel_loop3A_596 = tpu.memref_slice %arg5[%parallel_loop3A_593, %parallel_loop3A_594, %parallel_loop3A_595] : memref<2x32x512xf32, #tpu.memory_space<vmem>> -> memref<1x32x512xf32, #tpu.memory_space<vmem>>
        %parallel_loop3A_597 = tpu.memref_squeeze %parallel_loop3A_596 : memref<1x32x512xf32, #tpu.memory_space<vmem>> -> memref<32x512xf32, #tpu.memory_space<vmem>>
        %parallel_loop3A_598 = tpu.vector_load_idx %parallel_loop3A_597[%add3A_9, %parallel_loop3A_592] : memref<32x512xf32, #tpu.memory_space<vmem>>[vector<16xi32>, vector<16xi32>], vector<16xf32>,
        %parallel_loop3A_599 = arith.constant 256 : i32
        %parallel_loop3A_600 = vector.broadcast %parallel_loop3A_599 : i32 to vector<16xi32>
        %parallel_loop3A_601 = arith.addi %parallel_loop3A_561, %parallel_loop3A_600 : vector<16xi32>
        %parallel_loop3A_602 = arith.constant 1 : i32
        %parallel_loop3A_603 = arith.constant 0 : i32
        %parallel_loop3A_604 = arith.constant 0 : i32
        %parallel_loop3A_605 = tpu.memref_slice %arg6[%parallel_loop3A_602, %parallel_loop3A_603, %parallel_loop3A_604] : memref<2x32x512xf32, #tpu.memory_space<vmem>> -> memref<1x32x512xf32, #tpu.memory_space<vmem>>
        %parallel_loop3A_606 = tpu.memref_squeeze %parallel_loop3A_605 : memref<1x32x512xf32, #tpu.memory_space<vmem>> -> memref<32x512xf32, #tpu.memory_space<vmem>>
        tpu.vector_store_idx %parallel_loop3A_606[%parallel_loop3A_554, %parallel_loop3A_601], %parallel_loop3A_598 : memref<32x512xf32, #tpu.memory_space<vmem>>[vector<16xi32>, vector<16xi32>], vector<16xf32>,
        %parallel_loop3A_607 = arith.constant 384 : i32
        %parallel_loop3A_608 = vector.broadcast %parallel_loop3A_607 : i32 to vector<16xi32>
        %parallel_loop3A_609 = arith.addi %parallel_loop3A_551, %parallel_loop3A_608 : vector<16xi32>
        %parallel_loop3A_610 = arith.constant 1 : i32
        %parallel_loop3A_611 = arith.constant 0 : i32
        %parallel_loop3A_612 = arith.constant 0 : i32
        %parallel_loop3A_613 = tpu.memref_slice %arg5[%parallel_loop3A_610, %parallel_loop3A_611, %parallel_loop3A_612] : memref<2x32x512xf32, #tpu.memory_space<vmem>> -> memref<1x32x512xf32, #tpu.memory_space<vmem>>
        %parallel_loop3A_614 = tpu.memref_squeeze %parallel_loop3A_613 : memref<1x32x512xf32, #tpu.memory_space<vmem>> -> memref<32x512xf32, #tpu.memory_space<vmem>>
        %parallel_loop3A_615 = tpu.vector_load_idx %parallel_loop3A_614[%add3A_9, %parallel_loop3A_609] : memref<32x512xf32, #tpu.memory_space<vmem>>[vector<16xi32>, vector<16xi32>], vector<16xf32>,
        %parallel_loop3A_616 = arith.constant 384 : i32
        %parallel_loop3A_617 = vector.broadcast %parallel_loop3A_616 : i32 to vector<16xi32>
        %parallel_loop3A_618 = arith.addi %parallel_loop3A_561, %parallel_loop3A_617 : vector<16xi32>
        %parallel_loop3A_619 = arith.constant 1 : i32
        %parallel_loop3A_620 = arith.constant 0 : i32
        %parallel_loop3A_621 = arith.constant 0 : i32
        %parallel_loop3A_622 = tpu.memref_slice %arg6[%parallel_loop3A_619, %parallel_loop3A_620, %parallel_loop3A_621] : memref<2x32x512xf32, #tpu.memory_space<vmem>> -> memref<1x32x512xf32, #tpu.memory_space<vmem>>
        %parallel_loop3A_623 = tpu.memref_squeeze %parallel_loop3A_622 : memref<1x32x512xf32, #tpu.memory_space<vmem>> -> memref<32x512xf32, #tpu.memory_space<vmem>>
        tpu.vector_store_idx %parallel_loop3A_623[%parallel_loop3A_554, %parallel_loop3A_618], %parallel_loop3A_615 : memref<32x512xf32, #tpu.memory_space<vmem>>[vector<16xi32>, vector<16xi32>], vector<16xf32>,
      } {sc.loop_unroll_factor = 8 : i64, sc.parallel_access}
      %mul3A_429 = arith.constant 32 : i32
      %mul3A_430 = arith.muli %add3A_399, %mul3A_429 : i32
      %add3A_431 = arith.addi %add3A, %mul3A_430 : i32
      %min3A_432 = arith.constant 5069 : i32
      %min3A_433 = arith.minsi %add3A_431, %min3A_432 : i32
      %jit3A_434 = arith.constant 195 : i32
      %div3A_435 = arith.divsi %min3A_433, %jit3A_434 : i32
      %sign3A_436 = arith.constant 0 : i32
      %sign3A_437 = arith.cmpi sgt, %min3A_433, %sign3A_436 : i32
      %sign3A_438 = arith.extui %sign3A_437 : i1 to i32
      %sign3A_439 = arith.constant 0 : i32
      %sign3A_440 = arith.cmpi slt, %min3A_433, %sign3A_439 : i32
      %sign3A_441 = arith.extui %sign3A_440 : i1 to i32
      %sign3A_442 = arith.subi %sign3A_438, %sign3A_441 : i32
      %sign3A_443 = arith.constant 0 : i32
      %sign3A_444 = arith.cmpi sgt, %jit3A_434, %sign3A_443 : i32
      %sign3A_445 = arith.extui %sign3A_444 : i1 to i32
      %sign3A_446 = arith.constant 0 : i32
      %sign3A_447 = arith.cmpi slt, %jit3A_434, %sign3A_446 : i32
      %sign3A_448 = arith.extui %sign3A_447 : i1 to i32
      %sign3A_449 = arith.subi %sign3A_445, %sign3A_448 : i32
      %ne3A_450 = arith.cmpi ne, %sign3A_442, %sign3A_449 : i32
      %rem3A_451 = arith.remsi %min3A_433, %jit3A_434 : i32
      %ne3A_452 = arith.constant 0 : i32
      %ne3A_453 = arith.cmpi ne, %rem3A_451, %ne3A_452 : i32
      %and3A_454 = arith.andi %ne3A_450, %ne3A_453 : i1
      %sub3A_455 = arith.constant 1 : i32
      %sub3A_456 = arith.subi %div3A_435, %sub3A_455 : i32
      %select_n3A_457 = arith.select %and3A_454, %sub3A_456, %div3A_435 : i32
      %jit3A_458 = arith.constant 195 : i32
      %eq3A_459 = arith.constant 0 : i32
      %eq3A_460 = arith.cmpi eq, %jit3A_458, %eq3A_459 : i32
      %jit3A_461 = arith.constant 1 : i32
      %select_n3A_462 = arith.select %eq3A_460, %jit3A_461, %jit3A_458 : i32
      %rem3A_463 = arith.remsi %min3A_433, %select_n3A_462 : i32
      %ne3A_464 = arith.constant 0 : i32
      %ne3A_465 = arith.cmpi ne, %rem3A_463, %ne3A_464 : i32
      %lt3A_466 = arith.constant 0 : i32
      %lt3A_467 = arith.cmpi slt, %rem3A_463, %lt3A_466 : i32
      %lt3A_468 = arith.constant 0 : i32
      %lt3A_469 = arith.cmpi slt, %select_n3A_462, %lt3A_468 : i32
      %ne3A_470 = arith.xori %lt3A_467, %lt3A_469 : i1
      %and3A_471 = arith.andi %ne3A_470, %ne3A_465 : i1
      %add3A_472 = arith.addi %rem3A_463, %select_n3A_462 : i32
      %select_n3A_473 = arith.select %and3A_471, %add3A_472, %rem3A_463 : i32
      %mul3A_474 = arith.constant 25000 : i32
      %mul3A_475 = arith.muli %select_n3A_457, %mul3A_474 : i32
      %mul3A_476 = arith.constant 128 : i32
      %mul3A_477 = arith.muli %select_n3A_473, %mul3A_476 : i32
      %add3A_478 = arith.addi %mul3A_475, %mul3A_477 : i32
      %add3A_479 = arith.constant 0 : i32
      %add3A_480 = arith.addi %add3A_478, %add3A_479 : i32
      %dma_start3A_481 = arith.constant 1 : i32
      %dma_start3A_482 = arith.constant 0 : i32
      %dma_start3A_483 = arith.constant 0 : i32
      %dma_start3A_484 = tpu.memref_slice %arg6[%dma_start3A_481, %dma_start3A_482, %dma_start3A_483] : memref<2x32x512xf32, #tpu.memory_space<vmem>> -> memref<1x32x128xf32, #tpu.memory_space<vmem>>
      %dma_start3A_485 = tpu.memref_squeeze %dma_start3A_484 : memref<1x32x128xf32, #tpu.memory_space<vmem>> -> memref<32x128xf32, #tpu.memory_space<vmem>>
      %dma_start3A_486 = arith.constant 0 : i32
      %dma_start3A_487 = tpu.memref_slice %arg4[%add3A_480, %dma_start3A_486] : memref<650000x128xf32, #tpu.memory_space<hbm>> -> memref<32x128xf32, #tpu.memory_space<hbm>>
      %dma_start3A_488 = arith.constant 0 : i32
      %dma_start3A_489 = tpu.memref_slice %arg4[%add3A_480, %dma_start3A_488] : memref<650000x128xf32, #tpu.memory_space<hbm>> -> memref<32x128xf32, #tpu.memory_space<hbm>>
      %dma_start3A_490 = arith.constant 0 : i32
      %dma_start3A_491 = arith.constant 0 : i32
      %dma_start3A_492 = tpu.memref_slice %arg6[%dma_start3A_481, %dma_start3A_490, %dma_start3A_491] : memref<2x32x512xf32, #tpu.memory_space<vmem>> -> memref<1x32x128xf32, #tpu.memory_space<vmem>>
      %dma_start3A_493 = tpu.memref_squeeze %dma_start3A_492 : memref<1x32x128xf32, #tpu.memory_space<vmem>> -> memref<32x128xf32, #tpu.memory_space<vmem>>
      tpu.enqueue_dma source(%dma_start3A_493 : memref<32x128xf32, #tpu.memory_space<vmem>>) target(%dma_start3A_489 : memref<32x128xf32, #tpu.memory_space<hbm>>) target_semaphore(%arg10 : memref<!tpu.dma_semaphore, #tpu.memory_space<semaphore_mem>>)
      %add3A_494 = arith.constant 32 : i32
      %add3A_495 = arith.addi %add3A_478, %add3A_494 : i32
      %dma_start3A_496 = arith.constant 1 : i32
      %dma_start3A_497 = arith.constant 0 : i32
      %dma_start3A_498 = arith.constant 128 : i32
      %dma_start3A_499 = tpu.memref_slice %arg6[%dma_start3A_496, %dma_start3A_497, %dma_start3A_498] : memref<2x32x512xf32, #tpu.memory_space<vmem>> -> memref<1x32x128xf32, #tpu.memory_space<vmem>>
      %dma_start3A_500 = tpu.memref_squeeze %dma_start3A_499 : memref<1x32x128xf32, #tpu.memory_space<vmem>> -> memref<32x128xf32, #tpu.memory_space<vmem>>
      %dma_start3A_501 = arith.constant 0 : i32
      %dma_start3A_502 = tpu.memref_slice %arg4[%add3A_495, %dma_start3A_501] : memref<650000x128xf32, #tpu.memory_space<hbm>> -> memref<32x128xf32, #tpu.memory_space<hbm>>
      %dma_start3A_503 = arith.constant 0 : i32
      %dma_start3A_504 = tpu.memref_slice %arg4[%add3A_495, %dma_start3A_503] : memref<650000x128xf32, #tpu.memory_space<hbm>> -> memref<32x128xf32, #tpu.memory_space<hbm>>
      %dma_start3A_505 = arith.constant 0 : i32
      %dma_start3A_506 = arith.constant 128 : i32
      %dma_start3A_507 = tpu.memref_slice %arg6[%dma_start3A_496, %dma_start3A_505, %dma_start3A_506] : memref<2x32x512xf32, #tpu.memory_space<vmem>> -> memref<1x32x128xf32, #tpu.memory_space<vmem>>
      %dma_start3A_508 = tpu.memref_squeeze %dma_start3A_507 : memref<1x32x128xf32, #tpu.memory_space<vmem>> -> memref<32x128xf32, #tpu.memory_space<vmem>>
      tpu.enqueue_dma source(%dma_start3A_508 : memref<32x128xf32, #tpu.memory_space<vmem>>) target(%dma_start3A_504 : memref<32x128xf32, #tpu.memory_space<hbm>>) target_semaphore(%arg10 : memref<!tpu.dma_semaphore, #tpu.memory_space<semaphore_mem>>)
      %add3A_509 = arith.constant 64 : i32
      %add3A_510 = arith.addi %add3A_478, %add3A_509 : i32
      %dma_start3A_511 = arith.constant 1 : i32
      %dma_start3A_512 = arith.constant 0 : i32
      %dma_start3A_513 = arith.constant 256 : i32
      %dma_start3A_514 = tpu.memref_slice %arg6[%dma_start3A_511, %dma_start3A_512, %dma_start3A_513] : memref<2x32x512xf32, #tpu.memory_space<vmem>> -> memref<1x32x128xf32, #tpu.memory_space<vmem>>
      %dma_start3A_515 = tpu.memref_squeeze %dma_start3A_514 : memref<1x32x128xf32, #tpu.memory_space<vmem>> -> memref<32x128xf32, #tpu.memory_space<vmem>>
      %dma_start3A_516 = arith.constant 0 : i32
      %dma_start3A_517 = tpu.memref_slice %arg4[%add3A_510, %dma_start3A_516] : memref<650000x128xf32, #tpu.memory_space<hbm>> -> memref<32x128xf32, #tpu.memory_space<hbm>>
      %dma_start3A_518 = arith.constant 0 : i32
      %dma_start3A_519 = tpu.memref_slice %arg4[%add3A_510, %dma_start3A_518] : memref<650000x128xf32, #tpu.memory_space<hbm>> -> memref<32x128xf32, #tpu.memory_space<hbm>>
      %dma_start3A_520 = arith.constant 0 : i32
      %dma_start3A_521 = arith.constant 256 : i32
      %dma_start3A_522 = tpu.memref_slice %arg6[%dma_start3A_511, %dma_start3A_520, %dma_start3A_521] : memref<2x32x512xf32, #tpu.memory_space<vmem>> -> memref<1x32x128xf32, #tpu.memory_space<vmem>>
      %dma_start3A_523 = tpu.memref_squeeze %dma_start3A_522 : memref<1x32x128xf32, #tpu.memory_space<vmem>> -> memref<32x128xf32, #tpu.memory_space<vmem>>
      tpu.enqueue_dma source(%dma_start3A_523 : memref<32x128xf32, #tpu.memory_space<vmem>>) target(%dma_start3A_519 : memref<32x128xf32, #tpu.memory_space<hbm>>) target_semaphore(%arg10 : memref<!tpu.dma_semaphore, #tpu.memory_space<semaphore_mem>>)
      %add3A_524 = arith.constant 96 : i32
      %add3A_525 = arith.addi %add3A_478, %add3A_524 : i32
      %dma_start3A_526 = arith.constant 1 : i32
      %dma_start3A_527 = arith.constant 0 : i32
      %dma_start3A_528 = arith.constant 384 : i32
      %dma_start3A_529 = tpu.memref_slice %arg6[%dma_start3A_526, %dma_start3A_527, %dma_start3A_528] : memref<2x32x512xf32, #tpu.memory_space<vmem>> -> memref<1x32x128xf32, #tpu.memory_space<vmem>>
      %dma_start3A_530 = tpu.memref_squeeze %dma_start3A_529 : memref<1x32x128xf32, #tpu.memory_space<vmem>> -> memref<32x128xf32, #tpu.memory_space<vmem>>
      %dma_start3A_531 = arith.constant 0 : i32
      %dma_start3A_532 = tpu.memref_slice %arg4[%add3A_525, %dma_start3A_531] : memref<650000x128xf32, #tpu.memory_space<hbm>> -> memref<32x128xf32, #tpu.memory_space<hbm>>
      %dma_start3A_533 = arith.constant 0 : i32
      %dma_start3A_534 = tpu.memref_slice %arg4[%add3A_525, %dma_start3A_533] : memref<650000x128xf32, #tpu.memory_space<hbm>> -> memref<32x128xf32, #tpu.memory_space<hbm>>
      %dma_start3A_535 = arith.constant 0 : i32
      %dma_start3A_536 = arith.constant 384 : i32
      %dma_start3A_537 = tpu.memref_slice %arg6[%dma_start3A_526, %dma_start3A_535, %dma_start3A_536] : memref<2x32x512xf32, #tpu.memory_space<vmem>> -> memref<1x32x128xf32, #tpu.memory_space<vmem>>
      %dma_start3A_538 = tpu.memref_squeeze %dma_start3A_537 : memref<1x32x128xf32, #tpu.memory_space<vmem>> -> memref<32x128xf32, #tpu.memory_space<vmem>>
      tpu.enqueue_dma source(%dma_start3A_538 : memref<32x128xf32, #tpu.memory_space<vmem>>) target(%dma_start3A_534 : memref<32x128xf32, #tpu.memory_space<hbm>>) target_semaphore(%arg10 : memref<!tpu.dma_semaphore, #tpu.memory_space<semaphore_mem>>)
      %add3A_539 = arith.constant 2 : i32
      %add3A_540 = arith.addi %add3A_399, %add3A_539 : i32
      %lt3A_541 = arith.constant 160 : i32
      %lt3A_542 = arith.cmpi slt, %add3A_540, %lt3A_541 : i32
      %convert_element_type3A_543 = arith.extui %lt3A_542 : i1 to i32
      %cond3A_544 = arith.constant 0 : i32
      %cond3A_545 = arith.cmpi ne, %convert_element_type3A_543, %cond3A_544 : i32
      scf.if %cond3A_545 {
        %add3A_546 = arith.constant 2 : i32
        %add3A_547 = arith.addi %add3A_399, %add3A_546 : i32
        %mul3A_548 = arith.constant 32 : i32
        %mul3A_549 = arith.muli %add3A_547, %mul3A_548 : i32
        %add3A_550 = arith.addi %add3A, %mul3A_549 : i32
        %min3A_551 = arith.constant 5069 : i32
        %min3A_552 = arith.minsi %add3A_550, %min3A_551 : i32
        %jit3A_553 = arith.constant 195 : i32
        %div3A_554 = arith.divsi %min3A_552, %jit3A_553 : i32
        %sign3A_555 = arith.constant 0 : i32
        %sign3A_556 = arith.cmpi sgt, %min3A_552, %sign3A_555 : i32
        %sign3A_557 = arith.extui %sign3A_556 : i1 to i32
        %sign3A_558 = arith.constant 0 : i32
        %sign3A_559 = arith.cmpi slt, %min3A_552, %sign3A_558 : i32
        %sign3A_560 = arith.extui %sign3A_559 : i1 to i32
        %sign3A_561 = arith.subi %sign3A_557, %sign3A_560 : i32
        %sign3A_562 = arith.constant 0 : i32
        %sign3A_563 = arith.cmpi sgt, %jit3A_553, %sign3A_562 : i32
        %sign3A_564 = arith.extui %sign3A_563 : i1 to i32
        %sign3A_565 = arith.constant 0 : i32
        %sign3A_566 = arith.cmpi slt, %jit3A_553, %sign3A_565 : i32
        %sign3A_567 = arith.extui %sign3A_566 : i1 to i32
        %sign3A_568 = arith.subi %sign3A_564, %sign3A_567 : i32
        %ne3A_569 = arith.cmpi ne, %sign3A_561, %sign3A_568 : i32
        %rem3A_570 = arith.remsi %min3A_552, %jit3A_553 : i32
        %ne3A_571 = arith.constant 0 : i32
        %ne3A_572 = arith.cmpi ne, %rem3A_570, %ne3A_571 : i32
        %and3A_573 = arith.andi %ne3A_569, %ne3A_572 : i1
        %sub3A_574 = arith.constant 1 : i32
        %sub3A_575 = arith.subi %div3A_554, %sub3A_574 : i32
        %select_n3A_576 = arith.select %and3A_573, %sub3A_575, %div3A_554 : i32
        %jit3A_577 = arith.constant 195 : i32
        %eq3A_578 = arith.constant 0 : i32
        %eq3A_579 = arith.cmpi eq, %jit3A_577, %eq3A_578 : i32
        %jit3A_580 = arith.constant 1 : i32
        %select_n3A_581 = arith.select %eq3A_579, %jit3A_580, %jit3A_577 : i32
        %rem3A_582 = arith.remsi %min3A_552, %select_n3A_581 : i32
        %ne3A_583 = arith.constant 0 : i32
        %ne3A_584 = arith.cmpi ne, %rem3A_582, %ne3A_583 : i32
        %lt3A_585 = arith.constant 0 : i32
        %lt3A_586 = arith.cmpi slt, %rem3A_582, %lt3A_585 : i32
        %lt3A_587 = arith.constant 0 : i32
        %lt3A_588 = arith.cmpi slt, %select_n3A_581, %lt3A_587 : i32
        %ne3A_589 = arith.xori %lt3A_586, %lt3A_588 : i1
        %and3A_590 = arith.andi %ne3A_589, %ne3A_584 : i1
        %add3A_591 = arith.addi %rem3A_582, %select_n3A_581 : i32
        %select_n3A_592 = arith.select %and3A_590, %add3A_591, %rem3A_582 : i32
        %mul3A_593 = arith.constant 512 : i32
        %mul3A_594 = arith.muli %select_n3A_592, %mul3A_593 : i32
        %dma_start3A_595 = arith.constant 1 : i32
        %dma_start3A_596 = arith.constant 0 : i32
        %dma_start3A_597 = arith.constant 0 : i32
        %dma_start3A_598 = tpu.memref_slice %arg5[%dma_start3A_595, %dma_start3A_596, %dma_start3A_597] : memref<2x32x512xf32, #tpu.memory_space<vmem>> -> memref<1x32x512xf32, #tpu.memory_space<vmem>>
        %dma_start3A_599 = tpu.memref_squeeze %dma_start3A_598 : memref<1x32x512xf32, #tpu.memory_space<vmem>> -> memref<32x512xf32, #tpu.memory_space<vmem>>
        %dma_start3A_600 = arith.constant 0 : i32
        %dma_start3A_601 = tpu.memref_slice %arg2[%select_n3A_576, %dma_start3A_600, %mul3A_594] : memref<26x32x100000xf32, #tpu.memory_space<hbm>> -> memref<1x32x512xf32, #tpu.memory_space<hbm>>
        %dma_start3A_602 = tpu.memref_squeeze %dma_start3A_601 : memref<1x32x512xf32, #tpu.memory_space<hbm>> -> memref<32x512xf32, #tpu.memory_space<hbm>>
        %dma_start3A_603 = arith.constant 0 : i32
        %dma_start3A_604 = arith.constant 0 : i32
        %dma_start3A_605 = tpu.memref_slice %arg5[%dma_start3A_595, %dma_start3A_603, %dma_start3A_604] : memref<2x32x512xf32, #tpu.memory_space<vmem>> -> memref<1x32x512xf32, #tpu.memory_space<vmem>>
        %dma_start3A_606 = tpu.memref_squeeze %dma_start3A_605 : memref<1x32x512xf32, #tpu.memory_space<vmem>> -> memref<32x512xf32, #tpu.memory_space<vmem>>
        %dma_start3A_607 = arith.constant 0 : i32
        %dma_start3A_608 = tpu.memref_slice %arg2[%select_n3A_576, %dma_start3A_607, %mul3A_594] : memref<26x32x100000xf32, #tpu.memory_space<hbm>> -> memref<1x32x512xf32, #tpu.memory_space<hbm>>
        %dma_start3A_609 = tpu.memref_squeeze %dma_start3A_608 : memref<1x32x512xf32, #tpu.memory_space<hbm>> -> memref<32x512xf32, #tpu.memory_space<hbm>>
        tpu.enqueue_dma source(%dma_start3A_609 : memref<32x512xf32, #tpu.memory_space<hbm>>) target(%dma_start3A_606 : memref<32x512xf32, #tpu.memory_space<vmem>>) target_semaphore(%arg8 : memref<!tpu.dma_semaphore, #tpu.memory_space<semaphore_mem>>)
      } else {
      }
    }
    %scan3A_124 = arith.constant 80 : i32
    %dma_wait3A = arith.constant 0 : i32
    %dma_wait3A_125 = arith.constant 0 : i32
    %dma_wait3A_126 = arith.constant 0 : i32
    %dma_wait3A_127 = tpu.memref_slice %arg6[%dma_wait3A, %dma_wait3A_125, %dma_wait3A_126] : memref<2x32x512xf32, #tpu.memory_space<vmem>> -> memref<1x32x128xf32, #tpu.memory_space<vmem>>
    %dma_wait3A_128 = tpu.memref_squeeze %dma_wait3A_127 : memref<1x32x128xf32, #tpu.memory_space<vmem>> -> memref<32x128xf32, #tpu.memory_space<vmem>>
    %dma_wait3A_129 = arith.constant 0 : i32
    %dma_wait3A_130 = arith.constant 0 : i32
    %dma_wait3A_131 = tpu.memref_slice %arg4[%dma_wait3A_129, %dma_wait3A_130] : memref<650000x128xf32, #tpu.memory_space<hbm>> -> memref<32x128xf32, #tpu.memory_space<hbm>>
    %dma_wait3A_132 = arith.constant 0 : i32
    %dma_wait3A_133 = arith.constant 0 : i32
    %dma_wait3A_134 = tpu.memref_slice %arg4[%dma_wait3A_132, %dma_wait3A_133] : memref<650000x128xf32, #tpu.memory_space<hbm>> -> memref<32x128xf32, #tpu.memory_space<hbm>>
    %dma_wait3A_135 = arith.constant 0 : i32
    %dma_wait3A_136 = arith.constant 0 : i32
    %dma_wait3A_137 = tpu.memref_slice %arg6[%dma_wait3A, %dma_wait3A_135, %dma_wait3A_136] : memref<2x32x512xf32, #tpu.memory_space<vmem>> -> memref<1x32x128xf32, #tpu.memory_space<vmem>>
    %dma_wait3A_138 = tpu.memref_squeeze %dma_wait3A_137 : memref<1x32x128xf32, #tpu.memory_space<vmem>> -> memref<32x128xf32, #tpu.memory_space<vmem>>
    tpu.wait_dma2 semaphore(%arg9 : memref<!tpu.dma_semaphore, #tpu.memory_space<semaphore_mem>>) src(%dma_wait3A_138 : memref<32x128xf32, #tpu.memory_space<vmem>>) dst(%dma_wait3A_134 : memref<32x128xf32, #tpu.memory_space<hbm>>)
    %dma_wait3A_139 = arith.constant 0 : i32
    %dma_wait3A_140 = arith.constant 0 : i32
    %dma_wait3A_141 = arith.constant 0 : i32
    %dma_wait3A_142 = tpu.memref_slice %arg6[%dma_wait3A_139, %dma_wait3A_140, %dma_wait3A_141] : memref<2x32x512xf32, #tpu.memory_space<vmem>> -> memref<1x32x128xf32, #tpu.memory_space<vmem>>
    %dma_wait3A_143 = tpu.memref_squeeze %dma_wait3A_142 : memref<1x32x128xf32, #tpu.memory_space<vmem>> -> memref<32x128xf32, #tpu.memory_space<vmem>>
    %dma_wait3A_144 = arith.constant 0 : i32
    %dma_wait3A_145 = arith.constant 0 : i32
    %dma_wait3A_146 = tpu.memref_slice %arg4[%dma_wait3A_144, %dma_wait3A_145] : memref<650000x128xf32, #tpu.memory_space<hbm>> -> memref<32x128xf32, #tpu.memory_space<hbm>>
    %dma_wait3A_147 = arith.constant 0 : i32
    %dma_wait3A_148 = arith.constant 0 : i32
    %dma_wait3A_149 = tpu.memref_slice %arg4[%dma_wait3A_147, %dma_wait3A_148] : memref<650000x128xf32, #tpu.memory_space<hbm>> -> memref<32x128xf32, #tpu.memory_space<hbm>>
    %dma_wait3A_150 = arith.constant 0 : i32
    %dma_wait3A_151 = arith.constant 0 : i32
    %dma_wait3A_152 = tpu.memref_slice %arg6[%dma_wait3A_139, %dma_wait3A_150, %dma_wait3A_151] : memref<2x32x512xf32, #tpu.memory_space<vmem>> -> memref<1x32x128xf32, #tpu.memory_space<vmem>>
    %dma_wait3A_153 = tpu.memref_squeeze %dma_wait3A_152 : memref<1x32x128xf32, #tpu.memory_space<vmem>> -> memref<32x128xf32, #tpu.memory_space<vmem>>
    tpu.wait_dma2 semaphore(%arg9 : memref<!tpu.dma_semaphore, #tpu.memory_space<semaphore_mem>>) src(%dma_wait3A_153 : memref<32x128xf32, #tpu.memory_space<vmem>>) dst(%dma_wait3A_149 : memref<32x128xf32, #tpu.memory_space<hbm>>)
    %dma_wait3A_154 = arith.constant 0 : i32
    %dma_wait3A_155 = arith.constant 0 : i32
    %dma_wait3A_156 = arith.constant 0 : i32
    %dma_wait3A_157 = tpu.memref_slice %arg6[%dma_wait3A_154, %dma_wait3A_155, %dma_wait3A_156] : memref<2x32x512xf32, #tpu.memory_space<vmem>> -> memref<1x32x128xf32, #tpu.memory_space<vmem>>
    %dma_wait3A_158 = tpu.memref_squeeze %dma_wait3A_157 : memref<1x32x128xf32, #tpu.memory_space<vmem>> -> memref<32x128xf32, #tpu.memory_space<vmem>>
    %dma_wait3A_159 = arith.constant 0 : i32
    %dma_wait3A_160 = arith.constant 0 : i32
    %dma_wait3A_161 = tpu.memref_slice %arg4[%dma_wait3A_159, %dma_wait3A_160] : memref<650000x128xf32, #tpu.memory_space<hbm>> -> memref<32x128xf32, #tpu.memory_space<hbm>>
    %dma_wait3A_162 = arith.constant 0 : i32
    %dma_wait3A_163 = arith.constant 0 : i32
    %dma_wait3A_164 = tpu.memref_slice %arg4[%dma_wait3A_162, %dma_wait3A_163] : memref<650000x128xf32, #tpu.memory_space<hbm>> -> memref<32x128xf32, #tpu.memory_space<hbm>>
    %dma_wait3A_165 = arith.constant 0 : i32
    %dma_wait3A_166 = arith.constant 0 : i32
    %dma_wait3A_167 = tpu.memref_slice %arg6[%dma_wait3A_154, %dma_wait3A_165, %dma_wait3A_166] : memref<2x32x512xf32, #tpu.memory_space<vmem>> -> memref<1x32x128xf32, #tpu.memory_space<vmem>>
    %dma_wait3A_168 = tpu.memref_squeeze %dma_wait3A_167 : memref<1x32x128xf32, #tpu.memory_space<vmem>> -> memref<32x128xf32, #tpu.memory_space<vmem>>
    tpu.wait_dma2 semaphore(%arg9 : memref<!tpu.dma_semaphore, #tpu.memory_space<semaphore_mem>>) src(%dma_wait3A_168 : memref<32x128xf32, #tpu.memory_space<vmem>>) dst(%dma_wait3A_164 : memref<32x128xf32, #tpu.memory_space<hbm>>)
    %dma_wait3A_169 = arith.constant 0 : i32
    %dma_wait3A_170 = arith.constant 0 : i32
    %dma_wait3A_171 = arith.constant 0 : i32
    %dma_wait3A_172 = tpu.memref_slice %arg6[%dma_wait3A_169, %dma_wait3A_170, %dma_wait3A_171] : memref<2x32x512xf32, #tpu.memory_space<vmem>> -> memref<1x32x128xf32, #tpu.memory_space<vmem>>
    %dma_wait3A_173 = tpu.memref_squeeze %dma_wait3A_172 : memref<1x32x128xf32, #tpu.memory_space<vmem>> -> memref<32x128xf32, #tpu.memory_space<vmem>>
    %dma_wait3A_174 = arith.constant 0 : i32
    %dma_wait3A_175 = arith.constant 0 : i32
    %dma_wait3A_176 = tpu.memref_slice %arg4[%dma_wait3A_174, %dma_wait3A_175] : memref<650000x128xf32, #tpu.memory_space<hbm>> -> memref<32x128xf32, #tpu.memory_space<hbm>>
    %dma_wait3A_177 = arith.constant 0 : i32
    %dma_wait3A_178 = arith.constant 0 : i32
    %dma_wait3A_179 = tpu.memref_slice %arg4[%dma_wait3A_177, %dma_wait3A_178] : memref<650000x128xf32, #tpu.memory_space<hbm>> -> memref<32x128xf32, #tpu.memory_space<hbm>>
    %dma_wait3A_180 = arith.constant 0 : i32
    %dma_wait3A_181 = arith.constant 0 : i32
    %dma_wait3A_182 = tpu.memref_slice %arg6[%dma_wait3A_169, %dma_wait3A_180, %dma_wait3A_181] : memref<2x32x512xf32, #tpu.memory_space<vmem>> -> memref<1x32x128xf32, #tpu.memory_space<vmem>>
    %dma_wait3A_183 = tpu.memref_squeeze %dma_wait3A_182 : memref<1x32x128xf32, #tpu.memory_space<vmem>> -> memref<32x128xf32, #tpu.memory_space<vmem>>
    tpu.wait_dma2 semaphore(%arg9 : memref<!tpu.dma_semaphore, #tpu.memory_space<semaphore_mem>>) src(%dma_wait3A_183 : memref<32x128xf32, #tpu.memory_space<vmem>>) dst(%dma_wait3A_179 : memref<32x128xf32, #tpu.memory_space<hbm>>)
    %dma_wait3A_184 = arith.constant 1 : i32
    %dma_wait3A_185 = arith.constant 0 : i32
    %dma_wait3A_186 = arith.constant 0 : i32
    %dma_wait3A_187 = tpu.memref_slice %arg6[%dma_wait3A_184, %dma_wait3A_185, %dma_wait3A_186] : memref<2x32x512xf32, #tpu.memory_space<vmem>> -> memref<1x32x128xf32, #tpu.memory_space<vmem>>
    %dma_wait3A_188 = tpu.memref_squeeze %dma_wait3A_187 : memref<1x32x128xf32, #tpu.memory_space<vmem>> -> memref<32x128xf32, #tpu.memory_space<vmem>>
    %dma_wait3A_189 = arith.constant 0 : i32
    %dma_wait3A_190 = arith.constant 0 : i32
    %dma_wait3A_191 = tpu.memref_slice %arg4[%dma_wait3A_189, %dma_wait3A_190] : memref<650000x128xf32, #tpu.memory_space<hbm>> -> memref<32x128xf32, #tpu.memory_space<hbm>>
    %dma_wait3A_192 = arith.constant 0 : i32
    %dma_wait3A_193 = arith.constant 0 : i32
    %dma_wait3A_194 = tpu.memref_slice %arg4[%dma_wait3A_192, %dma_wait3A_193] : memref<650000x128xf32, #tpu.memory_space<hbm>> -> memref<32x128xf32, #tpu.memory_space<hbm>>
    %dma_wait3A_195 = arith.constant 0 : i32
    %dma_wait3A_196 = arith.constant 0 : i32
    %dma_wait3A_197 = tpu.memref_slice %arg6[%dma_wait3A_184, %dma_wait3A_195, %dma_wait3A_196] : memref<2x32x512xf32, #tpu.memory_space<vmem>> -> memref<1x32x128xf32, #tpu.memory_space<vmem>>
    %dma_wait3A_198 = tpu.memref_squeeze %dma_wait3A_197 : memref<1x32x128xf32, #tpu.memory_space<vmem>> -> memref<32x128xf32, #tpu.memory_space<vmem>>
    tpu.wait_dma2 semaphore(%arg10 : memref<!tpu.dma_semaphore, #tpu.memory_space<semaphore_mem>>) src(%dma_wait3A_198 : memref<32x128xf32, #tpu.memory_space<vmem>>) dst(%dma_wait3A_194 : memref<32x128xf32, #tpu.memory_space<hbm>>)
    %dma_wait3A_199 = arith.constant 1 : i32
    %dma_wait3A_200 = arith.constant 0 : i32
    %dma_wait3A_201 = arith.constant 0 : i32
    %dma_wait3A_202 = tpu.memref_slice %arg6[%dma_wait3A_199, %dma_wait3A_200, %dma_wait3A_201] : memref<2x32x512xf32, #tpu.memory_space<vmem>> -> memref<1x32x128xf32, #tpu.memory_space<vmem>>
    %dma_wait3A_203 = tpu.memref_squeeze %dma_wait3A_202 : memref<1x32x128xf32, #tpu.memory_space<vmem>> -> memref<32x128xf32, #tpu.memory_space<vmem>>
    %dma_wait3A_204 = arith.constant 0 : i32
    %dma_wait3A_205 = arith.constant 0 : i32
    %dma_wait3A_206 = tpu.memref_slice %arg4[%dma_wait3A_204, %dma_wait3A_205] : memref<650000x128xf32, #tpu.memory_space<hbm>> -> memref<32x128xf32, #tpu.memory_space<hbm>>
    %dma_wait3A_207 = arith.constant 0 : i32
    %dma_wait3A_208 = arith.constant 0 : i32
    %dma_wait3A_209 = tpu.memref_slice %arg4[%dma_wait3A_207, %dma_wait3A_208] : memref<650000x128xf32, #tpu.memory_space<hbm>> -> memref<32x128xf32, #tpu.memory_space<hbm>>
    %dma_wait3A_210 = arith.constant 0 : i32
    %dma_wait3A_211 = arith.constant 0 : i32
    %dma_wait3A_212 = tpu.memref_slice %arg6[%dma_wait3A_199, %dma_wait3A_210, %dma_wait3A_211] : memref<2x32x512xf32, #tpu.memory_space<vmem>> -> memref<1x32x128xf32, #tpu.memory_space<vmem>>
    %dma_wait3A_213 = tpu.memref_squeeze %dma_wait3A_212 : memref<1x32x128xf32, #tpu.memory_space<vmem>> -> memref<32x128xf32, #tpu.memory_space<vmem>>
    tpu.wait_dma2 semaphore(%arg10 : memref<!tpu.dma_semaphore, #tpu.memory_space<semaphore_mem>>) src(%dma_wait3A_213 : memref<32x128xf32, #tpu.memory_space<vmem>>) dst(%dma_wait3A_209 : memref<32x128xf32, #tpu.memory_space<hbm>>)
    %dma_wait3A_214 = arith.constant 1 : i32
    %dma_wait3A_215 = arith.constant 0 : i32
    %dma_wait3A_216 = arith.constant 0 : i32
    %dma_wait3A_217 = tpu.memref_slice %arg6[%dma_wait3A_214, %dma_wait3A_215, %dma_wait3A_216] : memref<2x32x512xf32, #tpu.memory_space<vmem>> -> memref<1x32x128xf32, #tpu.memory_space<vmem>>
    %dma_wait3A_218 = tpu.memref_squeeze %dma_wait3A_217 : memref<1x32x128xf32, #tpu.memory_space<vmem>> -> memref<32x128xf32, #tpu.memory_space<vmem>>
    %dma_wait3A_219 = arith.constant 0 : i32
    %dma_wait3A_220 = arith.constant 0 : i32
    %dma_wait3A_221 = tpu.memref_slice %arg4[%dma_wait3A_219, %dma_wait3A_220] : memref<650000x128xf32, #tpu.memory_space<hbm>> -> memref<32x128xf32, #tpu.memory_space<hbm>>
    %dma_wait3A_222 = arith.constant 0 : i32
    %dma_wait3A_223 = arith.constant 0 : i32
    %dma_wait3A_224 = tpu.memref_slice %arg4[%dma_wait3A_222, %dma_wait3A_223] : memref<650000x128xf32, #tpu.memory_space<hbm>> -> memref<32x128xf32, #tpu.memory_space<hbm>>
    %dma_wait3A_225 = arith.constant 0 : i32
    %dma_wait3A_226 = arith.constant 0 : i32
    %dma_wait3A_227 = tpu.memref_slice %arg6[%dma_wait3A_214, %dma_wait3A_225, %dma_wait3A_226] : memref<2x32x512xf32, #tpu.memory_space<vmem>> -> memref<1x32x128xf32, #tpu.memory_space<vmem>>
    %dma_wait3A_228 = tpu.memref_squeeze %dma_wait3A_227 : memref<1x32x128xf32, #tpu.memory_space<vmem>> -> memref<32x128xf32, #tpu.memory_space<vmem>>
    tpu.wait_dma2 semaphore(%arg10 : memref<!tpu.dma_semaphore, #tpu.memory_space<semaphore_mem>>) src(%dma_wait3A_228 : memref<32x128xf32, #tpu.memory_space<vmem>>) dst(%dma_wait3A_224 : memref<32x128xf32, #tpu.memory_space<hbm>>)
    %dma_wait3A_229 = arith.constant 1 : i32
    %dma_wait3A_230 = arith.constant 0 : i32
    %dma_wait3A_231 = arith.constant 0 : i32
    %dma_wait3A_232 = tpu.memref_slice %arg6[%dma_wait3A_229, %dma_wait3A_230, %dma_wait3A_231] : memref<2x32x512xf32, #tpu.memory_space<vmem>> -> memref<1x32x128xf32, #tpu.memory_space<vmem>>
    %dma_wait3A_233 = tpu.memref_squeeze %dma_wait3A_232 : memref<1x32x128xf32, #tpu.memory_space<vmem>> -> memref<32x128xf32, #tpu.memory_space<vmem>>
    %dma_wait3A_234 = arith.constant 0 : i32
    %dma_wait3A_235 = arith.constant 0 : i32
    %dma_wait3A_236 = tpu.memref_slice %arg4[%dma_wait3A_234, %dma_wait3A_235] : memref<650000x128xf32, #tpu.memory_space<hbm>> -> memref<32x128xf32, #tpu.memory_space<hbm>>
    %dma_wait3A_237 = arith.constant 0 : i32
    %dma_wait3A_238 = arith.constant 0 : i32
    %dma_wait3A_239 = tpu.memref_slice %arg4[%dma_wait3A_237, %dma_wait3A_238] : memref<650000x128xf32, #tpu.memory_space<hbm>> -> memref<32x128xf32, #tpu.memory_space<hbm>>
    %dma_wait3A_240 = arith.constant 0 : i32
    %dma_wait3A_241 = arith.constant 0 : i32
    %dma_wait3A_242 = tpu.memref_slice %arg6[%dma_wait3A_229, %dma_wait3A_240, %dma_wait3A_241] : memref<2x32x512xf32, #tpu.memory_space<vmem>> -> memref<1x32x128xf32, #tpu.memory_space<vmem>>
    %dma_wait3A_243 = tpu.memref_squeeze %dma_wait3A_242 : memref<1x32x128xf32, #tpu.memory_space<vmem>> -> memref<32x128xf32, #tpu.memory_space<vmem>>
    tpu.wait_dma2 semaphore(%arg10 : memref<!tpu.dma_semaphore, #tpu.memory_space<semaphore_mem>>) src(%dma_wait3A_243 : memref<32x128xf32, #tpu.memory_space<vmem>>) dst(%dma_wait3A_239 : memref<32x128xf32, #tpu.memory_space<hbm>>)
    %lt3A_244 = arith.constant 26 : i32
    %lt3A_245 = arith.cmpi slt, %add3A, %lt3A_244 : i32
    %convert_element_type3A = arith.extui %lt3A_245 : i1 to i32
    %cond3A = arith.constant 0 : i32
    %cond3A_246 = arith.cmpi ne, %convert_element_type3A, %cond3A : i32
    scf.if %cond3A_246 {
      %run_scoped3A = arith.constant 0 : i32
      "tpu.region"() ({
        %run_scoped3A_265 = tpu.sem_alloc : memref<!tpu.dma_semaphore, #tpu.memory_space<semaphore_mem>>
        %dma_start3A_266 = arith.constant 0 : i32
        %dma_start3A_267 = arith.constant 0 : i32
        %dma_start3A_268 = tpu.memref_slice %arg5[%run_scoped3A, %dma_start3A_266, %dma_start3A_267] : memref<2x32x512xf32, #tpu.memory_space<vmem>> -> memref<1x32x128xf32, #tpu.memory_space<vmem>>
        %dma_start3A_269 = tpu.memref_squeeze %dma_start3A_268 : memref<1x32x128xf32, #tpu.memory_space<vmem>> -> memref<32x128xf32, #tpu.memory_space<vmem>>
        %dma_start3A_270 = arith.constant 0 : i32
        %dma_start3A_271 = arith.constant 99840 : i32
        %dma_start3A_272 = tpu.memref_slice %arg2[%add3A, %dma_start3A_270, %dma_start3A_271] : memref<26x32x100000xf32, #tpu.memory_space<hbm>> -> memref<1x32x128xf32, #tpu.memory_space<hbm>>
        %dma_start3A_273 = tpu.memref_squeeze %dma_start3A_272 : memref<1x32x128xf32, #tpu.memory_space<hbm>> -> memref<32x128xf32, #tpu.memory_space<hbm>>
        %dma_start3A_274 = arith.constant 0 : i32
        %dma_start3A_275 = arith.constant 0 : i32
        %dma_start3A_276 = tpu.memref_slice %arg5[%run_scoped3A, %dma_start3A_274, %dma_start3A_275] : memref<2x32x512xf32, #tpu.memory_space<vmem>> -> memref<1x32x128xf32, #tpu.memory_space<vmem>>
        %dma_start3A_277 = tpu.memref_squeeze %dma_start3A_276 : memref<1x32x128xf32, #tpu.memory_space<vmem>> -> memref<32x128xf32, #tpu.memory_space<vmem>>
        %dma_start3A_278 = arith.constant 0 : i32
        %dma_start3A_279 = arith.constant 99840 : i32
        %dma_start3A_280 = tpu.memref_slice %arg2[%add3A, %dma_start3A_278, %dma_start3A_279] : memref<26x32x100000xf32, #tpu.memory_space<hbm>> -> memref<1x32x128xf32, #tpu.memory_space<hbm>>
        %dma_start3A_281 = tpu.memref_squeeze %dma_start3A_280 : memref<1x32x128xf32, #tpu.memory_space<hbm>> -> memref<32x128xf32, #tpu.memory_space<hbm>>
        tpu.enqueue_dma source(%dma_start3A_281 : memref<32x128xf32, #tpu.memory_space<hbm>>) target(%dma_start3A_277 : memref<32x128xf32, #tpu.memory_space<vmem>>) target_semaphore(%run_scoped3A_265 : memref<!tpu.dma_semaphore, #tpu.memory_space<semaphore_mem>>)
        %dma_wait3A_282 = arith.constant 0 : i32
        %dma_wait3A_283 = arith.constant 0 : i32
        %dma_wait3A_284 = tpu.memref_slice %arg5[%run_scoped3A, %dma_wait3A_282, %dma_wait3A_283] : memref<2x32x512xf32, #tpu.memory_space<vmem>> -> memref<1x32x128xf32, #tpu.memory_space<vmem>>
        %dma_wait3A_285 = tpu.memref_squeeze %dma_wait3A_284 : memref<1x32x128xf32, #tpu.memory_space<vmem>> -> memref<32x128xf32, #tpu.memory_space<vmem>>
        %dma_wait3A_286 = arith.constant 0 : i32
        %dma_wait3A_287 = arith.constant 99840 : i32
        %dma_wait3A_288 = tpu.memref_slice %arg2[%add3A, %dma_wait3A_286, %dma_wait3A_287] : memref<26x32x100000xf32, #tpu.memory_space<hbm>> -> memref<1x32x128xf32, #tpu.memory_space<hbm>>
        %dma_wait3A_289 = tpu.memref_squeeze %dma_wait3A_288 : memref<1x32x128xf32, #tpu.memory_space<hbm>> -> memref<32x128xf32, #tpu.memory_space<hbm>>
        %dma_wait3A_290 = arith.constant 0 : i32
        %dma_wait3A_291 = arith.constant 0 : i32
        %dma_wait3A_292 = tpu.memref_slice %arg5[%run_scoped3A, %dma_wait3A_290, %dma_wait3A_291] : memref<2x32x512xf32, #tpu.memory_space<vmem>> -> memref<1x32x128xf32, #tpu.memory_space<vmem>>
        %dma_wait3A_293 = tpu.memref_squeeze %dma_wait3A_292 : memref<1x32x128xf32, #tpu.memory_space<vmem>> -> memref<32x128xf32, #tpu.memory_space<vmem>>
        %dma_wait3A_294 = arith.constant 0 : i32
        %dma_wait3A_295 = arith.constant 99840 : i32
        %dma_wait3A_296 = tpu.memref_slice %arg2[%add3A, %dma_wait3A_294, %dma_wait3A_295] : memref<26x32x100000xf32, #tpu.memory_space<hbm>> -> memref<1x32x128xf32, #tpu.memory_space<hbm>>
        %dma_wait3A_297 = tpu.memref_squeeze %dma_wait3A_296 : memref<1x32x128xf32, #tpu.memory_space<hbm>> -> memref<32x128xf32, #tpu.memory_space<hbm>>
        tpu.wait_dma2 semaphore(%run_scoped3A_265 : memref<!tpu.dma_semaphore, #tpu.memory_space<semaphore_mem>>) src(%dma_wait3A_297 : memref<32x128xf32, #tpu.memory_space<hbm>>) dst(%dma_wait3A_293 : memref<32x128xf32, #tpu.memory_space<vmem>>)
        tpu.yield
      }) : () -> ()
      %parallel_loop3A = arith.constant 0 : i32
      %parallel_loop3A_247 = arith.constant 128 : i32
      %parallel_loop3A_248 = arith.constant 1 : i32
      scf.for %parallel_loop3A_265 = %parallel_loop3A to %parallel_loop3A_247 step %parallel_loop3A_248  : i32 {
        %parallel_loop3A_266 = vector.broadcast %parallel_loop3A_265 : i32 to vector<16xi32>
        %parallel_loop3A_267 = arith.addi %mul3A_3, %parallel_loop3A_266 : vector<16xi32>
        %parallel_loop3A_268 = arith.constant 127 : i32
        %parallel_loop3A_269 = vector.broadcast %parallel_loop3A_268 : i32 to vector<16xi32>
        %parallel_loop3A_270 = arith.andi %parallel_loop3A_267, %parallel_loop3A_269 : vector<16xi32>
        %parallel_loop3A_271 = arith.constant 2 : i32
        %parallel_loop3A_272 = vector.broadcast %parallel_loop3A_271 : i32 to vector<16xi32>
        %parallel_loop3A_273 = arith.shrsi %parallel_loop3A_270, %parallel_loop3A_272 : vector<16xi32>
        %parallel_loop3A_274 = arith.constant 3 : i32
        %parallel_loop3A_275 = vector.broadcast %parallel_loop3A_274 : i32 to vector<16xi32>
        %parallel_loop3A_276 = arith.andi %parallel_loop3A_270, %parallel_loop3A_275 : vector<16xi32>
        %parallel_loop3A_277 = arith.constant 5 : i32
        %parallel_loop3A_278 = vector.broadcast %parallel_loop3A_277 : i32 to vector<16xi32>
        %parallel_loop3A_279 = arith.shli %parallel_loop3A_276, %parallel_loop3A_278 : vector<16xi32>
        %parallel_loop3A_280 = arith.addi %parallel_loop3A_279, %add3A_6 : vector<16xi32>
        %parallel_loop3A_281 = arith.constant 0 : i32
        %parallel_loop3A_282 = arith.constant 0 : i32
        %parallel_loop3A_283 = arith.constant 0 : i32
        %parallel_loop3A_284 = tpu.memref_slice %arg5[%parallel_loop3A_281, %parallel_loop3A_282, %parallel_loop3A_283] : memref<2x32x512xf32, #tpu.memory_space<vmem>> -> memref<1x32x512xf32, #tpu.memory_space<vmem>>
        %parallel_loop3A_285 = tpu.memref_squeeze %parallel_loop3A_284 : memref<1x32x512xf32, #tpu.memory_space<vmem>> -> memref<32x512xf32, #tpu.memory_space<vmem>>
        %parallel_loop3A_286 = tpu.vector_load_idx %parallel_loop3A_285[%add3A_6, %parallel_loop3A_270] : memref<32x512xf32, #tpu.memory_space<vmem>>[vector<16xi32>, vector<16xi32>], vector<16xf32>,
        %parallel_loop3A_287 = arith.constant 0 : i32
        %parallel_loop3A_288 = arith.constant 0 : i32
        %parallel_loop3A_289 = arith.constant 0 : i32
        %parallel_loop3A_290 = tpu.memref_slice %arg6[%parallel_loop3A_287, %parallel_loop3A_288, %parallel_loop3A_289] : memref<2x32x512xf32, #tpu.memory_space<vmem>> -> memref<1x32x512xf32, #tpu.memory_space<vmem>>
        %parallel_loop3A_291 = tpu.memref_squeeze %parallel_loop3A_290 : memref<1x32x512xf32, #tpu.memory_space<vmem>> -> memref<32x512xf32, #tpu.memory_space<vmem>>
        tpu.vector_store_idx %parallel_loop3A_291[%parallel_loop3A_273, %parallel_loop3A_280], %parallel_loop3A_286 : memref<32x512xf32, #tpu.memory_space<vmem>>[vector<16xi32>, vector<16xi32>], vector<16xf32>,
      } {sc.loop_unroll_factor = 8 : i64, sc.parallel_access}
      %parallel_loop3A_249 = arith.constant 0 : i32
      %parallel_loop3A_250 = arith.constant 128 : i32
      %parallel_loop3A_251 = arith.constant 1 : i32
      scf.for %parallel_loop3A_265 = %parallel_loop3A_249 to %parallel_loop3A_250 step %parallel_loop3A_251  : i32 {
        %parallel_loop3A_266 = vector.broadcast %parallel_loop3A_265 : i32 to vector<16xi32>
        %parallel_loop3A_267 = arith.addi %mul3A_3, %parallel_loop3A_266 : vector<16xi32>
        %parallel_loop3A_268 = arith.constant 127 : i32
        %parallel_loop3A_269 = vector.broadcast %parallel_loop3A_268 : i32 to vector<16xi32>
        %parallel_loop3A_270 = arith.andi %parallel_loop3A_267, %parallel_loop3A_269 : vector<16xi32>
        %parallel_loop3A_271 = arith.constant 2 : i32
        %parallel_loop3A_272 = vector.broadcast %parallel_loop3A_271 : i32 to vector<16xi32>
        %parallel_loop3A_273 = arith.shrsi %parallel_loop3A_270, %parallel_loop3A_272 : vector<16xi32>
        %parallel_loop3A_274 = arith.constant 3 : i32
        %parallel_loop3A_275 = vector.broadcast %parallel_loop3A_274 : i32 to vector<16xi32>
        %parallel_loop3A_276 = arith.andi %parallel_loop3A_270, %parallel_loop3A_275 : vector<16xi32>
        %parallel_loop3A_277 = arith.constant 5 : i32
        %parallel_loop3A_278 = vector.broadcast %parallel_loop3A_277 : i32 to vector<16xi32>
        %parallel_loop3A_279 = arith.shli %parallel_loop3A_276, %parallel_loop3A_278 : vector<16xi32>
        %parallel_loop3A_280 = arith.addi %parallel_loop3A_279, %add3A_9 : vector<16xi32>
        %parallel_loop3A_281 = arith.constant 0 : i32
        %parallel_loop3A_282 = arith.constant 0 : i32
        %parallel_loop3A_283 = arith.constant 0 : i32
        %parallel_loop3A_284 = tpu.memref_slice %arg5[%parallel_loop3A_281, %parallel_loop3A_282, %parallel_loop3A_283] : memref<2x32x512xf32, #tpu.memory_space<vmem>> -> memref<1x32x512xf32, #tpu.memory_space<vmem>>
        %parallel_loop3A_285 = tpu.memref_squeeze %parallel_loop3A_284 : memref<1x32x512xf32, #tpu.memory_space<vmem>> -> memref<32x512xf32, #tpu.memory_space<vmem>>
        %parallel_loop3A_286 = tpu.vector_load_idx %parallel_loop3A_285[%add3A_9, %parallel_loop3A_270] : memref<32x512xf32, #tpu.memory_space<vmem>>[vector<16xi32>, vector<16xi32>], vector<16xf32>,
        %parallel_loop3A_287 = arith.constant 0 : i32
        %parallel_loop3A_288 = arith.constant 0 : i32
        %parallel_loop3A_289 = arith.constant 0 : i32
        %parallel_loop3A_290 = tpu.memref_slice %arg6[%parallel_loop3A_287, %parallel_loop3A_288, %parallel_loop3A_289] : memref<2x32x512xf32, #tpu.memory_space<vmem>> -> memref<1x32x512xf32, #tpu.memory_space<vmem>>
        %parallel_loop3A_291 = tpu.memref_squeeze %parallel_loop3A_290 : memref<1x32x512xf32, #tpu.memory_space<vmem>> -> memref<32x512xf32, #tpu.memory_space<vmem>>
        tpu.vector_store_idx %parallel_loop3A_291[%parallel_loop3A_273, %parallel_loop3A_280], %parallel_loop3A_286 : memref<32x512xf32, #tpu.memory_space<vmem>>[vector<16xi32>, vector<16xi32>], vector<16xf32>,
      } {sc.loop_unroll_factor = 8 : i64, sc.parallel_access}
      %mul3A_252 = arith.constant 25000 : i32
      %mul3A_253 = arith.muli %add3A, %mul3A_252 : i32
      %add3A_254 = arith.constant 24960 : i32
      %add3A_255 = arith.addi %mul3A_253, %add3A_254 : i32
      %run_scoped3A_256 = arith.constant 0 : i32
      "tpu.region"() ({
        %run_scoped3A_265 = tpu.sem_alloc : memref<!tpu.dma_semaphore, #tpu.memory_space<semaphore_mem>>
        %dma_start3A_266 = arith.constant 0 : i32
        %dma_start3A_267 = arith.constant 0 : i32
        %dma_start3A_268 = tpu.memref_slice %arg6[%run_scoped3A_256, %dma_start3A_266, %dma_start3A_267] : memref<2x32x512xf32, #tpu.memory_space<vmem>> -> memref<1x32x128xf32, #tpu.memory_space<vmem>>
        %dma_start3A_269 = tpu.memref_squeeze %dma_start3A_268 : memref<1x32x128xf32, #tpu.memory_space<vmem>> -> memref<32x128xf32, #tpu.memory_space<vmem>>
        %dma_start3A_270 = arith.constant 0 : i32
        %dma_start3A_271 = tpu.memref_slice %arg4[%add3A_255, %dma_start3A_270] : memref<650000x128xf32, #tpu.memory_space<hbm>> -> memref<32x128xf32, #tpu.memory_space<hbm>>
        %dma_start3A_272 = arith.constant 0 : i32
        %dma_start3A_273 = tpu.memref_slice %arg4[%add3A_255, %dma_start3A_272] : memref<650000x128xf32, #tpu.memory_space<hbm>> -> memref<32x128xf32, #tpu.memory_space<hbm>>
        %dma_start3A_274 = arith.constant 0 : i32
        %dma_start3A_275 = arith.constant 0 : i32
        %dma_start3A_276 = tpu.memref_slice %arg6[%run_scoped3A_256, %dma_start3A_274, %dma_start3A_275] : memref<2x32x512xf32, #tpu.memory_space<vmem>> -> memref<1x32x128xf32, #tpu.memory_space<vmem>>
        %dma_start3A_277 = tpu.memref_squeeze %dma_start3A_276 : memref<1x32x128xf32, #tpu.memory_space<vmem>> -> memref<32x128xf32, #tpu.memory_space<vmem>>
        tpu.enqueue_dma source(%dma_start3A_277 : memref<32x128xf32, #tpu.memory_space<vmem>>) target(%dma_start3A_273 : memref<32x128xf32, #tpu.memory_space<hbm>>) target_semaphore(%run_scoped3A_265 : memref<!tpu.dma_semaphore, #tpu.memory_space<semaphore_mem>>)
        %dma_wait3A_278 = arith.constant 0 : i32
        %dma_wait3A_279 = arith.constant 0 : i32
        %dma_wait3A_280 = tpu.memref_slice %arg6[%run_scoped3A_256, %dma_wait3A_278, %dma_wait3A_279] : memref<2x32x512xf32, #tpu.memory_space<vmem>> -> memref<1x32x128xf32, #tpu.memory_space<vmem>>
        %dma_wait3A_281 = tpu.memref_squeeze %dma_wait3A_280 : memref<1x32x128xf32, #tpu.memory_space<vmem>> -> memref<32x128xf32, #tpu.memory_space<vmem>>
        %dma_wait3A_282 = arith.constant 0 : i32
        %dma_wait3A_283 = tpu.memref_slice %arg4[%add3A_255, %dma_wait3A_282] : memref<650000x128xf32, #tpu.memory_space<hbm>> -> memref<32x128xf32, #tpu.memory_space<hbm>>
        %dma_wait3A_284 = arith.constant 0 : i32
        %dma_wait3A_285 = tpu.memref_slice %arg4[%add3A_255, %dma_wait3A_284] : memref<650000x128xf32, #tpu.memory_space<hbm>> -> memref<32x128xf32, #tpu.memory_space<hbm>>
        %dma_wait3A_286 = arith.constant 0 : i32
        %dma_wait3A_287 = arith.constant 0 : i32
        %dma_wait3A_288 = tpu.memref_slice %arg6[%run_scoped3A_256, %dma_wait3A_286, %dma_wait3A_287] : memref<2x32x512xf32, #tpu.memory_space<vmem>> -> memref<1x32x128xf32, #tpu.memory_space<vmem>>
        %dma_wait3A_289 = tpu.memref_squeeze %dma_wait3A_288 : memref<1x32x128xf32, #tpu.memory_space<vmem>> -> memref<32x128xf32, #tpu.memory_space<vmem>>
        tpu.wait_dma2 semaphore(%run_scoped3A_265 : memref<!tpu.dma_semaphore, #tpu.memory_space<semaphore_mem>>) src(%dma_wait3A_289 : memref<32x128xf32, #tpu.memory_space<vmem>>) dst(%dma_wait3A_285 : memref<32x128xf32, #tpu.memory_space<hbm>>)
        tpu.yield
      }) : () -> ()
      %mul3A_257 = arith.constant 8 : i32
      %mul3A_258 = arith.muli %add3A, %mul3A_257 : i32
      %run_scoped3A_259 = arith.constant 0 : i32
      "tpu.region"() ({
        %run_scoped3A_265 = tpu.sem_alloc : memref<!tpu.dma_semaphore, #tpu.memory_space<semaphore_mem>>
        %dma_start3A_266 = arith.constant 0 : i32
        %dma_start3A_267 = arith.constant 0 : i32
        %dma_start3A_268 = tpu.memref_slice %arg5[%run_scoped3A_259, %dma_start3A_266, %dma_start3A_267] : memref<2x32x512xf32, #tpu.memory_space<vmem>> -> memref<1x8x128xf32, #tpu.memory_space<vmem>>
        %dma_start3A_269 = tpu.memref_squeeze %dma_start3A_268 : memref<1x8x128xf32, #tpu.memory_space<vmem>> -> memref<8x128xf32, #tpu.memory_space<vmem>>
        %dma_start3A_270 = arith.constant 0 : i32
        %dma_start3A_271 = tpu.memref_slice %arg3[%mul3A_258, %dma_start3A_270] : memref<208x128xf32, #tpu.memory_space<hbm>> -> memref<8x128xf32, #tpu.memory_space<hbm>>
        %dma_start3A_272 = arith.constant 0 : i32
        %dma_start3A_273 = arith.constant 0 : i32
        %dma_start3A_274 = tpu.memref_slice %arg5[%run_scoped3A_259, %dma_start3A_272, %dma_start3A_273] : memref<2x32x512xf32, #tpu.memory_space<vmem>> -> memref<1x8x128xf32, #tpu.memory_space<vmem>>
        %dma_start3A_275 = tpu.memref_squeeze %dma_start3A_274 : memref<1x8x128xf32, #tpu.memory_space<vmem>> -> memref<8x128xf32, #tpu.memory_space<vmem>>
        %dma_start3A_276 = arith.constant 0 : i32
        %dma_start3A_277 = tpu.memref_slice %arg3[%mul3A_258, %dma_start3A_276] : memref<208x128xf32, #tpu.memory_space<hbm>> -> memref<8x128xf32, #tpu.memory_space<hbm>>
        tpu.enqueue_dma source(%dma_start3A_277 : memref<8x128xf32, #tpu.memory_space<hbm>>) target(%dma_start3A_275 : memref<8x128xf32, #tpu.memory_space<vmem>>) target_semaphore(%run_scoped3A_265 : memref<!tpu.dma_semaphore, #tpu.memory_space<semaphore_mem>>)
        %dma_wait3A_278 = arith.constant 0 : i32
        %dma_wait3A_279 = arith.constant 0 : i32
        %dma_wait3A_280 = tpu.memref_slice %arg5[%run_scoped3A_259, %dma_wait3A_278, %dma_wait3A_279] : memref<2x32x512xf32, #tpu.memory_space<vmem>> -> memref<1x8x128xf32, #tpu.memory_space<vmem>>
        %dma_wait3A_281 = tpu.memref_squeeze %dma_wait3A_280 : memref<1x8x128xf32, #tpu.memory_space<vmem>> -> memref<8x128xf32, #tpu.memory_space<vmem>>
        %dma_wait3A_282 = arith.constant 0 : i32
        %dma_wait3A_283 = tpu.memref_slice %arg3[%mul3A_258, %dma_wait3A_282] : memref<208x128xf32, #tpu.memory_space<hbm>> -> memref<8x128xf32, #tpu.memory_space<hbm>>
        %dma_wait3A_284 = arith.constant 0 : i32
        %dma_wait3A_285 = arith.constant 0 : i32
        %dma_wait3A_286 = tpu.memref_slice %arg5[%run_scoped3A_259, %dma_wait3A_284, %dma_wait3A_285] : memref<2x32x512xf32, #tpu.memory_space<vmem>> -> memref<1x8x128xf32, #tpu.memory_space<vmem>>
        %dma_wait3A_287 = tpu.memref_squeeze %dma_wait3A_286 : memref<1x8x128xf32, #tpu.memory_space<vmem>> -> memref<8x128xf32, #tpu.memory_space<vmem>>
        %dma_wait3A_288 = arith.constant 0 : i32
        %dma_wait3A_289 = tpu.memref_slice %arg3[%mul3A_258, %dma_wait3A_288] : memref<208x128xf32, #tpu.memory_space<hbm>> -> memref<8x128xf32, #tpu.memory_space<hbm>>
        tpu.wait_dma2 semaphore(%run_scoped3A_265 : memref<!tpu.dma_semaphore, #tpu.memory_space<semaphore_mem>>) src(%dma_wait3A_289 : memref<8x128xf32, #tpu.memory_space<hbm>>) dst(%dma_wait3A_287 : memref<8x128xf32, #tpu.memory_space<vmem>>)
        tpu.yield
      }) : () -> ()
      %mul3A_260 = arith.constant 25000 : i32
      %mul3A_261 = arith.muli %add3A, %mul3A_260 : i32
      %add3A_262 = arith.constant 24992 : i32
      %add3A_263 = arith.addi %mul3A_261, %add3A_262 : i32
      %run_scoped3A_264 = arith.constant 0 : i32
      "tpu.region"() ({
        %run_scoped3A_265 = tpu.sem_alloc : memref<!tpu.dma_semaphore, #tpu.memory_space<semaphore_mem>>
        %dma_start3A_266 = arith.constant 0 : i32
        %dma_start3A_267 = arith.constant 0 : i32
        %dma_start3A_268 = tpu.memref_slice %arg5[%run_scoped3A_264, %dma_start3A_266, %dma_start3A_267] : memref<2x32x512xf32, #tpu.memory_space<vmem>> -> memref<1x8x128xf32, #tpu.memory_space<vmem>>
        %dma_start3A_269 = tpu.memref_squeeze %dma_start3A_268 : memref<1x8x128xf32, #tpu.memory_space<vmem>> -> memref<8x128xf32, #tpu.memory_space<vmem>>
        %dma_start3A_270 = arith.constant 0 : i32
        %dma_start3A_271 = tpu.memref_slice %arg4[%add3A_263, %dma_start3A_270] : memref<650000x128xf32, #tpu.memory_space<hbm>> -> memref<8x128xf32, #tpu.memory_space<hbm>>
        %dma_start3A_272 = arith.constant 0 : i32
        %dma_start3A_273 = tpu.memref_slice %arg4[%add3A_263, %dma_start3A_272] : memref<650000x128xf32, #tpu.memory_space<hbm>> -> memref<8x128xf32, #tpu.memory_space<hbm>>
        %dma_start3A_274 = arith.constant 0 : i32
        %dma_start3A_275 = arith.constant 0 : i32
        %dma_start3A_276 = tpu.memref_slice %arg5[%run_scoped3A_264, %dma_start3A_274, %dma_start3A_275] : memref<2x32x512xf32, #tpu.memory_space<vmem>> -> memref<1x8x128xf32, #tpu.memory_space<vmem>>
        %dma_start3A_277 = tpu.memref_squeeze %dma_start3A_276 : memref<1x8x128xf32, #tpu.memory_space<vmem>> -> memref<8x128xf32, #tpu.memory_space<vmem>>
        tpu.enqueue_dma source(%dma_start3A_277 : memref<8x128xf32, #tpu.memory_space<vmem>>) target(%dma_start3A_273 : memref<8x128xf32, #tpu.memory_space<hbm>>) target_semaphore(%run_scoped3A_265 : memref<!tpu.dma_semaphore, #tpu.memory_space<semaphore_mem>>)
        %dma_wait3A_278 = arith.constant 0 : i32
        %dma_wait3A_279 = arith.constant 0 : i32
        %dma_wait3A_280 = tpu.memref_slice %arg5[%run_scoped3A_264, %dma_wait3A_278, %dma_wait3A_279] : memref<2x32x512xf32, #tpu.memory_space<vmem>> -> memref<1x8x128xf32, #tpu.memory_space<vmem>>
        %dma_wait3A_281 = tpu.memref_squeeze %dma_wait3A_280 : memref<1x8x128xf32, #tpu.memory_space<vmem>> -> memref<8x128xf32, #tpu.memory_space<vmem>>
        %dma_wait3A_282 = arith.constant 0 : i32
        %dma_wait3A_283 = tpu.memref_slice %arg4[%add3A_263, %dma_wait3A_282] : memref<650000x128xf32, #tpu.memory_space<hbm>> -> memref<8x128xf32, #tpu.memory_space<hbm>>
        %dma_wait3A_284 = arith.constant 0 : i32
        %dma_wait3A_285 = tpu.memref_slice %arg4[%add3A_263, %dma_wait3A_284] : memref<650000x128xf32, #tpu.memory_space<hbm>> -> memref<8x128xf32, #tpu.memory_space<hbm>>
        %dma_wait3A_286 = arith.constant 0 : i32
        %dma_wait3A_287 = arith.constant 0 : i32
        %dma_wait3A_288 = tpu.memref_slice %arg5[%run_scoped3A_264, %dma_wait3A_286, %dma_wait3A_287] : memref<2x32x512xf32, #tpu.memory_space<vmem>> -> memref<1x8x128xf32, #tpu.memory_space<vmem>>
        %dma_wait3A_289 = tpu.memref_squeeze %dma_wait3A_288 : memref<1x8x128xf32, #tpu.memory_space<vmem>> -> memref<8x128xf32, #tpu.memory_space<vmem>>
        tpu.wait_dma2 semaphore(%run_scoped3A_265 : memref<!tpu.dma_semaphore, #tpu.memory_space<semaphore_mem>>) src(%dma_wait3A_289 : memref<8x128xf32, #tpu.memory_space<vmem>>) dst(%dma_wait3A_285 : memref<8x128xf32, #tpu.memory_space<hbm>>)
        tpu.yield
      }) : () -> ()
    } else {
    }
    return
  }
}

module attributes {stable_mosaic.version = 14 : i64} {
  func.func @body(%arg0: memref<16384x13xf32, #tpu.memory_space<vmem>>, %arg1: memref<1x13xf32, #tpu.memory_space<vmem>>, %arg2: memref<1x13xf32, #tpu.memory_space<vmem>>, %arg3: memref<1x13xf32, #tpu.memory_space<vmem>>, %arg4: memref<1x13xf32, #tpu.memory_space<vmem>>) attributes {dimension_semantics = [], scalar_prefetch = 0 : i64, scratch_operands = 0 : i64, tpu.core_type = #tpu.core_type<tc>} {
    %get3A = arith.constant 0 : index
    %get3A_0 = arith.constant 0 : index
    %get3A_1 = vector.load %arg0[%get3A, %get3A_0] : memref<16384x13xf32, #tpu.memory_space<vmem>>, vector<16384x13xf32>
    %reduce_sum3A = arith.constant dense<0.000000e+00> : vector<13xf32>
    %reduce_sum3A_2 = vector.multi_reduction <add>, %get3A_1, %reduce_sum3A [0] : vector<16384x13xf32> to vector<13xf32>
    %broadcast_in_dim3A = vector.shape_cast %reduce_sum3A_2 : vector<13xf32> to vector<1x13xf32>
    %div3A = arith.constant 1.638400e+04 : f32
    %div3A_3 = vector.broadcast %div3A : f32 to vector<1x13xf32>
    %div3A_4 = arith.divf %broadcast_in_dim3A, %div3A_3 : vector<1x13xf32>
    %sub3A = vector.broadcast %div3A_4 : vector<1x13xf32> to vector<16384x13xf32>
    %sub3A_5 = arith.subf %get3A_1, %sub3A : vector<16384x13xf32>
    %sub3A_6 = vector.broadcast %div3A_4 : vector<1x13xf32> to vector<16384x13xf32>
    %sub3A_7 = arith.subf %get3A_1, %sub3A_6 : vector<16384x13xf32>
    %mul3A = arith.mulf %sub3A_5, %sub3A_7 : vector<16384x13xf32>
    %reduce_sum3A_8 = arith.constant dense<0.000000e+00> : vector<13xf32>
    %reduce_sum3A_9 = vector.multi_reduction <add>, %mul3A, %reduce_sum3A_8 [0] : vector<16384x13xf32> to vector<13xf32>
    %broadcast_in_dim3A_10 = vector.shape_cast %reduce_sum3A_9 : vector<13xf32> to vector<1x13xf32>
    %div3A_11 = arith.constant 1.638400e+04 : f32
    %div3A_12 = vector.broadcast %div3A_11 : f32 to vector<1x13xf32>
    %div3A_13 = arith.divf %broadcast_in_dim3A_10, %div3A_12 : vector<1x13xf32>
    %get3A_14 = arith.constant 0 : index
    %get3A_15 = arith.constant 0 : index
    %get3A_16 = vector.load %arg1[%get3A_14, %get3A_15] : memref<1x13xf32, #tpu.memory_space<vmem>>, vector<1x13xf32>
    %add3A = arith.constant 9.99999974E-6 : f32
    %add3A_17 = vector.broadcast %add3A : f32 to vector<1x13xf32>
    %add3A_18 = arith.addf %div3A_13, %add3A_17 : vector<1x13xf32>
    %rsqrt3A = math.rsqrt %add3A_18 : vector<1x13xf32>
    %mul3A_19 = arith.mulf %get3A_16, %rsqrt3A : vector<1x13xf32>
    %swap3A = arith.constant 0 : index
    %swap3A_20 = arith.constant 0 : index
    %swap3A_21 = vector.load %arg3[%swap3A, %swap3A_20] : memref<1x13xf32, #tpu.memory_space<vmem>>, vector<1x13xf32>
    tpu.vector_store %arg3[%swap3A, %swap3A_20], %mul3A_19 {strides = array<i32>} : memref<1x13xf32, #tpu.memory_space<vmem>>, vector<1x13xf32>,
    %get3A_22 = arith.constant 0 : index
    %get3A_23 = arith.constant 0 : index
    %get3A_24 = vector.load %arg2[%get3A_22, %get3A_23] : memref<1x13xf32, #tpu.memory_space<vmem>>, vector<1x13xf32>
    %mul3A_25 = arith.mulf %div3A_4, %mul3A_19 : vector<1x13xf32>
    %sub3A_26 = arith.subf %get3A_24, %mul3A_25 : vector<1x13xf32>
    %swap3A_27 = arith.constant 0 : index
    %swap3A_28 = arith.constant 0 : index
    %swap3A_29 = vector.load %arg4[%swap3A_27, %swap3A_28] : memref<1x13xf32, #tpu.memory_space<vmem>>, vector<1x13xf32>
    tpu.vector_store %arg4[%swap3A_27, %swap3A_28], %sub3A_26 {strides = array<i32>} : memref<1x13xf32, #tpu.memory_space<vmem>>, vector<1x13xf32>,
    return
  }
}

module attributes {stable_mosaic.version = 14 : i64} {
  func.func @body(%arg0: i32, %arg1: memref<1024x832xf32, #tpu.memory_space<vmem>>, %arg2: memref<1024x13xf32, #tpu.memory_space<vmem>>, %arg3: memref<1x13xf32, #tpu.memory_space<vmem>>, %arg4: memref<1x13xf32, #tpu.memory_space<vmem>>, %arg5: memref<832x512xf32, #tpu.memory_space<vmem>>, %arg6: memref<13x512xf32, #tpu.memory_space<vmem>>, %arg7: memref<1x512xf32, #tpu.memory_space<vmem>>, %arg8: memref<1024x512xf32, #tpu.memory_space<vmem>>, %arg9: memref<2x512xf32, #tpu.memory_space<vmem>>) attributes {dimension_semantics = [#tpu.dimension_semantics<arbitrary>], iteration_bounds = array<i64: 16>, scalar_prefetch = 0 : i64, scratch_operands = 0 : i64, tpu.core_type = #tpu.core_type<tc>, window_params = [{transform_indices = @transform_0, window_bounds = array<i64: 1024, 832>}, {transform_indices = @transform_1, window_bounds = array<i64: 1024, 13>}, {pipeline_mode = #tpu.pipeline_mode<synchronous>, transform_indices = @transform_2, window_bounds = array<i64: 1, 13>}, {pipeline_mode = #tpu.pipeline_mode<synchronous>, transform_indices = @transform_3, window_bounds = array<i64: 1, 13>}, {pipeline_mode = #tpu.pipeline_mode<synchronous>, transform_indices = @transform_4, window_bounds = array<i64: 832, 512>}, {pipeline_mode = #tpu.pipeline_mode<synchronous>, transform_indices = @transform_5, window_bounds = array<i64: 13, 512>}, {pipeline_mode = #tpu.pipeline_mode<synchronous>, transform_indices = @transform_6, window_bounds = array<i64: 1, 512>}, {transform_indices = @transform_7, window_bounds = array<i64: 1024, 512>}, {pipeline_mode = #tpu.pipeline_mode<synchronous>, transform_indices = @transform_8, window_bounds = array<i64: 2, 512>}]} {
    %get3A = arith.constant 0 : index
    %get3A_0 = arith.constant 0 : index
    %get3A_1 = vector.load %arg2[%get3A, %get3A_0] : memref<1024x13xf32, #tpu.memory_space<vmem>>, vector<1024x13xf32>
    %get3A_2 = arith.constant 0 : index
    %get3A_3 = arith.constant 0 : index
    %get3A_4 = vector.load %arg3[%get3A_2, %get3A_3] : memref<1x13xf32, #tpu.memory_space<vmem>>, vector<1x13xf32>
    %mul3A = vector.broadcast %get3A_4 : vector<1x13xf32> to vector<1024x13xf32>
    %mul3A_5 = arith.mulf %get3A_1, %mul3A : vector<1024x13xf32>
    %get3A_6 = arith.constant 0 : index
    %get3A_7 = arith.constant 0 : index
    %get3A_8 = vector.load %arg4[%get3A_6, %get3A_7] : memref<1x13xf32, #tpu.memory_space<vmem>>, vector<1x13xf32>
    %add3A = vector.broadcast %get3A_8 : vector<1x13xf32> to vector<1024x13xf32>
    %add3A_9 = arith.addf %mul3A_5, %add3A : vector<1024x13xf32>
    %get3A_10 = arith.constant 0 : index
    %get3A_11 = arith.constant 0 : index
    %get3A_12 = vector.load %arg1[%get3A_10, %get3A_11] : memref<1024x832xf32, #tpu.memory_space<vmem>>, vector<1024x832xf32>
    %get3A_13 = arith.constant 0 : index
    %get3A_14 = arith.constant 0 : index
    %get3A_15 = vector.load %arg5[%get3A_13, %get3A_14] : memref<832x512xf32, #tpu.memory_space<vmem>>, vector<832x512xf32>
    %dot_general3A = arith.constant dense<0.000000e+00> : vector<1024x512xf32>
    %dot_general3A_16 = tpu.matmul %get3A_12, %get3A_15, %dot_general3A {dimension_numbers = #tpu.dot_dimension_numbers<[1], [0], [0], [1], [0, 0, 1, 1], [], []>, transpose_lhs_hint = false} : vector<1024x832xf32>, vector<832x512xf32>, vector<1024x512xf32> -> vector<1024x512xf32>
    %get3A_17 = arith.constant 0 : index
    %get3A_18 = arith.constant 0 : index
    %get3A_19 = vector.load %arg6[%get3A_17, %get3A_18] : memref<13x512xf32, #tpu.memory_space<vmem>>, vector<13x512xf32>
    %dot_general3A_20 = arith.constant dense<0.000000e+00> : vector<1024x512xf32>
    %dot_general3A_21 = tpu.matmul %add3A_9, %get3A_19, %dot_general3A_20 {dimension_numbers = #tpu.dot_dimension_numbers<[1], [0], [0], [1], [0, 0, 1, 1], [], []>, transpose_lhs_hint = false} : vector<1024x13xf32>, vector<13x512xf32>, vector<1024x512xf32> -> vector<1024x512xf32>
    %add3A_22 = arith.addf %dot_general3A_16, %dot_general3A_21 : vector<1024x512xf32>
    %get3A_23 = arith.constant 0 : index
    %get3A_24 = arith.constant 0 : index
    %get3A_25 = vector.load %arg7[%get3A_23, %get3A_24] : memref<1x512xf32, #tpu.memory_space<vmem>>, vector<1x512xf32>
    %add3A_26 = vector.broadcast %get3A_25 : vector<1x512xf32> to vector<1024x512xf32>
    %add3A_27 = arith.addf %add3A_22, %add3A_26 : vector<1024x512xf32>
    %max3A = arith.constant 0.000000e+00 : f32
    %max3A_28 = vector.broadcast %max3A : f32 to vector<1024x512xf32>
    %max3A_29 = arith.maximumf %add3A_27, %max3A_28 : vector<1024x512xf32>
    %swap3A = arith.constant 0 : index
    %swap3A_30 = arith.constant 0 : index
    %swap3A_31 = vector.load %arg8[%swap3A, %swap3A_30] : memref<1024x512xf32, #tpu.memory_space<vmem>>, vector<1024x512xf32>
    tpu.vector_store %arg8[%swap3A, %swap3A_30], %max3A_29 {strides = array<i32>} : memref<1024x512xf32, #tpu.memory_space<vmem>>, vector<1024x512xf32>,
    %reduce_sum3A = arith.constant dense<0.000000e+00> : vector<512xf32>
    %reduce_sum3A_32 = vector.multi_reduction <add>, %max3A_29, %reduce_sum3A [0] : vector<1024x512xf32> to vector<512xf32>
    %broadcast_in_dim3A = vector.shape_cast %reduce_sum3A_32 : vector<512xf32> to vector<1x512xf32>
    %mul3A_33 = arith.mulf %max3A_29, %max3A_29 : vector<1024x512xf32>
    %reduce_sum3A_34 = arith.constant dense<0.000000e+00> : vector<512xf32>
    %reduce_sum3A_35 = vector.multi_reduction <add>, %mul3A_33, %reduce_sum3A_34 [0] : vector<1024x512xf32> to vector<512xf32>
    %broadcast_in_dim3A_36 = vector.shape_cast %reduce_sum3A_35 : vector<512xf32> to vector<1x512xf32>
    %concatenate3A = tpu.concatenate %broadcast_in_dim3A, %broadcast_in_dim3A_36 in 0 : vector<1x512xf32>, vector<1x512xf32> -> vector<2x512xf32>
    %eq3A = arith.constant 0 : i32
    %eq3A_37 = arith.cmpi eq, %arg0, %eq3A : i32
    %convert_element_type3A = arith.extui %eq3A_37 : i1 to i32
    %cond3A = arith.constant 0 : i32
    %cond3A_38 = arith.cmpi ne, %convert_element_type3A, %cond3A : i32
    scf.if %cond3A_38 {
      %swap3A_43 = arith.constant 0 : index
      %swap3A_44 = arith.constant 0 : index
      %swap3A_45 = vector.load %arg9[%swap3A_43, %swap3A_44] : memref<2x512xf32, #tpu.memory_space<vmem>>, vector<2x512xf32>
      tpu.vector_store %arg9[%swap3A_43, %swap3A_44], %concatenate3A {strides = array<i32>} : memref<2x512xf32, #tpu.memory_space<vmem>>, vector<2x512xf32>,
    } else {
    }
    %gt3A = arith.constant 0 : i32
    %gt3A_39 = arith.cmpi sgt, %arg0, %gt3A : i32
    %convert_element_type3A_40 = arith.extui %gt3A_39 : i1 to i32
    %cond3A_41 = arith.constant 0 : i32
    %cond3A_42 = arith.cmpi ne, %convert_element_type3A_40, %cond3A_41 : i32
    scf.if %cond3A_42 {
      %get3A_43 = arith.constant 0 : index
      %get3A_44 = arith.constant 0 : index
      %get3A_45 = vector.load %arg9[%get3A_43, %get3A_44] : memref<2x512xf32, #tpu.memory_space<vmem>>, vector<2x512xf32>
      %add3A_46 = arith.addf %get3A_45, %concatenate3A : vector<2x512xf32>
      %swap3A_47 = arith.constant 0 : index
      %swap3A_48 = arith.constant 0 : index
      %swap3A_49 = vector.load %arg9[%swap3A_47, %swap3A_48] : memref<2x512xf32, #tpu.memory_space<vmem>>, vector<2x512xf32>
      tpu.vector_store %arg9[%swap3A_47, %swap3A_48], %add3A_46 {strides = array<i32>} : memref<2x512xf32, #tpu.memory_space<vmem>>, vector<2x512xf32>,
    } else {
    }
    return
  }
  func.func @transform_0(%arg0: i32) -> (i32, i32) {
    %c0_i32 = arith.constant 0 : i32
    %c0_i32_0 = arith.constant 0 : i32
    return %arg0, %c0_i32 : i32, i32
  }
  func.func @transform_1(%arg0: i32) -> (i32, i32) {
    %c0_i32 = arith.constant 0 : i32
    %c0_i32_0 = arith.constant 0 : i32
    return %arg0, %c0_i32 : i32, i32
  }
  func.func @transform_2(%arg0: i32) -> (i32, i32) {
    %c0_i32 = arith.constant 0 : i32
    %c0_i32_0 = arith.constant 0 : i32
    %c0_i32_1 = arith.constant 0 : i32
    return %c0_i32, %c0_i32_0 : i32, i32
  }
  func.func @transform_3(%arg0: i32) -> (i32, i32) {
    %c0_i32 = arith.constant 0 : i32
    %c0_i32_0 = arith.constant 0 : i32
    %c0_i32_1 = arith.constant 0 : i32
    return %c0_i32, %c0_i32_0 : i32, i32
  }
  func.func @transform_4(%arg0: i32) -> (i32, i32) {
    %c0_i32 = arith.constant 0 : i32
    %c0_i32_0 = arith.constant 0 : i32
    %c0_i32_1 = arith.constant 0 : i32
    return %c0_i32, %c0_i32_0 : i32, i32
  }
  func.func @transform_5(%arg0: i32) -> (i32, i32) {
    %c0_i32 = arith.constant 0 : i32
    %c0_i32_0 = arith.constant 0 : i32
    %c0_i32_1 = arith.constant 0 : i32
    return %c0_i32, %c0_i32_0 : i32, i32
  }
  func.func @transform_6(%arg0: i32) -> (i32, i32) {
    %c0_i32 = arith.constant 0 : i32
    %c0_i32_0 = arith.constant 0 : i32
    %c0_i32_1 = arith.constant 0 : i32
    return %c0_i32, %c0_i32_0 : i32, i32
  }
  func.func @transform_7(%arg0: i32) -> (i32, i32) {
    %c0_i32 = arith.constant 0 : i32
    %c0_i32_0 = arith.constant 0 : i32
    return %arg0, %c0_i32 : i32, i32
  }
  func.func @transform_8(%arg0: i32) -> (i32, i32) {
    %c0_i32 = arith.constant 0 : i32
    %c0_i32_0 = arith.constant 0 : i32
    %c0_i32_1 = arith.constant 0 : i32
    return %c0_i32, %c0_i32_0 : i32, i32
  }
}

module attributes {stable_mosaic.version = 14 : i64} {
  func.func @body(%arg0: i32, %arg1: memref<1024x512xf32, #tpu.memory_space<vmem>>, %arg2: memref<1x512xf32, #tpu.memory_space<vmem>>, %arg3: memref<1x512xf32, #tpu.memory_space<vmem>>, %arg4: memref<512x256xf32, #tpu.memory_space<vmem>>, %arg5: memref<1x256xf32, #tpu.memory_space<vmem>>, %arg6: memref<1024x256xf32, #tpu.memory_space<vmem>>, %arg7: memref<2x256xf32, #tpu.memory_space<vmem>>) attributes {dimension_semantics = [#tpu.dimension_semantics<arbitrary>], iteration_bounds = array<i64: 16>, scalar_prefetch = 0 : i64, scratch_operands = 0 : i64, tpu.core_type = #tpu.core_type<tc>, window_params = [{transform_indices = @transform_0, window_bounds = array<i64: 1024, 512>}, {pipeline_mode = #tpu.pipeline_mode<synchronous>, transform_indices = @transform_1, window_bounds = array<i64: 1, 512>}, {pipeline_mode = #tpu.pipeline_mode<synchronous>, transform_indices = @transform_2, window_bounds = array<i64: 1, 512>}, {pipeline_mode = #tpu.pipeline_mode<synchronous>, transform_indices = @transform_3, window_bounds = array<i64: 512, 256>}, {pipeline_mode = #tpu.pipeline_mode<synchronous>, transform_indices = @transform_4, window_bounds = array<i64: 1, 256>}, {transform_indices = @transform_5, window_bounds = array<i64: 1024, 256>}, {pipeline_mode = #tpu.pipeline_mode<synchronous>, transform_indices = @transform_6, window_bounds = array<i64: 2, 256>}]} {
    %get3A = arith.constant 0 : index
    %get3A_0 = arith.constant 0 : index
    %get3A_1 = vector.load %arg1[%get3A, %get3A_0] : memref<1024x512xf32, #tpu.memory_space<vmem>>, vector<1024x512xf32>
    %get3A_2 = arith.constant 0 : index
    %get3A_3 = arith.constant 0 : index
    %get3A_4 = vector.load %arg2[%get3A_2, %get3A_3] : memref<1x512xf32, #tpu.memory_space<vmem>>, vector<1x512xf32>
    %mul3A = vector.broadcast %get3A_4 : vector<1x512xf32> to vector<1024x512xf32>
    %mul3A_5 = arith.mulf %get3A_1, %mul3A : vector<1024x512xf32>
    %get3A_6 = arith.constant 0 : index
    %get3A_7 = arith.constant 0 : index
    %get3A_8 = vector.load %arg3[%get3A_6, %get3A_7] : memref<1x512xf32, #tpu.memory_space<vmem>>, vector<1x512xf32>
    %add3A = vector.broadcast %get3A_8 : vector<1x512xf32> to vector<1024x512xf32>
    %add3A_9 = arith.addf %mul3A_5, %add3A : vector<1024x512xf32>
    %get3A_10 = arith.constant 0 : index
    %get3A_11 = arith.constant 0 : index
    %get3A_12 = vector.load %arg4[%get3A_10, %get3A_11] : memref<512x256xf32, #tpu.memory_space<vmem>>, vector<512x256xf32>
    %dot_general3A = arith.constant dense<0.000000e+00> : vector<1024x256xf32>
    %dot_general3A_13 = tpu.matmul %add3A_9, %get3A_12, %dot_general3A {dimension_numbers = #tpu.dot_dimension_numbers<[1], [0], [0], [1], [0, 0, 1, 1], [], []>, transpose_lhs_hint = false} : vector<1024x512xf32>, vector<512x256xf32>, vector<1024x256xf32> -> vector<1024x256xf32>
    %get3A_14 = arith.constant 0 : index
    %get3A_15 = arith.constant 0 : index
    %get3A_16 = vector.load %arg5[%get3A_14, %get3A_15] : memref<1x256xf32, #tpu.memory_space<vmem>>, vector<1x256xf32>
    %add3A_17 = vector.broadcast %get3A_16 : vector<1x256xf32> to vector<1024x256xf32>
    %add3A_18 = arith.addf %dot_general3A_13, %add3A_17 : vector<1024x256xf32>
    %max3A = arith.constant 0.000000e+00 : f32
    %max3A_19 = vector.broadcast %max3A : f32 to vector<1024x256xf32>
    %max3A_20 = arith.maximumf %add3A_18, %max3A_19 : vector<1024x256xf32>
    %swap3A = arith.constant 0 : index
    %swap3A_21 = arith.constant 0 : index
    %swap3A_22 = vector.load %arg6[%swap3A, %swap3A_21] : memref<1024x256xf32, #tpu.memory_space<vmem>>, vector<1024x256xf32>
    tpu.vector_store %arg6[%swap3A, %swap3A_21], %max3A_20 {strides = array<i32>} : memref<1024x256xf32, #tpu.memory_space<vmem>>, vector<1024x256xf32>,
    %reduce_sum3A = arith.constant dense<0.000000e+00> : vector<256xf32>
    %reduce_sum3A_23 = vector.multi_reduction <add>, %max3A_20, %reduce_sum3A [0] : vector<1024x256xf32> to vector<256xf32>
    %broadcast_in_dim3A = vector.shape_cast %reduce_sum3A_23 : vector<256xf32> to vector<1x256xf32>
    %mul3A_24 = arith.mulf %max3A_20, %max3A_20 : vector<1024x256xf32>
    %reduce_sum3A_25 = arith.constant dense<0.000000e+00> : vector<256xf32>
    %reduce_sum3A_26 = vector.multi_reduction <add>, %mul3A_24, %reduce_sum3A_25 [0] : vector<1024x256xf32> to vector<256xf32>
    %broadcast_in_dim3A_27 = vector.shape_cast %reduce_sum3A_26 : vector<256xf32> to vector<1x256xf32>
    %concatenate3A = tpu.concatenate %broadcast_in_dim3A, %broadcast_in_dim3A_27 in 0 : vector<1x256xf32>, vector<1x256xf32> -> vector<2x256xf32>
    %eq3A = arith.constant 0 : i32
    %eq3A_28 = arith.cmpi eq, %arg0, %eq3A : i32
    %convert_element_type3A = arith.extui %eq3A_28 : i1 to i32
    %cond3A = arith.constant 0 : i32
    %cond3A_29 = arith.cmpi ne, %convert_element_type3A, %cond3A : i32
    scf.if %cond3A_29 {
      %swap3A_34 = arith.constant 0 : index
      %swap3A_35 = arith.constant 0 : index
      %swap3A_36 = vector.load %arg7[%swap3A_34, %swap3A_35] : memref<2x256xf32, #tpu.memory_space<vmem>>, vector<2x256xf32>
      tpu.vector_store %arg7[%swap3A_34, %swap3A_35], %concatenate3A {strides = array<i32>} : memref<2x256xf32, #tpu.memory_space<vmem>>, vector<2x256xf32>,
    } else {
    }
    %gt3A = arith.constant 0 : i32
    %gt3A_30 = arith.cmpi sgt, %arg0, %gt3A : i32
    %convert_element_type3A_31 = arith.extui %gt3A_30 : i1 to i32
    %cond3A_32 = arith.constant 0 : i32
    %cond3A_33 = arith.cmpi ne, %convert_element_type3A_31, %cond3A_32 : i32
    scf.if %cond3A_33 {
      %get3A_34 = arith.constant 0 : index
      %get3A_35 = arith.constant 0 : index
      %get3A_36 = vector.load %arg7[%get3A_34, %get3A_35] : memref<2x256xf32, #tpu.memory_space<vmem>>, vector<2x256xf32>
      %add3A_37 = arith.addf %get3A_36, %concatenate3A : vector<2x256xf32>
      %swap3A_38 = arith.constant 0 : index
      %swap3A_39 = arith.constant 0 : index
      %swap3A_40 = vector.load %arg7[%swap3A_38, %swap3A_39] : memref<2x256xf32, #tpu.memory_space<vmem>>, vector<2x256xf32>
      tpu.vector_store %arg7[%swap3A_38, %swap3A_39], %add3A_37 {strides = array<i32>} : memref<2x256xf32, #tpu.memory_space<vmem>>, vector<2x256xf32>,
    } else {
    }
    return
  }
  func.func @transform_0(%arg0: i32) -> (i32, i32) {
    %c0_i32 = arith.constant 0 : i32
    %c0_i32_0 = arith.constant 0 : i32
    return %arg0, %c0_i32 : i32, i32
  }
  func.func @transform_1(%arg0: i32) -> (i32, i32) {
    %c0_i32 = arith.constant 0 : i32
    %c0_i32_0 = arith.constant 0 : i32
    %c0_i32_1 = arith.constant 0 : i32
    return %c0_i32, %c0_i32_0 : i32, i32
  }
  func.func @transform_2(%arg0: i32) -> (i32, i32) {
    %c0_i32 = arith.constant 0 : i32
    %c0_i32_0 = arith.constant 0 : i32
    %c0_i32_1 = arith.constant 0 : i32
    return %c0_i32, %c0_i32_0 : i32, i32
  }
  func.func @transform_3(%arg0: i32) -> (i32, i32) {
    %c0_i32 = arith.constant 0 : i32
    %c0_i32_0 = arith.constant 0 : i32
    %c0_i32_1 = arith.constant 0 : i32
    return %c0_i32, %c0_i32_0 : i32, i32
  }
  func.func @transform_4(%arg0: i32) -> (i32, i32) {
    %c0_i32 = arith.constant 0 : i32
    %c0_i32_0 = arith.constant 0 : i32
    %c0_i32_1 = arith.constant 0 : i32
    return %c0_i32, %c0_i32_0 : i32, i32
  }
  func.func @transform_5(%arg0: i32) -> (i32, i32) {
    %c0_i32 = arith.constant 0 : i32
    %c0_i32_0 = arith.constant 0 : i32
    return %arg0, %c0_i32 : i32, i32
  }
  func.func @transform_6(%arg0: i32) -> (i32, i32) {
    %c0_i32 = arith.constant 0 : i32
    %c0_i32_0 = arith.constant 0 : i32
    %c0_i32_1 = arith.constant 0 : i32
    return %c0_i32, %c0_i32_0 : i32, i32
  }
}

module attributes {stable_mosaic.version = 14 : i64} {
  func.func @body(%arg0: i32, %arg1: memref<1024x256xf32, #tpu.memory_space<vmem>>, %arg2: memref<1x256xf32, #tpu.memory_space<vmem>>, %arg3: memref<1x256xf32, #tpu.memory_space<vmem>>, %arg4: memref<256x128xf32, #tpu.memory_space<vmem>>, %arg5: memref<1x128xf32, #tpu.memory_space<vmem>>, %arg6: memref<1024x128xf32, #tpu.memory_space<vmem>>, %arg7: memref<2x128xf32, #tpu.memory_space<vmem>>) attributes {dimension_semantics = [#tpu.dimension_semantics<arbitrary>], iteration_bounds = array<i64: 16>, scalar_prefetch = 0 : i64, scratch_operands = 0 : i64, tpu.core_type = #tpu.core_type<tc>, window_params = [{transform_indices = @transform_0, window_bounds = array<i64: 1024, 256>}, {pipeline_mode = #tpu.pipeline_mode<synchronous>, transform_indices = @transform_1, window_bounds = array<i64: 1, 256>}, {pipeline_mode = #tpu.pipeline_mode<synchronous>, transform_indices = @transform_2, window_bounds = array<i64: 1, 256>}, {pipeline_mode = #tpu.pipeline_mode<synchronous>, transform_indices = @transform_3, window_bounds = array<i64: 256, 128>}, {pipeline_mode = #tpu.pipeline_mode<synchronous>, transform_indices = @transform_4, window_bounds = array<i64: 1, 128>}, {transform_indices = @transform_5, window_bounds = array<i64: 1024, 128>}, {pipeline_mode = #tpu.pipeline_mode<synchronous>, transform_indices = @transform_6, window_bounds = array<i64: 2, 128>}]} {
    %get3A = arith.constant 0 : index
    %get3A_0 = arith.constant 0 : index
    %get3A_1 = vector.load %arg1[%get3A, %get3A_0] : memref<1024x256xf32, #tpu.memory_space<vmem>>, vector<1024x256xf32>
    %get3A_2 = arith.constant 0 : index
    %get3A_3 = arith.constant 0 : index
    %get3A_4 = vector.load %arg2[%get3A_2, %get3A_3] : memref<1x256xf32, #tpu.memory_space<vmem>>, vector<1x256xf32>
    %mul3A = vector.broadcast %get3A_4 : vector<1x256xf32> to vector<1024x256xf32>
    %mul3A_5 = arith.mulf %get3A_1, %mul3A : vector<1024x256xf32>
    %get3A_6 = arith.constant 0 : index
    %get3A_7 = arith.constant 0 : index
    %get3A_8 = vector.load %arg3[%get3A_6, %get3A_7] : memref<1x256xf32, #tpu.memory_space<vmem>>, vector<1x256xf32>
    %add3A = vector.broadcast %get3A_8 : vector<1x256xf32> to vector<1024x256xf32>
    %add3A_9 = arith.addf %mul3A_5, %add3A : vector<1024x256xf32>
    %get3A_10 = arith.constant 0 : index
    %get3A_11 = arith.constant 0 : index
    %get3A_12 = vector.load %arg4[%get3A_10, %get3A_11] : memref<256x128xf32, #tpu.memory_space<vmem>>, vector<256x128xf32>
    %dot_general3A = arith.constant dense<0.000000e+00> : vector<1024x128xf32>
    %dot_general3A_13 = tpu.matmul %add3A_9, %get3A_12, %dot_general3A {dimension_numbers = #tpu.dot_dimension_numbers<[1], [0], [0], [1], [0, 0, 1, 1], [], []>, transpose_lhs_hint = false} : vector<1024x256xf32>, vector<256x128xf32>, vector<1024x128xf32> -> vector<1024x128xf32>
    %get3A_14 = arith.constant 0 : index
    %get3A_15 = arith.constant 0 : index
    %get3A_16 = vector.load %arg5[%get3A_14, %get3A_15] : memref<1x128xf32, #tpu.memory_space<vmem>>, vector<1x128xf32>
    %add3A_17 = vector.broadcast %get3A_16 : vector<1x128xf32> to vector<1024x128xf32>
    %add3A_18 = arith.addf %dot_general3A_13, %add3A_17 : vector<1024x128xf32>
    %max3A = arith.constant 0.000000e+00 : f32
    %max3A_19 = vector.broadcast %max3A : f32 to vector<1024x128xf32>
    %max3A_20 = arith.maximumf %add3A_18, %max3A_19 : vector<1024x128xf32>
    %swap3A = arith.constant 0 : index
    %swap3A_21 = arith.constant 0 : index
    %swap3A_22 = vector.load %arg6[%swap3A, %swap3A_21] : memref<1024x128xf32, #tpu.memory_space<vmem>>, vector<1024x128xf32>
    tpu.vector_store %arg6[%swap3A, %swap3A_21], %max3A_20 {strides = array<i32>} : memref<1024x128xf32, #tpu.memory_space<vmem>>, vector<1024x128xf32>,
    %reduce_sum3A = arith.constant dense<0.000000e+00> : vector<128xf32>
    %reduce_sum3A_23 = vector.multi_reduction <add>, %max3A_20, %reduce_sum3A [0] : vector<1024x128xf32> to vector<128xf32>
    %broadcast_in_dim3A = vector.shape_cast %reduce_sum3A_23 : vector<128xf32> to vector<1x128xf32>
    %mul3A_24 = arith.mulf %max3A_20, %max3A_20 : vector<1024x128xf32>
    %reduce_sum3A_25 = arith.constant dense<0.000000e+00> : vector<128xf32>
    %reduce_sum3A_26 = vector.multi_reduction <add>, %mul3A_24, %reduce_sum3A_25 [0] : vector<1024x128xf32> to vector<128xf32>
    %broadcast_in_dim3A_27 = vector.shape_cast %reduce_sum3A_26 : vector<128xf32> to vector<1x128xf32>
    %concatenate3A = tpu.concatenate %broadcast_in_dim3A, %broadcast_in_dim3A_27 in 0 : vector<1x128xf32>, vector<1x128xf32> -> vector<2x128xf32>
    %eq3A = arith.constant 0 : i32
    %eq3A_28 = arith.cmpi eq, %arg0, %eq3A : i32
    %convert_element_type3A = arith.extui %eq3A_28 : i1 to i32
    %cond3A = arith.constant 0 : i32
    %cond3A_29 = arith.cmpi ne, %convert_element_type3A, %cond3A : i32
    scf.if %cond3A_29 {
      %swap3A_34 = arith.constant 0 : index
      %swap3A_35 = arith.constant 0 : index
      %swap3A_36 = vector.load %arg7[%swap3A_34, %swap3A_35] : memref<2x128xf32, #tpu.memory_space<vmem>>, vector<2x128xf32>
      tpu.vector_store %arg7[%swap3A_34, %swap3A_35], %concatenate3A {strides = array<i32>} : memref<2x128xf32, #tpu.memory_space<vmem>>, vector<2x128xf32>,
    } else {
    }
    %gt3A = arith.constant 0 : i32
    %gt3A_30 = arith.cmpi sgt, %arg0, %gt3A : i32
    %convert_element_type3A_31 = arith.extui %gt3A_30 : i1 to i32
    %cond3A_32 = arith.constant 0 : i32
    %cond3A_33 = arith.cmpi ne, %convert_element_type3A_31, %cond3A_32 : i32
    scf.if %cond3A_33 {
      %get3A_34 = arith.constant 0 : index
      %get3A_35 = arith.constant 0 : index
      %get3A_36 = vector.load %arg7[%get3A_34, %get3A_35] : memref<2x128xf32, #tpu.memory_space<vmem>>, vector<2x128xf32>
      %add3A_37 = arith.addf %get3A_36, %concatenate3A : vector<2x128xf32>
      %swap3A_38 = arith.constant 0 : index
      %swap3A_39 = arith.constant 0 : index
      %swap3A_40 = vector.load %arg7[%swap3A_38, %swap3A_39] : memref<2x128xf32, #tpu.memory_space<vmem>>, vector<2x128xf32>
      tpu.vector_store %arg7[%swap3A_38, %swap3A_39], %add3A_37 {strides = array<i32>} : memref<2x128xf32, #tpu.memory_space<vmem>>, vector<2x128xf32>,
    } else {
    }
    return
  }
  func.func @transform_0(%arg0: i32) -> (i32, i32) {
    %c0_i32 = arith.constant 0 : i32
    %c0_i32_0 = arith.constant 0 : i32
    return %arg0, %c0_i32 : i32, i32
  }
  func.func @transform_1(%arg0: i32) -> (i32, i32) {
    %c0_i32 = arith.constant 0 : i32
    %c0_i32_0 = arith.constant 0 : i32
    %c0_i32_1 = arith.constant 0 : i32
    return %c0_i32, %c0_i32_0 : i32, i32
  }
  func.func @transform_2(%arg0: i32) -> (i32, i32) {
    %c0_i32 = arith.constant 0 : i32
    %c0_i32_0 = arith.constant 0 : i32
    %c0_i32_1 = arith.constant 0 : i32
    return %c0_i32, %c0_i32_0 : i32, i32
  }
  func.func @transform_3(%arg0: i32) -> (i32, i32) {
    %c0_i32 = arith.constant 0 : i32
    %c0_i32_0 = arith.constant 0 : i32
    %c0_i32_1 = arith.constant 0 : i32
    return %c0_i32, %c0_i32_0 : i32, i32
  }
  func.func @transform_4(%arg0: i32) -> (i32, i32) {
    %c0_i32 = arith.constant 0 : i32
    %c0_i32_0 = arith.constant 0 : i32
    %c0_i32_1 = arith.constant 0 : i32
    return %c0_i32, %c0_i32_0 : i32, i32
  }
  func.func @transform_5(%arg0: i32) -> (i32, i32) {
    %c0_i32 = arith.constant 0 : i32
    %c0_i32_0 = arith.constant 0 : i32
    return %arg0, %c0_i32 : i32, i32
  }
  func.func @transform_6(%arg0: i32) -> (i32, i32) {
    %c0_i32 = arith.constant 0 : i32
    %c0_i32_0 = arith.constant 0 : i32
    %c0_i32_1 = arith.constant 0 : i32
    return %c0_i32, %c0_i32_0 : i32, i32
  }
}

module attributes {stable_mosaic.version = 14 : i64} {
  func.func @body(%arg0: i32, %arg1: memref<1024x128xf32, #tpu.memory_space<vmem>>, %arg2: memref<1x128xf32, #tpu.memory_space<vmem>>, %arg3: memref<1x128xf32, #tpu.memory_space<vmem>>, %arg4: memref<128x2xf32, #tpu.memory_space<vmem>>, %arg5: memref<1x2xf32, #tpu.memory_space<vmem>>, %arg6: memref<1024x2xf32, #tpu.memory_space<vmem>>) attributes {dimension_semantics = [#tpu.dimension_semantics<arbitrary>], iteration_bounds = array<i64: 16>, scalar_prefetch = 0 : i64, scratch_operands = 0 : i64, tpu.core_type = #tpu.core_type<tc>, window_params = [{transform_indices = @transform_0, window_bounds = array<i64: 1024, 128>}, {pipeline_mode = #tpu.pipeline_mode<synchronous>, transform_indices = @transform_1, window_bounds = array<i64: 1, 128>}, {pipeline_mode = #tpu.pipeline_mode<synchronous>, transform_indices = @transform_2, window_bounds = array<i64: 1, 128>}, {pipeline_mode = #tpu.pipeline_mode<synchronous>, transform_indices = @transform_3, window_bounds = array<i64: 128, 2>}, {pipeline_mode = #tpu.pipeline_mode<synchronous>, transform_indices = @transform_4, window_bounds = array<i64: 1, 2>}, {transform_indices = @transform_5, window_bounds = array<i64: 1024, 2>}]} {
    %get3A = arith.constant 0 : index
    %get3A_0 = arith.constant 0 : index
    %get3A_1 = vector.load %arg1[%get3A, %get3A_0] : memref<1024x128xf32, #tpu.memory_space<vmem>>, vector<1024x128xf32>
    %get3A_2 = arith.constant 0 : index
    %get3A_3 = arith.constant 0 : index
    %get3A_4 = vector.load %arg2[%get3A_2, %get3A_3] : memref<1x128xf32, #tpu.memory_space<vmem>>, vector<1x128xf32>
    %mul3A = vector.broadcast %get3A_4 : vector<1x128xf32> to vector<1024x128xf32>
    %mul3A_5 = arith.mulf %get3A_1, %mul3A : vector<1024x128xf32>
    %get3A_6 = arith.constant 0 : index
    %get3A_7 = arith.constant 0 : index
    %get3A_8 = vector.load %arg3[%get3A_6, %get3A_7] : memref<1x128xf32, #tpu.memory_space<vmem>>, vector<1x128xf32>
    %add3A = vector.broadcast %get3A_8 : vector<1x128xf32> to vector<1024x128xf32>
    %add3A_9 = arith.addf %mul3A_5, %add3A : vector<1024x128xf32>
    %get3A_10 = arith.constant 0 : index
    %get3A_11 = arith.constant 0 : index
    %get3A_12 = vector.load %arg4[%get3A_10, %get3A_11] : memref<128x2xf32, #tpu.memory_space<vmem>>, vector<128x2xf32>
    %dot_general3A = arith.constant dense<0.000000e+00> : vector<1024x2xf32>
    %dot_general3A_13 = tpu.matmul %add3A_9, %get3A_12, %dot_general3A {dimension_numbers = #tpu.dot_dimension_numbers<[1], [0], [0], [1], [0, 0, 1, 1], [], []>, transpose_lhs_hint = false} : vector<1024x128xf32>, vector<128x2xf32>, vector<1024x2xf32> -> vector<1024x2xf32>
    %get3A_14 = arith.constant 0 : index
    %get3A_15 = arith.constant 0 : index
    %get3A_16 = vector.load %arg5[%get3A_14, %get3A_15] : memref<1x2xf32, #tpu.memory_space<vmem>>, vector<1x2xf32>
    %add3A_17 = vector.broadcast %get3A_16 : vector<1x2xf32> to vector<1024x2xf32>
    %add3A_18 = arith.addf %dot_general3A_13, %add3A_17 : vector<1024x2xf32>
    %swap3A = arith.constant 0 : index
    %swap3A_19 = arith.constant 0 : index
    %swap3A_20 = vector.load %arg6[%swap3A, %swap3A_19] : memref<1024x2xf32, #tpu.memory_space<vmem>>, vector<1024x2xf32>
    tpu.vector_store %arg6[%swap3A, %swap3A_19], %add3A_18 {strides = array<i32>} : memref<1024x2xf32, #tpu.memory_space<vmem>>, vector<1024x2xf32>,
    return
  }
  func.func @transform_0(%arg0: i32) -> (i32, i32) {
    %c0_i32 = arith.constant 0 : i32
    %c0_i32_0 = arith.constant 0 : i32
    return %arg0, %c0_i32 : i32, i32
  }
  func.func @transform_1(%arg0: i32) -> (i32, i32) {
    %c0_i32 = arith.constant 0 : i32
    %c0_i32_0 = arith.constant 0 : i32
    %c0_i32_1 = arith.constant 0 : i32
    return %c0_i32, %c0_i32_0 : i32, i32
  }
  func.func @transform_2(%arg0: i32) -> (i32, i32) {
    %c0_i32 = arith.constant 0 : i32
    %c0_i32_0 = arith.constant 0 : i32
    %c0_i32_1 = arith.constant 0 : i32
    return %c0_i32, %c0_i32_0 : i32, i32
  }
  func.func @transform_3(%arg0: i32) -> (i32, i32) {
    %c0_i32 = arith.constant 0 : i32
    %c0_i32_0 = arith.constant 0 : i32
    %c0_i32_1 = arith.constant 0 : i32
    return %c0_i32, %c0_i32_0 : i32, i32
  }
  func.func @transform_4(%arg0: i32) -> (i32, i32) {
    %c0_i32 = arith.constant 0 : i32
    %c0_i32_0 = arith.constant 0 : i32
    %c0_i32_1 = arith.constant 0 : i32
    return %c0_i32, %c0_i32_0 : i32, i32
  }
  func.func @transform_5(%arg0: i32) -> (i32, i32) {
    %c0_i32 = arith.constant 0 : i32
    %c0_i32_0 = arith.constant 0 : i32
    return %arg0, %c0_i32 : i32, i32
  }
}

</mosaic_0001>

<sc_bundles>
// kernel: kernel.12.cloned.1.call-start
scs
__scs_entry_jumppad:
0x0: {  	(pc) =	sbr.rel $0x88, $3  }
0x1: {  	(tag) =	ssettag $0x0;
	lr =	simm.s32 $0x1  }
0x2: {  	[smem:$0x3F8E] =	sst lr;
	_ =	strace $0xD0000000  }
0x3: {  	_ = 	snop  }
0x4: {  	_ = 	snop  }
0x5: {  	_ = 	snop  }
0x6: {  	_ = 	snop  }
0x7: {  	_ = 	snop  }
__scs_overlays_trampoline_lowered:
0x8: {  	[smem:$0x3F9D] =	sst s0  }
0x9: {  	[smem:$0x3F9E] =	sst s1  }
0xa: {  	[smem:$0x3F9F] =	sst s2  }
0xb: {  	[smem:$0x3FA0] =	sst s3  }
0xc: {  	[smem:$0x3FA1] =	sst s4  }
0xd: {  	[smem:$0x3FA2] =	sst s5  }
0xe: {  	[smem:$0x3FA3] =	sst s6  }
0xf: {  	[smem:$0x3FA4] =	sst s7  }
0x10: {  	[smem:$0x3FA5] =	sst s8  }
0x11: {  	[smem:$0x3FA6] =	sst s9;
	s0 =	simm.s32 @!p0 $0x0  }
0x12: {  	s1 =	sld [smem:$0x3F8C];
	s0 =	simm.s32 @p0 $0x1  }
0x13: {  	[smem:$0x3FA7] =	sst s0;
	s0 =	simm.s32 @!p1 $0x0  }
0x14: {  	s2 =	sld [smem:$0x3F8B];
	s0 =	simm.s32 @p1 $0x1  }
0x15: {  	[smem:$0x3FA8] =	sst s0;
	s0 =	simm.s32 @!p2 $0x0  }
0x16: {  	s3 =	sld [smem:$0x3FDB];
	s0 =	simm.s32 @p2 $0x1  }
0x17: {  	s4 =	simm.s32 $0x1BF5;
	[smem:$0x3FAA] =	sst s0  }
0x18: {  	s0 =	sld [smem:$0x3F8D];
	_ =	swait.ge [sflag:s4], $0x0  }
0x19: {  	s7 =	sld [smem:$0x3F8E]  }
0x1a: {  	s8 =	sadd.s32 $0xFFFFE003, lr  }
0x1b: {  	s9 =	sadd.s32 $0xFFFFFEF7, lr;
	s5 =	simm.s32 $0xFFFFFFFF;
	p2 =	slt.u32 s8, $0xFFFFF086  }
0x1c: {  	p1 =	slt.u32 s9, $0xF7A;
	s5 =	simm.s32 @!p2 $0x0  }
0x1d: {  	s5 =	simm.s32 @p1 $0x1;
	p0 =	seq.s32 s7, s2  }
0x1e: {  	s7 =	smul.u32 @!p0 $0xF7A, s2;
	p2 =	seq.s32 @!p0 s5, $0x0  }
0x1f: {  	s9 =	smul.u32 $0xF7A, s1;
	s8 =	simm.s32 @!p0 $0x1BF5;
	p2 =	por !p2, p0  }
0x20: {  	[sflag:s8] =	ssyncset.s32 @!p0 $0xFFFFF086;
	s6 =	sadd.s32 @!p0 s3, s7;
	s7 =	simm.s32 @!p0 $0x108  }
0x21: {  	s3 =	sadd.s32 s3, s9;
	s6 =	sadd.s32 @!p0 $0x88, s6;
	s7 =	simm.s32 @p2 $0x1082  }
0x22: {  	[simem:s7], [sflag:s8] =	dma.local @!p0 [hbm:s6], $0xF7A  }
0x23: {  	s9 =	sor.u32 $0xD0000000, s2;
	s6 =	simm.s32 $0x108;
	_ =	swait.ge @!p0 [sflag:s8], $0x0  }
0x24: {  	s3 =	sadd.s32 $0x88, s3;
	s6 =	simm.s32 @!p1 $0x1082;
	[sflag:s4] =	ssyncset.s32 $0xFFFFF086  }
0x25: {  	[simem:s6], [sflag:s4] =	dma.local [hbm:s3], $0xF7A  }
0x26: {  	[smem:$0x3F8E] =	sst s1;
	(tag) =	ssettag s2;
	_ =	strace s9  }
0x27: {  	s1 =	sld [smem:$0x3F9E]  }
0x28: {  	s2 =	sld [smem:$0x3F9F]  }
0x29: {  	s4 =	sld [smem:$0x3FA1]  }
0x2a: {  	p0 =	seq.s32 s5, $0x0;
	s5 =	sld [smem:$0x3FA2]  }
0x2b: {  	s6 =	sld [smem:$0x3FA3]  }
0x2c: {  	s7 =	sld [smem:$0x3FA4]  }
0x2d: {  	s3 =	simm.s32 $0x108;
	s8 =	sld [smem:$0x3FA5]  }
0x2e: {  	s3 =	simm.s32 @!p0 $0x1082;
	s9 =	sld [smem:$0x3FA6]  }
0x2f: {  	lr =	sadd.s32 s0, s3;
	s0 =	sld [smem:$0x3F9D]  }
0x30: {  	s3 =	sld [smem:$0x3FA0]  }
0x31: {  	[smem:$0x3FA9] =	sst s10  }
0x32: {  	s10 =	sld [smem:$0x3FA7];
	_ =	sdelay $0x3  }
0x33: {  	p0 =	seq.s32 s10, $0x1;
	s10 =	sld [smem:$0x3FA9];
	_ =	sdelay $0x3  }
0x34: {  	[smem:$0x3FA9] =	sst s10  }
0x35: {  	s10 =	sld [smem:$0x3FA8];
	_ =	sdelay $0x3  }
0x36: {  	p1 =	seq.s32 s10, $0x1;
	s10 =	sld [smem:$0x3FA9];
	_ =	sdelay $0x3  }
0x37: {  	[smem:$0x3FA9] =	sst s10  }
0x38: {  	s10 =	sld [smem:$0x3FAA]  }
0x39: {  	_ = 	snop;
	(pc) =	sbr.ind lr, $3  }
0x3a: {  	_ = 	snop  }
0x3b: {  	_ = 	snop  }
0x3c: {  	p2 =	seq.s32 s10, $0x1;
	s10 =	sld [smem:$0x3FA9]  }
0x3d: {  	_ =	shalt  }
0x3e: {  	_ =	shalt  }
0x3f: {  	_ =	shalt  }
0x40: {  	_ =	shalt  }
0x41: {  	_ =	shalt  }
0x42: {  	_ =	shalt  }
0x43: {  	_ =	shalt  }
0x44: {  	_ =	shalt  }
0x45: {  	_ =	shalt  }
0x46: {  	_ =	shalt  }
0x47: {  	_ =	shalt  }
0x48: {  	_ =	shalt  }
0x49: {  	_ =	shalt  }
0x4a: {  	_ =	shalt  }
0x4b: {  	_ =	shalt  }
0x4c: {  	_ =	shalt  }
0x4d: {  	_ =	shalt  }
0x4e: {  	_ =	shalt  }
0x4f: {  	_ =	shalt  }
0x50: {  	_ =	shalt  }
0x51: {  	_ =	shalt  }
0x52: {  	_ =	shalt  }
0x53: {  	_ =	shalt  }
0x54: {  	_ =	shalt  }
0x55: {  	_ =	shalt  }
0x56: {  	_ =	shalt  }
0x57: {  	_ =	shalt  }
0x58: {  	_ =	shalt  }
0x59: {  	_ =	shalt  }
0x5a: {  	_ =	shalt  }
0x5b: {  	_ =	shalt  }
0x5c: {  	_ =	shalt  }
0x5d: {  	_ =	shalt  }
0x5e: {  	_ =	shalt  }
0x5f: {  	_ =	shalt  }
0x60: {  	_ =	shalt  }
0x61: {  	_ =	shalt  }
0x62: {  	_ =	shalt  }
0x63: {  	_ =	shalt  }
0x64: {  	_ =	shalt  }
0x65: {  	_ =	shalt  }
0x66: {  	_ =	shalt  }
0x67: {  	_ =	shalt  }
0x68: {  	_ =	shalt  }
0x69: {  	_ =	shalt  }
0x6a: {  	_ =	shalt  }
0x6b: {  	_ =	shalt  }
0x6c: {  	_ =	shalt  }
0x6d: {  	_ =	shalt  }
0x6e: {  	_ =	shalt  }
0x6f: {  	_ =	shalt  }
0x70: {  	_ =	shalt  }
0x71: {  	_ =	shalt  }
0x72: {  	_ =	shalt  }
0x73: {  	_ =	shalt  }
0x74: {  	_ =	shalt  }
0x75: {  	_ =	shalt  }
0x76: {  	_ =	shalt  }
0x77: {  	_ =	shalt  }
0x78: {  	_ =	shalt  }
0x79: {  	_ =	shalt  }
0x7a: {  	_ =	shalt  }
0x7b: {  	_ =	shalt  }
0x7c: {  	_ =	shalt  }
0x7d: {  	_ =	shalt  }
0x7e: {  	_ =	shalt  }
0x7f: {  	_ =	shalt  }
0x80: {  	_ =	shalt  }
0x81: {  	_ =	shalt  }
0x82: {  	_ =	shalt  }
0x83: {  	_ =	shalt  }
0x84: {  	_ =	shalt  }
0x85: {  	_ =	shalt  }
0x86: {  	_ =	shalt  }
0x87: {  	_ =	shalt  }
.Lfunc_end0:
.L_simem_size_0:
called_computation.1_lowered:
.L_overlay_start_0:
0x88: {  	s2 =	sld [smem:$0x3FD9]  }
0x89: {  	s3 =	sld [smem:$0x3FFE];
	_ =	sdelay $0x1  }
0x8a: {  	s1 =	srdreg.scid  }
0x8b: {  	s0 =	sand.u32 $0x1, s1  }
0x8c: {  	s16 =	sshll.u32 s0, $0xA;
	s2 =	sadd.s32 s3, s2  }
0x8d: {  	s2 =	sadd.s32 s2, s16  }
0x8e: {  	[smem:$0x3FB5] =	sst s2  }
0x8f: {  	_ = 	snop  }
0x90: {  	(tm) =	ssettm $0x1  }
0x91: {  	s17 =	sld [smem:$0x3FFB];
	_ =	sdelay $0x3  }
0x92: {  	_ =	strace s17  }
0x93: {  	s2 =	sld [smem:$0x3FFC];
	_ =	sdelay $0x3  }
0x94: {  	_ =	strace s2  }
0x95: {  	s2 =	sld [smem:$0x3FFD];
	_ =	sdelay $0x3  }
0x96: {  	_ =	strace s2  }
0x97: {  	_ =	strace $0x8FFFFFFF  }
0x98: {  	s18 =	sld [smem:$0x3FDB];
	_ =	sdelay $0x1  }
0x99: {  	s19 =	simm.s32 $_scs_section_size  }
0x9a: {  	s4 =	simm.s32 $_size__tile_overlayer_lowered;
	s5 =	simm.s32 $_tile_overlayer_lowered  }
0x9b: {  	s22 =	simm.s32 $0x1BFF;
	s21 =	sshll.u32 s5, $0x1;
	s2 =	sadd.s32 s19, s18  }
0x9c: {  	s6 =	simm.s32 $0x0;
	s20 =	sshll.u32 s4, $0x1;
	s4 =	sadd.s32 s21, s2  }
0x9d: {  	[timem:s6], [sflag:s22] =	dma.local [hbm:s4], s20  }
0x9e: {  	_ =	swait.ge [sflag:s22], s20  }
0x9f: {  	s3 =	ssub.s32 $0x0, s20;
	[sflag:s22] =	ssyncset.done $0x0  }
0xa0: {  	[sflag:s22] =	ssyncadd.s32 s3;
	_ =	sdelay $0x1  }
0xa1: {  	s23 =	simm.s32 $0x1B8B  }
0xa2: {  	_ =	swait.ge [sflag:s23], $0x1  }
0xa3: {  	[sflag:s23] =	ssyncset.done $0x0  }
0xa4: {  	s25 =	simm.s32 $0x1B8E;
	s24 =	sld [smem:$0x3FFE];
	[sflag:s23] =	ssyncadd.s32 $0xFFFFFFFF  }
0xa5: {  	s26 =	simm.s32 $execute0_lowered;
	[smem:$0x3FD2] =	sst s25  }
0xa6: {  	s4 =	sshll.u32 s26, $0x1;
	_ =	strace $0x80000049;
	[dreg:$0x1] =	wrdreg $0xFFFFFFFF  }
0xa7: {  	s28 =	simm.s32 $_size_execute0_lowered;
	s2 =	sadd.s32 s2, s4;
	[dreg:$0x0] =	wrdreg $0x0  }
0xa8: {  	s4 =	sshll.u32 s28, $0x1;
	[dreg:$0x2] =	wrdreg s2  }
0xa9: {  	[dreg:$0x3] =	wrdreg s4  }
0xaa: {  	[dreg:$0x4] =	wrdreg $0xC0  }
0xab: {  	_ =	task [dreg:s6], $0x5FFFF  }
0xac: {  	[dreg:$0x1] =	wrdreg $0xFFFFFFFF  }
0xad: {  	[dreg:$0x0] =	wrdreg $0x60  }
0xae: {  	[dreg:$0x2] =	wrdreg s24  }
0xaf: {  	[dreg:$0x3] =	wrdreg $0x9  }
0xb0: {  	_ =	task.clear_ibuf [dreg:s6], $0x4FFFF;
	_ =	strace $0x90000049  }
0xb1: {  	s29 =	simm.s32 $0x9;
	_ =	strace $0x8000004B  }
0xb2: {  	_ =	swait.ge [sflag:s29], $0x1  }
0xb3: {  	[sflag:s29] =	ssyncadd.s32 $0xFFFFFFFF  }
0xb4: {  	_ =	strace $0x9000004B  }
0xb5: {  	_ =	sfence  }
0xb6: {  	s30 =	sld [smem:$0x0];
	_ =	sdelay $0x2  }
0xb7: {  	s31 =	sshll.u32 s1, $0xD;
	s1 =	sshrl.u32 s1, $0x2  }
0xb8: {  	s3 =	sand.u32 $0x4000, s31;
	s1 =	sadd.s32 s1, s30  }
0xb9: {  	s0 =	sor.u32 s3, s0;
	s1 =	sshll.u32 s1, $0x11  }
0xba: {  	s0 =	sor.u32 s1, s0  }
0xbb: {  	s0 =	sadd.s32 $0x8F2B, s0  }
0xbc: {  	[sflag:s0] =	ssyncadd.remote.s32 $0x1  }
0xbd: {  	_ =	sfence.sel $0xFFFF  }
0xbe: {  	[dreg:$0x0] =	wrdreg $0xFFFFFFFF;
	(pc) =	sbr.abs _section_cstart, $3  }
0xbf: {  	[dreg:$0x1] =	wrdreg $0xFFFFFFFF  }
0xc0: {  	_ =	task.clear_ibuf [dreg:s6], $0x2FFFF;
	_ =	strace $0x9FFFFFFF  }
0xc1: {  	(tm) =	ssettm $0x7FFFFFFF  }
tec
execute0_lowered:
.L_overlay_start_1:
0x0: {  	(tag) =	ssettag $0x1  }
0x1: {  	s4 =	rddreg [dreg:$0x0]  }
0x2: {  	s0 =	rddreg [dreg:$0x1];
	s2 =	simm.s32 $0x0  }
0x3: {  	s3 =	srdreg.scid;
	s1 =	stileid.u32;
	s31 =	simm.s32 $0x4400  }
0x4: {  	s10 =	simm.s32 $0x6400;
	s11 =	simm.s32 $0x7400;
	s12 =	simm.s32 $0x8400  }
0x5: {  	s13 =	simm.s32 $0x9400;
	s14 =	simm.s32 $0xA400;
	s15 =	simm.s32 $0xB400  }
0x6: {  	s16 =	simm.s32 $0xC400;
	s17 =	simm.s32 $0xD400;
	s18 =	simm.s32 $0xE400  }
0x7: {  	s19 =	simm.s32 $0xF400;
	s20 =	simm.s32 $0x1;
	s21 =	simm.s32 $0x0  }
0x8: {  	[smem:$0x7FF] =	sst s2;
	s3 =	sand.u32 $0x1, s3;
	s5 =	sshll.u32 s1, $0x1  }
0x9: {  	s6 =	smul.u32 $0x1A000, s1;
	_ =	strace $0x8000004A;
	s5 =	sor.u32 s3, s5  }
0xa: {  	s7 =	smul.u32 $0xD000, s3;
	s8 =	ssub.s32 $0x2, s3;
	s3 =	sadd.s32 $0x3C00, s4  }
0xb: {  	[dreg:$0x3] =	wrdreg s31;
	s6 =	sadd.s32 s6, s4;
	s9 =	sshrl.u32 s8, $0x1  }
0xc: {  	s5 =	smul.u32 $0x680, s5;
	s6 =	sadd.s32 s7, s6;
	s30 =	ssub.s32 s8, s9  }
0xd: {  	s7 =	simm.s32 $0x80;
	s8 =	simm.s32 $0x3400;
	s9 =	simm.s32 $0x5400  }
0xe: {  	s4 =	sadd.s32 s5, s4;
	s6 =	sadd.s32 $0x9FBE00, s6;
	s5 =	smax.u32 s30, $0x1  }
0xf: {  	s4 =	sadd.s32 $0x9EEE00, s4;
	[dreg:$0x2] =	wrdreg s6;
	s6 =	simm.s32 $0x2  }
.LBB2_1:
0x10: {  	[tilespmem:s2], [sflag:$0x2] =	stream.linear.gather [hbm4b:s4+s2], $0x3400, $0x38;
	[tilespmem:$0x10400] =	vst v63  }
0x11: {  	_ =	swait.ge [sflag:s6], $0x3400  }
0x12: {  	[sflag:s6] =	ssyncset.done $0x0  }
0x13: {  	s22 =	simm.s32 $0x0;
	[sflag:s6] =	ssyncadd.s32 $0xFFFFCC00  }
0x14: {  	[tilespmem:s8], [sflag:$0x1] =	stream.indirect.gather [hbm4b:s3+s7], $0x20, s22, s7, $0xb8;
	[tilespmem:$0x10400] =	vst v63  }
0x15: {  	s26 =	simm.s32 $0x80;
	s23 =	rddreg [dreg:$0x3]  }
0x16: {  	[tilespmem:s23], [sflag:$0x1] =	stream.indirect.gather [hbm4b:s3+s7], $0x20, s26, s7, $0xb8;
	[tilespmem:$0x10400] =	vst v63  }
0x17: {  	s28 =	simm.s32 $0x100  }
0x18: {  	[tilespmem:s9], [sflag:$0x1] =	stream.indirect.gather [hbm4b:s3+s7], $0x20, s28, s7, $0xb8;
	[tilespmem:$0x10400] =	vst v63  }
0x19: {  	s29 =	simm.s32 $0x180  }
0x1a: {  	[tilespmem:s10], [sflag:$0x1] =	stream.indirect.gather [hbm4b:s3+s7], $0x20, s29, s7, $0xb8;
	[tilespmem:$0x10400] =	vst v63  }
0x1b: {  	s30 =	simm.s32 $0x200  }
0x1c: {  	[tilespmem:s11], [sflag:$0x1] =	stream.indirect.gather [hbm4b:s3+s7], $0x20, s30, s7, $0xb8;
	[tilespmem:$0x10400] =	vst v63  }
0x1d: {  	s31 =	simm.s32 $0x280  }
0x1e: {  	[tilespmem:s12], [sflag:$0x1] =	stream.indirect.gather [hbm4b:s3+s7], $0x20, s31, s7, $0xb8;
	[tilespmem:$0x10400] =	vst v63  }
0x1f: {  	s23 =	simm.s32 $0x300  }
0x20: {  	[tilespmem:s13], [sflag:$0x1] =	stream.indirect.gather [hbm4b:s3+s7], $0x20, s23, s7, $0xb8;
	[tilespmem:$0x10400] =	vst v63  }
0x21: {  	s24 =	simm.s32 $0x380  }
0x22: {  	[tilespmem:s14], [sflag:$0x1] =	stream.indirect.gather [hbm4b:s3+s7], $0x20, s24, s7, $0xb8;
	[tilespmem:$0x10400] =	vst v63  }
0x23: {  	s25 =	simm.s32 $0x400  }
0x24: {  	[tilespmem:s15], [sflag:$0x1] =	stream.indirect.gather [hbm4b:s3+s7], $0x20, s25, s7, $0xb8;
	[tilespmem:$0x10400] =	vst v63  }
0x25: {  	s26 =	simm.s32 $0x480  }
0x26: {  	[tilespmem:s16], [sflag:$0x1] =	stream.indirect.gather [hbm4b:s3+s7], $0x20, s26, s7, $0xb8;
	[tilespmem:$0x10400] =	vst v63  }
0x27: {  	s28 =	simm.s32 $0x500  }
0x28: {  	[tilespmem:s17], [sflag:$0x1] =	stream.indirect.gather [hbm4b:s3+s7], $0x20, s28, s7, $0xb8;
	[tilespmem:$0x10400] =	vst v63  }
0x29: {  	s29 =	simm.s32 $0x580  }
0x2a: {  	[tilespmem:s18], [sflag:$0x1] =	stream.indirect.gather [hbm4b:s3+s7], $0x20, s29, s7, $0xb8;
	[tilespmem:$0x10400] =	vst v63  }
0x2b: {  	s30 =	simm.s32 $0x600  }
0x2c: {  	[tilespmem:s19], [sflag:$0x1] =	stream.indirect.gather [hbm4b:s3+s7], $0x20, s30, s7, $0xb8;
	[tilespmem:$0x10400] =	vst v63  }
0x2d: {  	_ =	swait.ge [sflag:s20], $0x1000  }
0x2e: {  	[sflag:s20] =	ssyncset.done $0x0  }
0x2f: {  	[sflag:s20] =	ssyncadd.s32 $0xFFFFF000  }
0x30: {  	_ =	swait.ge [sflag:s20], $0x1000  }
0x31: {  	[sflag:s20] =	ssyncset.done $0x0  }
0x32: {  	[sflag:s20] =	ssyncadd.s32 $0xFFFFF000  }
0x33: {  	_ =	swait.ge [sflag:s20], $0x1000  }
0x34: {  	[sflag:s20] =	ssyncset.done $0x0  }
0x35: {  	[sflag:s20] =	ssyncadd.s32 $0xFFFFF000  }
0x36: {  	_ =	swait.ge [sflag:s20], $0x1000  }
0x37: {  	[sflag:s20] =	ssyncset.done $0x0  }
0x38: {  	[sflag:s20] =	ssyncadd.s32 $0xFFFFF000  }
0x39: {  	_ =	swait.ge [sflag:s20], $0x1000  }
0x3a: {  	[sflag:s20] =	ssyncset.done $0x0  }
0x3b: {  	[sflag:s20] =	ssyncadd.s32 $0xFFFFF000  }
0x3c: {  	_ =	swait.ge [sflag:s20], $0x1000  }
0x3d: {  	[sflag:s20] =	ssyncset.done $0x0  }
0x3e: {  	[sflag:s20] =	ssyncadd.s32 $0xFFFFF000  }
0x3f: {  	_ =	swait.ge [sflag:s20], $0x1000  }
0x40: {  	[sflag:s20] =	ssyncset.done $0x0  }
0x41: {  	[sflag:s20] =	ssyncadd.s32 $0xFFFFF000  }
0x42: {  	_ =	swait.ge [sflag:s20], $0x1000  }
0x43: {  	[sflag:s20] =	ssyncset.done $0x0  }
0x44: {  	[sflag:s20] =	ssyncadd.s32 $0xFFFFF000  }
0x45: {  	_ =	swait.ge [sflag:s20], $0x1000  }
0x46: {  	[sflag:s20] =	ssyncset.done $0x0  }
0x47: {  	[sflag:s20] =	ssyncadd.s32 $0xFFFFF000  }
0x48: {  	_ =	swait.ge [sflag:s20], $0x1000  }
0x49: {  	[sflag:s20] =	ssyncset.done $0x0  }
0x4a: {  	[sflag:s20] =	ssyncadd.s32 $0xFFFFF000  }
0x4b: {  	_ =	swait.ge [sflag:s20], $0x1000  }
0x4c: {  	[sflag:s20] =	ssyncset.done $0x0  }
0x4d: {  	[sflag:s20] =	ssyncadd.s32 $0xFFFFF000  }
0x4e: {  	_ =	swait.ge [sflag:s20], $0x1000  }
0x4f: {  	[sflag:s20] =	ssyncset.done $0x0  }
0x50: {  	[sflag:s20] =	ssyncadd.s32 $0xFFFFF000  }
0x51: {  	_ =	swait.ge [sflag:s20], $0x1000  }
0x52: {  	s31 =	rddreg [dreg:$0x2];
	[sflag:s20] =	ssyncset.done $0x0  }
0x53: {  	[sflag:s20] =	ssyncadd.s32 $0xFFFFF000;
	s22 =	sadd.s32 $0x0, s31  }
0x54: {  	[hbm4b:s22+s2] =	stream.linear.scatter [tilespmem:s8], [sflag:$0x2], $0xD000, $0x38;
	[tilespmem:$0x10400] =	vst v63  }
0x55: {  	_ =	swait.ge [sflag:s6], $0xD000  }
0x56: {  	s23 =	simm.s32 $0x3400;
	s22 =	simm.s32 $0x1A00;
	[sflag:s6] =	ssyncset.done $0x0  }
.LBB2_2:
0x57: {  	s25 =	sshra.s32 s22, $0x2;
	[sflag:s6] =	ssyncadd.s32 $0xFFFF3000  }
0x58: {  	[tilespmem:s8], [sflag:$0x1] =	stream.indirect.gather [hbm4b:s3+s7], $0x20, s25, s7, $0xb8;
	[tilespmem:$0x10400] =	vst v63  }
0x59: {  	s26 =	rddreg [dreg:$0x3];
	s28 =	sadd.s32 $0x80, s25  }
0x5a: {  	[tilespmem:s26], [sflag:$0x1] =	stream.indirect.gather [hbm4b:s3+s7], $0x20, s28, s7, $0xb8;
	[tilespmem:$0x10400] =	vst v63  }
0x5b: {  	s29 =	sadd.s32 $0x100, s25  }
0x5c: {  	[tilespmem:s9], [sflag:$0x1] =	stream.indirect.gather [hbm4b:s3+s7], $0x20, s29, s7, $0xb8;
	[tilespmem:$0x10400] =	vst v63  }
0x5d: {  	s30 =	sadd.s32 $0x180, s25  }
0x5e: {  	[tilespmem:s10], [sflag:$0x1] =	stream.indirect.gather [hbm4b:s3+s7], $0x20, s30, s7, $0xb8;
	[tilespmem:$0x10400] =	vst v63  }
0x5f: {  	s31 =	sadd.s32 $0x200, s25  }
0x60: {  	[tilespmem:s11], [sflag:$0x1] =	stream.indirect.gather [hbm4b:s3+s7], $0x20, s31, s7, $0xb8;
	[tilespmem:$0x10400] =	vst v63  }
0x61: {  	s28 =	sadd.s32 $0x280, s25  }
0x62: {  	[tilespmem:s12], [sflag:$0x1] =	stream.indirect.gather [hbm4b:s3+s7], $0x20, s28, s7, $0xb8;
	[tilespmem:$0x10400] =	vst v63  }
0x63: {  	s29 =	sadd.s32 $0x300, s25  }
0x64: {  	[tilespmem:s13], [sflag:$0x1] =	stream.indirect.gather [hbm4b:s3+s7], $0x20, s29, s7, $0xb8;
	[tilespmem:$0x10400] =	vst v63  }
0x65: {  	s30 =	sadd.s32 $0x380, s25  }
0x66: {  	[tilespmem:s14], [sflag:$0x1] =	stream.indirect.gather [hbm4b:s3+s7], $0x20, s30, s7, $0xb8;
	[tilespmem:$0x10400] =	vst v63  }
0x67: {  	s31 =	sadd.s32 $0x400, s25  }
0x68: {  	[tilespmem:s15], [sflag:$0x1] =	stream.indirect.gather [hbm4b:s3+s7], $0x20, s31, s7, $0xb8;
	[tilespmem:$0x10400] =	vst v63  }
0x69: {  	s28 =	sadd.s32 $0x480, s25  }
0x6a: {  	[tilespmem:s16], [sflag:$0x1] =	stream.indirect.gather [hbm4b:s3+s7], $0x20, s28, s7, $0xb8;
	[tilespmem:$0x10400] =	vst v63  }
0x6b: {  	s29 =	sadd.s32 $0x500, s25  }
0x6c: {  	[tilespmem:s17], [sflag:$0x1] =	stream.indirect.gather [hbm4b:s3+s7], $0x20, s29, s7, $0xb8;
	[tilespmem:$0x10400] =	vst v63  }
0x6d: {  	s30 =	sadd.s32 $0x580, s25  }
0x6e: {  	[tilespmem:s18], [sflag:$0x1] =	stream.indirect.gather [hbm4b:s3+s7], $0x20, s30, s7, $0xb8;
	[tilespmem:$0x10400] =	vst v63  }
0x6f: {  	s25 =	sadd.s32 $0x600, s25  }
0x70: {  	[tilespmem:s19], [sflag:$0x1] =	stream.indirect.gather [hbm4b:s3+s7], $0x20, s25, s7, $0xb8;
	[tilespmem:$0x10400] =	vst v63  }
0x71: {  	_ =	swait.ge [sflag:s20], $0x1000  }
0x72: {  	[sflag:s20] =	ssyncset.done $0x0  }
0x73: {  	[sflag:s20] =	ssyncadd.s32 $0xFFFFF000  }
0x74: {  	_ =	swait.ge [sflag:s20], $0x1000  }
0x75: {  	[sflag:s20] =	ssyncset.done $0x0  }
0x76: {  	[sflag:s20] =	ssyncadd.s32 $0xFFFFF000  }
0x77: {  	_ =	swait.ge [sflag:s20], $0x1000  }
0x78: {  	[sflag:s20] =	ssyncset.done $0x0  }
0x79: {  	[sflag:s20] =	ssyncadd.s32 $0xFFFFF000  }
0x7a: {  	_ =	swait.ge [sflag:s20], $0x1000  }
0x7b: {  	[sflag:s20] =	ssyncset.done $0x0  }
0x7c: {  	[sflag:s20] =	ssyncadd.s32 $0xFFFFF000  }
0x7d: {  	_ =	swait.ge [sflag:s20], $0x1000  }
0x7e: {  	[sflag:s20] =	ssyncset.done $0x0  }
0x7f: {  	[sflag:s20] =	ssyncadd.s32 $0xFFFFF000  }
0x80: {  	_ =	swait.ge [sflag:s20], $0x1000  }
0x81: {  	[sflag:s20] =	ssyncset.done $0x0  }
0x82: {  	[sflag:s20] =	ssyncadd.s32 $0xFFFFF000  }
0x83: {  	_ =	swait.ge [sflag:s20], $0x1000  }
0x84: {  	[sflag:s20] =	ssyncset.done $0x0  }
0x85: {  	[sflag:s20] =	ssyncadd.s32 $0xFFFFF000  }
0x86: {  	_ =	swait.ge [sflag:s20], $0x1000  }
0x87: {  	[sflag:s20] =	ssyncset.done $0x0  }
0x88: {  	[sflag:s20] =	ssyncadd.s32 $0xFFFFF000  }
0x89: {  	_ =	swait.ge [sflag:s20], $0x1000  }
0x8a: {  	[sflag:s20] =	ssyncset.done $0x0  }
0x8b: {  	[sflag:s20] =	ssyncadd.s32 $0xFFFFF000  }
0x8c: {  	_ =	swait.ge [sflag:s20], $0x1000  }
0x8d: {  	[sflag:s20] =	ssyncset.done $0x0  }
0x8e: {  	[sflag:s20] =	ssyncadd.s32 $0xFFFFF000  }
0x8f: {  	_ =	swait.ge [sflag:s20], $0x1000  }
0x90: {  	[sflag:s20] =	ssyncset.done $0x0  }
0x91: {  	[sflag:s20] =	ssyncadd.s32 $0xFFFFF000  }
0x92: {  	_ =	swait.ge [sflag:s20], $0x1000  }
0x93: {  	[sflag:s20] =	ssyncset.done $0x0  }
0x94: {  	[sflag:s20] =	ssyncadd.s32 $0xFFFFF000  }
0x95: {  	p0 =	sne.s32 s23, $0xB600;
	_ =	swait.ge [sflag:s20], $0x1000  }
.Ltmp0:
0x96: {  	s31 =	rddreg [dreg:$0x2];
	[sflag:s20] =	ssyncset.done $0x0;
	(pc) =	sbr.rel @p0 .LBB2_2-.Ltmp0, $4  }
0x97: {  	[sflag:s20] =	ssyncadd.s32 $0xFFFFF000;
	s25 =	sadd.s32 s22, s31  }
0x98: {  	[hbm4b:s25+s2] =	stream.linear.scatter [tilespmem:s8], [sflag:$0x2], $0xD000, $0x38;
	[tilespmem:$0x10400] =	vst v63  }
0x99: {  	s24 =	smov.u32 s23;
	_ =	swait.ge [sflag:s6], $0xD000  }
0x9a: {  	s23 =	sadd.s32 $0x1A00, s23;
	s22 =	smov.u32 s24;
	[sflag:s6] =	ssyncset.done $0x0  }
0x9b: {  	s23 =	sshra.s32 s22, $0x2;
	[sflag:s6] =	ssyncadd.s32 $0xFFFF3000  }
0x9c: {  	[tilespmem:s8], [sflag:$0x1] =	stream.indirect.gather [hbm4b:s3+s7], $0x20, s23, s7, $0xb8;
	[tilespmem:$0x10400] =	vst v63  }
0x9d: {  	s24 =	rddreg [dreg:$0x3];
	s25 =	sadd.s32 $0x80, s23  }
0x9e: {  	[tilespmem:s24], [sflag:$0x1] =	stream.indirect.gather [hbm4b:s3+s7], $0x20, s25, s7, $0xb8;
	[tilespmem:$0x10400] =	vst v63  }
0x9f: {  	s25 =	sadd.s32 $0x100, s23  }
0xa0: {  	[tilespmem:s9], [sflag:$0x1] =	stream.indirect.gather [hbm4b:s3+s7], $0x20, s25, s7, $0xb8;
	[tilespmem:$0x10400] =	vst v63  }
0xa1: {  	s26 =	sadd.s32 $0x180, s23  }
0xa2: {  	[tilespmem:s10], [sflag:$0x1] =	stream.indirect.gather [hbm4b:s3+s7], $0x20, s26, s7, $0xb8;
	[tilespmem:$0x10400] =	vst v63  }
0xa3: {  	s28 =	sadd.s32 $0x200, s23  }
0xa4: {  	[tilespmem:s11], [sflag:$0x1] =	stream.indirect.gather [hbm4b:s3+s7], $0x20, s28, s7, $0xb8;
	[tilespmem:$0x10400] =	vst v63  }
0xa5: {  	s29 =	sadd.s32 $0x280, s23  }
0xa6: {  	[tilespmem:s12], [sflag:$0x1] =	stream.indirect.gather [hbm4b:s3+s7], $0x20, s29, s7, $0xb8;
	[tilespmem:$0x10400] =	vst v63  }
0xa7: {  	s30 =	sadd.s32 $0x300, s23  }
0xa8: {  	[tilespmem:s13], [sflag:$0x1] =	stream.indirect.gather [hbm4b:s3+s7], $0x20, s30, s7, $0xb8;
	[tilespmem:$0x10400] =	vst v63  }
0xa9: {  	s31 =	sadd.s32 $0x380, s23  }
0xaa: {  	[tilespmem:s14], [sflag:$0x1] =	stream.indirect.gather [hbm4b:s3+s7], $0x20, s31, s7, $0xb8;
	[tilespmem:$0x10400] =	vst v63  }
0xab: {  	s25 =	sadd.s32 $0x400, s23  }
0xac: {  	[tilespmem:s15], [sflag:$0x1] =	stream.indirect.gather [hbm4b:s3+s7], $0x20, s25, s7, $0xb8;
	[tilespmem:$0x10400] =	vst v63  }
0xad: {  	s26 =	sadd.s32 $0x480, s23  }
0xae: {  	[tilespmem:s16], [sflag:$0x1] =	stream.indirect.gather [hbm4b:s3+s7], $0x20, s26, s7, $0xb8;
	[tilespmem:$0x10400] =	vst v63  }
0xaf: {  	s28 =	sadd.s32 $0x500, s23  }
0xb0: {  	[tilespmem:s17], [sflag:$0x1] =	stream.indirect.gather [hbm4b:s3+s7], $0x20, s28, s7, $0xb8;
	[tilespmem:$0x10400] =	vst v63  }
0xb1: {  	s29 =	sadd.s32 $0x580, s23  }
0xb2: {  	[tilespmem:s18], [sflag:$0x1] =	stream.indirect.gather [hbm4b:s3+s7], $0x20, s29, s7, $0xb8;
	[tilespmem:$0x10400] =	vst v63  }
0xb3: {  	s23 =	sadd.s32 $0x600, s23  }
0xb4: {  	[tilespmem:s19], [sflag:$0x1] =	stream.indirect.gather [hbm4b:s3+s7], $0x20, s23, s7, $0xb8;
	[tilespmem:$0x10400] =	vst v63  }
0xb5: {  	_ =	swait.ge [sflag:s20], $0x1000  }
0xb6: {  	[sflag:s20] =	ssyncset.done $0x0  }
0xb7: {  	[sflag:s20] =	ssyncadd.s32 $0xFFFFF000  }
0xb8: {  	_ =	swait.ge [sflag:s20], $0x1000  }
0xb9: {  	[sflag:s20] =	ssyncset.done $0x0  }
0xba: {  	[sflag:s20] =	ssyncadd.s32 $0xFFFFF000  }
0xbb: {  	_ =	swait.ge [sflag:s20], $0x1000  }
0xbc: {  	[sflag:s20] =	ssyncset.done $0x0  }
0xbd: {  	[sflag:s20] =	ssyncadd.s32 $0xFFFFF000  }
0xbe: {  	_ =	swait.ge [sflag:s20], $0x1000  }
0xbf: {  	[sflag:s20] =	ssyncset.done $0x0  }
0xc0: {  	[sflag:s20] =	ssyncadd.s32 $0xFFFFF000  }
0xc1: {  	_ =	swait.ge [sflag:s20], $0x1000  }
0xc2: {  	[sflag:s20] =	ssyncset.done $0x0  }
0xc3: {  	[sflag:s20] =	ssyncadd.s32 $0xFFFFF000  }
0xc4: {  	_ =	swait.ge [sflag:s20], $0x1000  }
0xc5: {  	[sflag:s20] =	ssyncset.done $0x0  }
0xc6: {  	[sflag:s20] =	ssyncadd.s32 $0xFFFFF000  }
0xc7: {  	_ =	swait.ge [sflag:s20], $0x1000  }
0xc8: {  	[sflag:s20] =	ssyncset.done $0x0  }
0xc9: {  	[sflag:s20] =	ssyncadd.s32 $0xFFFFF000  }
0xca: {  	_ =	swait.ge [sflag:s20], $0x1000  }
0xcb: {  	[sflag:s20] =	ssyncset.done $0x0  }
0xcc: {  	[sflag:s20] =	ssyncadd.s32 $0xFFFFF000  }
0xcd: {  	_ =	swait.ge [sflag:s20], $0x1000  }
0xce: {  	[sflag:s20] =	ssyncset.done $0x0  }
0xcf: {  	[sflag:s20] =	ssyncadd.s32 $0xFFFFF000  }
0xd0: {  	_ =	swait.ge [sflag:s20], $0x1000  }
0xd1: {  	[sflag:s20] =	ssyncset.done $0x0  }
0xd2: {  	[sflag:s20] =	ssyncadd.s32 $0xFFFFF000  }
0xd3: {  	_ =	swait.ge [sflag:s20], $0x1000  }
0xd4: {  	[sflag:s20] =	ssyncset.done $0x0  }
0xd5: {  	[sflag:s20] =	ssyncadd.s32 $0xFFFFF000  }
0xd6: {  	_ =	swait.ge [sflag:s20], $0x1000  }
0xd7: {  	[sflag:s20] =	ssyncset.done $0x0  }
0xd8: {  	[sflag:s20] =	ssyncadd.s32 $0xFFFFF000  }
0xd9: {  	s21 =	sadd.s32 $0x1, s21;
	_ =	swait.ge [sflag:s20], $0x1000  }
0xda: {  	p0 =	sne.s32 s21, s5;
	s30 =	rddreg [dreg:$0x2];
	[sflag:s20] =	ssyncset.done $0x0  }
.Ltmp1:
0xdb: {  	[sflag:s20] =	ssyncadd.s32 $0xFFFFF000;
	s31 =	sadd.s32 s22, s30;
	(pc) =	sbr.rel @p0 .LBB2_1-.Ltmp1, $4  }
0xdc: {  	[hbm4b:s31+s2] =	stream.linear.scatter [tilespmem:s8], [sflag:$0x2], $0xD000, $0x38;
	[tilespmem:$0x10400] =	vst v63  }
0xdd: {  	_ =	swait.ge [sflag:s6], $0xD000  }
0xde: {  	[sflag:s6] =	ssyncset.done $0x0  }
0xdf: {  	[sflag:s6] =	ssyncadd.s32 $0xFFFF3000  }
0xe0: {  	_ =	sfence.sel $0x180000  }
0xe1: {  	[bflag:$0x0] =	sbarrier.arrive $0xFFFF  }
0xe2: {  	p0 =	sne.s32 s1, $0x0;
	_ =	strace $0x9000004A  }
0xe3: {  	s0 =	sadd.s32 @!p0 $0x100000, s0;
	[bflag:$0x2] =	sbarrier.arrive $0xFFFF  }
0xe4: {  	[sflag:s0] =	ssyncadd.tile.s32 @!p0 $0x1;
	_ =	shalt  }
.Lfunc_end2:
_tile_overlayer_lowered:
.L_overlay_start_2:
0xe5: {  	(tag) =	ssettag $0x2  }
0xe6: {  	s0 =	rddreg [dreg:$0x0];
	s2 =	stileid.u32  }
0xe7: {  	s1 =	rddreg [dreg:$0x1];
	p0 =	sne.s32 s2, $0x0  }
0xe8: {  	s3 =	rddreg [dreg:$0x2];
	[bflag:$0x3] =	sbarrier.arrive $0xFFFF;
	s2 =	simm.s32 @!p0 $0x1C02  }
0xe9: {  	[timem:s3], [sflag:s2] =	dma.local @!p0 [hbm:s0], s1  }
0xea: {  	s0 =	simm.s32 @!p0 $0x2  }
0xeb: {  	_ =	swait.ge @!p0 [sflag:s0], s1  }
0xec: {  	s1 =	ssub.s32 @!p0 $0x0, s1;
	[sflag:s0] =	ssyncset.done @!p0 $0x0  }
0xed: {  	[sflag:s0] =	ssyncadd.s32 @!p0 s1  }
0xee: {  	[bflag:$0x3] =	sbarrier.arrive $0xFFFF  }
0xef: {  	_ =	shalt  }

// kernel: kernel.9.cloned.1.call-start
scs
__scs_entry_jumppad:
0x0: {  	(pc) =	sbr.rel $0x88, $3  }
0x1: {  	(tag) =	ssettag $0x0;
	lr =	simm.s32 $0x1  }
0x2: {  	[smem:$0x3F8E] =	sst lr;
	_ =	strace $0xD0000000  }
0x3: {  	_ = 	snop  }
0x4: {  	_ = 	snop  }
0x5: {  	_ = 	snop  }
0x6: {  	_ = 	snop  }
0x7: {  	_ = 	snop  }
__scs_overlays_trampoline_lowered:
0x8: {  	[smem:$0x3F9D] =	sst s0  }
0x9: {  	[smem:$0x3F9E] =	sst s1  }
0xa: {  	[smem:$0x3F9F] =	sst s2  }
0xb: {  	[smem:$0x3FA0] =	sst s3  }
0xc: {  	[smem:$0x3FA1] =	sst s4  }
0xd: {  	[smem:$0x3FA2] =	sst s5  }
0xe: {  	[smem:$0x3FA3] =	sst s6  }
0xf: {  	[smem:$0x3FA4] =	sst s7  }
0x10: {  	[smem:$0x3FA5] =	sst s8  }
0x11: {  	[smem:$0x3FA6] =	sst s9;
	s0 =	simm.s32 @!p0 $0x0  }
0x12: {  	s1 =	sld [smem:$0x3F8C];
	s0 =	simm.s32 @p0 $0x1  }
0x13: {  	[smem:$0x3FA7] =	sst s0;
	s0 =	simm.s32 @!p1 $0x0  }
0x14: {  	s2 =	sld [smem:$0x3F8B];
	s0 =	simm.s32 @p1 $0x1  }
0x15: {  	[smem:$0x3FA8] =	sst s0;
	s0 =	simm.s32 @!p2 $0x0  }
0x16: {  	s3 =	sld [smem:$0x3FDB];
	s0 =	simm.s32 @p2 $0x1  }
0x17: {  	s4 =	simm.s32 $0x1BF5;
	[smem:$0x3FAA] =	sst s0  }
0x18: {  	s0 =	sld [smem:$0x3F8D];
	_ =	swait.ge [sflag:s4], $0x0  }
0x19: {  	s7 =	sld [smem:$0x3F8E]  }
0x1a: {  	s8 =	sadd.s32 $0xFFFFE003, lr  }
0x1b: {  	s9 =	sadd.s32 $0xFFFFFEF7, lr;
	s5 =	simm.s32 $0xFFFFFFFF;
	p2 =	slt.u32 s8, $0xFFFFF086  }
0x1c: {  	p1 =	slt.u32 s9, $0xF7A;
	s5 =	simm.s32 @!p2 $0x0  }
0x1d: {  	s5 =	simm.s32 @p1 $0x1;
	p0 =	seq.s32 s7, s2  }
0x1e: {  	s7 =	smul.u32 @!p0 $0xF7A, s2;
	p2 =	seq.s32 @!p0 s5, $0x0  }
0x1f: {  	s9 =	smul.u32 $0xF7A, s1;
	s8 =	simm.s32 @!p0 $0x1BF5;
	p2 =	por !p2, p0  }
0x20: {  	[sflag:s8] =	ssyncset.s32 @!p0 $0xFFFFF086;
	s6 =	sadd.s32 @!p0 s3, s7;
	s7 =	simm.s32 @!p0 $0x108  }
0x21: {  	s3 =	sadd.s32 s3, s9;
	s6 =	sadd.s32 @!p0 $0x88, s6;
	s7 =	simm.s32 @p2 $0x1082  }
0x22: {  	[simem:s7], [sflag:s8] =	dma.local @!p0 [hbm:s6], $0xF7A  }
0x23: {  	s9 =	sor.u32 $0xD0000000, s2;
	s6 =	simm.s32 $0x108;
	_ =	swait.ge @!p0 [sflag:s8], $0x0  }
0x24: {  	s3 =	sadd.s32 $0x88, s3;
	s6 =	simm.s32 @!p1 $0x1082;
	[sflag:s4] =	ssyncset.s32 $0xFFFFF086  }
0x25: {  	[simem:s6], [sflag:s4] =	dma.local [hbm:s3], $0xF7A  }
0x26: {  	[smem:$0x3F8E] =	sst s1;
	(tag) =	ssettag s2;
	_ =	strace s9  }
0x27: {  	s1 =	sld [smem:$0x3F9E]  }
0x28: {  	s2 =	sld [smem:$0x3F9F]  }
0x29: {  	s4 =	sld [smem:$0x3FA1]  }
0x2a: {  	p0 =	seq.s32 s5, $0x0;
	s5 =	sld [smem:$0x3FA2]  }
0x2b: {  	s6 =	sld [smem:$0x3FA3]  }
0x2c: {  	s7 =	sld [smem:$0x3FA4]  }
0x2d: {  	s3 =	simm.s32 $0x108;
	s8 =	sld [smem:$0x3FA5]  }
0x2e: {  	s3 =	simm.s32 @!p0 $0x1082;
	s9 =	sld [smem:$0x3FA6]  }
0x2f: {  	lr =	sadd.s32 s0, s3;
	s0 =	sld [smem:$0x3F9D]  }
0x30: {  	s3 =	sld [smem:$0x3FA0]  }
0x31: {  	[smem:$0x3FA9] =	sst s10  }
0x32: {  	s10 =	sld [smem:$0x3FA7];
	_ =	sdelay $0x3  }
0x33: {  	p0 =	seq.s32 s10, $0x1;
	s10 =	sld [smem:$0x3FA9];
	_ =	sdelay $0x3  }
0x34: {  	[smem:$0x3FA9] =	sst s10  }
0x35: {  	s10 =	sld [smem:$0x3FA8];
	_ =	sdelay $0x3  }
0x36: {  	p1 =	seq.s32 s10, $0x1;
	s10 =	sld [smem:$0x3FA9];
	_ =	sdelay $0x3  }
0x37: {  	[smem:$0x3FA9] =	sst s10  }
0x38: {  	s10 =	sld [smem:$0x3FAA]  }
0x39: {  	_ = 	snop;
	(pc) =	sbr.ind lr, $3  }
0x3a: {  	_ = 	snop  }
0x3b: {  	_ = 	snop  }
0x3c: {  	p2 =	seq.s32 s10, $0x1;
	s10 =	sld [smem:$0x3FA9]  }
0x3d: {  	_ =	shalt  }
0x3e: {  	_ =	shalt  }
0x3f: {  	_ =	shalt  }
0x40: {  	_ =	shalt  }
0x41: {  	_ =	shalt  }
0x42: {  	_ =	shalt  }
0x43: {  	_ =	shalt  }
0x44: {  	_ =	shalt  }
0x45: {  	_ =	shalt  }
0x46: {  	_ =	shalt  }
0x47: {  	_ =	shalt  }
0x48: {  	_ =	shalt  }
0x49: {  	_ =	shalt  }
0x4a: {  	_ =	shalt  }
0x4b: {  	_ =	shalt  }
0x4c: {  	_ =	shalt  }
0x4d: {  	_ =	shalt  }
0x4e: {  	_ =	shalt  }
0x4f: {  	_ =	shalt  }
0x50: {  	_ =	shalt  }
0x51: {  	_ =	shalt  }
0x52: {  	_ =	shalt  }
0x53: {  	_ =	shalt  }
0x54: {  	_ =	shalt  }
0x55: {  	_ =	shalt  }
0x56: {  	_ =	shalt  }
0x57: {  	_ =	shalt  }
0x58: {  	_ =	shalt  }
0x59: {  	_ =	shalt  }
0x5a: {  	_ =	shalt  }
0x5b: {  	_ =	shalt  }
0x5c: {  	_ =	shalt  }
0x5d: {  	_ =	shalt  }
0x5e: {  	_ =	shalt  }
0x5f: {  	_ =	shalt  }
0x60: {  	_ =	shalt  }
0x61: {  	_ =	shalt  }
0x62: {  	_ =	shalt  }
0x63: {  	_ =	shalt  }
0x64: {  	_ =	shalt  }
0x65: {  	_ =	shalt  }
0x66: {  	_ =	shalt  }
0x67: {  	_ =	shalt  }
0x68: {  	_ =	shalt  }
0x69: {  	_ =	shalt  }
0x6a: {  	_ =	shalt  }
0x6b: {  	_ =	shalt  }
0x6c: {  	_ =	shalt  }
0x6d: {  	_ =	shalt  }
0x6e: {  	_ =	shalt  }
0x6f: {  	_ =	shalt  }
0x70: {  	_ =	shalt  }
0x71: {  	_ =	shalt  }
0x72: {  	_ =	shalt  }
0x73: {  	_ =	shalt  }
0x74: {  	_ =	shalt  }
0x75: {  	_ =	shalt  }
0x76: {  	_ =	shalt  }
0x77: {  	_ =	shalt  }
0x78: {  	_ =	shalt  }
0x79: {  	_ =	shalt  }
0x7a: {  	_ =	shalt  }
0x7b: {  	_ =	shalt  }
0x7c: {  	_ =	shalt  }
0x7d: {  	_ =	shalt  }
0x7e: {  	_ =	shalt  }
0x7f: {  	_ =	shalt  }
0x80: {  	_ =	shalt  }
0x81: {  	_ =	shalt  }
0x82: {  	_ =	shalt  }
0x83: {  	_ =	shalt  }
0x84: {  	_ =	shalt  }
0x85: {  	_ =	shalt  }
0x86: {  	_ =	shalt  }
0x87: {  	_ =	shalt  }
.Lfunc_end0:
.L_simem_size_0:
called_computation_lowered:
.L_overlay_start_0:
0x88: {  	s2 =	sld [smem:$0x3FD9]  }
0x89: {  	s3 =	sld [smem:$0x3FFE];
	_ =	sdelay $0x1  }
0x8a: {  	s1 =	srdreg.scid  }
0x8b: {  	s0 =	sand.u32 $0x1, s1  }
0x8c: {  	s17 =	sshll.u32 s0, $0xA;
	s2 =	sadd.s32 s3, s2  }
0x8d: {  	s2 =	sadd.s32 s2, s17  }
0x8e: {  	[smem:$0x3FB5] =	sst s2  }
0x8f: {  	_ = 	snop  }
0x90: {  	s2 =	sld [smem:$0x3FC7]  }
0x91: {  	s18 =	sld [smem:$0x3FD0];
	(tm) =	ssettm $0x1  }
0x92: {  	s4 =	sld [smem:$0x3FFB];
	_ =	sdelay $0x3  }
0x93: {  	_ =	strace s4  }
0x94: {  	s4 =	sld [smem:$0x3FFC];
	_ =	sdelay $0x3  }
0x95: {  	_ =	strace s4  }
0x96: {  	s4 =	sld [smem:$0x3FFD];
	_ =	sdelay $0x3  }
0x97: {  	_ =	strace s4  }
0x98: {  	_ =	strace $0x8FFFFFFF  }
0x99: {  	s19 =	sld [smem:$0x3FDB];
	_ =	sdelay $0x1  }
0x9a: {  	s5 =	simm.s32 $_scs_section_size  }
0x9b: {  	s6 =	simm.s32 $_size__tile_overlayer_lowered;
	s7 =	simm.s32 $_tile_overlayer_lowered  }
0x9c: {  	s22 =	simm.s32 $0x1BFF;
	s21 =	sshll.u32 s7, $0x1;
	s4 =	sadd.s32 s5, s19  }
0x9d: {  	s8 =	simm.s32 $0x0;
	s20 =	sshll.u32 s6, $0x1;
	s6 =	sadd.s32 s21, s4  }
0x9e: {  	[timem:s8], [sflag:s22] =	dma.local [hbm:s6], s20  }
0x9f: {  	_ =	swait.ge [sflag:s22], s20  }
0xa0: {  	s5 =	ssub.s32 $0x0, s20;
	[sflag:s22] =	ssyncset.done $0x0  }
0xa1: {  	[sflag:s22] =	ssyncadd.s32 s5;
	_ =	sdelay $0x1  }
0xa2: {  	s23 =	simm.s32 $0x1B8B  }
0xa3: {  	_ =	swait.ge [sflag:s23], $0x1  }
0xa4: {  	[sflag:s23] =	ssyncset.done $0x0  }
0xa5: {  	s25 =	simm.s32 $0x1B8E;
	s24 =	sld [smem:$0x3FFE];
	[sflag:s23] =	ssyncadd.s32 $0xFFFFFFFF  }
0xa6: {  	s26 =	simm.s32 $execute0_lowered;
	[smem:$0x3FD2] =	sst s25  }
0xa7: {  	s6 =	sshll.u32 s26, $0x1;
	_ =	strace $0x80000046;
	[dreg:$0x1] =	wrdreg $0xFFFFFFFF  }
0xa8: {  	s28 =	simm.s32 $_size_execute0_lowered;
	s4 =	sadd.s32 s4, s6;
	[dreg:$0x0] =	wrdreg $0x0  }
0xa9: {  	s6 =	sshll.u32 s28, $0x1;
	[dreg:$0x2] =	wrdreg s4  }
0xaa: {  	[dreg:$0x3] =	wrdreg s6  }
0xab: {  	[dreg:$0x4] =	wrdreg $0xC0  }
0xac: {  	_ =	task [dreg:s8], $0x5FFFF  }
0xad: {  	[dreg:$0x1] =	wrdreg $0xFFFFFFFF  }
0xae: {  	[dreg:$0x0] =	wrdreg $0x60  }
0xaf: {  	[dreg:$0x2] =	wrdreg s2  }
0xb0: {  	[dreg:$0x3] =	wrdreg s18  }
0xb1: {  	[dreg:$0x4] =	wrdreg s24  }
0xb2: {  	[dreg:$0x5] =	wrdreg $0x9  }
0xb3: {  	_ =	task.clear_ibuf [dreg:s8], $0x6FFFF;
	_ =	strace $0x90000046  }
0xb4: {  	s29 =	simm.s32 $0x9;
	_ =	strace $0x80000048  }
0xb5: {  	_ =	swait.ge [sflag:s29], $0x1  }
0xb6: {  	[sflag:s29] =	ssyncadd.s32 $0xFFFFFFFF  }
0xb7: {  	_ =	strace $0x90000048  }
0xb8: {  	_ =	sfence  }
0xb9: {  	s30 =	sld [smem:$0x0];
	_ =	sdelay $0x2  }
0xba: {  	s31 =	sshll.u32 s1, $0xD;
	s1 =	sshrl.u32 s1, $0x2  }
0xbb: {  	s3 =	sand.u32 $0x4000, s31;
	s1 =	sadd.s32 s1, s30  }
0xbc: {  	s0 =	sor.u32 s3, s0;
	s1 =	sshll.u32 s1, $0x11  }
0xbd: {  	s0 =	sor.u32 s1, s0  }
0xbe: {  	s0 =	sadd.s32 $0x8F2B, s0  }
0xbf: {  	[sflag:s0] =	ssyncadd.remote.s32 $0x1  }
0xc0: {  	_ =	sfence.sel $0xFFFF  }
0xc1: {  	[dreg:$0x0] =	wrdreg $0xFFFFFFFF;
	(pc) =	sbr.abs _section_cstart, $3  }
0xc2: {  	[dreg:$0x1] =	wrdreg $0xFFFFFFFF  }
0xc3: {  	_ =	task.clear_ibuf [dreg:s8], $0x2FFFF;
	_ =	strace $0x9FFFFFFF  }
0xc4: {  	(tm) =	ssettm $0x7FFFFFFF  }
0xc5: {  	_ =	shalt  }
tec
execute0_lowered:
.L_overlay_start_1:
0x0: {  	(tag) =	ssettag $0x1  }
0x1: {  	v0 =	vimm.s32 $0x1380;
	vm14 =	vcmask $0x300  }
0x2: {  	vm13 =	vcmask $0x704;
	vm12 =	vcmask $0xB08;
	vm11 =	vcmask $0xF0C  }
0x3: {  	vm10 =	vcmask $0x1310;
	vm9 =	vcmask $0x1714;
	vm8 =	vcmask $0x1B18  }
0x4: {  	vm7 =	vcmask $0x1F1C;
	vm6 =	vcmask $0x2320;
	vm5 =	vcmask $0x2724  }
0x5: {  	v2 =	vimm.s32 $0x1780;
	vm4 =	vcmask $0x2B28;
	vm3 =	vcmask $0x2F2C  }
0x6: {  	vm2 =	vcmask $0x3330;
	vm0 =	vcmask $0x3734;
	vm1 =	vcmask $0x3B38  }
0x7: {  	v4 =	vimm.s32 $0x6B4A2908;
	v5 =	vimm.s32 $0x6F4E2D0C;
	vm15 =	vcmask $0x1F10  }
0x8: {  	v6 =	vimm.s32 $0x63422100;
	v7 =	vimm.s32 $0x67462504;
	v9 =	vimm.s32 $0xC6F  }
0x9: {  	v10 =	vimm.s32 $0x3380;
	v11 =	vimm.s32 $0x7B5A3918;
	v12 =	vimm.s32 $0x7F5E3D1C  }
0xa: {  	v13 =	vimm.s32 $0x73523110;
	v14 =	vimm.s32 $0x77563514;
	v15 =	vimm.s32 $0x87F  }
0xb: {  	v16 =	vimm.s32 $0x3F80;
	v17 =	vimm.s32 $0xC7F;
	v0 =	vsel vm14, $0x0, v0  }
0xc: {  	v2 =	vsel vm14, $0x400, v2;
	v4 =	vunpack.c.0.s8.s32 v4;
	v5 =	vunpack.c.0.s8.s32 v5  }
0xd: {  	v6 =	vunpack.c.0.s8.s32 v6;
	v7 =	vunpack.c.0.s8.s32 v7;
	v9 =	vsel vm14, $0xC00, v9  }
0xe: {  	v10 =	vsel vm14, $0x2000, v10;
	v11 =	vunpack.c.0.s8.s32 v11;
	v12 =	vunpack.c.0.s8.s32 v12  }
0xf: {  	v13 =	vunpack.c.0.s8.s32 v13;
	v14 =	vunpack.c.0.s8.s32 v14;
	v15 =	vsel vm14, $0x810, v15  }
0x10: {  	v16 =	vsel vm14, $0x2C00, v16;
	v17 =	vsel vm14, $0xC10, v17;
	v0 =	vsel vm13, $0x80, v0  }
0x11: {  	v2 =	vsel vm13, $0x480, v2;
	v9 =	vsel vm13, $0xC21, v9;
	v10 =	vsel vm13, $0x2080, v10  }
0x12: {  	v15 =	vsel vm13, $0x831, v15;
	v16 =	vsel vm13, $0x2C80, v16;
	v17 =	vsel vm13, $0xC31, v17  }
0x13: {  	v0 =	vsel vm12, $0x100, v0;
	v2 =	vsel vm12, $0x500, v2;
	v52 =	vsel vm15, v7, v6  }
0x14: {  	v6 =	vimm.s32 $0x46F;
	v7 =	vimm.s32 $0x86F;
	v9 =	vsel vm12, $0xC42, v9  }
0x15: {  	v10 =	vsel vm12, $0x2100, v10;
	v11 =	vsel vm15, v12, v11;
	v12 =	vsel vm15, v14, v13  }
0x16: {  	v13 =	vimm.s32 $0x47F;
	v14 =	vimm.s32 $0x3B80;
	v15 =	vsel vm12, $0x852, v15  }
0x17: {  	v16 =	vsel vm12, $0x2D00, v16;
	v17 =	vsel vm12, $0xC52, v17;
	v0 =	vsel vm11, $0x180, v0  }
0x18: {  	v2 =	vsel vm11, $0x580, v2;
	v53 =	vsel vm14, $0x400, v6;
	v6 =	vimm.s32 $0x1B80  }
0x19: {  	v7 =	vsel vm14, $0x800, v7;
	v9 =	vsel vm11, $0xC63, v9;
	v10 =	vsel vm11, $0x2180, v10  }
0x1a: {  	v13 =	vsel vm14, $0x410, v13;
	v14 =	vsel vm14, $0x2800, v14;
	v15 =	vsel vm11, $0x873, v15  }
0x1b: {  	v16 =	vsel vm11, $0x2D80, v16;
	v17 =	vsel vm11, $0xC73, v17;
	v0 =	vsel vm10, $0x200, v0  }
0x1c: {  	v2 =	vsel vm10, $0x600, v2;
	v6 =	vsel vm14, $0x800, v6;
	v7 =	vsel vm13, $0x821, v7  }
0x1d: {  	v9 =	vsel vm10, $0xC04, v9;
	v10 =	vsel vm10, $0x2200, v10;
	v13 =	vsel vm13, $0x431, v13  }
0x1e: {  	v14 =	vsel vm13, $0x2880, v14;
	v15 =	vsel vm10, $0x814, v15;
	v16 =	vsel vm10, $0x2E00, v16  }
0x1f: {  	v17 =	vsel vm10, $0xC14, v17;
	v0 =	vsel vm9, $0x280, v0;
	v2 =	vsel vm9, $0x680, v2  }
0x20: {  	v6 =	vsel vm13, $0x880, v6;
	v7 =	vsel vm12, $0x842, v7;
	v9 =	vsel vm9, $0xC25, v9  }
0x21: {  	v10 =	vsel vm9, $0x2280, v10;
	v13 =	vsel vm12, $0x452, v13;
	v14 =	vsel vm12, $0x2900, v14  }
0x22: {  	v15 =	vsel vm9, $0x835, v15;
	v16 =	vsel vm9, $0x2E80, v16;
	v17 =	vsel vm9, $0xC35, v17  }
0x23: {  	v1 =	vsel vm8, $0x300, v0;
	v0 =	vlaneseq.u32;
	v2 =	vsel vm8, $0x700, v2  }
0x24: {  	v6 =	vsel vm12, $0x900, v6;
	v7 =	vsel vm11, $0x863, v7;
	v9 =	vsel vm8, $0xC46, v9  }
0x25: {  	v10 =	vsel vm8, $0x2300, v10;
	v13 =	vsel vm11, $0x473, v13;
	v14 =	vsel vm11, $0x2980, v14  }
0x26: {  	v15 =	vsel vm8, $0x856, v15;
	v16 =	vsel vm8, $0x2F00, v16;
	v17 =	vsel vm8, $0xC56, v17  }
0x27: {  	v1 =	vsel vm7, $0x380, v1;
	v18 =	vmul.u32 $0x5, v0;
	v2 =	vsel vm7, $0x780, v2  }
0x28: {  	v6 =	vsel vm11, $0x980, v6;
	v7 =	vsel vm10, $0x804, v7;
	v9 =	vsel vm7, $0xC67, v9  }
0x29: {  	v10 =	vsel vm7, $0x2380, v10;
	v13 =	vsel vm10, $0x414, v13;
	v14 =	vsel vm10, $0x2A00, v14  }
0x2a: {  	v15 =	vsel vm7, $0x877, v15;
	v16 =	vsel vm7, $0x2F80, v16;
	v17 =	vsel vm7, $0xC77, v17  }
0x2b: {  	v1 =	vsel vm6, $0x1000, v1;
	v2 =	vsel vm6, $0x1400, v2;
	v6 =	vsel vm10, $0xA00, v6  }
0x2c: {  	v7 =	vsel vm9, $0x825, v7;
	v9 =	vsel vm6, $0xC08, v9;
	v10 =	vsel vm6, $0x3000, v10  }
0x2d: {  	v13 =	vsel vm9, $0x435, v13;
	v14 =	vsel vm9, $0x2A80, v14;
	v15 =	vsel vm6, $0x818, v15  }
0x2e: {  	v16 =	vsel vm6, $0x3C00, v16;
	v17 =	vsel vm6, $0xC18, v17;
	v1 =	vsel vm5, $0x1080, v1  }
0x2f: {  	v8 =	vsel vm5, $0x1480, v2;
	v6 =	vsel vm9, $0xA80, v6;
	v7 =	vsel vm8, $0x846, v7  }
0x30: {  	v9 =	vsel vm5, $0xC29, v9;
	v10 =	vsel vm5, $0x3080, v10;
	v2 =	vlaneseq.u32  }
0x31: {  	v13 =	vsel vm8, $0x456, v13;
	v14 =	vsel vm8, $0x2B00, v14;
	v15 =	vsel vm5, $0x839, v15  }
0x32: {  	v16 =	vsel vm5, $0x3C80, v16;
	v17 =	vsel vm5, $0xC39, v17;
	v1 =	vsel vm4, $0x1100, v1  }
0x33: {  	v51 =	vsel vm4, $0x1500, v8;
	v6 =	vsel vm8, $0xB00, v6;
	v7 =	vsel vm7, $0x867, v7  }
0x34: {  	v8 =	vimm.s32 $0x1F80;
	v9 =	vsel vm4, $0xC4A, v9;
	v10 =	vsel vm4, $0x3100, v10  }
0x35: {  	v13 =	vsel vm7, $0x477, v13;
	v14 =	vsel vm7, $0x2B80, v14;
	v15 =	vsel vm4, $0x85A, v15  }
0x36: {  	v16 =	vsel vm4, $0x3D00, v16;
	v17 =	vsel vm4, $0xC5A, v17;
	v61 =	vor.u32 $0x110, v2  }
0x37: {  	v1 =	vsel vm3, $0x1180, v1;
	v6 =	vsel vm7, $0xB80, v6;
	v7 =	vsel vm6, $0x808, v7  }
0x38: {  	v8 =	vsel vm14, $0xC00, v8;
	v9 =	vsel vm3, $0xC6B, v9;
	v10 =	vsel vm3, $0x3180, v10  }
0x39: {  	v13 =	vsel vm6, $0x418, v13;
	v14 =	vsel vm6, $0x3800, v14;
	v15 =	vsel vm3, $0x87B, v15  }
0x3a: {  	v16 =	vsel vm3, $0x3D80, v16;
	v17 =	vsel vm3, $0xC7B, v17;
	v3 =	vsel vm2, $0x1200, v1  }
0x3b: {  	v6 =	vsel vm6, $0x1800, v6;
	v7 =	vsel vm5, $0x829, v7;
	v8 =	vsel vm13, $0xC80, v8  }
0x3c: {  	v9 =	vsel vm2, $0xC0C, v9;
	v10 =	vsel vm2, $0x3200, v10;
	v13 =	vsel vm5, $0x439, v13  }
0x3d: {  	v14 =	vsel vm5, $0x3880, v14;
	v15 =	vsel vm2, $0x81C, v15;
	v16 =	vsel vm2, $0x3E00, v16  }
0x3e: {  	v17 =	vsel vm2, $0xC1C, v17;
	v3 =	vsel vm0, $0x1280, v3;
	v6 =	vsel vm5, $0x1880, v6  }
0x3f: {  	v7 =	vsel vm4, $0x84A, v7;
	v8 =	vsel vm12, $0xD00, v8;
	v9 =	vsel vm0, $0xC2D, v9  }
0x40: {  	v10 =	vsel vm0, $0x3280, v10;
	v13 =	vsel vm4, $0x45A, v13;
	v14 =	vsel vm4, $0x3900, v14  }
0x41: {  	v15 =	vsel vm0, $0x83D, v15;
	v16 =	vsel vm0, $0x3E80, v16;
	v0 =	vsel vm1, $0x1300, v3  }
0x42: {  	v3 =	vsel vm15, v5, v4;
	v4 =	vsel vm3, $0x1580, v51;
	v5 =	vsel vm13, $0x421, v53  }
0x43: {  	v6 =	vsel vm4, $0x1900, v6;
	v7 =	vsel vm3, $0x86B, v7;
	v8 =	vsel vm11, $0xD80, v8  }
0x44: {  	v13 =	vsel vm3, $0x47B, v13;
	v14 =	vsel vm3, $0x3980, v14;
	v60 =	vsel vm1, $0x85E, v15  }
0x45: {  	v63 =	vsel vm1, $0x3F00, v16;
	[tilespmem:$0x1FEB0] =	vst v0;
	v0 =	vcombine.low v52, v3;
	v4 =	vsel vm2, $0x1600, v4  }
0x46: {  	v5 =	vsel vm12, $0x442, v5;
	v6 =	vsel vm3, $0x1980, v6;
	v7 =	vsel vm2, $0x80C, v7  }
0x47: {  	v8 =	vsel vm10, $0xE00, v8;
	v13 =	vsel vm2, $0x41C, v13;
	v14 =	vsel vm2, $0x3A00, v14  }
0x48: {  	v4 =	vsel vm0, $0x1680, v4;
	v5 =	vsel vm11, $0x463, v5;
	v6 =	vsel vm2, $0x1A00, v6  }
0x49: {  	v7 =	vsel vm0, $0x82D, v7;
	v8 =	vsel vm9, $0xE80, v8;
	v13 =	vsel vm0, $0x43D, v13  }
0x4a: {  	s0 =	rddreg [dreg:$0x0];
	v14 =	vsel vm0, $0x3A80, v14;
	v5 =	vsel vm10, $0x404, v5;
	v6 =	vsel vm0, $0x1A80, v6  }
0x4b: {  	s1 =	rddreg [dreg:$0x1];
	v54 =	vsel vm1, $0x84E, v7;
	v1 =	vsel vm1, $0x1B00, v6;
	v6 =	vsel vm1, $0x3300, v10  }
0x4c: {  	s15 =	simm.s32 $0x1000;
	s16 =	simm.s32 $0xC3800;
	s17 =	simm.s32 $0x4000;
	v8 =	vsel vm8, $0xF00, v8;
	v58 =	vsel vm1, $0x45E, v13;
	[tilespmem:$0x1FED0] =	vst v6;
	v6 =	vcombine.low v12, v11  }
0x4d: {  	s2 =	simm.s32 $0x0;
	s28 =	simm.s32 $0xC800;
	s29 =	simm.s32 $0xD800;
	[tilespmem:$0x1FEC0] =	vst v0;
	v59 =	vsel vm1, $0x3B00, v14;
	v8 =	vsel vm7, $0xF80, v8;
	v12 =	vimm.s32 $0x3780  }
0x4e: {  	s30 =	simm.s32 $0xE800;
	[smem:$0x7FF] =	sst s2;
	v5 =	vsel vm9, $0x425, v5;
	v8 =	vsel vm6, $0x1C00, v8;
	v12 =	vsel vm14, $0x2400, v12;
	[tilespmem:$0x1FEE0] =	vst v6  }
0x4f: {  	s3 =	rddreg [dreg:$0x2];
	s4 =	srdreg.scid;
	v5 =	vsel vm8, $0x446, v5;
	v8 =	vsel vm5, $0x1C80, v8;
	v12 =	vsel vm13, $0x2480, v12;
	_ =	strace $0x80000047;
	[tilespmem:$0x1FF60] =	vst v54  }
0x50: {  	s10 =	stileid.u32;
	s31 =	simm.s32 $0xF800;
	s12 =	simm.s32 $0xEC00;
	v5 =	vsel vm7, $0x467, v5;
	v8 =	vsel vm4, $0x1D00, v8;
	v12 =	vsel vm12, $0x2500, v12;
	[tilespmem:$0x1FFA0] =	vst v58  }
0x51: {  	s13 =	simm.s32 $0xFC00;
	s5 =	sand.u32 $0x1, s4;
	s6 =	sshll.u32 s10, $0x1;
	v5 =	vsel vm6, $0x408, v5;
	v8 =	vsel vm3, $0x1D80, v8;
	[tilespmem:$0x1FFB0] =	vst v59;
	v12 =	vsel vm11, $0x2580, v12  }
0x52: {  	s4 =	sadd.s32 $0x3C00, s3;
	s18 =	ssub.s32 $0x2, s5;
	s5 =	sor.u32 s5, s6;
	v5 =	vsel vm5, $0x429, v5;
	[tilespmem:$0x1FFC0] =	vst v60;
	v8 =	vsel vm2, $0x1E00, v8;
	v12 =	vsel vm10, $0x2600, v12  }
0x53: {  	s14 =	simm.s32 $0x4;
	p0 =	sgt.u32 s10, $0xC;
	s7 =	sshll.u32 s5, $0x9;
	[tilespmem:$0x1FFD0] =	vst v63;
	v5 =	vsel vm4, $0x44A, v5;
	v8 =	vsel vm0, $0x1E80, v8;
	v12 =	vsel vm9, $0x2680, v12  }
0x54: {  	s10 =	simm.s32 $0x0;
	s19 =	sshrl.u32 s18, $0x1;
	s20 =	smul.u32 $0x30D400, s5;
	v0 =	vsel vm1, $0x1700, v4;
	[tilespmem:$0x1FFE0] =	vst v61;
	v5 =	vsel vm3, $0x46B, v5;
	v12 =	vsel vm8, $0x2700, v12  }
0x55: {  	s8 =	smul.u32 $0x30E000, s5;
	s21 =	sor.u32 $0x40, s5;
	s9 =	sor.u32 $0x60, s5;
	[tilespmem:$0x1FFF0] =	vst v18;
	v5 =	vsel vm2, $0x40C, v5;
	v55 =	vsel vm1, $0x1F00, v8;
	v12 =	vsel vm7, $0x2780, v12  }
0x56: {  	s23 =	sshll.u32 s5, $0x7;
	s7 =	sadd.s32 s0, s7;
	s6 =	sshrl.u32 s20, $0x3;
	v17 =	vsel vm0, $0xC3D, v17;
	v5 =	vsel vm0, $0x42D, v5;
	[tilespmem:$0x1FF70] =	vst v55;
	v8 =	vmovc v0;
	v12 =	vsel vm6, $0x3400, v12  }
0x57: {  	s3 =	ssub.s32 s18, s19;
	s6 =	sadd.s32 s4, s6;
	[dreg:$0x4] =	wrdreg s7;
	v3 =	vsel vm1, $0x44E, v5;
	v0 =	vsel vm1, $0xC4E, v9;
	[tilespmem:$0x1FF30] =	vst v8;
	v12 =	vsel vm5, $0x3480, v12  }
0x58: {  	s1 =	sadd.s32 s1, s23;
	s24 =	sadd.s32 $0x61800, s6;
	[dreg:$0x6] =	wrdreg s21;
	v15 =	vmov v0;
	v0 =	vsel vm1, $0xC5E, v17;
	[tilespmem:$0x1FF40] =	vst v3;
	v12 =	vsel vm4, $0x3500, v12  }
0x59: {  	s18 =	simm.s32 $0x1;
	s19 =	simm.s32 $0x8000;
	[dreg:$0x8] =	wrdreg s24;
	[tilespmem:$0x1FEF0] =	vst v0;
	v12 =	vsel vm3, $0x3580, v12  }
0x5a: {  	s22 =	sshrl.u32 s8, $0x3;
	s25 =	sadd.s32 $0x61A00, s6;
	[dreg:$0x9] =	wrdreg s1;
	v0 =	vor.u32 $0x10, v2;
	[tilespmem:$0x1FF80] =	vst v15;
	v12 =	vsel vm2, $0x3600, v12  }
.Ltmp0:
0x5b: {  	s26 =	smax.u32 s3, $0x1;
	[dreg:$0xa] =	wrdreg s25;
	[tilespmem:$0x1FF00] =	vst v0;
	v0 =	vor.u32 $0x90, v2;
	v12 =	vsel vm0, $0x3680, v12;
	(pc) =	sbr.rel .LBB2_1-.Ltmp0, $4  }
0x5c: {  	s3 =	simm.s32 $0xDC00;
	s7 =	sadd.s32 $0x4000, s7;
	[dreg:$0xb] =	wrdreg s26;
	[tilespmem:$0x1FF10] =	vst v0;
	v0 =	vor.u32 $0x190, v2  }
0x5d: {  	s6 =	simm.s32 $0xC000;
	[dreg:$0x5] =	wrdreg s7;
	s7 =	sadd.s32 s0, s22;
	[tilespmem:$0x1FF20] =	vst v0;
	v57 =	vsel vm1, $0x3700, v12  }
0x5e: {  	s25 =	simm.s32 $0xE400;
	s26 =	simm.s32 $0xF400;
	s7 =	sadd.s32 $0x18600, s7;
	[tilespmem:$0x1FF90] =	vst v57;
	v12 =	vmov v1  }
0x5f: {  	v14 =	vmovc v54;
	s1 =	simm.s32 $0xCC00;
	[dreg:$0x7] =	wrdreg s7;
	s7 =	simm.s32 $0x2;
	v16 =	vmov v55;
	v10 =	vmov v3;
	v1 =	vmov v18;
	[tilespmem:$0x1FF50] =	vst v12  }
.LBB2_22:
0x60: {  	s10 =	sadd.s32 $0x1, s10;
	s8 =	rddreg [dreg:$0xb]  }
0x61: {  	v8 =	vld [tilespmem:$0x1FF30];
	p1 =	sne.s32 s10, s8  }
.Ltmp1:
0x62: {  	v10 =	vld [tilespmem:$0x1FF40];
	(pc) =	sbr.rel @!p1 .LBB2_23-.Ltmp1, $4  }
0x63: {  	v12 =	vld [tilespmem:$0x1FF50]  }
0x64: {  	v14 =	vld [tilespmem:$0x1FF60]  }
0x65: {  	v16 =	vld [tilespmem:$0x1FF70]  }
0x66: {  	v2 =	vlaneseq.u32;
	v15 =	vld [tilespmem:$0x1FF80]  }
.LBB2_1:
0x67: {  	[dreg:$0xc] =	wrdreg s10  }
0x68: {  	s8 =	rddreg [dreg:$0x4]  }
0x69: {  	[tilespmem:s2], [sflag:$0x1] =	stream.strided.gather [hbm4b:s8+s15], $0x4000, s16, s15, $0x38;
	[tilespmem:$0x10000] =	vst v63  }
0x6a: {  	s24 =	rddreg [dreg:$0x5];
	s10 =	simm.s32 $0x0  }
0x6b: {  	[tilespmem:s17], [sflag:$0x2] =	stream.strided.gather [hbm4b:s24+s15], $0x4000, s16, s15, $0x38;
	[tilespmem:$0x10000] =	vst v63  }
.LBB2_2:
0x6c: {  	s8 =	simm.s32 $0x1  }
0x6d: {  	s11 =	simm.s32 $0x3;
	s20 =	simm.s32 $0x2;
	s22 =	simm.s32 $0x5;
	v22 =	vadd.s32 s8, v1  }
0x6e: {  	v4 =	vld [tilespmem:$0x1FEB0];
	_ =	swait.ge [sflag:s18], $0x4000;
	v23 =	vadd.s32 s11, v1;
	v24 =	vadd.s32 s20, v1;
	v27 =	vadd.s32 s22, v1  }
0x6f: {  	s23 =	simm.s32 $0x7;
	p1 =	seq.s32 s10, $0x0;
	[sflag:s18] =	ssyncset.done $0x0;
	v3 =	vand.u32 $0x7F, v27;
	v19 =	vshll.u32 v27, $0x5;
	v27 =	vshll.u32 v27, $0x7  }
0x70: {  	v28 =	vadd.s32 s23, v1;
	s11 =	simm.s32 @!p1 $0x3;
	[sflag:s18] =	ssyncadd.s32 $0xFFFFC000;
	v35 =	vand.u32 $0x3000, v27;
	v36 =	vand.u32 $0x380, v19  }
0x71: {  	v13 =	vshll.u32 v28, $0x5;
	v58 =	vand.u32 $0x60, v19;
	_ =	swait.ge @!p1 [sflag:s11], $0x1000;
	v11 =	vor.u32 v36, v35  }
0x72: {  	v5 =	vand.u32 $0x7F, v24;
	v34 =	vshll.u32 v22, $0x7;
	[tilespmem:$0x1FCE0] =	vst v13;
	v6 =	vor.u32 v58, v11  }
0x73: {  	v35 =	vand.u32 $0x3000, v34;
	[sflag:s11] =	ssyncset.done @!p1 $0x0;
	[tilespmem:$0x1FCD0] =	vst v6;
	v34 =	vor.u32 v2, v6;
	v6 =	vor.u32 v8, v5  }
0x74: {  	[sflag:s11] =	ssyncadd.s32 @!p1 $0xFFFFF000;
	[tilespmem:$0x1FE70] =	vst v6  }
0x75: {  	_ =	swait.ge @!p1 [sflag:s11], $0x1000  }
0x76: {  	v25 =	vshll.u32 v23, $0x7;
	v9 =	vand.u32 $0x7F, v22;
	v0 =	vand.u32 $0x7F, v23;
	[sflag:s11] =	ssyncset.done @!p1 $0x0  }
0x77: {  	s8 =	simm.s32 $0x0;
	v7 =	vand.u32 $0x7F, v28;
	v28 =	vshll.u32 v28, $0x7;
	v21 =	vshll.u32 v24, $0x5;
	[sflag:s11] =	ssyncadd.s32 @!p1 $0xFFFFF000  }
0x78: {  	v41 =	vadd.s32 s8, v1;
	v24 =	vshll.u32 v24, $0x7;
	v27 =	vshll.u32 v23, $0x5;
	_ =	swait.ge @!p1 [sflag:s11], $0x1000  }
0x79: {  	v23 =	vand.u32 $0x60, v13;
	v60 =	vand.u32 $0x380, v13;
	v31 =	vor.u32 v4, v3;
	[sflag:s11] =	ssyncset.done @!p1 $0x0  }
0x7a: {  	v28 =	vand.u32 $0x3000, v28;
	v40 =	vor.u32 v2, v13;
	v47 =	vshll.u32 v41, $0x7;
	[sflag:s11] =	ssyncadd.s32 @!p1 $0xFFFFF000  }
0x7b: {  	v13 =	vand.u32 $0x7F, v41;
	v20 =	vor.u32 v60, v28;
	v28 =	vand.u32 $0x6F, v40;
	_ =	swait.ge @!p1 [sflag:s11], $0x1000  }
0x7c: {  	v17 =	vor.u32 v23, v20;
	v6 =	vshll.u32 v22, $0x5;
	v22 =	vshll.u32 v41, $0x5;
	[sflag:s11] =	ssyncset.done @!p1 $0x0  }
0x7d: {  	v49 =	vor.u32 v4, v13;
	v23 =	vand.u32 $0x3000, v47;
	v22 =	vand.u32 $0x380, v22;
	[tilespmem:$0x1FCF0] =	vst v17;
	[sflag:s11] =	ssyncadd.s32 @!p1 $0xFFFFF000  }
0x7e: {  	v40 =	vor.u32 v2, v17;
	v17 =	vor.u32 v23, v22;
	v22 =	vand.u32 $0x3000, v24;
	v24 =	vld.idx.msk [tilespmem:v31+s8+$0x0], $0xffff  }
0x7f: {  	v36 =	vand.u32 $0x380, v6;
	v47 =	vand.u32 $0x60, v6;
	[tilespmem:$0x1FD00] =	vst v6;
	v31 =	vor.u32 v2, v6;
	v6 =	vld [tilespmem:$0x1FEC0];
	_ =	sdelay $0x1  }
0x80: {  	v29 =	vor.u32 v4, v7  }
0x81: {  	s21 =	simm.s32 $0x4  }
0x82: {  	v26 =	vadd.s32 s21, v1  }
0x83: {  	v39 =	vand.u32 $0x7F, v26;
	v49 =	vld.idx.msk [tilespmem:v49+s8+$0x0], $0xffff;
	v53 =	vor.u32 v6, v17  }
0x84: {  	s24 =	simm.s32 $0x6;
	v43 =	vor.u32 v4, v39;
	[tilespmem:$0x1FD10] =	vst v27  }
0x85: {  	v52 =	vadd.s32 s24, v1;
	v46 =	vshll.u32 v26, $0x5;
	v29 =	vld.idx.msk [tilespmem:v29+s8+$0x0], $0xffff;
	[tilespmem:$0x1FD20] =	vst v20  }
0x86: {  	v25 =	vand.u32 $0x3000, v25;
	v51 =	vand.u32 $0x60, v27;
	v41 =	vand.u32 $0x380, v27;
	[tilespmem:v34+s19+$0x0] =	vst.idx.msk $0xffff, v24  }
0x87: {  	v54 =	vor.u32 v2, v27;
	v50 =	vor.u32 v8, v13;
	v27 =	vor.u32 v41, v25;
	[tilespmem:$0x1FD30] =	vst v19  }
0x88: {  	v26 =	vshll.u32 v26, $0x7;
	v24 =	vor.u32 v2, v19;
	v19 =	vor.u32 v51, v27;
	[tilespmem:v53+s19+$0x0] =	vst.idx.msk $0xffff, v49  }
0x89: {  	v18 =	vand.u32 $0x7F, v52;
	v61 =	vand.u32 $0x3000, v26;
	v41 =	vld.idx.msk [tilespmem:v43+s8+$0x0], $0xffff;
	[tilespmem:$0x1FD40] =	vst v19  }
0x8a: {  	v57 =	vshll.u32 v52, $0x5;
	v46 =	vand.u32 $0x380, v46;
	v30 =	vor.u32 v4, v0;
	[tilespmem:$0x1FD50] =	vst v61  }
0x8b: {  	v52 =	vshll.u32 v52, $0x7;
	v62 =	vor.u32 v8, v7;
	v63 =	vor.u32 v46, v61;
	[tilespmem:$0x1FD60] =	vst v46  }
0x8c: {  	v55 =	vand.u32 $0x380, v57;
	v33 =	vor.u32 v4, v9;
	v37 =	vor.u32 v4, v5;
	[tilespmem:v40+s19+$0x0] =	vst.idx.msk $0xffff, v29  }
0x8d: {  	v26 =	vand.u32 $0x3000, v52;
	v43 =	vor.u32 v2, v19;
	v19 =	vor.u32 v36, v35;
	v46 =	vld.idx.msk [tilespmem:v50+s8+$0x0], $0xffff;
	[tilespmem:$0x1FD70] =	vst v21  }
0x8e: {  	v34 =	vor.u32 v55, v26;
	v61 =	vor.u32 v10, v17;
	v55 =	vor.u32 v47, v19;
	[tilespmem:$0x1FD80] =	vst v57  }
0x8f: {  	v26 =	vor.u32 v12, v13;
	v30 =	vld.idx.msk [tilespmem:v30+s8+$0x0], $0xffff;
	[tilespmem:$0x1FD90] =	vst v55  }
0x90: {  	v38 =	vor.u32 v2, v21;
	v29 =	vand.u32 $0x380, v21;
	[tilespmem:$0x1FDA0] =	vst v27  }
0x91: {  	v48 =	vand.u32 $0x60, v21;
	v23 =	vor.u32 v8, v3;
	v21 =	vor.u32 v29, v22;
	v22 =	vld.idx.msk [tilespmem:v33+s8+$0x0], $0xffff;
	[tilespmem:$0x1FDB0] =	vst v19  }
0x92: {  	v25 =	vand.u32 $0x60, v57;
	v24 =	vand.u32 $0x6F, v24;
	v40 =	vor.u32 v2, v55;
	v29 =	vld.idx.msk [tilespmem:v37+s8+$0x0], $0xffff;
	[tilespmem:$0x1FDC0] =	vst v11  }
0x93: {  	v37 =	vor.u32 v24, v11;
	v11 =	vor.u32 v25, v34;
	[tilespmem:v61+s19+$0x0] =	vst.idx.msk $0xffff, v46;
	v35 =	vld.idx.msk [tilespmem:v62+s8+$0x0], $0xffff  }
0x94: {  	v49 =	vld.idx.msk [tilespmem:v26+s8+$0x0], $0xffff;
	[tilespmem:$0x1FDD0] =	vst v11  }
0x95: {  	v36 =	vor.u32 v2, v57;
	v57 =	vor.u32 v6, v63;
	[tilespmem:v43+s19+$0x0] =	vst.idx.msk $0xffff, v30  }
0x96: {  	v32 =	vor.u32 v8, v9;
	v28 =	vor.u32 v28, v20;
	v30 =	vld.idx.msk [tilespmem:v23+s8+$0x0], $0xffff;
	[tilespmem:$0x1FDE0] =	vst v13  }
0x97: {  	v20 =	vor.u32 $0x400, v28;
	[tilespmem:v40+s19+$0x0] =	vst.idx.msk $0xffff, v22  }
0x98: {  	v51 =	vor.u32 v48, v21;
	[tilespmem:$0x1FDF0] =	vst v34  }
0x99: {  	[tilespmem:$0x1FE00] =	vst v51  }
0x9a: {  	v50 =	vor.u32 v14, v17;
	v25 =	vand.u32 $0x6F, v36;
	[tilespmem:v57+s19+$0x0] =	vst.idx.msk $0xffff, v41  }
0x9b: {  	v58 =	vor.u32 v4, v18;
	v26 =	vor.u32 v25, v34;
	v34 =	vld.idx.msk [tilespmem:v32+s8+$0x0], $0xffff;
	[tilespmem:$0x1FE10] =	vst v5  }
0x9c: {  	[tilespmem:v20+s19+$0x0] =	vst.idx.msk $0xffff, v35  }
0x9d: {  	[tilespmem:$0x1FE20] =	vst v7  }
0x9e: {  	v56 =	vand.u32 $0x6F, v54;
	v40 =	vor.u32 v2, v51;
	[tilespmem:$0x1FE30] =	vst v9  }
0x9f: {  	v47 =	vor.u32 v56, v27;
	v27 =	vor.u32 $0x400, v37;
	[tilespmem:v50+s19+$0x0] =	vst.idx.msk $0xffff, v49  }
0xa0: {  	v22 =	vld.idx.msk [tilespmem:v58+s8+$0x0], $0xffff;
	[tilespmem:$0x1FE40] =	vst v21  }
0xa1: {  	[tilespmem:$0x1FE50] =	vst v0  }
0xa2: {  	[tilespmem:$0x1FE60] =	vst v3  }
0xa3: {  	v42 =	vor.u32 v16, v9;
	[tilespmem:v40+s19+$0x0] =	vst.idx.msk $0xffff, v29  }
0xa4: {  	v44 =	vor.u32 v16, v7;
	v45 =	vor.u32 v16, v0;
	[tilespmem:v27+s19+$0x0] =	vst.idx.msk $0xffff, v30  }
0xa5: {  	v59 =	vor.u32 v8, v0;
	v52 =	vor.u32 v12, v18;
	v50 =	vor.u32 v12, v0;
	v0 =	vld [tilespmem:$0x1FE70]  }
0xa6: {  	v60 =	vor.u32 v8, v39;
	v54 =	vor.u32 v12, v39;
	v31 =	vand.u32 $0x6F, v31  }
0xa7: {  	v31 =	vor.u32 v31, v19;
	v53 =	vor.u32 $0xC00, v47;
	v55 =	vor.u32 $0x800, v28  }
0xa8: {  	v48 =	vor.u32 v12, v9;
	v33 =	vor.u32 v12, v5;
	v36 =	vand.u32 $0x6F, v38  }
0xa9: {  	v38 =	vor.u32 v16, v3;
	v46 =	vor.u32 $0x400, v31;
	v61 =	vor.u32 v14, v63  }
0xaa: {  	v24 =	vor.u32 v2, v11;
	v62 =	vor.u32 v12, v7;
	v25 =	vor.u32 $0x400, v47  }
0xab: {  	v23 =	vor.u32 v16, v13;
	v56 =	vor.u32 $0xC00, v26;
	v35 =	vor.u32 v12, v3;
	v58 =	vld.idx.msk [tilespmem:v59+s8+$0x0], $0xffff  }
0xac: {  	v43 =	vor.u32 $0xC00, v37;
	v37 =	vor.u32 $0x800, v37;
	v51 =	vor.u32 $0x800, v31;
	v29 =	vld.idx.msk [tilespmem:v60+s8+$0x0], $0xffff  }
0xad: {  	v57 =	vor.u32 v16, v5;
	v32 =	vor.u32 $0xC00, v28;
	v41 =	vor.u32 v8, v18;
	v30 =	vld.idx.msk [tilespmem:v0+s8+$0x0], $0xffff;
	[tilespmem:$0x1FE80] =	vst v39  }
0xae: {  	v49 =	vor.u32 v36, v21;
	v36 =	vor.u32 v16, v18;
	v59 =	vor.u32 v10, v63;
	[tilespmem:$0x1FE90] =	vst v17  }
0xaf: {  	v27 =	vor.u32 $0x800, v47;
	v60 =	vor.u32 $0x400, v49;
	v47 =	vor.u32 v15, v17;
	[tilespmem:v46+s19+$0x0] =	vst.idx.msk $0xffff, v34  }
0xb0: {  	s20 =	simm.s32 $0x8;
	s11 =	sshll.u32 s10, $0x6;
	v39 =	vor.u32 v16, v39;
	v28 =	vld.idx.msk [tilespmem:v35+s8+$0x0], $0xffff;
	v34 =	vor.u32 $0x800, v49;
	v46 =	vor.u32 $0x800, v26;
	[tilespmem:$0x1FEA0] =	vst v18  }
.LBB2_3:
0xb1: {  	s22 =	sadd.s32 $0x3, s20;
	v40 =	vor.u32 $0xC00, v31  }
0xb2: {  	s23 =	sadd.s32 $0x1, s20;
	s24 =	sadd.s32 $0x2, s20;
	[tilespmem:v24+s19+$0x0] =	vst.idx.msk $0xffff, v22;
	v22 =	vor.u32 $0x400, v26;
	v17 =	vor.u32 $0xC00, v49;
	v5 =	vadd.s32 s22, v1  }
0xb3: {  	v26 =	vadd.s32 s23, v1;
	v3 =	vadd.s32 s24, v1;
	s22 =	sadd.s32 $0x4, s20;
	s24 =	sadd.s32 $0x5, s20;
	v31 =	vshll.u32 v5, $0x7  }
0xb4: {  	s21 =	smov.u32 s20;
	v7 =	vadd.s32 s22, v1;
	v9 =	vadd.s32 s24, v1;
	v49 =	vand.u32 $0x7F, v3  }
0xb5: {  	v24 =	vld.idx.msk [tilespmem:v62+s8+$0x0], $0xffff;
	s24 =	sadd.s32 $0x7, s21;
	v19 =	vshll.u32 v9, $0x5;
	v20 =	vshll.u32 v7, $0x5;
	v35 =	vor.u32 v15, v63;
	[tilespmem:v25+s19+$0x0] =	vst.idx.msk $0xffff, v58  }
0xb6: {  	v23 =	vld.idx.msk [tilespmem:v23+s8+$0x0], $0xffff;
	v58 =	vand.u32 $0x7F, v26;
	v63 =	vand.u32 $0x3000, v31;
	v25 =	vadd.s32 s24, v1;
	[tilespmem:v59+s19+$0x0] =	vst.idx.msk $0xffff, v29  }
0xb7: {  	v59 =	vand.u32 $0x7F, v5;
	[tilespmem:v60+s19+$0x0] =	vst.idx.msk $0xffff, v30;
	v60 =	vand.u32 $0x7F, v9;
	v9 =	vshll.u32 v9, $0x7  }
0xb8: {  	v11 =	vld.idx.msk [tilespmem:v48+s8+$0x0], $0xffff;
	[tilespmem:v37+s19+$0x0] =	vst.idx.msk $0xffff, v28;
	v37 =	vand.u32 $0x60, v19;
	v5 =	vshll.u32 v5, $0x5;
	v20 =	vand.u32 $0x380, v20  }
0xb9: {  	v41 =	vld.idx.msk [tilespmem:v41+s8+$0x0], $0xffff;
	v29 =	vor.u32 v16, v58;
	v62 =	vand.u32 $0x7F, v25;
	v48 =	vor.u32 v8, v58  }
0xba: {  	v31 =	vor.u32 v4, v59;
	v13 =	vor.u32 v4, v60;
	v15 =	vld.idx.msk [tilespmem:v33+s8+$0x0], $0xffff;
	[tilespmem:v55+s19+$0x0] =	vst.idx.msk $0xffff, v24  }
0xbb: {  	v33 =	vor.u32 v4, v58;
	v24 =	vor.u32 v16, v59;
	[tilespmem:v47+s19+$0x0] =	vst.idx.msk $0xffff, v23;
	v47 =	vshll.u32 v26, $0x7  }
0xbc: {  	v23 =	vld.idx.msk [tilespmem:v50+s8+$0x0], $0xffff;
	v9 =	vand.u32 $0x3000, v9;
	v55 =	vand.u32 $0x380, v19;
	v50 =	vor.u32 v8, v59  }
0xbd: {  	v30 =	vld.idx.msk [tilespmem:v54+s8+$0x0], $0xffff;
	v26 =	vshll.u32 v26, $0x5;
	v19 =	vor.u32 v2, v19;
	v54 =	vor.u32 v4, v62  }
0xbe: {  	v0 =	vor.u32 v16, v62;
	v55 =	vor.u32 v55, v9;
	v9 =	vld.idx.msk [tilespmem:v38+s8+$0x0], $0xffff;
	v38 =	vand.u32 $0x3000, v47  }
0xbf: {  	v47 =	vshll.u32 v3, $0x5;
	v3 =	vshll.u32 v3, $0x7;
	v19 =	vand.u32 $0x6F, v19  }
0xc0: {  	v28 =	vld.idx.msk [tilespmem:v44+s8+$0x0], $0xffff;
	v44 =	vmovc v0;
	v0 =	vshll.u32 v25, $0x5;
	v25 =	vshll.u32 v25, $0x7;
	v37 =	vor.u32 v37, v55  }
0xc1: {  	[tilespmem:v51+s19+$0x0] =	vst.idx.msk $0xffff, v11;
	v51 =	vor.u32 v2, v47;
	v18 =	vand.u32 $0x60, v47;
	v3 =	vand.u32 $0x3000, v3  }
0xc2: {  	[tilespmem:v22+s19+$0x0] =	vst.idx.msk $0xffff, v41;
	v19 =	vor.u32 v19, v55;
	v22 =	vand.u32 $0x60, v0;
	v41 =	vand.u32 $0x380, v0  }
0xc3: {  	v11 =	vor.u32 v2, v37;
	v25 =	vand.u32 $0x3000, v25;
	v37 =	vand.u32 $0x7F, v7  }
0xc4: {  	v0 =	vor.u32 v2, v0;
	v7 =	vshll.u32 v7, $0x7;
	v25 =	vor.u32 v41, v25;
	v13 =	vld.idx.msk [tilespmem:v13+s8+$0x0], $0xffff  }
0xc5: {  	v0 =	vand.u32 $0x6F, v0;
	v7 =	vand.u32 $0x3000, v7;
	[tilespmem:v61+s19+$0x0] =	vst.idx.msk $0xffff, v30;
	v30 =	vld.idx.msk [tilespmem:v52+s8+$0x0], $0xffff;
	v52 =	vor.u32 v4, v49  }
0xc6: {  	[tilespmem:v27+s19+$0x0] =	vst.idx.msk $0xffff, v23;
	v27 =	vor.u32 v8, v49;
	v23 =	vld.idx.msk [tilespmem:v42+s8+$0x0], $0xffff;
	v42 =	vmov v29;
	v29 =	vadd.s32 s21, v1  }
0xc7: {  	v61 =	vor.u32 v4, v37;
	[tilespmem:v34+s19+$0x0] =	vst.idx.msk $0xffff, v15;
	v22 =	vor.u32 v22, v25;
	v21 =	vld.idx.msk [tilespmem:v45+s8+$0x0], $0xffff  }
0xc8: {  	v0 =	vor.u32 v0, v25;
	[tilespmem:v43+s19+$0x0] =	vst.idx.msk $0xffff, v9;
	v9 =	vand.u32 $0x7F, v29;
	v43 =	vshll.u32 v29, $0x7;
	v15 =	vld.idx.msk [tilespmem:v39+s8+$0x0], $0xffff  }
0xc9: {  	s23 =	sadd.s32 $0x6, s20;
	v45 =	vmovc v24;
	v29 =	vshll.u32 v29, $0x5;
	[tilespmem:v32+s19+$0x0] =	vst.idx.msk $0xffff, v28;
	v32 =	vand.u32 $0x380, v26;
	v22 =	vor.u32 v2, v22  }
0xca: {  	v39 =	vld.idx.msk [tilespmem:v57+s8+$0x0], $0xffff;
	v57 =	vadd.s32 s23, v1;
	v55 =	vor.u32 $0x800, v0;
	v24 =	vor.u32 v4, v9;
	[tilespmem:v46+s19+$0x0] =	vst.idx.msk $0xffff, v30  }
0xcb: {  	v34 =	vor.u32 v8, v9;
	v28 =	vand.u32 $0x380, v29;
	v54 =	vld.idx.msk [tilespmem:v54+s8+$0x0], $0xffff;
	v30 =	vand.u32 $0x380, v5;
	[tilespmem:v40+s19+$0x0] =	vst.idx.msk $0xffff, v23  }
0xcc: {  	v46 =	vand.u32 $0x60, v5;
	v29 =	vld.idx.msk [tilespmem:v61+s8+$0x0], $0xffff;
	v23 =	vand.u32 $0x3000, v43;
	v43 =	vor.u32 v8, v37;
	[tilespmem:v11+s19+$0x0] =	vst.idx.msk $0xffff, v13  }
0xcd: {  	v5 =	vor.u32 v2, v5;
	v13 =	vshll.u32 v57, $0x7;
	[tilespmem:v35+s19+$0x0] =	vst.idx.msk $0xffff, v15;
	v15 =	vor.u32 v23, v28  }
0xce: {  	v23 =	vor.u32 v8, v60;
	v35 =	vand.u32 $0x7F, v57;
	v28 =	vshll.u32 v57, $0x5  }
0xcf: {  	v36 =	vld.idx.msk [tilespmem:v36+s8+$0x0], $0xffff;
	[tilespmem:v17+s19+$0x0] =	vst.idx.msk $0xffff, v39;
	v5 =	vand.u32 $0x6F, v5;
	v13 =	vand.u32 $0x3000, v13;
	v30 =	vor.u32 v30, v63  }
0xd0: {  	v63 =	vor.u32 v20, v7;
	v20 =	vor.u32 v32, v38;
	v39 =	vld.idx.msk [tilespmem:v33+s8+$0x0], $0xffff;
	v33 =	vor.u32 v12, v49  }
0xd1: {  	[tilespmem:v53+s19+$0x0] =	vst.idx.msk $0xffff, v21;
	v32 =	vor.u32 $0xC00, v0;
	v21 =	vld.idx.msk [tilespmem:v24+s8+$0x0], $0xffff;
	v24 =	vand.u32 $0x60, v26;
	v26 =	vor.u32 v2, v26  }
0xd2: {  	v17 =	vor.u32 v6, v15;
	v61 =	vand.u32 $0x380, v28;
	v11 =	vor.u32 v4, v35;
	[tilespmem:v22+s19+$0x0] =	vst.idx.msk $0xffff, v54  }
0xd3: {  	v54 =	vor.u32 v12, v37;
	v7 =	vor.u32 v10, v15;
	v5 =	vor.u32 v5, v30  }
0xd4: {  	v41 =	vor.u32 v8, v35;
	v26 =	vand.u32 $0x6F, v26;
	v13 =	vor.u32 v61, v13  }
0xd5: {  	v38 =	vld.idx.msk [tilespmem:v31+s8+$0x0], $0xffff;
	v24 =	vor.u32 v24, v20;
	v61 =	vor.u32 v14, v63;
	v53 =	vor.u32 $0xC00, v5  }
0xd6: {  	v57 =	vor.u32 v2, v24;
	v31 =	vor.u32 v26, v20;
	v20 =	vld.idx.msk [tilespmem:v52+s8+$0x0], $0xffff;
	v52 =	vor.u32 v12, v35  }
0xd7: {  	[tilespmem:v56+s19+$0x0] =	vst.idx.msk $0xffff, v36;
	v36 =	vand.u32 $0x60, v28;
	v56 =	vand.u32 $0x380, v47;
	v28 =	vor.u32 v2, v28  }
0xd8: {  	[tilespmem:v17+s19+$0x0] =	vst.idx.msk $0xffff, v21;
	v17 =	vor.u32 v46, v30;
	v22 =	vld.idx.msk [tilespmem:v11+s8+$0x0], $0xffff;
	v11 =	vor.u32 v8, v62  }
0xd9: {  	v21 =	vor.u32 $0x400, v0;
	v46 =	vor.u32 v12, v9;
	v17 =	vor.u32 v2, v17  }
0xda: {  	v3 =	vor.u32 v56, v3;
	v24 =	vor.u32 v36, v13;
	v30 =	vor.u32 v6, v63;
	v25 =	vld.idx.msk [tilespmem:v34+s8+$0x0], $0xffff  }
0xdb: {  	v26 =	vand.u32 $0x6F, v28;
	v28 =	vor.u32 v14, v15;
	v18 =	vor.u32 v18, v3  }
0xdc: {  	v36 =	vor.u32 $0x400, v19;
	v0 =	vld [tilespmem:$0x1FF80];
	v26 =	vor.u32 v26, v13;
	v13 =	vor.u32 v2, v18  }
0xdd: {  	v62 =	vor.u32 v12, v62;
	v24 =	vor.u32 v2, v24;
	[tilespmem:v57+s19+$0x0] =	vst.idx.msk $0xffff, v39;
	v11 =	vld.idx.msk [tilespmem:v11+s8+$0x0], $0xffff  }
0xde: {  	v57 =	vor.u32 v16, v49;
	v18 =	vor.u32 v12, v60;
	[tilespmem:v17+s19+$0x0] =	vst.idx.msk $0xffff, v38;
	v17 =	vld.idx.msk [tilespmem:v23+s8+$0x0], $0xffff  }
0xdf: {  	v47 =	vand.u32 $0x6F, v51;
	[tilespmem:v7+s19+$0x0] =	vst.idx.msk $0xffff, v25;
	v7 =	vor.u32 $0x400, v31;
	v23 =	vor.u32 v16, v9;
	v9 =	vld.idx.msk [tilespmem:v48+s8+$0x0], $0xffff  }
0xe0: {  	p2 =	slt.u32 s20, $0x78;
	v51 =	vor.u32 $0x800, v31;
	v56 =	vor.u32 $0xC00, v26;
	v49 =	vor.u32 v47, v3;
	[tilespmem:v30+s19+$0x0] =	vst.idx.msk $0xffff, v29;
	v46 =	vld.idx.msk [tilespmem:v46+s8+$0x0], $0xffff  }
.Ltmp2:
0xe1: {  	v39 =	vor.u32 v16, v37;
	v37 =	vor.u32 $0x800, v19;
	v47 =	vor.u32 v0, v15;
	v15 =	vld [tilespmem:$0x1FF80];
	[tilespmem:v13+s19+$0x0] =	vst.idx.msk $0xffff, v20;
	(pc) =	sbr.rel @p2 .LBB2_3-.Ltmp2, $4  }
0xe2: {  	v34 =	vor.u32 $0x800, v49;
	v25 =	vor.u32 $0x400, v5;
	v48 =	vor.u32 v12, v58;
	v29 =	vld.idx.msk [tilespmem:v43+s8+$0x0], $0xffff;
	[tilespmem:v21+s19+$0x0] =	vst.idx.msk $0xffff, v11  }
0xe3: {  	v38 =	vor.u32 v16, v60;
	v60 =	vor.u32 $0x400, v49;
	v43 =	vor.u32 $0xC00, v19;
	v58 =	vld.idx.msk [tilespmem:v50+s8+$0x0], $0xffff;
	[tilespmem:v36+s19+$0x0] =	vst.idx.msk $0xffff, v17  }
0xe4: {  	v50 =	vor.u32 v12, v59;
	v59 =	vor.u32 v10, v63;
	v30 =	vld.idx.msk [tilespmem:v27+s8+$0x0], $0xffff;
	[tilespmem:v7+s19+$0x0] =	vst.idx.msk $0xffff, v9  }
0xe5: {  	s20 =	sadd.s32 $0x8, s20;
	v27 =	vor.u32 $0x800, v5;
	v36 =	vor.u32 v16, v35;
	[tilespmem:v28+s19+$0x0] =	vst.idx.msk $0xffff, v46;
	v28 =	vld.idx.msk [tilespmem:v18+s8+$0x0], $0xffff;
	v46 =	vor.u32 $0x800, v26  }
0xe6: {  	_ =	sdelay $0x3  }
0xe7: {  	v0 =	vld.idx.msk [tilespmem:v62+s8+$0x0], $0xffff;
	[tilespmem:v24+s19+$0x0] =	vst.idx.msk $0xffff, v22  }
0xe8: {  	v3 =	vld.idx.msk [tilespmem:v23+s8+$0x0], $0xffff;
	[tilespmem:v59+s19+$0x0] =	vst.idx.msk $0xffff, v29  }
0xe9: {  	v5 =	vor.u32 $0x400, v26;
	v7 =	vld.idx.msk [tilespmem:v41+s8+$0x0], $0xffff;
	[tilespmem:v25+s19+$0x0] =	vst.idx.msk $0xffff, v58  }
0xea: {  	v9 =	vld.idx.msk [tilespmem:v54+s8+$0x0], $0xffff;
	[tilespmem:v60+s19+$0x0] =	vst.idx.msk $0xffff, v30  }
0xeb: {  	v11 =	vld.idx.msk [tilespmem:v50+s8+$0x0], $0xffff;
	[tilespmem:v37+s19+$0x0] =	vst.idx.msk $0xffff, v28  }
0xec: {  	v13 =	vld.idx.msk [tilespmem:v33+s8+$0x0], $0xffff;
	[tilespmem:v55+s19+$0x0] =	vst.idx.msk $0xffff, v0  }
0xed: {  	v0 =	vld.idx.msk [tilespmem:v48+s8+$0x0], $0xffff;
	[tilespmem:v47+s19+$0x0] =	vst.idx.msk $0xffff, v3  }
0xee: {  	v3 =	vld.idx.msk [tilespmem:v38+s8+$0x0], $0xffff;
	[tilespmem:v5+s19+$0x0] =	vst.idx.msk $0xffff, v7  }
0xef: {  	[tilespmem:v61+s19+$0x0] =	vst.idx.msk $0xffff, v9  }
0xf0: {  	v7 =	vld.idx.msk [tilespmem:v44+s8+$0x0], $0xffff;
	[tilespmem:v27+s19+$0x0] =	vst.idx.msk $0xffff, v11  }
0xf1: {  	v5 =	vld.idx.msk [tilespmem:v52+s8+$0x0], $0xffff;
	[tilespmem:v34+s19+$0x0] =	vst.idx.msk $0xffff, v13  }
0xf2: {  	v11 =	vld.idx.msk [tilespmem:v45+s8+$0x0], $0xffff;
	[tilespmem:v51+s19+$0x0] =	vst.idx.msk $0xffff, v0  }
0xf3: {  	v13 =	vld.idx.msk [tilespmem:v39+s8+$0x0], $0xffff;
	[tilespmem:v43+s19+$0x0] =	vst.idx.msk $0xffff, v3;
	v3 =	vor.u32 v15, v63  }
0xf4: {  	v0 =	vor.u32 $0xC00, v31;
	v9 =	vld.idx.msk [tilespmem:v42+s8+$0x0], $0xffff  }
0xf5: {  	[tilespmem:v32+s19+$0x0] =	vst.idx.msk $0xffff, v7  }
0xf6: {  	[tilespmem:v46+s19+$0x0] =	vst.idx.msk $0xffff, v5  }
0xf7: {  	[tilespmem:v53+s19+$0x0] =	vst.idx.msk $0xffff, v11  }
0xf8: {  	[tilespmem:v3+s19+$0x0] =	vst.idx.msk $0xffff, v13  }
0xf9: {  	[tilespmem:v0+s19+$0x0] =	vst.idx.msk $0xffff, v9  }
0xfa: {  	v63 =	vld [tilespmem:$0x1FFD0]  }
0xfb: {  	v28 =	vld [tilespmem:$0x1FE80]  }
0xfc: {  	v10 =	vld [tilespmem:$0x1FE60]  }
0xfd: {  	v1 =	vld [tilespmem:$0x1FFB0];
	_ =	sdelay $0x1  }
0xfe: {  	v15 =	vld.idx.msk [tilespmem:v57+s8+$0x0], $0xffff;
	v5 =	vor.u32 $0xC00, v49  }
0xff: {  	v6 =	vld [tilespmem:$0x1FF20]  }
0x100: {  	v16 =	vld [tilespmem:$0x1FD10];
	v2 =	vor.u32 v63, v28  }
0x101: {  	v34 =	vld [tilespmem:$0x1FED0];
	[tilespmem:$0x1FC70] =	vst v2;
	v2 =	vor.u32 v1, v10  }
0x102: {  	v3 =	vld.idx.msk [tilespmem:v36+s8+$0x0], $0xffff;
	[tilespmem:$0x1FC80] =	vst v2  }
0x103: {  	v45 =	vld [tilespmem:$0x1FFE0];
	[tilespmem:v5+s19+$0x0] =	vst.idx.msk $0xffff, v15  }
0x104: {  	v14 =	vld [tilespmem:$0x1FE10];
	_ =	sdelay $0x1  }
0x105: {  	v4 =	vld [tilespmem:$0x1FE50];
	_ =	sdelay $0x2  }
0x106: {  	v2 =	vor.u32 v1, v14  }
0x107: {  	[tilespmem:$0x1FC90] =	vst v2;
	v2 =	vor.u32 v1, v28  }
0x108: {  	v53 =	vld [tilespmem:$0x1FF00];
	[tilespmem:$0x1FCA0] =	vst v2;
	v2 =	vor.u32 v1, v4  }
0x109: {  	[tilespmem:$0x1FCB0] =	vst v2;
	v2 =	vld [tilespmem:$0x1FD90];
	_ =	sdelay $0x3  }
0x10a: {  	v8 =	vld [tilespmem:$0x1FF10]  }
0x10b: {  	v19 =	vor.u32 v53, v2;
	v2 =	vld [tilespmem:$0x1FD30]  }
0x10c: {  	v12 =	vld [tilespmem:$0x1FD70]  }
0x10d: {  	v47 =	vld [tilespmem:$0x1FD00]  }
0x10e: {  	v54 =	vld [tilespmem:$0x1FF90];
	[tilespmem:v56+s19+$0x0] =	vst.idx.msk $0xffff, v3  }
0x10f: {  	v51 =	vld [tilespmem:$0x1FD60]  }
0x110: {  	v20 =	vor.u32 v8, v2;
	v3 =	vor.u32 v6, v2;
	v26 =	vor.u32 v45, v2;
	v2 =	vld [tilespmem:$0x1FD50];
	_ =	sdelay $0x3  }
0x111: {  	v13 =	vor.u32 v6, v12;
	v44 =	vld [tilespmem:$0x1FDE0]  }
0x112: {  	v25 =	vor.u32 v45, v12;
	v30 =	vor.u32 v51, v2;
	v2 =	vor.u32 v8, v12;
	v12 =	vld [tilespmem:$0x1FE00];
	_ =	sdelay $0x3  }
0x113: {  	v5 =	vor.u32 v34, v14;
	v57 =	vld [tilespmem:$0x1FE90]  }
0x114: {  	v24 =	vor.u32 v34, v44;
	v52 =	vor.u32 v53, v12;
	v12 =	vld [tilespmem:$0x1FEE0]  }
0x115: {  	v35 =	vld [tilespmem:$0x1FD80]  }
0x116: {  	v11 =	vor.u32 v34, v4;
	v40 =	vld [tilespmem:$0x1FD40]  }
0x117: {  	v59 =	vld [tilespmem:$0x1FEA0]  }
0x118: {  	v5 =	vld.idx.msk [tilespmem:v5+s2+$0x0], $0xffff  }
0x119: {  	v37 =	vand.u32 $0x7F, v2;
	v24 =	vld.idx.msk [tilespmem:v24+s2+$0x0], $0xffff;
	v2 =	vor.u32 v12, v57  }
0x11a: {  	v0 =	vor.u32 v6, v16;
	v9 =	vor.u32 v45, v16;
	v22 =	vor.u32 v8, v16;
	v16 =	vld [tilespmem:$0x1FE20]  }
0x11b: {  	v11 =	vld.idx.msk [tilespmem:v11+s2+$0x0], $0xffff;
	v40 =	vor.u32 v53, v40  }
0x11c: {  	v55 =	vld [tilespmem:$0x1FCE0]  }
0x11d: {  	v61 =	vld [tilespmem:$0x1FDD0];
	[tilespmem:v52+s19+$0x0] =	vst.idx.msk $0xffff, v5  }
0x11e: {  	v27 =	vor.u32 v34, v59;
	v42 =	vld [tilespmem:$0x1FE30];
	[tilespmem:v2+s19+$0x0] =	vst.idx.msk $0xffff, v24  }
0x11f: {  	v51 =	vld [tilespmem:$0x1FE40]  }
0x120: {  	v2 =	vld [tilespmem:$0x1FD20];
	[tilespmem:v40+s19+$0x0] =	vst.idx.msk $0xffff, v11  }
0x121: {  	v18 =	vor.u32 v54, v28;
	v28 =	vor.u32 v34, v28;
	v56 =	vld [tilespmem:$0x1FDA0];
	_ =	sdelay $0x1  }
0x122: {  	v41 =	vor.u32 v8, v55;
	v62 =	vor.u32 v53, v61;
	v27 =	vld.idx.msk [tilespmem:v27+s2+$0x0], $0xffff  }
0x123: {  	v41 =	vand.u32 $0x7F, v41  }
0x124: {  	v22 =	vand.u32 $0x7F, v22;
	v24 =	vor.u32 v41, v2  }
0x125: {  	v28 =	vld.idx.msk [tilespmem:v28+s2+$0x0], $0xffff;
	v11 =	vor.u32 v22, v56;
	v22 =	vor.u32 $0x400, v24  }
0x126: {  	v48 =	vld [tilespmem:$0x1FDB0];
	[tilespmem:$0x1FCC0] =	vst v22  }
0x127: {  	v40 =	vld [tilespmem:$0x1FFA0];
	[tilespmem:v62+s19+$0x0] =	vst.idx.msk $0xffff, v27  }
0x128: {  	v38 =	vor.u32 v6, v55;
	v58 =	vor.u32 v45, v55;
	v55 =	vor.u32 v12, v30;
	v62 =	vld [tilespmem:$0x1FDF0];
	_ =	sdelay $0x1  }
0x129: {  	v23 =	vor.u32 v6, v35  }
0x12a: {  	v31 =	vor.u32 v45, v35;
	v32 =	vor.u32 v54, v59;
	v35 =	vor.u32 v8, v35  }
0x12b: {  	v60 =	vor.u32 v54, v44;
	v35 =	vand.u32 $0x7F, v35;
	v24 =	vand.u32 $0x7F, v58  }
0x12c: {  	[tilespmem:v55+s19+$0x0] =	vst.idx.msk $0xffff, v28;
	v27 =	vor.u32 v35, v62;
	v35 =	vor.u32 v24, v2;
	v24 =	vand.u32 $0x7F, v38  }
0x12d: {  	v7 =	vor.u32 v34, v10;
	v28 =	vor.u32 v24, v2;
	v2 =	vld [tilespmem:$0x1FCD0];
	_ =	sdelay $0x1  }
0x12e: {  	v29 =	vor.u32 v8, v47  }
0x12f: {  	v58 =	vor.u32 v40, v57;
	v22 =	vand.u32 $0x7F, v29;
	v29 =	vld.idx.msk [tilespmem:v60+s2+$0x0], $0xffff  }
0x130: {  	v32 =	vld.idx.msk [tilespmem:v32+s2+$0x0], $0xffff;
	v27 =	vor.u32 $0x400, v27  }
0x131: {  	v7 =	vld.idx.msk [tilespmem:v7+s2+$0x0], $0xffff;
	v60 =	vor.u32 v53, v2  }
0x132: {  	v46 =	vor.u32 v40, v30;
	v18 =	vld.idx.msk [tilespmem:v18+s2+$0x0], $0xffff;
	_ =	sdelay $0x1  }
0x133: {  	v9 =	vand.u32 $0x7F, v9;
	v0 =	vand.u32 $0x7F, v0;
	[tilespmem:v58+s19+$0x0] =	vst.idx.msk $0xffff, v29  }
0x134: {  	v23 =	vand.u32 $0x7F, v23;
	v61 =	vor.u32 v34, v42;
	v22 =	vor.u32 v22, v48;
	v2 =	vld [tilespmem:$0x1FDC0];
	[tilespmem:v27+s19+$0x0] =	vst.idx.msk $0xffff, v32  }
0x135: {  	v24 =	vand.u32 $0x7F, v31;
	v31 =	vor.u32 v23, v62;
	v23 =	vor.u32 v54, v14;
	[tilespmem:v60+s19+$0x0] =	vst.idx.msk $0xffff, v7  }
0x136: {  	v15 =	vor.u32 v6, v47;
	v33 =	vor.u32 v34, v16;
	v39 =	vor.u32 $0x400, v22;
	v22 =	vld [tilespmem:$0x1FCF0];
	[tilespmem:v46+s19+$0x0] =	vst.idx.msk $0xffff, v18  }
0x137: {  	v41 =	vor.u32 v24, v62;
	v24 =	vor.u32 v0, v56;
	v0 =	vor.u32 v1, v44;
	v62 =	vld [tilespmem:$0x1FFC0]  }
0x138: {  	v17 =	vor.u32 v54, v10;
	v21 =	vor.u32 v54, v4;
	v43 =	vor.u32 v63, v4  }
0x139: {  	v20 =	vand.u32 $0x7F, v20;
	v37 =	vor.u32 v37, v51;
	v58 =	vor.u32 $0x400, v11;
	v11 =	vld.idx.msk [tilespmem:v61+s2+$0x0], $0xffff  }
0x13a: {  	v25 =	vand.u32 $0x7F, v25;
	v29 =	vor.u32 $0x400, v37;
	v23 =	vld.idx.msk [tilespmem:v23+s2+$0x0], $0xffff;
	v20 =	vor.u32 v20, v2  }
0x13b: {  	v32 =	vor.u32 $0xC00, v28;
	v52 =	vor.u32 $0x400, v20;
	v20 =	vld.idx.msk [tilespmem:v33+s2+$0x0], $0xffff;
	v28 =	vor.u32 v53, v22  }
0x13c: {  	v13 =	vand.u32 $0x7F, v13;
	v15 =	vand.u32 $0x7F, v15;
	v0 =	vld.idx.msk [tilespmem:v0+s2+$0x0], $0xffff;
	v18 =	vor.u32 v62, v57  }
0x13d: {  	v50 =	vor.u32 v54, v16;
	v36 =	vor.u32 v1, v59;
	v59 =	vor.u32 v63, v59  }
0x13e: {  	v26 =	vand.u32 $0x7F, v26;
	v5 =	vor.u32 v54, v42;
	v25 =	vor.u32 v25, v51;
	[tilespmem:v19+s19+$0x0] =	vst.idx.msk $0xffff, v11  }
0x13f: {  	v3 =	vand.u32 $0x7F, v3;
	v13 =	vor.u32 v13, v51;
	v9 =	vor.u32 v9, v56;
	[tilespmem:v29+s19+$0x0] =	vst.idx.msk $0xffff, v23  }
0x140: {  	v40 =	vor.u32 v1, v16;
	v49 =	vor.u32 $0x800, v25;
	v55 =	vor.u32 v63, v44;
	[tilespmem:v28+s19+$0x0] =	vst.idx.msk $0xffff, v20  }
0x141: {  	v38 =	vor.u32 v1, v42;
	v61 =	vor.u32 $0x800, v41;
	v27 =	vor.u32 v63, v42;
	[tilespmem:v18+s19+$0x0] =	vst.idx.msk $0xffff, v0  }
0x142: {  	v7 =	vor.u32 v45, v47;
	v26 =	vor.u32 v26, v2;
	v3 =	vor.u32 v3, v2;
	v0 =	vld [tilespmem:$0x1FEF0]  }
0x143: {  	v60 =	vld.idx.msk [tilespmem:v21+s2+$0x0], $0xffff;
	v47 =	vor.u32 $0x800, v35;
	v35 =	vor.u32 $0x800, v9;
	v7 =	vand.u32 $0x7F, v7  }
0x144: {  	v33 =	vor.u32 $0xC00, v13;
	v46 =	vor.u32 v63, v16;
	v7 =	vor.u32 v7, v48;
	v29 =	vld.idx.msk [tilespmem:v36+s2+$0x0], $0xffff  }
0x145: {  	v37 =	vor.u32 $0xC00, v3;
	v51 =	vor.u32 $0x800, v7;
	v56 =	vor.u32 v62, v30;
	v62 =	vld.idx.msk [tilespmem:v5+s2+$0x0], $0xffff  }
0x146: {  	v22 =	vor.u32 v15, v48;
	v48 =	vor.u32 $0x800, v26;
	v26 =	vor.u32 v63, v14;
	v28 =	vld.idx.msk [tilespmem:v17+s2+$0x0], $0xffff  }
0x147: {  	s8 =	simm.s32 $0x8;
	v25 =	vld.idx.msk [tilespmem:v50+s2+$0x0], $0xffff;
	v36 =	vor.u32 v0, v57;
	v41 =	vor.u32 v0, v30;
	v30 =	vor.u32 v63, v10  }
.LBB2_5:
0x148: {  	v2 =	vld [tilespmem:$0x1FCA0];
	_ =	sdelay $0x7  }
0x149: {  	v3 =	vld.idx.msk [tilespmem:v2+s2+$0x0], $0xffff  }
0x14a: {  	v2 =	vld [tilespmem:$0x1FC90];
	_ =	sdelay $0x7  }
0x14b: {  	v17 =	vld.idx.msk [tilespmem:v2+s2+$0x0], $0xffff  }
0x14c: {  	v2 =	vld [tilespmem:$0x1FC80]  }
0x14d: {  	v4 =	vld [tilespmem:$0x1FFF0];
	_ =	sdelay $0x3  }
0x14e: {  	s24 =	sadd.s32 $0x5, s8  }
0x14f: {  	[tilespmem:v39+s19+$0x0] =	vst.idx.msk $0xffff, v62;
	v15 =	vadd.s32 s24, v4  }
0x150: {  	v50 =	vor.u32 $0xC00, v22;
	[tilespmem:v52+s19+$0x0] =	vst.idx.msk $0xffff, v28;
	v38 =	vld.idx.msk [tilespmem:v38+s2+$0x0], $0xffff;
	v22 =	vand.u32 $0x7F, v15  }
0x151: {  	v19 =	vld.idx.msk [tilespmem:v2+s2+$0x0], $0xffff;
	v2 =	vor.u32 v1, v22  }
0x152: {  	s21 =	sadd.s32 $0x1, s8;
	s22 =	sadd.s32 $0x2, s8;
	s23 =	sadd.s32 $0x3, s8;
	v0 =	vor.u32 $0xC00, v24;
	v5 =	vor.u32 $0xC00, v31;
	[tilespmem:$0x1FC80] =	vst v2;
	v2 =	vld [tilespmem:$0x1FCB0]  }
0x153: {  	s20 =	smov.u32 s8;
	v57 =	vadd.s32 s21, v4;
	v7 =	vadd.s32 s22, v4;
	v9 =	vadd.s32 s23, v4;
	s22 =	sadd.s32 $0x4, s8  }
0x154: {  	v45 =	vld [tilespmem:$0x1FFE0];
	[tilespmem:v58+s19+$0x0] =	vst.idx.msk $0xffff, v60;
	s23 =	sadd.s32 $0x6, s8;
	s24 =	sadd.s32 $0x7, s20;
	v16 =	vadd.s32 s20, v4;
	v11 =	vshll.u32 v9, $0x5;
	v13 =	vadd.s32 s22, v4  }
0x155: {  	[tilespmem:v61+s19+$0x0] =	vst.idx.msk $0xffff, v29;
	v21 =	vadd.s32 s23, v4;
	v23 =	vand.u32 $0x7F, v7;
	v39 =	vadd.s32 s24, v4  }
0x156: {  	v58 =	vshll.u32 v7, $0x5;
	v29 =	vshll.u32 v57, $0x7;
	v7 =	vshll.u32 v7, $0x7;
	[tilespmem:v51+s19+$0x0] =	vst.idx.msk $0xffff, v38  }
0x157: {  	v4 =	vshll.u32 v16, $0x5;
	v24 =	vor.u32 v6, v11;
	v18 =	vand.u32 $0x7F, v13;
	v27 =	vld.idx.msk [tilespmem:v27+s2+$0x0], $0xffff  }
0x158: {  	v31 =	vor.u32 v34, v22;
	v60 =	vor.u32 v34, v23;
	[tilespmem:v49+s19+$0x0] =	vst.idx.msk $0xffff, v17;
	v17 =	vld.idx.msk [tilespmem:v59+s2+$0x0], $0xffff  }
0x159: {  	v61 =	vshll.u32 v13, $0x7;
	v62 =	vand.u32 $0x60, v58;
	v28 =	vor.u32 v45, v11;
	v42 =	vld.idx.msk [tilespmem:v26+s2+$0x0], $0xffff  }
0x15a: {  	v7 =	vand.u32 $0x3000, v7;
	v13 =	vshll.u32 v13, $0x5;
	v44 =	vshll.u32 v39, $0x5;
	v52 =	vld.idx.msk [tilespmem:v2+s2+$0x0], $0xffff  }
0x15b: {  	v4 =	vand.u32 $0x380, v4;
	v20 =	vor.u32 v63, v18;
	v28 =	vand.u32 $0x7F, v28;
	[tilespmem:v48+s19+$0x0] =	vst.idx.msk $0xffff, v19;
	v2 =	vld [tilespmem:$0x1FCC0]  }
0x15c: {  	v63 =	vand.u32 $0x3000, v29;
	v29 =	vand.u32 $0x7F, v39;
	v39 =	vshll.u32 v39, $0x7;
	[tilespmem:v56+s19+$0x0] =	vst.idx.msk $0xffff, v3;
	v56 =	vld.idx.msk [tilespmem:v30+s2+$0x0], $0xffff  }
0x15d: {  	v10 =	vor.u32 v1, v18;
	v13 =	vand.u32 $0x380, v13;
	v39 =	vand.u32 $0x3000, v39  }
0x15e: {  	v3 =	vshll.u32 v21, $0x5;
	[tilespmem:v50+s19+$0x0] =	vst.idx.msk $0xffff, v27;
	v27 =	vand.u32 $0x3000, v61;
	v61 =	vor.u32 v6, v44  }
0x15f: {  	v38 =	vand.u32 $0x60, v3;
	v50 =	vor.u32 v13, v27;
	v13 =	vor.u32 v45, v3;
	[tilespmem:v5+s19+$0x0] =	vst.idx.msk $0xffff, v17  }
0x160: {  	v27 =	vand.u32 $0x7F, v57;
	[tilespmem:v33+s19+$0x0] =	vst.idx.msk $0xffff, v42;
	v33 =	vor.u32 v6, v3;
	v42 =	vshll.u32 v21, $0x7  }
0x161: {  	v17 =	vand.u32 $0x3000, v42;
	v19 =	vshll.u32 v15, $0x5;
	v15 =	vshll.u32 v15, $0x7;
	[tilespmem:v37+s19+$0x0] =	vst.idx.msk $0xffff, v56  }
0x162: {  	v48 =	vor.u32 v6, v58;
	v59 =	vand.u32 $0x60, v19;
	v15 =	vand.u32 $0x3000, v15;
	v56 =	vld.idx.msk [tilespmem:v60+s2+$0x0], $0xffff;
	[tilespmem:v35+s19+$0x0] =	vst.idx.msk $0xffff, v52  }
0x163: {  	v60 =	vshll.u32 v16, $0x7;
	v35 =	vor.u32 v54, v22;
	v52 =	vand.u32 $0x60, v11;
	v51 =	vld.idx.msk [tilespmem:v43+s2+$0x0], $0xffff;
	[tilespmem:v2+s19+$0x0] =	vst.idx.msk $0xffff, v25  }
0x164: {  	v25 =	vand.u32 $0x7F, v9;
	v2 =	vor.u32 v1, v23;
	v9 =	vshll.u32 v9, $0x7;
	v53 =	vld.idx.msk [tilespmem:v40+s2+$0x0], $0xffff  }
0x165: {  	v40 =	vshll.u32 v57, $0x5;
	[tilespmem:$0x1FC90] =	vst v2;
	v2 =	vld [tilespmem:$0x1FC70];
	v5 =	vand.u32 $0x3000, v9;
	v9 =	vor.u32 v8, v19  }
0x166: {  	v55 =	vld.idx.msk [tilespmem:v55+s2+$0x0], $0xffff;
	v14 =	vor.u32 v34, v25;
	v30 =	vand.u32 $0x380, v40;
	v9 =	vand.u32 $0x7F, v9  }
0x167: {  	v26 =	vor.u32 v30, v63;
	v30 =	vor.u32 v6, v40;
	v63 =	vand.u32 $0x380, v19  }
0x168: {  	[tilespmem:v0+s19+$0x0] =	vst.idx.msk $0xffff, v51;
	v0 =	vand.u32 $0x380, v58;
	v37 =	vor.u32 v63, v15;
	v15 =	vor.u32 v8, v40  }
0x169: {  	[tilespmem:$0x1FCA0] =	vst v10;
	v0 =	vor.u32 v0, v7;
	v7 =	vor.u32 v8, v58;
	v63 =	vand.u32 $0x7F, v16  }
0x16a: {  	v7 =	vand.u32 $0x7F, v7;
	v62 =	vor.u32 v62, v0;
	v10 =	vor.u32 v54, v63;
	[tilespmem:v47+s19+$0x0] =	vst.idx.msk $0xffff, v53;
	v53 =	vld [tilespmem:$0x1FF00]  }
0x16b: {  	[tilespmem:v36+s19+$0x0] =	vst.idx.msk $0xffff, v55;
	v15 =	vand.u32 $0x7F, v15;
	v59 =	vor.u32 v59, v37;
	v9 =	vor.u32 v9, v37  }
0x16c: {  	v47 =	vor.u32 v54, v18;
	v18 =	vor.u32 v34, v18;
	v15 =	vor.u32 v15, v26;
	v55 =	vld.idx.msk [tilespmem:v46+s2+$0x0], $0xffff  }
0x16d: {  	v7 =	vor.u32 v7, v0;
	v46 =	vor.u32 v6, v19;
	v49 =	vld.idx.msk [tilespmem:v2+s2+$0x0], $0xffff;
	v2 =	vmovc v20;
	v20 =	vand.u32 $0x60, v40  }
0x16e: {  	v19 =	vor.u32 v45, v19;
	v6 =	vor.u32 v45, v44;
	v20 =	vor.u32 v20, v26  }
0x16f: {  	v6 =	vand.u32 $0x7F, v6;
	[tilespmem:$0x1FC70] =	vst v2;
	v2 =	vor.u32 v1, v25;
	v36 =	vor.u32 v53, v20  }
0x170: {  	[tilespmem:$0x1FCB0] =	vst v2;
	v20 =	vand.u32 $0x380, v11;
	v62 =	vor.u32 v53, v62;
	v2 =	vand.u32 $0x380, v44  }
0x171: {  	v43 =	vor.u32 v20, v5;
	v5 =	vor.u32 v8, v11;
	v11 =	vand.u32 $0x380, v3  }
0x172: {  	v20 =	vor.u32 v45, v58;
	[tilespmem:v32+s19+$0x0] =	vst.idx.msk $0xffff, v55;
	v3 =	vor.u32 v8, v3;
	v58 =	vand.u32 $0x60, v44  }
0x173: {  	v55 =	vor.u32 v8, v44;
	[tilespmem:v41+s19+$0x0] =	vst.idx.msk $0xffff, v49;
	v41 =	vand.u32 $0x7F, v21;
	v21 =	vor.u32 v34, v29  }
0x174: {  	v2 =	vor.u32 v2, v39;
	v44 =	vand.u32 $0x3000, v60;
	v8 =	vor.u32 v54, v27  }
0x175: {  	v60 =	vor.u32 v12, v50;
	v5 =	vand.u32 $0x7F, v5;
	v42 =	vand.u32 $0x7F, v55  }
0x176: {  	v31 =	vld.idx.msk [tilespmem:v31+s2+$0x0], $0xffff;
	v52 =	vor.u32 v52, v43;
	v4 =	vor.u32 v44, v4;
	v32 =	vor.u32 v34, v41  }
0x177: {  	v55 =	vor.u32 v12, v4;
	v12 =	vor.u32 v58, v2;
	v58 =	vor.u32 v53, v52;
	v52 =	vld [tilespmem:$0x1FFA0]  }
0x178: {  	v11 =	vor.u32 v11, v17;
	v17 =	vor.u32 v54, v29;
	v57 =	vld.idx.msk [tilespmem:v21+s2+$0x0], $0xffff;
	v21 =	vor.u32 v34, v63  }
0x179: {  	v14 =	vld.idx.msk [tilespmem:v14+s2+$0x0], $0xffff;
	v20 =	vand.u32 $0x7F, v20;
	v6 =	vor.u32 v6, v2;
	v39 =	vor.u32 v42, v2  }
0x17a: {  	v49 =	vor.u32 v54, v25;
	v38 =	vor.u32 v38, v11;
	v18 =	vld.idx.msk [tilespmem:v18+s2+$0x0], $0xffff;
	v16 =	vor.u32 $0x400, v39  }
0x17b: {  	v3 =	vand.u32 $0x7F, v3;
	v20 =	vor.u32 v20, v0;
	v42 =	vor.u32 v53, v38;
	[tilespmem:$0x1FCC0] =	vst v16;
	v16 =	vld.idx.msk [tilespmem:v32+s2+$0x0], $0xffff  }
0x17c: {  	v5 =	vor.u32 v5, v43;
	v51 =	vor.u32 v54, v41;
	[tilespmem:v62+s19+$0x0] =	vst.idx.msk $0xffff, v56;
	v56 =	vand.u32 $0x7F, v61;
	v62 =	vld [tilespmem:$0x1FFD0]  }
0x17d: {  	v3 =	vor.u32 v3, v11;
	v2 =	vor.u32 v56, v2;
	v44 =	vor.u32 v52, v50;
	v21 =	vld.idx.msk [tilespmem:v21+s2+$0x0], $0xffff  }
0x17e: {  	v61 =	vor.u32 v52, v4;
	[tilespmem:v58+s19+$0x0] =	vst.idx.msk $0xffff, v14;
	v32 =	vor.u32 $0xC00, v2;
	v2 =	vor.u32 v45, v40;
	v45 =	vld [tilespmem:$0x1FFD0]  }
0x17f: {  	v13 =	vand.u32 $0x7F, v13;
	v52 =	vor.u32 $0x400, v9;
	v9 =	vor.u32 v54, v23;
	[tilespmem:v60+s19+$0x0] =	vst.idx.msk $0xffff, v18;
	v60 =	vld.idx.msk [tilespmem:v49+s2+$0x0], $0xffff  }
0x180: {  	v19 =	vand.u32 $0x7F, v19;
	v58 =	vor.u32 $0x400, v5;
	v5 =	vor.u32 v53, v59;
	v18 =	vld.idx.msk [tilespmem:v47+s2+$0x0], $0xffff;
	[tilespmem:v42+s19+$0x0] =	vst.idx.msk $0xffff, v16  }
0x181: {  	v13 =	vor.u32 v13, v11;
	v38 =	vor.u32 v1, v27;
	v42 =	vor.u32 v19, v37;
	v19 =	vld.idx.msk [tilespmem:v51+s2+$0x0], $0xffff  }
0x182: {  	v39 =	vor.u32 $0x400, v15;
	v15 =	vor.u32 v1, v63;
	v3 =	vor.u32 $0x400, v3;
	v51 =	vld [tilespmem:$0x1FFC0];
	[tilespmem:v55+s19+$0x0] =	vst.idx.msk $0xffff, v21  }
0x183: {  	v14 =	vand.u32 $0x7F, v48;
	v59 =	vor.u32 v1, v41;
	v21 =	vor.u32 v34, v27;
	v10 =	vld.idx.msk [tilespmem:v10+s2+$0x0], $0xffff  }
0x184: {  	v40 =	vor.u32 v1, v29;
	v0 =	vor.u32 v14, v0;
	v2 =	vand.u32 $0x7F, v2;
	v9 =	vld.idx.msk [tilespmem:v9+s2+$0x0], $0xffff  }
0x185: {  	v47 =	vor.u32 $0x800, v6;
	v6 =	vand.u32 $0x7F, v24;
	[tilespmem:v5+s19+$0x0] =	vst.idx.msk $0xffff, v31;
	v5 =	vor.u32 v53, v12;
	v12 =	vld [tilespmem:$0x1FEE0]  }
0x186: {  	v2 =	vor.u32 v2, v26;
	v24 =	vor.u32 v6, v43;
	v55 =	vor.u32 v45, v63;
	v63 =	vld [tilespmem:$0x1FFD0]  }
0x187: {  	v16 =	vand.u32 $0x7F, v33;
	v33 =	vor.u32 $0xC00, v0;
	v0 =	vor.u32 v28, v43;
	v28 =	vld.idx.msk [tilespmem:v35+s2+$0x0], $0xffff  }
0x188: {  	v56 =	vor.u32 v51, v50;
	v21 =	vld.idx.msk [tilespmem:v21+s2+$0x0], $0xffff;
	[tilespmem:v61+s19+$0x0] =	vst.idx.msk $0xffff, v10;
	v10 =	vor.u32 v51, v4  }
0x189: {  	[tilespmem:v44+s19+$0x0] =	vst.idx.msk $0xffff, v18;
	v51 =	vor.u32 $0x800, v2;
	v2 =	vor.u32 $0x400, v7;
	v7 =	vand.u32 $0x7F, v46;
	v15 =	vld.idx.msk [tilespmem:v15+s2+$0x0], $0xffff  }
0x18a: {  	p2 =	slt.u32 s8, $0x78;
	v49 =	vor.u32 $0x800, v20;
	v31 =	vor.u32 v16, v11;
	[tilespmem:v5+s19+$0x0] =	vst.idx.msk $0xffff, v57;
	v6 =	vor.u32 v7, v37;
	v7 =	vld [tilespmem:$0x1FEF0]  }
.Ltmp3:
0x18b: {  	v48 =	vor.u32 $0x800, v42;
	v35 =	vor.u32 $0x800, v0;
	[tilespmem:v3+s19+$0x0] =	vst.idx.msk $0xffff, v19;
	v43 =	vor.u32 v63, v25;
	v25 =	vld.idx.msk [tilespmem:v17+s2+$0x0], $0xffff;
	(pc) =	sbr.rel @p2 .LBB2_5-.Ltmp3, $4  }
0x18c: {  	v27 =	vor.u32 v62, v27;
	v3 =	vand.u32 $0x7F, v30;
	v46 =	vor.u32 v63, v29;
	v29 =	vld.idx.msk [tilespmem:v59+s2+$0x0], $0xffff  }
0x18d: {  	v30 =	vor.u32 v63, v22;
	v22 =	vor.u32 v3, v26;
	v37 =	vor.u32 $0xC00, v6;
	v6 =	vld [tilespmem:$0x1FF20];
	[tilespmem:v36+s19+$0x0] =	vst.idx.msk $0xffff, v21  }
0x18e: {  	v26 =	vor.u32 v63, v23;
	v59 =	vor.u32 v63, v41;
	v62 =	vld.idx.msk [tilespmem:v8+s2+$0x0], $0xffff;
	[tilespmem:v2+s19+$0x0] =	vst.idx.msk $0xffff, v9  }
0x18f: {  	s8 =	sadd.s32 $0x8, s8;
	v61 =	vor.u32 $0x800, v13;
	v8 =	vld [tilespmem:$0x1FF10];
	v36 =	vor.u32 v7, v4;
	v41 =	vor.u32 v7, v50;
	[tilespmem:v10+s19+$0x0] =	vst.idx.msk $0xffff, v15  }
0x190: {  	_ =	sdelay $0x3  }
0x191: {  	v34 =	vld [tilespmem:$0x1FFF0];
	[tilespmem:v58+s19+$0x0] =	vst.idx.msk $0xffff, v60  }
0x192: {  	v0 =	vld [tilespmem:$0x1FCA0];
	[tilespmem:v52+s19+$0x0] =	vst.idx.msk $0xffff, v28  }
0x193: {  	v1 =	vld [tilespmem:$0x1FC90];
	[tilespmem:v39+s19+$0x0] =	vst.idx.msk $0xffff, v62  }
0x194: {  	v52 =	vld [tilespmem:$0x1FC80]  }
0x195: {  	[tilespmem:v61+s19+$0x0] =	vst.idx.msk $0xffff, v29  }
0x196: {  	v54 =	vld [tilespmem:$0x1FCC0];
	_ =	sdelay $0x2  }
0x197: {  	v53 =	vld [tilespmem:$0x1FCB0]  }
0x198: {  	v0 =	vld.idx.msk [tilespmem:v0+s2+$0x0], $0xffff  }
0x199: {  	v2 =	vld.idx.msk [tilespmem:v1+s2+$0x0], $0xffff  }
0x19a: {  	v3 =	vld.idx.msk [tilespmem:v52+s2+$0x0], $0xffff;
	_ =	sdelay $0x1  }
0x19b: {  	[tilespmem:v54+s19+$0x0] =	vst.idx.msk $0xffff, v25  }
0x19c: {  	v55 =	vld.idx.msk [tilespmem:v55+s2+$0x0], $0xffff;
	[tilespmem:v56+s19+$0x0] =	vst.idx.msk $0xffff, v0  }
0x19d: {  	v4 =	vld.idx.msk [tilespmem:v38+s2+$0x0], $0xffff;
	[tilespmem:v49+s19+$0x0] =	vst.idx.msk $0xffff, v2  }
0x19e: {  	v5 =	vld.idx.msk [tilespmem:v53+s2+$0x0], $0xffff;
	[tilespmem:v48+s19+$0x0] =	vst.idx.msk $0xffff, v3  }
0x19f: {  	v1 =	vld [tilespmem:$0x1FC70]  }
0x1a0: {  	v6 =	vld.idx.msk [tilespmem:v40+s2+$0x0], $0xffff  }
0x1a1: {  	v7 =	vld.idx.msk [tilespmem:v59+s2+$0x0], $0xffff;
	v56 =	vor.u32 $0xC00, v31  }
0x1a2: {  	s8 =	sor.u32 s5, s11;
	v58 =	vld.idx.msk [tilespmem:v26+s2+$0x0], $0xffff;
	[tilespmem:v51+s19+$0x0] =	vst.idx.msk $0xffff, v4  }
0x1a3: {  	s20 =	smin.u32 s8, $0x13CD;
	[tilespmem:v35+s19+$0x0] =	vst.idx.msk $0xffff, v5;
	v60 =	vld.idx.msk [tilespmem:v30+s2+$0x0], $0xffff  }
0x1a4: {  	s21 =	smulhi.u32 $0x1501502, s20;
	v59 =	vor.u32 $0xC00, v24;
	[tilespmem:v36+s19+$0x0] =	vst.idx.msk $0xffff, v55;
	v8 =	vld.idx.msk [tilespmem:v43+s2+$0x0], $0xffff  }
0x1a5: {  	v62 =	vor.u32 $0xC00, v22;
	[tilespmem:v47+s19+$0x0] =	vst.idx.msk $0xffff, v6;
	v63 =	vld.idx.msk [tilespmem:v27+s2+$0x0], $0xffff  }
0x1a6: {  	s22 =	smul.u32 $0xC3, s21;
	[tilespmem:v56+s19+$0x0] =	vst.idx.msk $0xffff, v7;
	v61 =	vld.idx.msk [tilespmem:v46+s2+$0x0], $0xffff  }
0x1a7: {  	[tilespmem:v33+s19+$0x0] =	vst.idx.msk $0xffff, v58;
	v57 =	vld.idx.msk [tilespmem:v1+s2+$0x0], $0xffff  }
0x1a8: {  	s21 =	smul.u32 $0x61A8, s21;
	s20 =	ssub.s32 s20, s22;
	[tilespmem:v37+s19+$0x0] =	vst.idx.msk $0xffff, v60  }
0x1a9: {  	s20 =	sshll.u32 s20, $0x7;
	[tilespmem:v59+s19+$0x0] =	vst.idx.msk $0xffff, v8  }
0x1aa: {  	s20 =	sadd.s32 s20, s21;
	[tilespmem:v62+s19+$0x0] =	vst.idx.msk $0xffff, v63  }
0x1ab: {  	s21 =	sshll.u32 s20, $0x4;
	[tilespmem:v32+s19+$0x0] =	vst.idx.msk $0xffff, v61  }
0x1ac: {  	s21 =	sadd.s32 s4, s21;
	[tilespmem:v41+s19+$0x0] =	vst.idx.msk $0xffff, v57  }
0x1ad: {  	[hbm4b:s21+s2] =	stream.linear.scatter [tilespmem:s19], [sflag:$0x3], $0x400, $0x38;
	[tilespmem:$0x10000] =	vst v63  }
0x1ae: {  	s23 =	simm.s32 $0x9000;
	s24 =	sadd.s32 $0x80, s21  }
0x1af: {  	[hbm4b:s24+s2] =	stream.linear.scatter [tilespmem:s23], [sflag:$0x3], $0x400, $0x38;
	[tilespmem:$0x10000] =	vst v63  }
0x1b0: {  	s20 =	sshll.u32 s20, $0x7;
	s23 =	sadd.s32 $0x100, s21;
	s24 =	simm.s32 $0xA000  }
0x1b1: {  	[hbm4b:s23+s2] =	stream.linear.scatter [tilespmem:s24], [sflag:$0x3], $0x400, $0x38;
	[tilespmem:$0x10000] =	vst v63  }
0x1b2: {  	s21 =	sadd.s32 $0x180, s21;
	s24 =	simm.s32 $0xB000;
	s23 =	sadd.s32 $0x1000, s20  }
0x1b3: {  	[hbm4b:s21+s2] =	stream.linear.scatter [tilespmem:s24], [sflag:$0x3], $0x400, $0x38;
	[tilespmem:$0x10000] =	vst v63  }
0x1b4: {  	s21 =	sshrl.u32 s23, $0x3  }
0x1b5: {  	s24 =	simm.s32 $0x8400;
	s21 =	sadd.s32 s4, s21  }
0x1b6: {  	[hbm4b:s21+s2] =	stream.linear.scatter [tilespmem:s24], [sflag:$0x3], $0x400, $0x38;
	[tilespmem:$0x10000] =	vst v63  }
0x1b7: {  	s23 =	sadd.s32 $0x80, s21;
	s24 =	simm.s32 $0x9400  }
0x1b8: {  	[hbm4b:s23+s2] =	stream.linear.scatter [tilespmem:s24], [sflag:$0x3], $0x400, $0x38;
	[tilespmem:$0x10000] =	vst v63  }
0x1b9: {  	s23 =	sadd.s32 $0x100, s21;
	s24 =	simm.s32 $0xA400  }
0x1ba: {  	[hbm4b:s23+s2] =	stream.linear.scatter [tilespmem:s24], [sflag:$0x3], $0x400, $0x38;
	[tilespmem:$0x10000] =	vst v63  }
0x1bb: {  	s21 =	sadd.s32 $0x180, s21;
	s24 =	simm.s32 $0xB400;
	s23 =	sadd.s32 $0x2000, s20  }
0x1bc: {  	[hbm4b:s21+s2] =	stream.linear.scatter [tilespmem:s24], [sflag:$0x3], $0x400, $0x38;
	[tilespmem:$0x10000] =	vst v63  }
0x1bd: {  	s21 =	sshrl.u32 s23, $0x3  }
0x1be: {  	s24 =	simm.s32 $0x8800;
	s21 =	sadd.s32 s4, s21  }
0x1bf: {  	[hbm4b:s21+s2] =	stream.linear.scatter [tilespmem:s24], [sflag:$0x3], $0x400, $0x38;
	[tilespmem:$0x10000] =	vst v63  }
0x1c0: {  	s23 =	sadd.s32 $0x80, s21;
	s24 =	simm.s32 $0x9800  }
0x1c1: {  	[hbm4b:s23+s2] =	stream.linear.scatter [tilespmem:s24], [sflag:$0x3], $0x400, $0x38;
	[tilespmem:$0x10000] =	vst v63  }
0x1c2: {  	s20 =	sadd.s32 $0x3000, s20;
	s23 =	sadd.s32 $0x100, s21;
	s24 =	simm.s32 $0xA800  }
0x1c3: {  	[hbm4b:s23+s2] =	stream.linear.scatter [tilespmem:s24], [sflag:$0x3], $0x400, $0x38;
	[tilespmem:$0x10000] =	vst v63  }
0x1c4: {  	s20 =	sshrl.u32 s20, $0x3;
	s21 =	sadd.s32 $0x180, s21;
	s24 =	simm.s32 $0xB800  }
0x1c5: {  	[hbm4b:s21+s2] =	stream.linear.scatter [tilespmem:s24], [sflag:$0x3], $0x400, $0x38;
	[tilespmem:$0x10000] =	vst v63  }
0x1c6: {  	s22 =	simm.s32 $0x8C00;
	s20 =	sadd.s32 s4, s20  }
0x1c7: {  	[hbm4b:s20+s2] =	stream.linear.scatter [tilespmem:s22], [sflag:$0x3], $0x400, $0x38;
	[tilespmem:$0x10000] =	vst v63  }
0x1c8: {  	p2 =	sne.s32 s10, $0x4F;
	s23 =	sadd.s32 $0x80, s20;
	s24 =	simm.s32 $0x9C00  }
0x1c9: {  	[hbm4b:s23+s2] =	stream.linear.scatter [tilespmem:s24], [sflag:$0x3], $0x400, $0x38;
	[tilespmem:$0x10000] =	vst v63  }
.Ltmp4:
0x1ca: {  	_ = 	snop;
	(pc) =	sbr.rel @p2 .LBB2_8-.Ltmp4, $4  }
0x1cb: {  	s22 =	sadd.s32 $0x100, s20;
	s23 =	simm.s32 $0xAC00  }
0x1cc: {  	[hbm4b:s22+s2] =	stream.linear.scatter [tilespmem:s23], [sflag:$0x3], $0x400, $0x38;
	[tilespmem:$0x10000] =	vst v63  }
0x1cd: {  	s20 =	sadd.s32 $0x180, s20;
	s24 =	simm.s32 $0xBC00  }
0x1ce: {  	[hbm4b:s20+s2] =	stream.linear.scatter [tilespmem:s24], [sflag:$0x3], $0x400, $0x38;
	[tilespmem:$0x10000] =	vst v63  }
.Ltmp5:
0x1cf: {  	(pc) =	sbr.rel .LBB2_9-.Ltmp5, $4  }
0x1d0: {  	_ = 	snop  }
0x1d1: {  	_ =	swait.ge [sflag:s7], $0x4000  }
0x1d2: {  	[sflag:s7] =	ssyncset.done $0x0;
	v47 =	vld [tilespmem:$0x1FF30]  }
0x1d3: {  	v41 =	vmov v34;
	v12 =	vld [tilespmem:$0x1FF70];
	[sflag:s7] =	ssyncadd.s32 $0xFFFFC000  }
.LBB2_8:
0x1d4: {  	s20 =	rddreg [dreg:$0x6]  }
0x1d5: {  	s20 =	sadd.s32 s20, s11  }
0x1d6: {  	s20 =	smin.u32 s20, $0x13CD  }
0x1d7: {  	s21 =	smulhi.u32 $0x1501502, s20;
	_ =	sdelay $0x1  }
0x1d8: {  	s22 =	smul.u32 $0xC3, s21;
	_ =	sdelay $0x1  }
0x1d9: {  	s21 =	smul.u32 $0x30E000, s21;
	s20 =	ssub.s32 s20, s22  }
0x1da: {  	s20 =	sshll.u32 s20, $0xC  }
0x1db: {  	s20 =	sadd.s32 s20, s21  }
0x1dc: {  	s20 =	sshrl.u32 s20, $0x3  }
.Ltmp6:
0x1dd: {  	s20 =	sadd.s32 s0, s20;
	(pc) =	sbr.rel @p1 .LBB2_10-.Ltmp6, $4  }
0x1de: {  	[tilespmem:s2], [sflag:$0x1] =	stream.strided.gather [hbm4b:s20+s15], $0x4000, s16, s15, $0x38;
	[tilespmem:$0x10000] =	vst v63  }
0x1df: {  	_ =	swait.ge [sflag:s7], $0x4000  }
0x1e0: {  	[sflag:s7] =	ssyncset.done $0x0;
	v47 =	vld [tilespmem:$0x1FF30]  }
0x1e1: {  	v41 =	vmov v34;
	v12 =	vld [tilespmem:$0x1FF70];
	[sflag:s7] =	ssyncadd.s32 $0xFFFFC000  }
.LBB2_9:
0x1e2: {  	_ =	swait.ge [sflag:s14], $0x1000  }
0x1e3: {  	[sflag:s14] =	ssyncset.done $0x0  }
0x1e4: {  	[sflag:s14] =	ssyncadd.s32 $0xFFFFF000  }
0x1e5: {  	_ =	swait.ge [sflag:s14], $0x1000  }
0x1e6: {  	[sflag:s14] =	ssyncset.done $0x0  }
0x1e7: {  	[sflag:s14] =	ssyncadd.s32 $0xFFFFF000  }
0x1e8: {  	_ =	swait.ge [sflag:s14], $0x1000  }
0x1e9: {  	[sflag:s14] =	ssyncset.done $0x0  }
0x1ea: {  	[sflag:s14] =	ssyncadd.s32 $0xFFFFF000  }
0x1eb: {  	_ =	swait.ge [sflag:s14], $0x1000  }
0x1ec: {  	[sflag:s14] =	ssyncset.done $0x0  }
0x1ed: {  	[sflag:s14] =	ssyncadd.s32 $0xFFFFF000  }
.LBB2_10:
0x1ee: {  	s20 =	simm.s32 $0x1;
	s21 =	simm.s32 $0x3  }
0x1ef: {  	s22 =	simm.s32 $0x2;
	s23 =	simm.s32 $0x4;
	s24 =	simm.s32 $0x5;
	v38 =	vlaneseq.u32;
	v0 =	vadd.s32 s20, v41;
	v2 =	vadd.s32 s21, v41  }
0x1f0: {  	v3 =	vadd.s32 s22, v41;
	v5 =	vadd.s32 s23, v41;
	v6 =	vadd.s32 s24, v41;
	s22 =	simm.s32 $0x7  }
0x1f1: {  	v4 =	vshll.u32 v2, $0x7;
	v40 =	vand.u32 $0x7F, v0;
	v7 =	vadd.s32 s22, v41  }
0x1f2: {  	v35 =	vand.u32 $0x7F, v2;
	v36 =	vand.u32 $0x7F, v6;
	v37 =	vand.u32 $0x7F, v3  }
0x1f3: {  	s23 =	simm.s32 $0x0;
	v48 =	vshll.u32 v6, $0x5;
	v6 =	vshll.u32 v6, $0x7;
	v31 =	vshll.u32 v2, $0x5  }
0x1f4: {  	v49 =	vshll.u32 v3, $0x5;
	v46 =	vand.u32 $0x7F, v5;
	v18 =	vadd.s32 s23, v41  }
0x1f5: {  	v44 =	vld [tilespmem:$0x1FEB0];
	v20 =	vshll.u32 v5, $0x5;
	v3 =	vshll.u32 v3, $0x7;
	v39 =	vand.u32 $0x7F, v7  }
0x1f6: {  	v6 =	vand.u32 $0x3000, v6;
	v13 =	vand.u32 $0x380, v48;
	v16 =	vshll.u32 v7, $0x5  }
0x1f7: {  	v7 =	vshll.u32 v7, $0x7;
	v43 =	vand.u32 $0x7F, v18;
	v21 =	vshll.u32 v18, $0x7  }
0x1f8: {  	v1 =	vor.u32 v12, v40;
	v42 =	vor.u32 v13, v6;
	v2 =	vand.u32 $0x60, v16  }
0x1f9: {  	v13 =	vand.u32 $0x380, v16;
	v7 =	vand.u32 $0x3000, v7;
	[tilespmem:$0x1FA70] =	vst v1;
	v1 =	vor.u32 v12, v39  }
0x1fa: {  	v10 =	vor.u32 v44, v36;
	[tilespmem:$0x1FA80] =	vst v1;
	v1 =	vor.u32 v12, v35;
	v12 =	vshll.u32 v0, $0x7  }
0x1fb: {  	[tilespmem:$0x1FAB0] =	vst v16;
	v33 =	vor.u32 v13, v7;
	v6 =	vand.u32 $0x3000, v12;
	v12 =	vand.u32 $0x60, v48  }
0x1fc: {  	v52 =	vld [tilespmem:$0x1FEC0];
	v23 =	vor.u32 v44, v43;
	v56 =	vor.u32 v2, v33;
	[tilespmem:$0x1FA90] =	vst v1;
	v1 =	vor.u32 v12, v42  }
0x1fd: {  	[tilespmem:$0x1FAA0] =	vst v1;
	v15 =	vor.u32 v38, v1;
	v1 =	vshll.u32 v0, $0x5;
	v0 =	vshll.u32 v18, $0x5  }
0x1fe: {  	v8 =	vor.u32 v44, v39;
	v2 =	vand.u32 $0x3000, v21;
	[tilespmem:$0x1FAC0] =	vst v56;
	v0 =	vand.u32 $0x380, v0  }
0x1ff: {  	s24 =	simm.s32 $0x6;
	v5 =	vshll.u32 v5, $0x7;
	v45 =	vor.u32 v2, v0;
	v0 =	vand.u32 $0x3000, v3;
	v3 =	vld.idx.msk [tilespmem:v10+s17+$0x0], $0xffff  }
0x200: {  	v26 =	vadd.s32 s24, v41;
	v4 =	vand.u32 $0x3000, v4;
	v62 =	vand.u32 $0x380, v31;
	[tilespmem:$0x1FAD0] =	vst v1  }
0x201: {  	v25 =	vand.u32 $0x60, v31;
	v19 =	vor.u32 v44, v46;
	v23 =	vld.idx.msk [tilespmem:v23+s17+$0x0], $0xffff;
	v29 =	vor.u32 v52, v45  }
0x202: {  	v50 =	vshll.u32 v26, $0x5;
	v17 =	vor.u32 v38, v16;
	v24 =	vor.u32 v47, v43;
	[tilespmem:$0x1FAE0] =	vst v31  }
0x203: {  	v16 =	vand.u32 $0x7F, v26;
	v26 =	vshll.u32 v26, $0x7;
	v63 =	vand.u32 $0x6F, v17;
	v8 =	vld.idx.msk [tilespmem:v8+s17+$0x0], $0xffff;
	[tilespmem:$0x1FAF0] =	vst v33  }
0x204: {  	v57 =	vand.u32 $0x3000, v26;
	v26 =	vor.u32 v62, v4;
	v17 =	vor.u32 v38, v56;
	[tilespmem:v15+s6+$0x0] =	vst.idx.msk $0xffff, v3  }
0x205: {  	v13 =	vand.u32 $0x380, v1;
	v21 =	vand.u32 $0x60, v1;
	v10 =	vor.u32 v38, v1;
	v1 =	vld [tilespmem:$0x1FF50];
	[tilespmem:$0x1FB00] =	vst v48  }
0x206: {  	v58 =	vand.u32 $0x380, v20;
	v30 =	vand.u32 $0x380, v50;
	v20 =	vor.u32 v25, v26;
	[tilespmem:v29+s6+$0x0] =	vst.idx.msk $0xffff, v23;
	v15 =	vld.idx.msk [tilespmem:v19+s17+$0x0], $0xffff  }
0x207: {  	v51 =	vand.u32 $0x3000, v5;
	v25 =	vor.u32 v30, v57;
	[tilespmem:$0x1FB10] =	vst v20;
	v30 =	vld [tilespmem:$0x1FF40]  }
0x208: {  	v9 =	vor.u32 v44, v35;
	[tilespmem:$0x1FB20] =	vst v51  }
0x209: {  	v11 =	vor.u32 v44, v40;
	v14 =	vor.u32 v44, v37;
	v7 =	vor.u32 v63, v33;
	[tilespmem:$0x1FB30] =	vst v58  }
0x20a: {  	v63 =	vor.u32 v58, v51;
	v3 =	vor.u32 v38, v48;
	[tilespmem:v17+s6+$0x0] =	vst.idx.msk $0xffff, v8  }
0x20b: {  	v48 =	vor.u32 v38, v20;
	v20 =	vld.idx.msk [tilespmem:v24+s17+$0x0], $0xffff;
	v24 =	vor.u32 v13, v6;
	[tilespmem:$0x1FB40] =	vst v49  }
0x20c: {  	v57 =	vor.u32 v47, v39;
	v58 =	vor.u32 v21, v24;
	[tilespmem:$0x1FB50] =	vst v50;
	v23 =	vor.u32 v30, v45  }
0x20d: {  	v22 =	vand.u32 $0x60, v49;
	v31 =	vor.u32 v38, v31;
	v59 =	vor.u32 v1, v43;
	v9 =	vld.idx.msk [tilespmem:v9+s17+$0x0], $0xffff;
	[tilespmem:$0x1FB60] =	vst v58  }
0x20e: {  	v2 =	vor.u32 v47, v36;
	v31 =	vand.u32 $0x6F, v31;
	v8 =	vand.u32 $0x380, v49;
	[tilespmem:$0x1FB70] =	vst v26  }
0x20f: {  	v10 =	vand.u32 $0x6F, v10;
	v21 =	vor.u32 v8, v0;
	v0 =	vor.u32 v31, v26;
	v8 =	vld.idx.msk [tilespmem:v11+s17+$0x0], $0xffff;
	[tilespmem:$0x1FB80] =	vst v24  }
0x210: {  	v4 =	vand.u32 $0x60, v50;
	v31 =	vor.u32 v10, v24;
	v17 =	vor.u32 v38, v58;
	v10 =	vld.idx.msk [tilespmem:v14+s17+$0x0], $0xffff;
	[tilespmem:$0x1FB90] =	vst v42  }
0x211: {  	v29 =	vor.u32 v22, v21;
	v22 =	vor.u32 v4, v25;
	v6 =	vld.idx.msk [tilespmem:v57+s17+$0x0], $0xffff;
	[tilespmem:v23+s6+$0x0] =	vst.idx.msk $0xffff, v20  }
0x212: {  	v14 =	vld.idx.msk [tilespmem:v59+s17+$0x0], $0xffff;
	[tilespmem:$0x1FBA0] =	vst v22  }
0x213: {  	v11 =	vor.u32 v52, v63;
	v59 =	vld [tilespmem:$0x1FF60];
	[tilespmem:v48+s6+$0x0] =	vst.idx.msk $0xffff, v9  }
0x214: {  	v32 =	vor.u32 v47, v40;
	v2 =	vld.idx.msk [tilespmem:v2+s17+$0x0], $0xffff;
	[tilespmem:$0x1FBB0] =	vst v43  }
0x215: {  	v5 =	vor.u32 $0x400, v7;
	v9 =	vld [tilespmem:$0x1FF70];
	[tilespmem:v17+s6+$0x0] =	vst.idx.msk $0xffff, v8  }
0x216: {  	[tilespmem:$0x1FBC0] =	vst v25  }
0x217: {  	v13 =	vor.u32 v38, v50;
	[tilespmem:$0x1FBD0] =	vst v29  }
0x218: {  	v13 =	vand.u32 $0x6F, v13;
	v18 =	vor.u32 v59, v45;
	[tilespmem:v11+s6+$0x0] =	vst.idx.msk $0xffff, v15  }
0x219: {  	v34 =	vor.u32 v44, v16;
	v26 =	vor.u32 v13, v25;
	v13 =	vld.idx.msk [tilespmem:v32+s17+$0x0], $0xffff;
	[tilespmem:$0x1FBE0] =	vst v37  }
0x21a: {  	v11 =	vld [tilespmem:$0x1FF70];
	[tilespmem:v5+s6+$0x0] =	vst.idx.msk $0xffff, v6  }
0x21b: {  	v3 =	vand.u32 $0x6F, v3;
	[tilespmem:$0x1FBF0] =	vst v39  }
0x21c: {  	v3 =	vor.u32 v3, v42;
	v8 =	vor.u32 v38, v29;
	[tilespmem:$0x1FC00] =	vst v40  }
0x21d: {  	v27 =	vor.u32 v47, v35;
	v23 =	vor.u32 v9, v43;
	v9 =	vor.u32 $0x400, v3;
	[tilespmem:v18+s6+$0x0] =	vst.idx.msk $0xffff, v14  }
0x21e: {  	v60 =	vor.u32 v47, v37;
	v24 =	vor.u32 v38, v22;
	v22 =	vld.idx.msk [tilespmem:v34+s17+$0x0], $0xffff;
	[tilespmem:$0x1FC10] =	vst v21  }
0x21f: {  	v28 =	vor.u32 v47, v46;
	v55 =	vor.u32 $0x800, v7;
	v12 =	vor.u32 v38, v49;
	[tilespmem:$0x1FC20] =	vst v35  }
0x220: {  	v12 =	vand.u32 $0x6F, v12;
	v54 =	vor.u32 v1, v46;
	v33 =	vor.u32 v1, v37;
	[tilespmem:$0x1FC30] =	vst v36  }
0x221: {  	v4 =	vor.u32 $0x400, v31;
	v53 =	vor.u32 $0xC00, v0;
	v51 =	vor.u32 $0x800, v31;
	v6 =	vld [tilespmem:$0x1FF70];
	[tilespmem:v8+s6+$0x0] =	vst.idx.msk $0xffff, v10  }
0x222: {  	v62 =	vor.u32 v1, v39;
	v19 =	vor.u32 v1, v36;
	v58 =	vld.idx.msk [tilespmem:v27+s17+$0x0], $0xffff;
	[tilespmem:v9+s6+$0x0] =	vst.idx.msk $0xffff, v2  }
0x223: {  	v49 =	vor.u32 v12, v21;
	v50 =	vor.u32 v1, v35;
	v52 =	vor.u32 v1, v16;
	v12 =	vld [tilespmem:$0x1FF70]  }
0x224: {  	v56 =	vor.u32 $0xC00, v26;
	v48 =	vor.u32 v1, v40;
	v25 =	vor.u32 $0x400, v0;
	v9 =	vld [tilespmem:$0x1FF80]  }
0x225: {  	v61 =	vor.u32 v59, v63;
	v32 =	vor.u32 $0xC00, v7;
	v59 =	vor.u32 v30, v63;
	v29 =	vld.idx.msk [tilespmem:v28+s17+$0x0], $0xffff  }
0x226: {  	v43 =	vor.u32 v47, v16;
	v40 =	vor.u32 $0xC00, v3;
	v34 =	vor.u32 $0x800, v49;
	v30 =	vld.idx.msk [tilespmem:v60+s17+$0x0], $0xffff;
	[tilespmem:$0x1FC40] =	vst v46  }
0x227: {  	v57 =	vor.u32 v11, v37;
	v27 =	vor.u32 $0x800, v0;
	v60 =	vor.u32 $0x400, v49;
	[tilespmem:$0x1FC50] =	vst v45  }
0x228: {  	[tilespmem:v4+s6+$0x0] =	vst.idx.msk $0xffff, v13;
	v39 =	vor.u32 v6, v36;
	v36 =	vor.u32 $0x800, v3;
	v37 =	vor.u32 v12, v46  }
0x229: {  	s20 =	simm.s32 $0x8;
	v28 =	vld.idx.msk [tilespmem:v19+s17+$0x0], $0xffff;
	[tilespmem:$0x1FC60] =	vst v16;
	v46 =	vor.u32 v9, v45;
	v45 =	vor.u32 $0x800, v26;
	v35 =	vor.u32 v12, v16  }
.LBB2_11:
0x22a: {  	v42 =	vor.u32 $0xC00, v31  }
0x22b: {  	s22 =	sadd.s32 $0x1, s20;
	s23 =	sadd.s32 $0x2, s20;
	s24 =	sadd.s32 $0x3, s20;
	v31 =	vor.u32 v9, v63;
	v0 =	vor.u32 $0x400, v26;
	v2 =	vld.idx.msk [tilespmem:v62+s17+$0x0], $0xffff;
	v17 =	vor.u32 $0xC00, v49  }
0x22c: {  	v10 =	vld.idx.msk [tilespmem:v23+s17+$0x0], $0xffff;
	v3 =	vadd.s32 s22, v41;
	v4 =	vadd.s32 s23, v41;
	v5 =	vadd.s32 s24, v41;
	s22 =	sadd.s32 $0x4, s20;
	s24 =	sadd.s32 $0x5, s20  }
0x22d: {  	[tilespmem:v24+s6+$0x0] =	vst.idx.msk $0xffff, v22;
	s21 =	smov.u32 s20;
	v11 =	vld.idx.msk [tilespmem:v48+s17+$0x0], $0xffff;
	v7 =	vshll.u32 v5, $0x7;
	v8 =	vadd.s32 s22, v41;
	v9 =	vadd.s32 s24, v41  }
0x22e: {  	[tilespmem:v25+s6+$0x0] =	vst.idx.msk $0xffff, v58;
	v18 =	vld [tilespmem:$0x1FF70];
	s24 =	sadd.s32 $0x7, s21;
	v58 =	vand.u32 $0x7F, v3;
	v49 =	vand.u32 $0x7F, v4;
	v20 =	vshll.u32 v3, $0x7  }
0x22f: {  	[tilespmem:v60+s6+$0x0] =	vst.idx.msk $0xffff, v30;
	v22 =	vld [tilespmem:$0x1FA80];
	v3 =	vshll.u32 v3, $0x5;
	v63 =	vand.u32 $0x3000, v7;
	v7 =	vadd.s32 s24, v41  }
0x230: {  	v16 =	vld.idx.msk [tilespmem:v33+s17+$0x0], $0xffff;
	v60 =	vand.u32 $0x7F, v9;
	v33 =	vor.u32 v44, v58;
	v19 =	vshll.u32 v9, $0x5  }
0x231: {  	v6 =	vld.idx.msk [tilespmem:v43+s17+$0x0], $0xffff;
	v9 =	vshll.u32 v9, $0x7;
	v20 =	vand.u32 $0x3000, v20;
	v24 =	vor.u32 v44, v49;
	[tilespmem:v59+s6+$0x0] =	vst.idx.msk $0xffff, v29  }
0x232: {  	v12 =	vor.u32 v12, v58;
	v59 =	vand.u32 $0x7F, v5;
	v62 =	vand.u32 $0x7F, v7;
	[tilespmem:v46+s6+$0x0] =	vst.idx.msk $0xffff, v10;
	v10 =	vld.idx.msk [tilespmem:v50+s17+$0x0], $0xffff  }
0x233: {  	v26 =	vld [tilespmem:$0x1FA90];
	v15 =	vor.u32 v44, v60;
	v9 =	vand.u32 $0x3000, v9;
	v21 =	vand.u32 $0x380, v19;
	[tilespmem:v36+s6+$0x0] =	vst.idx.msk $0xffff, v28  }
0x234: {  	v13 =	vld.idx.msk [tilespmem:v54+s17+$0x0], $0xffff;
	v14 =	vor.u32 v44, v62;
	v43 =	vor.u32 v44, v59;
	[tilespmem:v55+s6+$0x0] =	vst.idx.msk $0xffff, v2  }
0x235: {  	v36 =	vand.u32 $0x7F, v8;
	v18 =	vor.u32 v18, v62;
	v2 =	vld [tilespmem:$0x1FF70];
	v55 =	vor.u32 v21, v9;
	[tilespmem:v51+s6+$0x0] =	vst.idx.msk $0xffff, v11  }
0x236: {  	v9 =	vshll.u32 v7, $0x5;
	v54 =	vld.idx.msk [tilespmem:v39+s17+$0x0], $0xffff;
	v21 =	vand.u32 $0x60, v19;
	v7 =	vshll.u32 v7, $0x7;
	[tilespmem:v0+s6+$0x0] =	vst.idx.msk $0xffff, v6  }
0x237: {  	v23 =	vmovc v18;
	v0 =	vshll.u32 v5, $0x5;
	v5 =	vand.u32 $0x60, v9;
	v46 =	vand.u32 $0x380, v9;
	[tilespmem:v27+s6+$0x0] =	vst.idx.msk $0xffff, v10;
	v10 =	vld [tilespmem:$0x1FA70]  }
0x238: {  	v25 =	vor.u32 v21, v55;
	v7 =	vand.u32 $0x3000, v7;
	v9 =	vor.u32 v38, v9;
	[tilespmem:v34+s6+$0x0] =	vst.idx.msk $0xffff, v16  }
0x239: {  	[tilespmem:$0x1FA80] =	vst v23;
	v23 =	vshll.u32 v4, $0x5;
	v11 =	vor.u32 v38, v25;
	v25 =	vshll.u32 v8, $0x5;
	v34 =	vld.idx.msk [tilespmem:v57+s17+$0x0], $0xffff  }
0x23a: {  	v4 =	vshll.u32 v4, $0x7;
	v6 =	vor.u32 v46, v7;
	v8 =	vshll.u32 v8, $0x7;
	v22 =	vld.idx.msk [tilespmem:v22+s17+$0x0], $0xffff  }
0x23b: {  	v51 =	vor.u32 v38, v23;
	v21 =	vmov v12;
	v12 =	vadd.s32 s21, v41;
	v15 =	vld.idx.msk [tilespmem:v15+s17+$0x0], $0xffff;
	[tilespmem:v61+s6+$0x0] =	vst.idx.msk $0xffff, v13  }
0x23c: {  	v29 =	vand.u32 $0x60, v23;
	v5 =	vor.u32 v5, v6;
	v2 =	vor.u32 v2, v59;
	v13 =	vld.idx.msk [tilespmem:v52+s17+$0x0], $0xffff;
	[tilespmem:$0x1FA70] =	vst v21  }
0x23d: {  	v4 =	vand.u32 $0x3000, v4;
	v8 =	vand.u32 $0x3000, v8;
	v23 =	vand.u32 $0x380, v23;
	[tilespmem:v40+s6+$0x0] =	vst.idx.msk $0xffff, v54;
	v26 =	vld.idx.msk [tilespmem:v26+s17+$0x0], $0xffff;
	v30 =	vmovc v2  }
0x23e: {  	v18 =	vand.u32 $0x7F, v12;
	v28 =	vshll.u32 v12, $0x7;
	v12 =	vshll.u32 v12, $0x5;
	[tilespmem:$0x1FA90] =	vst v30  }
0x23f: {  	v5 =	vor.u32 v38, v5;
	v4 =	vor.u32 v23, v4;
	[tilespmem:v17+s6+$0x0] =	vst.idx.msk $0xffff, v34;
	v10 =	vld.idx.msk [tilespmem:v10+s17+$0x0], $0xffff  }
0x240: {  	v21 =	vor.u32 v44, v36;
	v61 =	vand.u32 $0x6F, v9;
	v12 =	vand.u32 $0x380, v12;
	v54 =	vld.idx.msk [tilespmem:v37+s17+$0x0], $0xffff;
	[tilespmem:v32+s6+$0x0] =	vst.idx.msk $0xffff, v22  }
0x241: {  	v39 =	vld [tilespmem:$0x1FEC0];
	v2 =	vor.u32 v44, v18;
	v30 =	vor.u32 v47, v18;
	v22 =	vand.u32 $0x380, v3;
	[tilespmem:v45+s6+$0x0] =	vst.idx.msk $0xffff, v13  }
0x242: {  	v32 =	vand.u32 $0x380, v25;
	v13 =	vand.u32 $0x380, v0;
	v9 =	vld.idx.msk [tilespmem:v35+s17+$0x0], $0xffff;
	[tilespmem:v53+s6+$0x0] =	vst.idx.msk $0xffff, v26;
	v26 =	vand.u32 $0x60, v3  }
0x243: {  	s23 =	sadd.s32 $0x6, s20;
	v3 =	vor.u32 v38, v3;
	v57 =	vor.u32 v13, v63;
	v63 =	vor.u32 v32, v8  }
0x244: {  	v23 =	vld [tilespmem:$0x1FF70];
	v8 =	vor.u32 v22, v20;
	[tilespmem:v42+s6+$0x0] =	vst.idx.msk $0xffff, v10;
	v10 =	vand.u32 $0x3000, v28;
	v42 =	vadd.s32 s23, v41  }
0x245: {  	v14 =	vld.idx.msk [tilespmem:v14+s17+$0x0], $0xffff;
	[tilespmem:v11+s6+$0x0] =	vst.idx.msk $0xffff, v15;
	v3 =	vand.u32 $0x6F, v3;
	v10 =	vor.u32 v10, v12;
	v16 =	vand.u32 $0x7F, v42  }
0x246: {  	v21 =	vld.idx.msk [tilespmem:v21+s17+$0x0], $0xffff;
	[tilespmem:v31+s6+$0x0] =	vst.idx.msk $0xffff, v54;
	v35 =	vshll.u32 v42, $0x5;
	v11 =	vshll.u32 v42, $0x7;
	v45 =	vor.u32 v39, v10  }
0x247: {  	v2 =	vld.idx.msk [tilespmem:v2+s17+$0x0], $0xffff;
	[tilespmem:v56+s6+$0x0] =	vst.idx.msk $0xffff, v9;
	v46 =	vand.u32 $0x380, v35;
	v9 =	vor.u32 v44, v16;
	v11 =	vand.u32 $0x3000, v11  }
0x248: {  	v20 =	vor.u32 v26, v8;
	v25 =	vld.idx.msk [tilespmem:v43+s17+$0x0], $0xffff;
	v13 =	vand.u32 $0x60, v35;
	v11 =	vor.u32 v46, v11  }
0x249: {  	v31 =	vor.u32 v3, v8;
	v3 =	vld.idx.msk [tilespmem:v24+s17+$0x0], $0xffff;
	v26 =	vor.u32 v38, v35;
	v13 =	vor.u32 v13, v11  }
0x24a: {  	v42 =	vld [tilespmem:$0x1FF40];
	v46 =	vor.u32 v29, v4;
	v24 =	vor.u32 v38, v13;
	v13 =	vand.u32 $0x6F, v26  }
0x24b: {  	v37 =	vand.u32 $0x60, v0;
	[tilespmem:v5+s6+$0x0] =	vst.idx.msk $0xffff, v14;
	v5 =	vor.u32 v38, v46;
	v26 =	vor.u32 v13, v11;
	v13 =	vld [tilespmem:$0x1FF70]  }
0x24c: {  	[tilespmem:v45+s6+$0x0] =	vst.idx.msk $0xffff, v2;
	v2 =	vor.u32 v37, v57;
	v22 =	vld.idx.msk [tilespmem:v9+s17+$0x0], $0xffff;
	v9 =	vor.u32 v47, v62  }
0x24d: {  	v0 =	vor.u32 v38, v0;
	v12 =	vor.u32 v47, v60;
	v17 =	vld.idx.msk [tilespmem:v30+s17+$0x0], $0xffff;
	v2 =	vor.u32 v38, v2  }
0x24e: {  	v27 =	vor.u32 v47, v49;
	v0 =	vand.u32 $0x6F, v0;
	v20 =	vor.u32 v38, v20;
	v30 =	vld.idx.msk [tilespmem:v33+s17+$0x0], $0xffff  }
0x24f: {  	v0 =	vor.u32 v0, v57;
	v45 =	vor.u32 v42, v10;
	v57 =	vld [tilespmem:$0x1FF60]  }
0x250: {  	v40 =	vor.u32 v1, v18;
	v6 =	vor.u32 v61, v6;
	[tilespmem:v5+s6+$0x0] =	vst.idx.msk $0xffff, v3;
	v3 =	vld [tilespmem:$0x1FF70]  }
0x251: {  	v48 =	vor.u32 v47, v58;
	v50 =	vor.u32 v47, v59;
	v15 =	vor.u32 $0x400, v6;
	v9 =	vld.idx.msk [tilespmem:v9+s17+$0x0], $0xffff  }
0x252: {  	v23 =	vor.u32 v23, v18;
	v54 =	vor.u32 v1, v36;
	[tilespmem:v2+s6+$0x0] =	vst.idx.msk $0xffff, v25;
	v2 =	vld.idx.msk [tilespmem:v12+s17+$0x0], $0xffff  }
0x253: {  	v32 =	vor.u32 $0xC00, v6;
	v53 =	vor.u32 $0xC00, v0;
	v14 =	vor.u32 v38, v19;
	[tilespmem:v20+s6+$0x0] =	vst.idx.msk $0xffff, v30;
	v30 =	vld.idx.msk [tilespmem:v27+s17+$0x0], $0xffff  }
0x254: {  	v14 =	vand.u32 $0x6F, v14;
	[tilespmem:v45+s6+$0x0] =	vst.idx.msk $0xffff, v17;
	v25 =	vor.u32 $0x400, v0;
	v27 =	vor.u32 $0x800, v0;
	v0 =	vld [tilespmem:$0x1FF70]  }
0x255: {  	v7 =	vor.u32 $0x400, v31;
	v8 =	vor.u32 v14, v55;
	v14 =	vor.u32 v39, v63;
	v17 =	vld.idx.msk [tilespmem:v40+s17+$0x0], $0xffff  }
0x256: {  	v55 =	vor.u32 $0x800, v6;
	v28 =	vor.u32 v47, v36;
	v52 =	vor.u32 v1, v16;
	v11 =	vld.idx.msk [tilespmem:v48+s17+$0x0], $0xffff  }
0x257: {  	v43 =	vor.u32 v47, v16;
	v12 =	vor.u32 $0x400, v8;
	v48 =	vor.u32 v1, v58;
	v58 =	vld.idx.msk [tilespmem:v50+s17+$0x0], $0xffff  }
0x258: {  	v61 =	vor.u32 v57, v63;
	v19 =	vor.u32 v57, v10;
	v50 =	vor.u32 v1, v59;
	v59 =	vld [tilespmem:$0x1FF70]  }
0x259: {  	p1 =	slt.u32 s20, $0x78;
	v29 =	vand.u32 $0x6F, v51;
	v57 =	vor.u32 v13, v49;
	v13 =	vor.u32 v1, v60;
	[tilespmem:v15+s6+$0x0] =	vst.idx.msk $0xffff, v9;
	v9 =	vld [tilespmem:$0x1FF80]  }
.Ltmp7:
0x25a: {  	v51 =	vor.u32 $0x800, v31;
	[tilespmem:v14+s6+$0x0] =	vst.idx.msk $0xffff, v21;
	v33 =	vor.u32 v1, v49;
	v49 =	vor.u32 v29, v4;
	(pc) =	sbr.rel @p1 .LBB2_11-.Ltmp7, $4  }
0x25b: {  	v62 =	vor.u32 v1, v62;
	v56 =	vor.u32 $0xC00, v26;
	v29 =	vld.idx.msk [tilespmem:v28+s17+$0x0], $0xffff;
	v34 =	vor.u32 $0x800, v49  }
0x25c: {  	v45 =	vor.u32 $0x800, v26;
	v37 =	vor.u32 v3, v36;
	[tilespmem:v12+s6+$0x0] =	vst.idx.msk $0xffff, v2;
	v35 =	vor.u32 v0, v16  }
0x25d: {  	v40 =	vor.u32 $0xC00, v8;
	v12 =	vld [tilespmem:$0x1FF70];
	v39 =	vor.u32 v59, v60;
	[tilespmem:v19+s6+$0x0] =	vst.idx.msk $0xffff, v17;
	v59 =	vor.u32 v42, v63  }
0x25e: {  	s20 =	sadd.s32 $0x8, s20;
	v36 =	vor.u32 $0x800, v8;
	v60 =	vor.u32 $0x400, v49;
	[tilespmem:v7+s6+$0x0] =	vst.idx.msk $0xffff, v11;
	v28 =	vld.idx.msk [tilespmem:v13+s17+$0x0], $0xffff;
	v46 =	vor.u32 v9, v10  }
0x25f: {  	_ =	sdelay $0x3  }
0x260: {  	v0 =	vld.idx.msk [tilespmem:v62+s17+$0x0], $0xffff;
	[tilespmem:v24+s6+$0x0] =	vst.idx.msk $0xffff, v22  }
0x261: {  	[tilespmem:v25+s6+$0x0] =	vst.idx.msk $0xffff, v58;
	v2 =	vld.idx.msk [tilespmem:v23+s17+$0x0], $0xffff  }
0x262: {  	v3 =	vor.u32 $0x400, v26;
	[tilespmem:v59+s6+$0x0] =	vst.idx.msk $0xffff, v29;
	v4 =	vld.idx.msk [tilespmem:v43+s17+$0x0], $0xffff  }
0x263: {  	[tilespmem:v60+s6+$0x0] =	vst.idx.msk $0xffff, v30;
	v5 =	vld.idx.msk [tilespmem:v54+s17+$0x0], $0xffff  }
0x264: {  	[tilespmem:v36+s6+$0x0] =	vst.idx.msk $0xffff, v28  }
0x265: {  	[tilespmem:v55+s6+$0x0] =	vst.idx.msk $0xffff, v0  }
0x266: {  	[tilespmem:v46+s6+$0x0] =	vst.idx.msk $0xffff, v2  }
0x267: {  	[tilespmem:v3+s6+$0x0] =	vst.idx.msk $0xffff, v4  }
0x268: {  	[tilespmem:v61+s6+$0x0] =	vst.idx.msk $0xffff, v5  }
0x269: {  	v1 =	vld [tilespmem:$0x1FA80];
	_ =	sdelay $0x1  }
0x26a: {  	v6 =	vld.idx.msk [tilespmem:v50+s17+$0x0], $0xffff  }
0x26b: {  	v0 =	vld.idx.msk [tilespmem:v48+s17+$0x0], $0xffff;
	_ =	sdelay $0x3  }
0x26c: {  	[tilespmem:v27+s6+$0x0] =	vst.idx.msk $0xffff, v6  }
0x26d: {  	[tilespmem:v51+s6+$0x0] =	vst.idx.msk $0xffff, v0;
	v43 =	vld.idx.msk [tilespmem:v1+s17+$0x0], $0xffff  }
0x26e: {  	v1 =	vld [tilespmem:$0x1FA70];
	_ =	sdelay $0x7  }
0x26f: {  	v44 =	vld.idx.msk [tilespmem:v1+s17+$0x0], $0xffff  }
0x270: {  	v1 =	vld [tilespmem:$0x1FA90];
	_ =	sdelay $0x1  }
0x271: {  	v2 =	vld.idx.msk [tilespmem:v39+s17+$0x0], $0xffff  }
0x272: {  	v7 =	vld.idx.msk [tilespmem:v33+s17+$0x0], $0xffff  }
0x273: {  	v3 =	vld.idx.msk [tilespmem:v52+s17+$0x0], $0xffff;
	_ =	sdelay $0x1  }
0x274: {  	v0 =	vor.u32 $0xC00, v31  }
0x275: {  	v46 =	vld.idx.msk [tilespmem:v37+s17+$0x0], $0xffff;
	[tilespmem:v40+s6+$0x0] =	vst.idx.msk $0xffff, v2;
	v2 =	vor.u32 v9, v63  }
0x276: {  	[tilespmem:v34+s6+$0x0] =	vst.idx.msk $0xffff, v7;
	v6 =	vld.idx.msk [tilespmem:v1+s17+$0x0], $0xffff  }
0x277: {  	[tilespmem:v45+s6+$0x0] =	vst.idx.msk $0xffff, v3  }
0x278: {  	[tilespmem:v32+s6+$0x0] =	vst.idx.msk $0xffff, v43  }
0x279: {  	[tilespmem:v0+s6+$0x0] =	vst.idx.msk $0xffff, v44  }
0x27a: {  	[tilespmem:v2+s6+$0x0] =	vst.idx.msk $0xffff, v46  }
0x27b: {  	v8 =	vld.idx.msk [tilespmem:v57+s17+$0x0], $0xffff;
	[tilespmem:v53+s6+$0x0] =	vst.idx.msk $0xffff, v6  }
0x27c: {  	v63 =	vld [tilespmem:$0x1FFD0]  }
0x27d: {  	v20 =	vld [tilespmem:$0x1FC40]  }
0x27e: {  	v29 =	vld [tilespmem:$0x1FF20]  }
0x27f: {  	v3 =	vor.u32 $0xC00, v49;
	v14 =	vld [tilespmem:$0x1FAE0]  }
0x280: {  	v44 =	vld [tilespmem:$0x1FED0]  }
0x281: {  	v53 =	vld [tilespmem:$0x1FC30]  }
0x282: {  	v48 =	vld [tilespmem:$0x1FFE0];
	v1 =	vor.u32 v63, v20  }
0x283: {  	[tilespmem:$0x1FA20] =	vst v1;
	v1 =	vld [tilespmem:$0x1FFB0]  }
0x284: {  	v2 =	vld.idx.msk [tilespmem:v35+s17+$0x0], $0xffff;
	[tilespmem:v3+s6+$0x0] =	vst.idx.msk $0xffff, v8  }
0x285: {  	v57 =	vld [tilespmem:$0x1FBE0]  }
0x286: {  	v43 =	vld [tilespmem:$0x1FC20]  }
0x287: {  	v26 =	vld [tilespmem:$0x1FB40]  }
0x288: {  	v47 =	vor.u32 v48, v14;
	v40 =	vld [tilespmem:$0x1FAD0]  }
0x289: {  	v5 =	vand.u32 $0x7F, v47;
	v47 =	vld [tilespmem:$0x1FF90];
	v51 =	vor.u32 v1, v20  }
0x28a: {  	v34 =	vld [tilespmem:$0x1FF00];
	[tilespmem:$0x1FA40] =	vst v51;
	v50 =	vor.u32 v1, v57  }
0x28b: {  	v52 =	vld [tilespmem:$0x1FB60];
	v11 =	vor.u32 v1, v43;
	[tilespmem:$0x1FA30] =	vst v50  }
0x28c: {  	v55 =	vld [tilespmem:$0x1FF10];
	[tilespmem:$0x1FA50] =	vst v11  }
0x28d: {  	v18 =	vld [tilespmem:$0x1FB00];
	[tilespmem:v56+s6+$0x0] =	vst.idx.msk $0xffff, v2  }
0x28e: {  	v45 =	vld [tilespmem:$0x1FBB0]  }
0x28f: {  	v27 =	vld [tilespmem:$0x1FB50]  }
0x290: {  	v59 =	vld [tilespmem:$0x1FC60]  }
0x291: {  	v28 =	vld [tilespmem:$0x1FBD0]  }
0x292: {  	v3 =	vor.u32 v44, v57;
	v58 =	vld [tilespmem:$0x1FEE0]  }
0x293: {  	v62 =	vld [tilespmem:$0x1FC50];
	v16 =	vor.u32 v44, v45  }
0x294: {  	v22 =	vld [tilespmem:$0x1FB20]  }
0x295: {  	v23 =	vld [tilespmem:$0x1FB30]  }
0x296: {  	v38 =	vld [tilespmem:$0x1FBF0]  }
0x297: {  	v49 =	vor.u32 v44, v43;
	v3 =	vld.idx.msk [tilespmem:v3+s17+$0x0], $0xffff;
	v28 =	vor.u32 v34, v28  }
0x298: {  	v30 =	vor.u32 v58, v62;
	v16 =	vld.idx.msk [tilespmem:v16+s17+$0x0], $0xffff  }
0x299: {  	v32 =	vld [tilespmem:$0x1FB10]  }
0x29a: {  	v56 =	vld [tilespmem:$0x1FAB0]  }
0x29b: {  	v36 =	vld [tilespmem:$0x1FBA0]  }
0x29c: {  	v6 =	vld.idx.msk [tilespmem:v49+s17+$0x0], $0xffff;
	v19 =	vor.u32 v44, v59;
	[tilespmem:v28+s6+$0x0] =	vst.idx.msk $0xffff, v3  }
0x29d: {  	v10 =	vor.u32 v47, v20;
	v20 =	vor.u32 v44, v20;
	v42 =	vld [tilespmem:$0x1FC00];
	[tilespmem:v30+s6+$0x0] =	vst.idx.msk $0xffff, v16  }
0x29e: {  	v0 =	vor.u32 v29, v14;
	v32 =	vor.u32 v34, v32;
	v49 =	vld [tilespmem:$0x1FAF0]  }
0x29f: {  	v7 =	vor.u32 v29, v26;
	v12 =	vor.u32 v55, v18;
	v14 =	vor.u32 v55, v14  }
0x2a0: {  	v17 =	vor.u32 v48, v26;
	v21 =	vor.u32 v55, v40;
	v26 =	vor.u32 v55, v26  }
0x2a1: {  	v23 =	vor.u32 v23, v22;
	v33 =	vor.u32 v55, v56;
	v36 =	vor.u32 v34, v36;
	v19 =	vld.idx.msk [tilespmem:v19+s17+$0x0], $0xffff  }
0x2a2: {  	v11 =	vor.u32 v34, v52;
	v20 =	vld.idx.msk [tilespmem:v20+s17+$0x0], $0xffff;
	v33 =	vand.u32 $0x7F, v33;
	v28 =	vor.u32 v58, v23  }
0x2a3: {  	v15 =	vor.u32 v29, v27;
	v61 =	vld [tilespmem:$0x1FC10];
	[tilespmem:v32+s6+$0x0] =	vst.idx.msk $0xffff, v6;
	v51 =	vor.u32 v33, v49  }
0x2a4: {  	v22 =	vor.u32 v48, v27;
	v27 =	vor.u32 v55, v27;
	v52 =	vld [tilespmem:$0x1FB70];
	v55 =	vor.u32 $0x400, v51  }
0x2a5: {  	v46 =	vld [tilespmem:$0x1FB80];
	[tilespmem:$0x1FA60] =	vst v55  }
0x2a6: {  	v31 =	vor.u32 v48, v56;
	v32 =	vld [tilespmem:$0x1FFA0];
	[tilespmem:v36+s6+$0x0] =	vst.idx.msk $0xffff, v19  }
0x2a7: {  	v60 =	vor.u32 v47, v45;
	v58 =	vand.u32 $0x7F, v31;
	v31 =	vld [tilespmem:$0x1FBC0];
	[tilespmem:v28+s6+$0x0] =	vst.idx.msk $0xffff, v20  }
0x2a8: {  	v4 =	vor.u32 v44, v53;
	v28 =	vld [tilespmem:$0x1FAA0]  }
0x2a9: {  	v8 =	vor.u32 v29, v40;
	v26 =	vand.u32 $0x7F, v26;
	v24 =	vor.u32 v47, v59  }
0x2aa: {  	v17 =	vand.u32 $0x7F, v17;
	v7 =	vand.u32 $0x7F, v7;
	v2 =	vor.u32 v29, v18  }
0x2ab: {  	v25 =	vor.u32 v44, v38;
	v29 =	vor.u32 v29, v56;
	v56 =	vand.u32 $0x7F, v21  }
0x2ac: {  	v27 =	vand.u32 $0x7F, v27;
	v17 =	vor.u32 v17, v61;
	v30 =	vor.u32 v32, v62;
	v21 =	vld.idx.msk [tilespmem:v60+s17+$0x0], $0xffff  }
0x2ad: {  	v26 =	vor.u32 v26, v61;
	v4 =	vld.idx.msk [tilespmem:v4+s17+$0x0], $0xffff;
	v60 =	vor.u32 v27, v31;
	v28 =	vor.u32 v34, v28  }
0x2ae: {  	v7 =	vor.u32 v7, v61;
	v61 =	vld.idx.msk [tilespmem:v24+s17+$0x0], $0xffff;
	v27 =	vand.u32 $0x7F, v29;
	v19 =	vor.u32 $0x400, v60  }
0x2af: {  	v10 =	vld.idx.msk [tilespmem:v10+s17+$0x0], $0xffff;
	v20 =	vor.u32 v27, v49;
	v27 =	vor.u32 v32, v23;
	_ =	sdelay $0x1  }
0x2b0: {  	v18 =	vor.u32 v48, v18;
	[tilespmem:v30+s6+$0x0] =	vst.idx.msk $0xffff, v21  }
0x2b1: {  	v16 =	vand.u32 $0x7F, v18;
	v29 =	vor.u32 v44, v42;
	v30 =	vld [tilespmem:$0x1FB90];
	[tilespmem:v28+s6+$0x0] =	vst.idx.msk $0xffff, v4  }
0x2b2: {  	v18 =	vor.u32 v58, v49;
	v49 =	vor.u32 v47, v57;
	[tilespmem:v19+s6+$0x0] =	vst.idx.msk $0xffff, v61;
	v61 =	vld.idx.msk [tilespmem:v25+s17+$0x0], $0xffff  }
0x2b3: {  	v0 =	vand.u32 $0x7F, v0;
	v54 =	vor.u32 v1, v53;
	v9 =	vor.u32 v47, v53;
	v35 =	vld [tilespmem:$0x1FAC0];
	[tilespmem:v27+s6+$0x0] =	vst.idx.msk $0xffff, v10  }
0x2b4: {  	v13 =	vor.u32 v47, v43;
	v24 =	vor.u32 v0, v52;
	v0 =	vor.u32 v1, v45;
	v25 =	vld [tilespmem:$0x1FFC0]  }
0x2b5: {  	v43 =	vor.u32 v63, v43;
	v12 =	vand.u32 $0x7F, v12;
	v14 =	vand.u32 $0x7F, v14  }
0x2b6: {  	v8 =	vand.u32 $0x7F, v8;
	v22 =	vand.u32 $0x7F, v22;
	v15 =	vand.u32 $0x7F, v15;
	v60 =	vld.idx.msk [tilespmem:v29+s17+$0x0], $0xffff  }
0x2b7: {  	v36 =	vor.u32 $0x400, v26;
	v21 =	vor.u32 v22, v31;
	v31 =	vor.u32 v15, v31;
	v15 =	vld.idx.msk [tilespmem:v49+s17+$0x0], $0xffff  }
0x2b8: {  	v50 =	vor.u32 v47, v38;
	v32 =	vor.u32 v16, v30;
	v16 =	vor.u32 v34, v35  }
0x2b9: {  	v3 =	vor.u32 v47, v42;
	v37 =	vor.u32 v1, v42;
	v0 =	vld.idx.msk [tilespmem:v0+s17+$0x0], $0xffff;
	v10 =	vor.u32 v25, v62  }
0x2ba: {  	v6 =	vor.u32 v14, v52;
	v14 =	vor.u32 v56, v46;
	v5 =	vor.u32 v5, v52  }
0x2bb: {  	v2 =	vand.u32 $0x7F, v2;
	v56 =	vor.u32 v48, v40;
	v40 =	vor.u32 v1, v38;
	[tilespmem:v11+s6+$0x0] =	vst.idx.msk $0xffff, v60  }
0x2bc: {  	v55 =	vor.u32 v63, v45;
	v33 =	vor.u32 $0xC00, v20;
	v20 =	vor.u32 v1, v59;
	[tilespmem:v36+s6+$0x0] =	vst.idx.msk $0xffff, v15  }
0x2bd: {  	v39 =	vor.u32 $0x400, v14;
	v26 =	vor.u32 v63, v57;
	v45 =	vor.u32 v63, v38;
	[tilespmem:v16+s6+$0x0] =	vst.idx.msk $0xffff, v61  }
0x2be: {  	v58 =	vor.u32 $0x400, v6;
	v22 =	vor.u32 v8, v46;
	v59 =	vor.u32 v63, v59;
	[tilespmem:v10+s6+$0x0] =	vst.idx.msk $0xffff, v0  }
0x2bf: {  	v12 =	vor.u32 v12, v30;
	v2 =	vor.u32 v2, v30;
	v30 =	vor.u32 v63, v53;
	v0 =	vld [tilespmem:$0x1FEF0]  }
0x2c0: {  	v52 =	vor.u32 $0x400, v12;
	v4 =	vand.u32 $0x7F, v56;
	v48 =	vor.u32 $0x800, v32;
	v28 =	vld.idx.msk [tilespmem:v9+s17+$0x0], $0xffff  }
0x2c1: {  	v32 =	vor.u32 $0xC00, v7;
	v49 =	vor.u32 $0x800, v17;
	v38 =	vor.u32 $0xC00, v2;
	v29 =	vld.idx.msk [tilespmem:v20+s17+$0x0], $0xffff  }
0x2c2: {  	v4 =	vor.u32 v4, v46;
	v27 =	vor.u32 v63, v42;
	v46 =	vor.u32 $0x800, v18;
	v60 =	vld.idx.msk [tilespmem:v13+s17+$0x0], $0xffff  }
0x2c3: {  	v51 =	vor.u32 $0x800, v4;
	v35 =	vor.u32 $0x800, v5;
	v56 =	vor.u32 v25, v23;
	v25 =	vld.idx.msk [tilespmem:v50+s17+$0x0], $0xffff  }
0x2c4: {  	s20 =	simm.s32 $0x8;
	v61 =	vor.u32 $0x800, v21;
	v36 =	vor.u32 v0, v62;
	v62 =	vld.idx.msk [tilespmem:v3+s17+$0x0], $0xffff;
	v42 =	vor.u32 v0, v23  }
.LBB2_13:
0x2c5: {  	v2 =	vld [tilespmem:$0x1FA40]  }
0x2c6: {  	v9 =	vld [tilespmem:$0x1FA30]  }
0x2c7: {  	v17 =	vld [tilespmem:$0x1FA60]  }
0x2c8: {  	s21 =	sadd.s32 $0x1, s20;
	s22 =	sadd.s32 $0x2, s20;
	s24 =	sadd.s32 $0x3, s20;
	v50 =	vor.u32 $0xC00, v22;
	v0 =	vor.u32 $0xC00, v24;
	v3 =	vor.u32 $0xC00, v31;
	v53 =	vld [tilespmem:$0x1FF20]  }
0x2c9: {  	[tilespmem:v61+s6+$0x0] =	vst.idx.msk $0xffff, v29;
	v16 =	vld [tilespmem:$0x1FA50];
	v57 =	vadd.s32 s21, v41;
	v4 =	vadd.s32 s22, v41;
	v5 =	vadd.s32 s24, v41;
	s21 =	sadd.s32 $0x4, s20;
	s22 =	sadd.s32 $0x5, s20  }
0x2ca: {  	s23 =	smov.u32 s20;
	s24 =	sadd.s32 $0x6, s20;
	v6 =	vshll.u32 v5, $0x5;
	v7 =	vadd.s32 s21, v41;
	v8 =	vadd.s32 s22, v41;
	[tilespmem:v58+s6+$0x0] =	vst.idx.msk $0xffff, v60;
	v58 =	vld.idx.msk [tilespmem:v59+s17+$0x0], $0xffff  }
0x2cb: {  	s22 =	sadd.s32 $0x7, s23;
	v13 =	vadd.s32 s24, v41;
	v23 =	vand.u32 $0x7F, v4;
	v29 =	vshll.u32 v57, $0x7;
	[tilespmem:v52+s6+$0x0] =	vst.idx.msk $0xffff, v28;
	v59 =	vld [tilespmem:$0x1FA20]  }
0x2cc: {  	v22 =	vand.u32 $0x7F, v8;
	v15 =	vadd.s32 s22, v41;
	v34 =	vor.u32 v1, v23;
	[tilespmem:v39+s6+$0x0] =	vst.idx.msk $0xffff, v62;
	v11 =	vld.idx.msk [tilespmem:v54+s17+$0x0], $0xffff  }
0x2cd: {  	v18 =	vor.u32 v44, v23;
	v19 =	vshll.u32 v7, $0x7;
	[tilespmem:$0x1FA30] =	vst v34;
	v10 =	vor.u32 v53, v6;
	v14 =	vld.idx.msk [tilespmem:v37+s17+$0x0], $0xffff  }
0x2ce: {  	v31 =	vor.u32 v44, v22;
	v24 =	vor.u32 v1, v22;
	v54 =	vld [tilespmem:$0x1FFE0];
	[tilespmem:$0x1FA10] =	vst v10;
	v10 =	vand.u32 $0x7F, v7  }
0x2cf: {  	v60 =	vand.u32 $0x3000, v29;
	v19 =	vand.u32 $0x3000, v19;
	v37 =	vld.idx.msk [tilespmem:v55+s17+$0x0], $0xffff;
	v29 =	vor.u32 v1, v10;
	[tilespmem:v17+s6+$0x0] =	vst.idx.msk $0xffff, v25  }
0x2d0: {  	v55 =	vand.u32 $0x380, v6;
	v7 =	vshll.u32 v7, $0x5;
	v12 =	vor.u32 v63, v10;
	v2 =	vld.idx.msk [tilespmem:v2+s17+$0x0], $0xffff;
	[tilespmem:$0x1FA40] =	vst v29  }
0x2d1: {  	v7 =	vand.u32 $0x380, v7;
	v9 =	vld.idx.msk [tilespmem:v9+s17+$0x0], $0xffff;
	v17 =	vshll.u32 v4, $0x5;
	v25 =	vand.u32 $0x7F, v5;
	[tilespmem:v3+s6+$0x0] =	vst.idx.msk $0xffff, v58  }
0x2d2: {  	v16 =	vld.idx.msk [tilespmem:v16+s17+$0x0], $0xffff;
	v29 =	vand.u32 $0x7F, v15;
	v4 =	vshll.u32 v4, $0x7;
	v5 =	vshll.u32 v5, $0x7;
	[tilespmem:v48+s6+$0x0] =	vst.idx.msk $0xffff, v11  }
0x2d3: {  	v21 =	vand.u32 $0x60, v17;
	v61 =	vor.u32 v44, v25;
	[tilespmem:v51+s6+$0x0] =	vst.idx.msk $0xffff, v14;
	v52 =	vld.idx.msk [tilespmem:v30+s17+$0x0], $0xffff;
	v30 =	vmov v12  }
0x2d4: {  	v20 =	vld.idx.msk [tilespmem:v40+s17+$0x0], $0xffff;
	v40 =	vshll.u32 v57, $0x5;
	v4 =	vand.u32 $0x3000, v4;
	v3 =	vand.u32 $0x3000, v5;
	[tilespmem:$0x1FA20] =	vst v30  }
0x2d5: {  	v34 =	vld [tilespmem:$0x1FF00];
	v28 =	vor.u32 v54, v6;
	v62 =	vand.u32 $0x60, v40;
	v11 =	vshll.u32 v8, $0x5;
	[tilespmem:v56+s6+$0x0] =	vst.idx.msk $0xffff, v2  }
0x2d6: {  	v48 =	vor.u32 v53, v17;
	v8 =	vshll.u32 v8, $0x7;
	v51 =	vand.u32 $0x60, v11;
	v27 =	vld.idx.msk [tilespmem:v27+s17+$0x0], $0xffff;
	[tilespmem:v49+s6+$0x0] =	vst.idx.msk $0xffff, v9  }
0x2d7: {  	v8 =	vand.u32 $0x3000, v8;
	v30 =	vand.u32 $0x380, v40;
	v2 =	vshll.u32 v13, $0x5;
	[tilespmem:v35+s6+$0x0] =	vst.idx.msk $0xffff, v16;
	v39 =	vld.idx.msk [tilespmem:v59+s17+$0x0], $0xffff  }
0x2d8: {  	v35 =	vor.u32 v47, v22;
	v49 =	vor.u32 v1, v25;
	v14 =	vld.idx.msk [tilespmem:v26+s17+$0x0], $0xffff;
	v26 =	vor.u32 v30, v60  }
0x2d9: {  	v9 =	vshll.u32 v13, $0x7;
	v30 =	vor.u32 v53, v40;
	v16 =	vld.idx.msk [tilespmem:v43+s17+$0x0], $0xffff;
	[tilespmem:v46+s6+$0x0] =	vst.idx.msk $0xffff, v20;
	v20 =	vand.u32 $0x60, v6  }
0x2da: {  	v46 =	vor.u32 v47, v10;
	[tilespmem:$0x1FA50] =	vst v49;
	v49 =	vor.u32 v47, v25;
	v43 =	vor.u32 v55, v3  }
0x2db: {  	[tilespmem:v36+s6+$0x0] =	vst.idx.msk $0xffff, v37;
	v59 =	vld [tilespmem:$0x1FF10];
	v10 =	vor.u32 v44, v10;
	v9 =	vand.u32 $0x3000, v9;
	v12 =	vor.u32 v62, v26  }
0x2dc: {  	v63 =	vld.idx.msk [tilespmem:v45+s17+$0x0], $0xffff;
	v45 =	vor.u32 v53, v11;
	v20 =	vor.u32 v20, v43;
	[tilespmem:v38+s6+$0x0] =	vst.idx.msk $0xffff, v52  }
0x2dd: {  	v62 =	vand.u32 $0x380, v11;
	v36 =	vor.u32 v34, v12;
	v12 =	vor.u32 v54, v17;
	[tilespmem:v50+s6+$0x0] =	vst.idx.msk $0xffff, v27  }
0x2de: {  	v38 =	vor.u32 v62, v8;
	v50 =	vor.u32 v7, v19;
	v7 =	vor.u32 v54, v2  }
0x2df: {  	v19 =	vand.u32 $0x7F, v57;
	v27 =	vshll.u32 v15, $0x5;
	v15 =	vshll.u32 v15, $0x7  }
0x2e0: {  	v20 =	vor.u32 v34, v20;
	v15 =	vand.u32 $0x3000, v15;
	v52 =	vor.u32 v53, v27;
	[tilespmem:v42+s6+$0x0] =	vst.idx.msk $0xffff, v39  }
0x2e1: {  	v60 =	vor.u32 v59, v11;
	[tilespmem:v32+s6+$0x0] =	vst.idx.msk $0xffff, v14;
	v3 =	vor.u32 v59, v6;
	v6 =	vand.u32 $0x380, v2  }
0x2e2: {  	[tilespmem:v0+s6+$0x0] =	vst.idx.msk $0xffff, v16;
	v0 =	vand.u32 $0x380, v17;
	v42 =	vand.u32 $0x7F, v13;
	v32 =	vor.u32 v53, v2  }
0x2e3: {  	v14 =	vand.u32 $0x60, v2;
	v11 =	vor.u32 v54, v11;
	v8 =	vor.u32 v59, v40  }
0x2e4: {  	v58 =	vor.u32 v59, v17;
	v2 =	vor.u32 v59, v2;
	v17 =	vand.u32 $0x60, v27  }
0x2e5: {  	v5 =	vand.u32 $0x7F, v60;
	[tilespmem:v33+s6+$0x0] =	vst.idx.msk $0xffff, v63;
	v16 =	vor.u32 v44, v42;
	v63 =	vor.u32 v44, v29  }
0x2e6: {  	v55 =	vor.u32 v47, v42;
	v0 =	vor.u32 v0, v4;
	v60 =	vadd.s32 s23, v41  }
0x2e7: {  	v4 =	vand.u32 $0x7F, v58;
	v3 =	vand.u32 $0x7F, v3;
	v56 =	vand.u32 $0x7F, v60  }
0x2e8: {  	v58 =	vor.u32 v54, v27;
	v6 =	vor.u32 v6, v9;
	v13 =	vor.u32 v44, v56  }
0x2e9: {  	v53 =	vld [tilespmem:$0x1FEE0];
	v62 =	vshll.u32 v60, $0x5;
	v21 =	vor.u32 v21, v0;
	v33 =	vshll.u32 v60, $0x7  }
0x2ea: {  	v14 =	vor.u32 v14, v6;
	v57 =	vld.idx.msk [tilespmem:v63+s17+$0x0], $0xffff;
	v63 =	vand.u32 $0x380, v27;
	v27 =	vor.u32 v59, v27  }
0x2eb: {  	v18 =	vld.idx.msk [tilespmem:v18+s17+$0x0], $0xffff;
	v37 =	vand.u32 $0x380, v62;
	v15 =	vor.u32 v63, v15;
	v27 =	vand.u32 $0x7F, v27  }
0x2ec: {  	v33 =	vand.u32 $0x3000, v33;
	v14 =	vor.u32 v34, v14;
	v16 =	vld.idx.msk [tilespmem:v16+s17+$0x0], $0xffff;
	v27 =	vor.u32 v27, v15  }
0x2ed: {  	v21 =	vor.u32 v34, v21;
	v63 =	vor.u32 v33, v37;
	v13 =	vld.idx.msk [tilespmem:v13+s17+$0x0], $0xffff;
	v27 =	vor.u32 $0x400, v27  }
0x2ee: {  	v33 =	vor.u32 v53, v63;
	[tilespmem:$0x1FA60] =	vst v27;
	v27 =	vor.u32 v51, v38;
	v51 =	vand.u32 $0x7F, v58;
	v58 =	vld [tilespmem:$0x1FFA0]  }
0x2ef: {  	v10 =	vld.idx.msk [tilespmem:v10+s17+$0x0], $0xffff;
	v2 =	vand.u32 $0x7F, v2;
	v8 =	vand.u32 $0x7F, v8;
	v60 =	vor.u32 v47, v56  }
0x2f0: {  	v11 =	vand.u32 $0x7F, v11;
	v61 =	vld.idx.msk [tilespmem:v61+s17+$0x0], $0xffff;
	v8 =	vor.u32 v8, v26;
	v59 =	vor.u32 v53, v50  }
0x2f1: {  	v3 =	vor.u32 v3, v43;
	v2 =	vor.u32 v2, v6;
	v39 =	vor.u32 $0x400, v8;
	[tilespmem:v14+s6+$0x0] =	vst.idx.msk $0xffff, v16;
	v16 =	vld [tilespmem:$0x1FFD0]  }
0x2f2: {  	v2 =	vor.u32 $0x400, v2;
	[tilespmem:v21+s6+$0x0] =	vst.idx.msk $0xffff, v18;
	v21 =	vand.u32 $0x7F, v52;
	v8 =	vor.u32 v51, v15;
	v14 =	vld.idx.msk [tilespmem:v55+s17+$0x0], $0xffff  }
0x2f3: {  	[tilespmem:v33+s6+$0x0] =	vst.idx.msk $0xffff, v13;
	v33 =	vor.u32 v21, v15;
	v21 =	vld.idx.msk [tilespmem:v31+s17+$0x0], $0xffff;
	v53 =	vor.u32 v58, v50  }
0x2f4: {  	v51 =	vld.idx.msk [tilespmem:v60+s17+$0x0], $0xffff;
	v60 =	vor.u32 v58, v63;
	v58 =	vor.u32 $0x400, v3;
	v3 =	vor.u32 v34, v27  }
0x2f5: {  	v11 =	vor.u32 v11, v38;
	v18 =	vor.u32 v44, v19;
	[tilespmem:v59+s6+$0x0] =	vst.idx.msk $0xffff, v10;
	v10 =	vand.u32 $0x7F, v32;
	v32 =	vld [tilespmem:$0x1FFD0]  }
0x2f6: {  	v12 =	vand.u32 $0x7F, v12;
	[tilespmem:v20+s6+$0x0] =	vst.idx.msk $0xffff, v61;
	v20 =	vand.u32 $0x7F, v48;
	v48 =	vor.u32 $0x800, v11;
	v11 =	vld.idx.msk [tilespmem:v46+s17+$0x0], $0xffff  }
0x2f7: {  	v40 =	vor.u32 v54, v40;
	v9 =	vor.u32 v47, v29;
	v61 =	vor.u32 v47, v23;
	v46 =	vld [tilespmem:$0x1FFC0]  }
0x2f8: {  	v7 =	vand.u32 $0x7F, v7;
	v17 =	vor.u32 v17, v15;
	v13 =	vor.u32 v1, v56;
	[tilespmem:v2+s6+$0x0] =	vst.idx.msk $0xffff, v14;
	v2 =	vld [tilespmem:$0x1FFD0]  }
0x2f9: {  	v59 =	vor.u32 v1, v42;
	[tilespmem:v3+s6+$0x0] =	vst.idx.msk $0xffff, v21;
	v3 =	vor.u32 v34, v17;
	v17 =	vand.u32 $0x7F, v45;
	v45 =	vld [tilespmem:$0x1FA10]  }
0x2fa: {  	v12 =	vor.u32 v12, v0;
	v5 =	vor.u32 v5, v38;
	v27 =	vor.u32 v16, v19;
	v16 =	vld.idx.msk [tilespmem:v18+s17+$0x0], $0xffff  }
0x2fb: {  	v7 =	vor.u32 v7, v6;
	v4 =	vor.u32 v4, v0;
	v62 =	vor.u32 v47, v19;
	v34 =	vld [tilespmem:$0x1FEF0]  }
0x2fc: {  	v28 =	vand.u32 $0x7F, v28;
	v4 =	vor.u32 $0x400, v4;
	v37 =	vor.u32 v1, v19;
	v15 =	vld.idx.msk [tilespmem:v61+s17+$0x0], $0xffff;
	[tilespmem:v60+s6+$0x0] =	vst.idx.msk $0xffff, v51  }
0x2fd: {  	v52 =	vor.u32 $0x400, v5;
	v5 =	vand.u32 $0x7F, v40;
	v40 =	vor.u32 v1, v29;
	v13 =	vld.idx.msk [tilespmem:v13+s17+$0x0], $0xffff  }
0x2fe: {  	v31 =	vor.u32 v10, v6;
	v6 =	vand.u32 $0x7F, v45;
	v45 =	vor.u32 v2, v29;
	v29 =	vld.idx.msk [tilespmem:v59+s17+$0x0], $0xffff  }
0x2ff: {  	v0 =	vor.u32 v20, v0;
	v5 =	vor.u32 v5, v26;
	v18 =	vor.u32 v46, v63;
	v59 =	vld [tilespmem:$0x1FFD0]  }
0x300: {  	v61 =	vor.u32 $0x800, v7;
	v33 =	vor.u32 $0xC00, v33;
	[tilespmem:v36+s6+$0x0] =	vst.idx.msk $0xffff, v16;
	v36 =	vor.u32 v34, v63;
	v63 =	vld [tilespmem:$0x1FFD0]  }
0x301: {  	p1 =	slt.u32 s20, $0x78;
	v55 =	vor.u32 v32, v56;
	v32 =	vor.u32 $0xC00, v0;
	v0 =	vor.u32 v28, v43;
	[tilespmem:v4+s6+$0x0] =	vst.idx.msk $0xffff, v15  }
.Ltmp8:
0x302: {  	v56 =	vor.u32 v46, v50;
	v46 =	vor.u32 $0x800, v8;
	v51 =	vor.u32 $0x800, v5;
	v60 =	vld.idx.msk [tilespmem:v49+s17+$0x0], $0xffff;
	[tilespmem:v53+s6+$0x0] =	vst.idx.msk $0xffff, v11;
	(pc) =	sbr.rel @p1 .LBB2_13-.Ltmp8, $4  }
0x303: {  	v49 =	vor.u32 $0x800, v12;
	v28 =	vld.idx.msk [tilespmem:v35+s17+$0x0], $0xffff;
	v5 =	vor.u32 v17, v38;
	v35 =	vor.u32 $0x800, v0;
	[tilespmem:v3+s6+$0x0] =	vst.idx.msk $0xffff, v57  }
0x304: {  	v54 =	vmovc v24;
	v38 =	vor.u32 $0xC00, v5;
	v2 =	vand.u32 $0x7F, v30;
	v24 =	vor.u32 v6, v43;
	[tilespmem:v18+s6+$0x0] =	vst.idx.msk $0xffff, v13  }
0x305: {  	v62 =	vld.idx.msk [tilespmem:v62+s17+$0x0], $0xffff;
	v59 =	vor.u32 v59, v42;
	v42 =	vor.u32 v34, v50;
	v43 =	vor.u32 v63, v25  }
0x306: {  	s20 =	sadd.s32 $0x8, s20;
	v30 =	vor.u32 v63, v22;
	v25 =	vld.idx.msk [tilespmem:v9+s17+$0x0], $0xffff;
	v22 =	vor.u32 v2, v26;
	v26 =	vor.u32 v63, v23  }
0x307: {  	_ =	sdelay $0x3  }
0x308: {  	[tilespmem:v58+s6+$0x0] =	vst.idx.msk $0xffff, v60  }
0x309: {  	v0 =	vld [tilespmem:$0x1FA40];
	[tilespmem:v52+s6+$0x0] =	vst.idx.msk $0xffff, v28  }
0x30a: {  	v1 =	vld [tilespmem:$0x1FA30]  }
0x30b: {  	[tilespmem:v61+s6+$0x0] =	vst.idx.msk $0xffff, v29  }
0x30c: {  	v3 =	vld.idx.msk [tilespmem:v54+s17+$0x0], $0xffff;
	[tilespmem:v39+s6+$0x0] =	vst.idx.msk $0xffff, v62  }
0x30d: {  	v54 =	vld [tilespmem:$0x1FA60];
	_ =	sdelay $0x1  }
0x30e: {  	v53 =	vld [tilespmem:$0x1FA50];
	_ =	sdelay $0x1  }
0x30f: {  	v0 =	vld.idx.msk [tilespmem:v0+s17+$0x0], $0xffff  }
0x310: {  	v2 =	vld.idx.msk [tilespmem:v1+s17+$0x0], $0xffff;
	_ =	sdelay $0x1  }
0x311: {  	[tilespmem:v48+s6+$0x0] =	vst.idx.msk $0xffff, v3  }
0x312: {  	v55 =	vld.idx.msk [tilespmem:v55+s17+$0x0], $0xffff;
	[tilespmem:v54+s6+$0x0] =	vst.idx.msk $0xffff, v25  }
0x313: {  	v4 =	vld.idx.msk [tilespmem:v37+s17+$0x0], $0xffff;
	[tilespmem:v56+s6+$0x0] =	vst.idx.msk $0xffff, v0  }
0x314: {  	v5 =	vld.idx.msk [tilespmem:v53+s17+$0x0], $0xffff;
	[tilespmem:v49+s6+$0x0] =	vst.idx.msk $0xffff, v2  }
0x315: {  	v1 =	vld [tilespmem:$0x1FA20]  }
0x316: {  	v6 =	vld.idx.msk [tilespmem:v40+s17+$0x0], $0xffff  }
0x317: {  	v60 =	vld.idx.msk [tilespmem:v30+s17+$0x0], $0xffff  }
0x318: {  	s8 =	sor.u32 $0x20, s8;
	v7 =	vld.idx.msk [tilespmem:v59+s17+$0x0], $0xffff;
	v56 =	vor.u32 $0xC00, v31;
	[tilespmem:v51+s6+$0x0] =	vst.idx.msk $0xffff, v4  }
0x319: {  	s8 =	smin.u32 s8, $0x13CD;
	v58 =	vld.idx.msk [tilespmem:v26+s17+$0x0], $0xffff;
	[tilespmem:v36+s6+$0x0] =	vst.idx.msk $0xffff, v55  }
0x31a: {  	s20 =	smulhi.u32 $0x1501502, s8;
	v62 =	vor.u32 $0xC00, v22;
	[tilespmem:v35+s6+$0x0] =	vst.idx.msk $0xffff, v5;
	v63 =	vld.idx.msk [tilespmem:v27+s17+$0x0], $0xffff  }
0x31b: {  	v59 =	vor.u32 $0xC00, v24;
	v8 =	vld.idx.msk [tilespmem:v43+s17+$0x0], $0xffff;
	[tilespmem:v46+s6+$0x0] =	vst.idx.msk $0xffff, v6  }
0x31c: {  	s21 =	smul.u32 $0xC3, s20;
	[tilespmem:v38+s6+$0x0] =	vst.idx.msk $0xffff, v60;
	v61 =	vld.idx.msk [tilespmem:v45+s17+$0x0], $0xffff  }
0x31d: {  	[tilespmem:v56+s6+$0x0] =	vst.idx.msk $0xffff, v7;
	v57 =	vld.idx.msk [tilespmem:v1+s17+$0x0], $0xffff  }
0x31e: {  	s20 =	smul.u32 $0x61A8, s20;
	s8 =	ssub.s32 s8, s21;
	[tilespmem:v32+s6+$0x0] =	vst.idx.msk $0xffff, v58  }
0x31f: {  	s8 =	sshll.u32 s8, $0x7;
	[tilespmem:v62+s6+$0x0] =	vst.idx.msk $0xffff, v63  }
0x320: {  	s8 =	sadd.s32 s8, s20;
	[tilespmem:v59+s6+$0x0] =	vst.idx.msk $0xffff, v8  }
0x321: {  	s20 =	sshll.u32 s8, $0x4;
	[tilespmem:v33+s6+$0x0] =	vst.idx.msk $0xffff, v61  }
0x322: {  	s20 =	sadd.s32 s4, s20;
	[tilespmem:v42+s6+$0x0] =	vst.idx.msk $0xffff, v57  }
0x323: {  	[hbm4b:s20+s2] =	stream.linear.scatter [tilespmem:s6], [sflag:$0x4], $0x400, $0x38;
	[tilespmem:$0x10000] =	vst v63  }
0x324: {  	s22 =	simm.s32 $0xD000;
	s24 =	sadd.s32 $0x80, s20  }
0x325: {  	[hbm4b:s24+s2] =	stream.linear.scatter [tilespmem:s22], [sflag:$0x4], $0x400, $0x38;
	[tilespmem:$0x10000] =	vst v63  }
0x326: {  	s23 =	simm.s32 $0xE000;
	s8 =	sshll.u32 s8, $0x7;
	s22 =	sadd.s32 $0x100, s20  }
0x327: {  	[hbm4b:s22+s2] =	stream.linear.scatter [tilespmem:s23], [sflag:$0x4], $0x400, $0x38;
	[tilespmem:$0x10000] =	vst v63  }
0x328: {  	s21 =	sadd.s32 $0x1000, s8;
	s20 =	sadd.s32 $0x180, s20;
	s24 =	simm.s32 $0xF000  }
0x329: {  	[hbm4b:s20+s2] =	stream.linear.scatter [tilespmem:s24], [sflag:$0x4], $0x400, $0x38;
	[tilespmem:$0x10000] =	vst v63  }
0x32a: {  	s20 =	sshrl.u32 s21, $0x3  }
0x32b: {  	s22 =	simm.s32 $0xC400;
	s20 =	sadd.s32 s4, s20  }
0x32c: {  	[hbm4b:s20+s2] =	stream.linear.scatter [tilespmem:s22], [sflag:$0x4], $0x400, $0x38;
	[tilespmem:$0x10000] =	vst v63  }
0x32d: {  	s24 =	simm.s32 $0xD400;
	s23 =	sadd.s32 $0x80, s20  }
0x32e: {  	[hbm4b:s23+s2] =	stream.linear.scatter [tilespmem:s24], [sflag:$0x4], $0x400, $0x38;
	[tilespmem:$0x10000] =	vst v63  }
0x32f: {  	s22 =	sadd.s32 $0x100, s20  }
0x330: {  	[hbm4b:s22+s2] =	stream.linear.scatter [tilespmem:s25], [sflag:$0x4], $0x400, $0x38;
	[tilespmem:$0x10000] =	vst v63  }
0x331: {  	s20 =	sadd.s32 $0x180, s20;
	s23 =	sadd.s32 $0x2000, s8  }
0x332: {  	[hbm4b:s20+s2] =	stream.linear.scatter [tilespmem:s26], [sflag:$0x4], $0x400, $0x38;
	[tilespmem:$0x10000] =	vst v63  }
0x333: {  	s20 =	sshrl.u32 s23, $0x3  }
0x334: {  	s20 =	sadd.s32 s4, s20  }
0x335: {  	[hbm4b:s20+s2] =	stream.linear.scatter [tilespmem:s28], [sflag:$0x4], $0x400, $0x38;
	[tilespmem:$0x10000] =	vst v63  }
0x336: {  	s24 =	sadd.s32 $0x80, s20  }
0x337: {  	[hbm4b:s24+s2] =	stream.linear.scatter [tilespmem:s29], [sflag:$0x4], $0x400, $0x38;
	[tilespmem:$0x10000] =	vst v63  }
0x338: {  	s8 =	sadd.s32 $0x3000, s8;
	s22 =	sadd.s32 $0x100, s20  }
0x339: {  	[hbm4b:s22+s2] =	stream.linear.scatter [tilespmem:s30], [sflag:$0x4], $0x400, $0x38;
	[tilespmem:$0x10000] =	vst v63  }
0x33a: {  	s8 =	sshrl.u32 s8, $0x3;
	s20 =	sadd.s32 $0x180, s20  }
0x33b: {  	[hbm4b:s20+s2] =	stream.linear.scatter [tilespmem:s31], [sflag:$0x4], $0x400, $0x38;
	[tilespmem:$0x10000] =	vst v63  }
0x33c: {  	s8 =	sadd.s32 s4, s8  }
0x33d: {  	[hbm4b:s8+s2] =	stream.linear.scatter [tilespmem:s1], [sflag:$0x4], $0x400, $0x38;
	[tilespmem:$0x10000] =	vst v63  }
0x33e: {  	p1 =	seq.s32 s10, $0x4F;
	s23 =	sadd.s32 $0x80, s8  }
0x33f: {  	[hbm4b:s23+s2] =	stream.linear.scatter [tilespmem:s3], [sflag:$0x4], $0x400, $0x38;
	[tilespmem:$0x10000] =	vst v63  }
.Ltmp9:
0x340: {  	_ = 	snop;
	(pc) =	sbr.rel @p1 .LBB2_16-.Ltmp9, $4  }
0x341: {  	s24 =	sadd.s32 $0x100, s8  }
0x342: {  	[hbm4b:s24+s2] =	stream.linear.scatter [tilespmem:s12], [sflag:$0x4], $0x400, $0x38;
	[tilespmem:$0x10000] =	vst v63  }
0x343: {  	s8 =	sadd.s32 $0x180, s8  }
0x344: {  	[hbm4b:s8+s2] =	stream.linear.scatter [tilespmem:s13], [sflag:$0x4], $0x400, $0x38;
	[tilespmem:$0x10000] =	vst v63  }
0x345: {  	s8 =	sadd.s32 s9, s11  }
0x346: {  	s8 =	smin.u32 s8, $0x13CD  }
0x347: {  	s24 =	smulhi.u32 $0x1501502, s8;
	_ =	sdelay $0x1  }
0x348: {  	s20 =	smul.u32 $0xC3, s24;
	_ =	sdelay $0x1  }
0x349: {  	v8 =	vld [tilespmem:$0x1FF30];
	s11 =	smul.u32 $0x30E000, s24;
	s8 =	ssub.s32 s8, s20  }
.Ltmp10:
0x34a: {  	v10 =	vld [tilespmem:$0x1FF40];
	s8 =	sshll.u32 s8, $0xC;
	(pc) =	sbr.rel .LBB2_2-.Ltmp10, $4  }
0x34b: {  	v12 =	vld [tilespmem:$0x1FF50];
	s8 =	sadd.s32 s8, s11  }
0x34c: {  	v14 =	vld [tilespmem:$0x1FF60];
	s8 =	sshrl.u32 s8, $0x3  }
0x34d: {  	s10 =	sadd.s32 $0x1, s10;
	v16 =	vld [tilespmem:$0x1FF70];
	s8 =	sadd.s32 s0, s8  }
0x34e: {  	v2 =	vlaneseq.u32;
	v15 =	vld [tilespmem:$0x1FF80];
	v1 =	vmov v41;
	[tilespmem:s17], [sflag:$0x2] =	stream.strided.gather [hbm4b:s8+s15], $0x4000, s16, s15, $0x38  }
.LBB2_16:
0x34f: {  	s8 =	simm.s32 $0x3  }
0x350: {  	_ =	swait.ge [sflag:s8], $0x1000  }
0x351: {  	[sflag:s8] =	ssyncset.done $0x0  }
0x352: {  	[sflag:s8] =	ssyncadd.s32 $0xFFFFF000  }
0x353: {  	_ =	swait.ge [sflag:s8], $0x1000  }
0x354: {  	[sflag:s8] =	ssyncset.done $0x0  }
0x355: {  	[sflag:s8] =	ssyncadd.s32 $0xFFFFF000  }
0x356: {  	_ =	swait.ge [sflag:s8], $0x1000  }
0x357: {  	[sflag:s8] =	ssyncset.done $0x0  }
0x358: {  	[sflag:s8] =	ssyncadd.s32 $0xFFFFF000  }
0x359: {  	_ =	swait.ge [sflag:s8], $0x1000  }
0x35a: {  	[sflag:s8] =	ssyncset.done $0x0  }
0x35b: {  	[sflag:s8] =	ssyncadd.s32 $0xFFFFF000  }
0x35c: {  	_ =	swait.ge [sflag:s14], $0x1000  }
0x35d: {  	[sflag:s14] =	ssyncset.done $0x0  }
0x35e: {  	[sflag:s14] =	ssyncadd.s32 $0xFFFFF000  }
0x35f: {  	_ =	swait.ge [sflag:s14], $0x1000  }
0x360: {  	[sflag:s14] =	ssyncset.done $0x0  }
0x361: {  	[sflag:s14] =	ssyncadd.s32 $0xFFFFF000  }
0x362: {  	_ =	swait.ge [sflag:s14], $0x1000  }
.Ltmp11:
0x363: {  	[sflag:s14] =	ssyncset.done $0x0;
	(pc) =	sbr.rel @p0 .LBB2_22-.Ltmp11, $4  }
0x364: {  	[sflag:s14] =	ssyncadd.s32 $0xFFFFF000  }
0x365: {  	_ =	swait.ge [sflag:s14], $0x1000  }
0x366: {  	[sflag:s14] =	ssyncset.done $0x0  }
0x367: {  	v1 =	vmov v41;
	s10 =	rddreg [dreg:$0xc];
	[sflag:s14] =	ssyncadd.s32 $0xFFFFF000  }
0x368: {  	s8 =	simm.s32 $0x1  }
0x369: {  	s10 =	simm.s32 $0x2;
	s11 =	simm.s32 $0x3;
	s20 =	simm.s32 $0x4;
	v17 =	vlaneseq.u32;
	v0 =	vadd.s32 s8, v1  }
0x36a: {  	s21 =	simm.s32 $0x7;
	s22 =	simm.s32 $0x5;
	s23 =	simm.s32 $0x6;
	v2 =	vadd.s32 s10, v1;
	v22 =	vadd.s32 s11, v1;
	v23 =	vadd.s32 s20, v1  }
0x36b: {  	v3 =	vadd.s32 s21, v1;
	v4 =	vadd.s32 s22, v1;
	v6 =	vadd.s32 s23, v1  }
0x36c: {  	v24 =	vand.u32 $0x7F, v23;
	v25 =	vand.u32 $0x7F, v3;
	v8 =	vshll.u32 v0, $0x7  }
0x36d: {  	v27 =	vand.u32 $0x7F, v2;
	v9 =	vshll.u32 v4, $0x7;
	v28 =	vand.u32 $0x7F, v22  }
0x36e: {  	s8 =	simm.s32 $0x0;
	v11 =	vshll.u32 v0, $0x5;
	v26 =	vshll.u32 v23, $0x5;
	v13 =	vshll.u32 v2, $0x5  }
0x36f: {  	s24 =	rddreg [dreg:$0x7];
	v14 =	vshll.u32 v4, $0x5;
	v15 =	vshll.u32 v3, $0x7;
	v16 =	vadd.s32 s8, v1  }
0x370: {  	v21 =	vld [tilespmem:$0x1FEB0];
	[tilespmem:s8], [sflag:$0x5] =	stream.linear.gather [hbm4b:s24+s8], $0x400, $0x38;
	v47 =	vshll.u32 v23, $0x7;
	v34 =	vand.u32 $0x7F, v0;
	v0 =	vshll.u32 v6, $0x7  }
0x371: {  	s20 =	sadd.s32 $0x18700, s24;
	v33 =	vand.u32 $0x7F, v6;
	v37 =	vand.u32 $0x7F, v4;
	v2 =	vshll.u32 v2, $0x7  }
0x372: {  	v55 =	vshll.u32 v22, $0x5;
	v40 =	vshll.u32 v22, $0x7;
	v8 =	vand.u32 $0x3000, v8;
	[tilespmem:s15], [sflag:$0x5] =	stream.linear.gather [hbm4b:s20+s8], $0x400, $0x38;
	[tilespmem:$0x10000] =	vst v63  }
0x373: {  	s21 =	sadd.s32 $0x30E00, s24;
	v41 =	vand.u32 $0x380, v26;
	v11 =	vand.u32 $0x3E0, v11;
	v9 =	vand.u32 $0x3000, v9;
	s20 =	simm.s32 $0x2000  }
0x374: {  	v32 =	vand.u32 $0x7F, v16;
	v30 =	vand.u32 $0x3000, v0;
	v0 =	vshll.u32 v3, $0x5;
	[tilespmem:s20], [sflag:$0x5] =	stream.linear.gather [hbm4b:s21+s8], $0x400, $0x38;
	[tilespmem:$0x10000] =	vst v63  }
0x375: {  	s22 =	sadd.s32 $0x49500, s24;
	s23 =	simm.s32 $0x3000;
	s24 =	simm.s32 $0x5;
	v3 =	vand.u32 $0x3000, v15;
	v2 =	vand.u32 $0x3000, v2;
	v7 =	vor.u32 v21, v25  }
0x376: {  	v29 =	vor.u32 v8, v11;
	v8 =	vand.u32 $0x3E0, v14;
	v10 =	vor.u32 v21, v27;
	[tilespmem:s23], [sflag:$0x5] =	stream.linear.gather [hbm4b:s22+s8], $0x400, $0x38;
	[tilespmem:$0x10000] =	vst v63  }
0x377: {  	v0 =	vand.u32 $0x3E0, v0;
	v5 =	vor.u32 v21, v24;
	v12 =	vor.u32 v21, v28;
	_ =	swait.ge [sflag:s24], $0x1000  }
0x378: {  	v14 =	vor.u32 v21, v32;
	v31 =	vor.u32 v9, v8;
	v8 =	vshll.u32 v16, $0x5;
	[sflag:s24] =	ssyncset.done $0x0  }
0x379: {  	v38 =	vor.u32 v3, v0;
	v3 =	vand.u32 $0x380, v8;
	v8 =	vlaneseq.u32;
	v15 =	vld [tilespmem:$0x1FEC0];
	[sflag:s24] =	ssyncadd.s32 $0xFFFFF000  }
0x37a: {  	v11 =	vshll.u32 v16, $0x7;
	v9 =	vor.u32 v21, v34;
	v0 =	vld.idx.msk [tilespmem:v7+s8+$0x0], $0xffff;
	v7 =	vor.u32 v8, v38  }
0x37b: {  	v54 =	vand.u32 $0x3000, v40;
	v44 =	vor.u32 v17, v29;
	v11 =	vand.u32 $0x3000, v11;
	v45 =	vld.idx.msk [tilespmem:v10+s8+$0x0], $0xffff  }
0x37c: {  	v52 =	vor.u32 v21, v33;
	v36 =	vor.u32 v11, v3;
	v3 =	vshll.u32 v6, $0x5;
	v42 =	vld.idx.msk [tilespmem:v12+s8+$0x0], $0xffff  }
0x37d: {  	v53 =	vor.u32 v21, v37;
	v35 =	vand.u32 $0x3E0, v3;
	v3 =	vand.u32 $0x3E0, v13;
	v46 =	vld.idx.msk [tilespmem:v5+s8+$0x0], $0xffff  }
0x37e: {  	v43 =	vor.u32 v17, v31;
	v39 =	vor.u32 v2, v3;
	v56 =	vor.u32 v30, v35;
	v48 =	vld.idx.msk [tilespmem:v14+s8+$0x0], $0xffff  }
0x37f: {  	s10 =	simm.s32 $0x8;
	v50 =	vor.u32 v8, v39;
	v49 =	vld.idx.msk [tilespmem:v9+s8+$0x0], $0xffff;
	v51 =	vor.u32 v15, v36;
	[tilespmem:v7+s19+$0x0] =	vst.idx.msk $0xffff, v0  }
.LBB2_18:
0x380: {  	s11 =	sadd.s32 $0x1, s10;
	s20 =	sadd.s32 $0x2, s10;
	v0 =	vand.u32 $0x3E0, v55;
	v2 =	vand.u32 $0x3000, v47;
	v4 =	vor.u32 v8, v56  }
0x381: {  	s21 =	sadd.s32 $0x3, s10;
	s22 =	smov.u32 s10;
	v20 =	vlaneseq.u32;
	v5 =	vadd.s32 s11, v1;
	v6 =	vadd.s32 s20, v1  }
0x382: {  	s23 =	sadd.s32 $0x6, s10;
	v7 =	vadd.s32 s21, v1;
	s20 =	sadd.s32 $0x4, s10;
	s21 =	sadd.s32 $0x5, s10;
	v0 =	vor.u32 v54, v0;
	v2 =	vor.u32 v2, v41  }
0x383: {  	s24 =	sadd.s32 $0x7, s22;
	v14 =	vadd.s32 s23, v1;
	v8 =	vadd.s32 s20, v1;
	v9 =	vadd.s32 s21, v1  }
0x384: {  	v3 =	vld.idx.msk [tilespmem:v52+s8+$0x0], $0xffff;
	v12 =	vadd.s32 s24, v1;
	v2 =	vor.u32 v15, v2;
	v0 =	vor.u32 v20, v0  }
0x385: {  	v15 =	vshll.u32 v5, $0x7;
	v16 =	vand.u32 $0x7F, v6;
	v55 =	vshll.u32 v7, $0x5  }
0x386: {  	v63 =	vshll.u32 v7, $0x7;
	v11 =	vand.u32 $0x7F, v8;
	v13 =	vand.u32 $0x7F, v12  }
0x387: {  	v17 =	vshll.u32 v9, $0x7;
	v58 =	vor.u32 v21, v16;
	v16 =	vshll.u32 v5, $0x5  }
0x388: {  	v18 =	vshll.u32 v8, $0x5;
	v59 =	vshll.u32 v9, $0x5;
	v47 =	vshll.u32 v8, $0x7  }
0x389: {  	v5 =	vand.u32 $0x7F, v5;
	[tilespmem:v4+s19+$0x0] =	vst.idx.msk $0xffff, v3;
	v3 =	vand.u32 $0x3000, v15;
	v15 =	vand.u32 $0x7F, v7  }
0x38a: {  	v10 =	vld.idx.msk [tilespmem:v53+s8+$0x0], $0xffff;
	v8 =	vshll.u32 v14, $0x7;
	v62 =	vand.u32 $0x7F, v9;
	v15 =	vor.u32 v21, v15  }
0x38b: {  	v54 =	vand.u32 $0x3000, v63;
	v11 =	vor.u32 v21, v11;
	v13 =	vor.u32 v21, v13;
	[tilespmem:v2+s19+$0x0] =	vst.idx.msk $0xffff, v46  }
0x38c: {  	v41 =	vand.u32 $0x380, v18;
	v2 =	vand.u32 $0x3E0, v16;
	[tilespmem:v0+s19+$0x0] =	vst.idx.msk $0xffff, v42;
	v0 =	vadd.s32 s22, v1  }
0x38d: {  	v16 =	vand.u32 $0x3000, v17;
	v2 =	vor.u32 v3, v2;
	v60 =	vand.u32 $0x7F, v0  }
0x38e: {  	[tilespmem:v44+s19+$0x0] =	vst.idx.msk $0xffff, v49;
	v3 =	vand.u32 $0x3E0, v59;
	v44 =	vor.u32 v20, v2;
	v2 =	vor.u32 v21, v60  }
0x38f: {  	v5 =	vor.u32 v21, v5;
	v17 =	vshll.u32 v12, $0x7;
	v3 =	vor.u32 v16, v3;
	v42 =	vld.idx.msk [tilespmem:v15+s8+$0x0], $0xffff  }
0x390: {  	[tilespmem:v43+s19+$0x0] =	vst.idx.msk $0xffff, v10;
	v43 =	vor.u32 v20, v3;
	v3 =	vand.u32 $0x3000, v8;
	v8 =	vshll.u32 v12, $0x5;
	v15 =	vld [tilespmem:$0x1FEC0]  }
0x391: {  	v53 =	vor.u32 v21, v62;
	v12 =	vand.u32 $0x3000, v17;
	v8 =	vand.u32 $0x3E0, v8  }
0x392: {  	[tilespmem:v51+s19+$0x0] =	vst.idx.msk $0xffff, v48;
	v19 =	vshll.u32 v0, $0x7;
	v0 =	vshll.u32 v0, $0x5;
	v13 =	vld.idx.msk [tilespmem:v13+s8+$0x0], $0xffff;
	v8 =	vor.u32 v12, v8  }
0x393: {  	p1 =	slt.u32 s10, $0x78;
	v61 =	vand.u32 $0x3000, v19;
	v0 =	vand.u32 $0x380, v0;
	v48 =	vld.idx.msk [tilespmem:v2+s8+$0x0], $0xffff;
	v2 =	vor.u32 v20, v8  }
.Ltmp12:
0x394: {  	v10 =	vshll.u32 v6, $0x5;
	v46 =	vld.idx.msk [tilespmem:v11+s8+$0x0], $0xffff;
	v11 =	vand.u32 $0x7F, v14;
	v0 =	vor.u32 v61, v0;
	(pc) =	sbr.rel @p1 .LBB2_18-.Ltmp12, $4  }
0x395: {  	v8 =	vshll.u32 v14, $0x5;
	v51 =	vor.u32 v15, v0;
	v0 =	vshll.u32 v6, $0x7  }
0x396: {  	[tilespmem:v50+s19+$0x0] =	vst.idx.msk $0xffff, v45;
	v6 =	vand.u32 $0x3E0, v8;
	v8 =	vand.u32 $0x3E0, v10;
	v0 =	vand.u32 $0x3000, v0  }
0x397: {  	v45 =	vld.idx.msk [tilespmem:v58+s8+$0x0], $0xffff;
	v52 =	vor.u32 v21, v11;
	v0 =	vor.u32 v0, v8;
	v8 =	vlaneseq.u32  }
0x398: {  	s10 =	sadd.s32 $0x8, s10;
	v49 =	vld.idx.msk [tilespmem:v5+s8+$0x0], $0xffff;
	v56 =	vor.u32 v3, v6;
	v50 =	vor.u32 v8, v0;
	[tilespmem:v2+s19+$0x0] =	vst.idx.msk $0xffff, v13  }
0x399: {  	_ =	sdelay $0x3  }
0x39a: {  	v0 =	vand.u32 $0x3000, v47;
	v2 =	vld.idx.msk [tilespmem:v52+s8+$0x0], $0xffff;
	v3 =	vor.u32 v8, v56  }
0x39b: {  	v4 =	vand.u32 $0x3E0, v55;
	v5 =	vld.idx.msk [tilespmem:v53+s8+$0x0], $0xffff;
	[tilespmem:v51+s19+$0x0] =	vst.idx.msk $0xffff, v48;
	v0 =	vor.u32 v0, v41  }
0x39c: {  	v4 =	vor.u32 v54, v4;
	v0 =	vor.u32 v15, v0;
	[tilespmem:v50+s19+$0x0] =	vst.idx.msk $0xffff, v45  }
0x39d: {  	v4 =	vor.u32 v8, v4;
	[tilespmem:v44+s19+$0x0] =	vst.idx.msk $0xffff, v49  }
0x39e: {  	v20 =	vld [tilespmem:$0x1FED0]  }
0x39f: {  	[tilespmem:v3+s19+$0x0] =	vst.idx.msk $0xffff, v2  }
0x3a0: {  	[tilespmem:v43+s19+$0x0] =	vst.idx.msk $0xffff, v5  }
0x3a1: {  	[tilespmem:v0+s19+$0x0] =	vst.idx.msk $0xffff, v46  }
0x3a2: {  	[tilespmem:v4+s19+$0x0] =	vst.idx.msk $0xffff, v42  }
0x3a3: {  	v41 =	vmov v1;
	v1 =	vld [tilespmem:$0x1FF00];
	v2 =	vor.u32 v20, v25  }
0x3a4: {  	v6 =	vor.u32 v20, v27  }
0x3a5: {  	v3 =	vor.u32 v20, v28  }
0x3a6: {  	v21 =	vld [tilespmem:$0x1FEE0];
	v61 =	vor.u32 v20, v32  }
0x3a7: {  	v0 =	vor.u32 v20, v24  }
0x3a8: {  	v62 =	vor.u32 v20, v34;
	v63 =	vor.u32 v1, v38;
	v2 =	vld.idx.msk [tilespmem:v2+s2+$0x0], $0xffff  }
0x3a9: {  	v27 =	vld.idx.msk [tilespmem:v6+s2+$0x0], $0xffff  }
0x3aa: {  	v28 =	vor.u32 v1, v29;
	v38 =	vor.u32 v20, v33;
	v24 =	vld.idx.msk [tilespmem:v3+s2+$0x0], $0xffff  }
0x3ab: {  	v29 =	vshll.u32 v23, $0x7;
	v23 =	vor.u32 v1, v31;
	v33 =	vor.u32 v21, v36;
	v31 =	vld.idx.msk [tilespmem:v61+s2+$0x0], $0xffff  }
0x3ac: {  	v26 =	vand.u32 $0x380, v26;
	v30 =	vor.u32 v30, v35;
	v34 =	vor.u32 v20, v37;
	v25 =	vld.idx.msk [tilespmem:v0+s2+$0x0], $0xffff  }
0x3ad: {  	s8 =	simm.s32 $0x8;
	v37 =	vshll.u32 v22, $0x5;
	v22 =	vor.u32 v1, v39;
	v36 =	vand.u32 $0x3000, v40;
	v32 =	vld.idx.msk [tilespmem:v62+s2+$0x0], $0xffff;
	[tilespmem:v63+s19+$0x0] =	vst.idx.msk $0xffff, v2  }
.LBB2_20:
0x3ae: {  	s10 =	sadd.s32 $0x1, s8  }
0x3af: {  	s11 =	sadd.s32 $0x2, s8;
	s20 =	sadd.s32 $0x3, s8;
	v0 =	vand.u32 $0x3E0, v37;
	v2 =	vand.u32 $0x3000, v29;
	v3 =	vld.idx.msk [tilespmem:v38+s2+$0x0], $0xffff;
	v4 =	vor.u32 v1, v30;
	s21 =	smov.u32 s8  }
0x3b0: {  	v5 =	vadd.s32 s10, v41;
	v6 =	vadd.s32 s11, v41;
	v7 =	vadd.s32 s20, v41;
	s10 =	sadd.s32 $0x4, s8;
	s11 =	sadd.s32 $0x5, s8;
	s20 =	sadd.s32 $0x6, s8;
	[tilespmem:v33+s19+$0x0] =	vst.idx.msk $0xffff, v31  }
0x3b1: {  	p1 =	slt.u32 s8, $0x78;
	s8 =	sadd.s32 $0x8, s8;
	v0 =	vor.u32 v36, v0;
	v8 =	vadd.s32 s10, v41;
	v9 =	vadd.s32 s11, v41;
	s10 =	sadd.s32 $0x7, s21;
	v10 =	vld.idx.msk [tilespmem:v34+s2+$0x0], $0xffff  }
0x3b2: {  	v2 =	vor.u32 v2, v26;
	v11 =	vand.u32 $0x7F, v8;
	v12 =	vadd.s32 s10, v41  }
0x3b3: {  	v2 =	vor.u32 v21, v2;
	v11 =	vor.u32 v20, v11;
	v13 =	vand.u32 $0x7F, v12;
	[tilespmem:v28+s19+$0x0] =	vst.idx.msk $0xffff, v32  }
0x3b4: {  	v14 =	vadd.s32 s20, v41;
	v0 =	vor.u32 v1, v0;
	v13 =	vor.u32 v20, v13;
	[tilespmem:v22+s19+$0x0] =	vst.idx.msk $0xffff, v27  }
0x3b5: {  	v15 =	vshll.u32 v5, $0x7;
	v16 =	vand.u32 $0x7F, v6;
	v17 =	vshll.u32 v9, $0x7;
	[tilespmem:v4+s19+$0x0] =	vst.idx.msk $0xffff, v3  }
0x3b6: {  	v3 =	vand.u32 $0x3000, v15;
	v4 =	vor.u32 v20, v16;
	v15 =	vand.u32 $0x7F, v7  }
0x3b7: {  	v18 =	vshll.u32 v8, $0x5;
	v16 =	vshll.u32 v5, $0x5;
	v15 =	vor.u32 v20, v15;
	[tilespmem:v23+s19+$0x0] =	vst.idx.msk $0xffff, v10  }
0x3b8: {  	v26 =	vand.u32 $0x380, v18;
	v18 =	vshll.u32 v9, $0x5;
	v10 =	vshll.u32 v6, $0x5;
	[tilespmem:v2+s19+$0x0] =	vst.idx.msk $0xffff, v25  }
0x3b9: {  	v2 =	vand.u32 $0x3E0, v16;
	v16 =	vand.u32 $0x3000, v17;
	v17 =	vshll.u32 v12, $0x7;
	[tilespmem:v0+s19+$0x0] =	vst.idx.msk $0xffff, v24  }
0x3ba: {  	v0 =	vadd.s32 s21, v41;
	v2 =	vor.u32 v3, v2;
	v3 =	vand.u32 $0x3E0, v18  }
0x3bb: {  	v18 =	vand.u32 $0x7F, v0;
	v19 =	vshll.u32 v0, $0x7;
	v28 =	vor.u32 v1, v2;
	v27 =	vld.idx.msk [tilespmem:v4+s2+$0x0], $0xffff  }
0x3bc: {  	v29 =	vshll.u32 v8, $0x7;
	v2 =	vor.u32 v20, v18;
	v4 =	vand.u32 $0x3000, v19;
	v24 =	vld.idx.msk [tilespmem:v15+s2+$0x0], $0xffff  }
0x3bd: {  	v8 =	vshll.u32 v14, $0x7;
	v5 =	vand.u32 $0x7F, v5;
	v3 =	vor.u32 v16, v3  }
0x3be: {  	v23 =	vor.u32 v1, v3;
	v3 =	vand.u32 $0x3000, v8;
	v8 =	vshll.u32 v12, $0x5  }
0x3bf: {  	v12 =	vand.u32 $0x3000, v17;
	v8 =	vand.u32 $0x3E0, v8;
	v25 =	vld.idx.msk [tilespmem:v11+s2+$0x0], $0xffff;
	v11 =	vand.u32 $0x7F, v14  }
0x3c0: {  	v5 =	vor.u32 v20, v5;
	v0 =	vshll.u32 v0, $0x5;
	v8 =	vor.u32 v12, v8;
	v13 =	vld.idx.msk [tilespmem:v13+s2+$0x0], $0xffff  }
0x3c1: {  	v0 =	vand.u32 $0x380, v0;
	v38 =	vor.u32 v20, v11;
	v31 =	vld.idx.msk [tilespmem:v2+s2+$0x0], $0xffff;
	v2 =	vor.u32 v1, v8  }
.Ltmp13:
0x3c2: {  	v0 =	vor.u32 v4, v0;
	v4 =	vand.u32 $0x7F, v9;
	v8 =	vshll.u32 v14, $0x5;
	(pc) =	sbr.rel @p1 .LBB2_20-.Ltmp13, $4  }
0x3c3: {  	v33 =	vor.u32 v21, v0;
	v0 =	vshll.u32 v6, $0x7;
	v6 =	vand.u32 $0x3E0, v8  }
0x3c4: {  	v34 =	vor.u32 v20, v4;
	v0 =	vand.u32 $0x3000, v0;
	v8 =	vand.u32 $0x3E0, v10  }
0x3c5: {  	v37 =	vshll.u32 v7, $0x5;
	v4 =	vshll.u32 v7, $0x7;
	v0 =	vor.u32 v0, v8;
	v32 =	vld.idx.msk [tilespmem:v5+s2+$0x0], $0xffff  }
0x3c6: {  	v36 =	vand.u32 $0x3000, v4;
	v30 =	vor.u32 v3, v6;
	v22 =	vor.u32 v1, v0;
	[tilespmem:v2+s19+$0x0] =	vst.idx.msk $0xffff, v13  }
0x3c7: {  	_ =	sdelay $0x3  }
0x3c8: {  	v0 =	vand.u32 $0x3000, v29;
	v2 =	vld.idx.msk [tilespmem:v38+s2+$0x0], $0xffff;
	v3 =	vor.u32 v1, v30  }
0x3c9: {  	v4 =	vand.u32 $0x3E0, v37;
	v5 =	vld.idx.msk [tilespmem:v34+s2+$0x0], $0xffff;
	v0 =	vor.u32 v0, v26  }
0x3ca: {  	[tilespmem:v33+s19+$0x0] =	vst.idx.msk $0xffff, v31;
	v4 =	vor.u32 v36, v4;
	v0 =	vor.u32 v21, v0  }
0x3cb: {  	[tilespmem:v22+s19+$0x0] =	vst.idx.msk $0xffff, v27;
	v4 =	vor.u32 v1, v4  }
0x3cc: {  	[tilespmem:v28+s19+$0x0] =	vst.idx.msk $0xffff, v32  }
0x3cd: {  	[tilespmem:v3+s19+$0x0] =	vst.idx.msk $0xffff, v2  }
0x3ce: {  	[tilespmem:v23+s19+$0x0] =	vst.idx.msk $0xffff, v5  }
0x3cf: {  	[tilespmem:v0+s19+$0x0] =	vst.idx.msk $0xffff, v25  }
0x3d0: {  	[tilespmem:v4+s19+$0x0] =	vst.idx.msk $0xffff, v24  }
0x3d1: {  	s10 =	rddreg [dreg:$0x8]  }
0x3d2: {  	[hbm4b:s10+s2] =	stream.linear.scatter [tilespmem:s19], [sflag:$0x5], $0x400, $0x38;
	[tilespmem:$0x10000] =	vst v63  }
0x3d3: {  	s11 =	simm.s32 $0x9000;
	s8 =	sadd.s32 $0x80, s10  }
0x3d4: {  	[hbm4b:s8+s2] =	stream.linear.scatter [tilespmem:s11], [sflag:$0x5], $0x400, $0x38;
	[tilespmem:$0x10000] =	vst v63  }
0x3d5: {  	s24 =	simm.s32 $0xA000;
	s23 =	sadd.s32 $0x100, s10  }
0x3d6: {  	[hbm4b:s23+s2] =	stream.linear.scatter [tilespmem:s24], [sflag:$0x5], $0x400, $0x38;
	[tilespmem:$0x10000] =	vst v63  }
0x3d7: {  	s21 =	simm.s32 $0xB000;
	s22 =	simm.s32 $0x5;
	s20 =	sadd.s32 $0x180, s10  }
0x3d8: {  	[hbm4b:s20+s2] =	stream.linear.scatter [tilespmem:s21], [sflag:$0x5], $0x400, $0x38;
	[tilespmem:$0x10000] =	vst v63  }
0x3d9: {  	_ =	swait.ge [sflag:s22], $0x1000  }
0x3da: {  	[sflag:s22] =	ssyncset.done $0x0  }
0x3db: {  	s23 =	rddreg [dreg:$0x9];
	[sflag:s22] =	ssyncadd.s32 $0xFFFFF000  }
0x3dc: {  	[tilespmem:s2], [sflag:$0x5] =	stream.linear.gather [hbm4b:s23+s2], $0x400, $0x38;
	[tilespmem:$0x10000] =	vst v63  }
0x3dd: {  	_ =	swait.ge [sflag:s22], $0x400  }
0x3de: {  	[sflag:s22] =	ssyncset.done $0x0  }
.Ltmp14:
0x3df: {  	s24 =	rddreg [dreg:$0xa];
	[sflag:s22] =	ssyncadd.s32 $0xFFFFFC00;
	(pc) =	sbr.rel .LBB2_22-.Ltmp14, $4  }
0x3e0: {  	[hbm4b:s24+s2] =	stream.linear.scatter [tilespmem:s2], [sflag:$0x5], $0x400, $0x38;
	[tilespmem:$0x10000] =	vst v63  }
0x3e1: {  	_ =	swait.ge [sflag:s22], $0x400  }
0x3e2: {  	[sflag:s22] =	ssyncset.done $0x0  }
0x3e3: {  	v1 =	vmov v41;
	s10 =	rddreg [dreg:$0xc];
	[sflag:s22] =	ssyncadd.s32 $0xFFFFFC00  }
.LBB2_23:
0x3e4: {  	_ =	sfence.sel $0x180000  }
0x3e5: {  	[bflag:$0x0] =	sbarrier.arrive $0xFFFF  }
0x3e6: {  	_ =	strace $0x90000047  }
0x3e7: {  	s0 =	stileid.u32;
	[bflag:$0x2] =	sbarrier.arrive $0xFFFF  }
0x3e8: {  	p0 =	sne.s32 s0, $0x0;
	s0 =	rddreg [dreg:$0x3]  }
0x3e9: {  	s0 =	sadd.s32 @!p0 $0x100000, s0  }
0x3ea: {  	[sflag:s0] =	ssyncadd.tile.s32 @!p0 $0x1;
	_ =	shalt  }
.Lfunc_end2:
_tile_overlayer_lowered:
.L_overlay_start_2:
0x3eb: {  	(tag) =	ssettag $0x2  }
0x3ec: {  	s0 =	rddreg [dreg:$0x0];
	s2 =	stileid.u32  }
0x3ed: {  	s1 =	rddreg [dreg:$0x1];
	p0 =	sne.s32 s2, $0x0  }
0x3ee: {  	s3 =	rddreg [dreg:$0x2];
	[bflag:$0x3] =	sbarrier.arrive $0xFFFF;
	s2 =	simm.s32 @!p0 $0x1C05  }
0x3ef: {  	[timem:s3], [sflag:s2] =	dma.local @!p0 [hbm:s0], s1  }
0x3f0: {  	s0 =	simm.s32 @!p0 $0x5  }
0x3f1: {  	_ =	swait.ge @!p0 [sflag:s0], s1  }
0x3f2: {  	s1 =	ssub.s32 @!p0 $0x0, s1;
	[sflag:s0] =	ssyncset.done @!p0 $0x0  }
0x3f3: {  	[sflag:s0] =	ssyncadd.s32 @!p0 s1  }
0x3f4: {  	[bflag:$0x3] =	sbarrier.arrive $0xFFFF  }
0x3f5: {  	_ =	shalt  }

</sc_bundles>
